<compile_context>
chip_gen: v7x
topology: tpu7x:2x2x1
jax: 0.10.2.dev20260603
libtpu: 0.0.44.dev20260713+nightly
codegen_flags: <defaults>
</compile_context>

<pallas_src>
import jax
import jax.numpy as jnp
from jax import lax
from jax.experimental import pallas as pl
from jax.experimental.pallas import tpu as pltpu
from jax.experimental.pallas import tpu_sc as plsc

N_NODES = 10000
N_EDGES = 320000
IN_F = 128
OUT_F = 128
H = 8
HD = 16
EDGE_F = 16
SP = 16

NC = 2
NS = 16
NW = NC * NS
EPT = N_EDGES // NW
CHK1 = 40
NCHK1 = EPT // CHK1
CHK2 = 80
NCHK2 = EPT // CHK2
ZCH = 400
NZ = N_NODES // ZCH

_SC_PARAMS = pltpu.CompilerParams(needs_layout_passes=False)



def _qkv_body(x_ref, wq_ref, bq_ref, wk_ref, bk_ref, wv_ref, bv_ref,
              q_ref, k_ref, v_ref):
    x = x_ref[...]
    scale = HD ** (-0.5)
    q_ref[...] = (jnp.dot(x, wq_ref[...], preferred_element_type=jnp.float32)
                  + bq_ref[...]) * scale
    k_ref[...] = (jnp.dot(x, wk_ref[...], preferred_element_type=jnp.float32)
                  + bk_ref[...])
    v_ref[...] = (jnp.dot(x, wv_ref[...], preferred_element_type=jnp.float32)
                  + bv_ref[...])


def _qkv(node_features, Wq, bq, Wk, bk, Wv, bv):
    blk = 2000
    grid = N_NODES // blk
    out = jax.ShapeDtypeStruct((N_NODES, OUT_F), jnp.float32)
    return pl.pallas_call(
        _qkv_body,
        grid=(grid,),
        in_specs=[
            pl.BlockSpec((blk, IN_F), lambda i: (i, 0)),
            pl.BlockSpec((IN_F, OUT_F), lambda i: (0, 0)),
            pl.BlockSpec((OUT_F,), lambda i: (0,)),
            pl.BlockSpec((IN_F, OUT_F), lambda i: (0, 0)),
            pl.BlockSpec((OUT_F,), lambda i: (0,)),
            pl.BlockSpec((IN_F, OUT_F), lambda i: (0, 0)),
            pl.BlockSpec((OUT_F,), lambda i: (0,)),
        ],
        out_specs=[pl.BlockSpec((blk, OUT_F), lambda i: (i, 0))] * 3,
        out_shape=[out, out, out],
    )(node_features, Wq, bq, Wk, bk, Wv, bv)



def _ebias_body(xe_ref, we_ref, be_ref, out_ref):
    wep = jnp.concatenate(
        [we_ref[...], jnp.zeros((EDGE_F, SP - H), jnp.float32)], axis=1)
    bep = jnp.concatenate([be_ref[...], jnp.zeros((SP - H,), jnp.float32)])
    out_ref[...] = (
        jnp.dot(xe_ref[...], wep, preferred_element_type=jnp.float32) + bep)


def _ebias(edge_features, We, be):
    blk = 8000
    grid = N_EDGES // blk
    return pl.pallas_call(
        _ebias_body,
        grid=(grid,),
        in_specs=[
            pl.BlockSpec((blk, EDGE_F), lambda i: (i, 0)),
            pl.BlockSpec((EDGE_F, H), lambda i: (0, 0)),
            pl.BlockSpec((H,), lambda i: (0,)),
        ],
        out_specs=pl.BlockSpec((blk, SP), lambda i: (i, 0)),
        out_shape=jax.ShapeDtypeStruct((N_EDGES, SP), jnp.float32),
    )(edge_features, We, be)



_DNUMS = lax.GatherDimensionNumbers(
    offset_dims=(), collapsed_slice_dims=(0,), start_index_map=(0,))


def _bcast_lane(x, lane):
    idx = jnp.full((16, 1), lane, dtype=jnp.int32)
    return lax.gather(x, idx, dimension_numbers=_DNUMS, slice_sizes=(1,),
                      mode=lax.GatherScatterMode.PROMISE_IN_BOUNDS)


def _spmem_chunks(body):
    s = lax.axis_index("s")
    for r in range(2):
        ci = s + NS * r

        @pl.when(ci < NZ)
        def _go():
            body(pl.multiple_of(ci * ZCH, ZCH))



def _score_kernel(q_hbm, k_hbm, bias_hbm, src_hbm, tgt_hbm, zw_hbm,
                  exp_out, ssum_out,
                  tgt_v, src_v, qrows, krows, biasr, expb, expw,
                  ssum_sh, semq, semk, semb, semw, seme, semt):
    c = lax.axis_index("c")
    s = lax.axis_index("s")
    wid = c * NS + s

    _spmem_chunks(lambda off: pltpu.sync_copy(
        zw_hbm.at[pl.ds(off, ZCH)], ssum_sh.at[pl.ds(off, ZCH)]))
    plsc.subcore_barrier()

    iota = lax.iota(jnp.int32, 16)
    pad = jnp.where(iota < H, 0.0, -1e30)
    ebase = wid * EPT

    def compute(n_edges, par):
        @plsc.parallel_loop(0, n_edges, unroll=8)
        def edge(e):
            scores = pad
            for h in range(H):
                qh = qrows[e, pl.ds(h * HD, HD)]
                kh = krows[e, pl.ds(h * HD, HD)]
                cs = plsc.cumsum(qh * kh)
                sh = _bcast_lane(cs, 15)
                scores = jnp.where(iota == h, sh, scores)
            p = jnp.exp(scores + biasr[par, e, :])
            expb[e, :] = p
            expw[e, pl.ds(0, SP)] = p

    idx = (tgt_v, src_v, biasr)

    def issue_idx(ci, p, sem):
        base = pl.multiple_of(ebase + ci * CHK1, CHK1)
        pltpu.async_copy(tgt_hbm.at[pl.ds(base, CHK1)], idx[0].at[p], sem)
        pltpu.async_copy(src_hbm.at[pl.ds(base, CHK1)], idx[1].at[p], sem)
        pltpu.async_copy(bias_hbm.at[pl.ds(base, CHK1)], idx[2].at[p], sem)

    def wait_idx(p, sem):
        pltpu.make_async_copy(tgt_hbm.at[pl.ds(0, CHK1)], idx[0].at[p],
                              sem).wait()
        pltpu.make_async_copy(src_hbm.at[pl.ds(0, CHK1)], idx[1].at[p],
                              sem).wait()
        pltpu.make_async_copy(bias_hbm.at[pl.ds(0, CHK1)], idx[2].at[p],
                              sem).wait()

    def wait_writes():
        pltpu.make_async_copy(expb, exp_out.at[pl.ds(0, CHK1)], seme).wait()
        pltpu.make_async_copy(zw_hbm.at[pl.ds(0, CHK1)], expw, semw).wait()

    def half(ci, p, sem_cur, sem_nxt):
        base = pl.multiple_of(ebase + ci * CHK1, CHK1)
        wait_idx(p, sem_cur)
        cpq = pltpu.async_copy(q_hbm.at[tgt_v.at[p]], qrows, semq)
        cpk = pltpu.async_copy(k_hbm.at[src_v.at[p]], krows, semk)
        wait_writes()
        ci_nxt = jnp.minimum(ci + 1, NCHK1 - 1)
        issue_idx(ci_nxt, 1 - p, sem_nxt)
        cpq.wait()
        cpk.wait()
        compute(CHK1, p)
        pltpu.async_copy(expb, exp_out.at[pl.ds(base, CHK1)], seme)
        pltpu.async_copy(expw, ssum_sh.at[tgt_v.at[p]], semw, add=True)

    def chunk(j, _):
        half(2 * j, 0, semt, semb)
        half(2 * j + 1, 1, semb, semt)
        return 0

    issue_idx(0, 0, semt)
    pltpu.async_copy(exp_out.at[pl.ds(ebase, CHK1)], expb, seme)
    pltpu.async_copy(zw_hbm.at[pl.ds(0, CHK1)], expw, semw)
    lax.fori_loop(0, NCHK1 // 2, chunk, 0)
    wait_idx(0, semt)
    wait_writes()

    plsc.subcore_barrier()

    def publish(off):
        pltpu.sync_copy(ssum_sh.at[pl.ds(off, ZCH)],
                        ssum_out.at[c, pl.ds(off, ZCH)])

    _spmem_chunks(publish)


def _score_pass(q, k, ebias, src, tgt, zw):
    mesh = plsc.VectorSubcoreMesh(core_axis_name="c", subcore_axis_name="s",
                                  num_cores=NC, num_subcores=NS)
    fn = pl.kernel(
        _score_kernel,
        out_type=[
            jax.ShapeDtypeStruct((N_EDGES, SP), jnp.float32),
            jax.ShapeDtypeStruct((NC, N_NODES, OUT_F), jnp.float32),
        ],
        mesh=mesh,
        compiler_params=_SC_PARAMS,
        scratch_types=[
            pltpu.VMEM((2, CHK1), jnp.int32),
            pltpu.VMEM((2, CHK1), jnp.int32),
            pltpu.VMEM((CHK1, OUT_F), jnp.float32),
            pltpu.VMEM((CHK1, OUT_F), jnp.float32),
            pltpu.VMEM((2, CHK1, SP), jnp.float32),
            pltpu.VMEM((CHK1, SP), jnp.float32),
            pltpu.VMEM((CHK1, OUT_F), jnp.float32),
            pltpu.MemorySpace.VMEM_SHARED((N_NODES, OUT_F), jnp.float32),
            pltpu.SemaphoreType.DMA,
            pltpu.SemaphoreType.DMA,
            pltpu.SemaphoreType.DMA,
            pltpu.SemaphoreType.DMA,
            pltpu.SemaphoreType.DMA,
            pltpu.SemaphoreType.DMA,
        ],
    )
    return fn(q, k, ebias, src, tgt, zw)



def _agg_kernel(v_hbm, exp_hbm, src_hbm, tgt_hbm, zw_hbm,
                wsum_out,
                tgt_v, src_v, vrows, expr, wvb,
                wsum_sh, semv, seme, semw, semt):
    c = lax.axis_index("c")
    s = lax.axis_index("s")
    wid = c * NS + s

    _spmem_chunks(lambda off: pltpu.sync_copy(
        zw_hbm.at[pl.ds(off, ZCH)], wsum_sh.at[pl.ds(off, ZCH)]))
    plsc.subcore_barrier()

    ebase = wid * EPT

    def compute(n_edges, par):
        @plsc.parallel_loop(0, n_edges, unroll=8)
        def edge(e):
            p = expr[par, e, :]
            for h in range(H):
                ph = _bcast_lane(p, h)
                wvb[e, pl.ds(h * HD, HD)] = ph * vrows[e, pl.ds(h * HD, HD)]

    def issue_idx(ci, p, sem):
        base = pl.multiple_of(ebase + ci * CHK2, CHK2)
        pltpu.async_copy(tgt_hbm.at[pl.ds(base, CHK2)], tgt_v.at[p], sem)
        pltpu.async_copy(src_hbm.at[pl.ds(base, CHK2)], src_v.at[p], sem)
        pltpu.async_copy(exp_hbm.at[pl.ds(base, CHK2)], expr.at[p], sem)

    def wait_idx(p, sem):
        pltpu.make_async_copy(tgt_hbm.at[pl.ds(0, CHK2)], tgt_v.at[p],
                              sem).wait()
        pltpu.make_async_copy(src_hbm.at[pl.ds(0, CHK2)], src_v.at[p],
                              sem).wait()
        pltpu.make_async_copy(exp_hbm.at[pl.ds(0, CHK2)], expr.at[p],
                              sem).wait()

    def wait_writes():
        pltpu.make_async_copy(zw_hbm.at[pl.ds(0, CHK2)], wvb, semw).wait()

    def half(ci, p, sem_cur, sem_nxt):
        wait_idx(p, sem_cur)
        cpv = pltpu.async_copy(v_hbm.at[src_v.at[p]], vrows, semv)
        wait_writes()
        ci_nxt = jnp.minimum(ci + 1, NCHK2 - 1)
        issue_idx(ci_nxt, 1 - p, sem_nxt)
        cpv.wait()
        compute(CHK2, p)
        pltpu.async_copy(wvb, wsum_sh.at[tgt_v.at[p]], semw, add=True)

    def chunk(j, _):
        half(2 * j, 0, semt, seme)
        half(2 * j + 1, 1, seme, semt)
        return 0

    issue_idx(0, 0, semt)
    pltpu.async_copy(zw_hbm.at[pl.ds(0, CHK2)], wvb, semw)
    lax.fori_loop(0, NCHK2 // 2, chunk, 0)
    half(NCHK2 - 1, 0, semt, seme)
    wait_idx(1, seme)
    wait_writes()

    plsc.subcore_barrier()

    def publish(off):
        pltpu.sync_copy(wsum_sh.at[pl.ds(off, ZCH)],
                        wsum_out.at[c, pl.ds(off, ZCH)])

    _spmem_chunks(publish)


def _agg_pass(v, expv, src, tgt, zw):
    mesh = plsc.VectorSubcoreMesh(core_axis_name="c", subcore_axis_name="s",
                                  num_cores=NC, num_subcores=NS)
    fn = pl.kernel(
        _agg_kernel,
        out_type=jax.ShapeDtypeStruct((NC, N_NODES, OUT_F), jnp.float32),
        mesh=mesh,
        compiler_params=_SC_PARAMS,
        scratch_types=[
            pltpu.VMEM((2, CHK2), jnp.int32),
            pltpu.VMEM((2, CHK2), jnp.int32),
            pltpu.VMEM((CHK2, OUT_F), jnp.float32),
            pltpu.VMEM((2, CHK2, SP), jnp.float32),
            pltpu.VMEM((CHK2, OUT_F), jnp.float32),
            pltpu.MemorySpace.VMEM_SHARED((N_NODES, OUT_F), jnp.float32),
            pltpu.SemaphoreType.DMA,
            pltpu.SemaphoreType.DMA,
            pltpu.SemaphoreType.DMA,
            pltpu.SemaphoreType.DMA,
        ],
    )
    return fn(v, expv, src, tgt, zw)



def _final_body(wsum_ref, ssum_ref, wo_ref, bo_ref, out_ref):
    w = wsum_ref[0] + wsum_ref[1]
    sden = ssum_ref[0] + ssum_ref[1] + 1e-10
    sinv = 1.0 / sden
    hrow = lax.broadcasted_iota(jnp.int32, (OUT_F, OUT_F), 0)
    hcol = lax.broadcasted_iota(jnp.int32, (OUT_F, OUT_F), 1) // HD
    expand = (hrow == hcol).astype(jnp.float32)
    sbig = jnp.dot(sinv, expand, preferred_element_type=jnp.float32)
    out_ref[...] = (jnp.dot(w * sbig, wo_ref[...],
                            preferred_element_type=jnp.float32)
                    + bo_ref[...])


def _finalize(wsum, ssum, Wo, bo):
    blk = 2000
    grid = N_NODES // blk
    return pl.pallas_call(
        _final_body,
        grid=(grid,),
        in_specs=[
            pl.BlockSpec((NC, blk, OUT_F), lambda i: (0, i, 0)),
            pl.BlockSpec((NC, blk, OUT_F), lambda i: (0, i, 0)),
            pl.BlockSpec((OUT_F, OUT_F), lambda i: (0, 0)),
            pl.BlockSpec((OUT_F,), lambda i: (0,)),
        ],
        out_specs=pl.BlockSpec((blk, OUT_F), lambda i: (i, 0)),
        out_shape=jax.ShapeDtypeStruct((N_NODES, OUT_F), jnp.float32),
    )(wsum, ssum, Wo, bo)



def kernel(node_features, edge_index, edge_features,
           Wq, bq, Wk, bk, Wv, bv, We, be, Wo, bo):
    src = edge_index[0]
    tgt = edge_index[1]
    q, k, v = _qkv(node_features, Wq, bq, Wk, bk, Wv, bv)
    ebias = _ebias(edge_features, We, be)
    zw = jnp.zeros((N_NODES, OUT_F), jnp.float32)
    expv, ssum = _score_pass(q, k, ebias, src, tgt, zw)
    wsum = _agg_pass(v, expv, src, tgt, zw)
    return _finalize(wsum, ssum, Wo, bo)

# --- scband reference (transcript-rebuilt; emitter-appended) ---
"""Pipeline reference for scband-graph-attention-layer-43568148251355 (READ-ONLY COPY).

The authoritative reference and input builder live on the scoring server;
editing this copy changes nothing except your own understanding.
"""

import jax, jax.numpy as jnp
import numpy as np

N_NODES = 10000
N_EDGES = 320000
IN_F = 128
OUT_F = 128
H = 8
HD = OUT_F // H
EDGE_F = 16


def setup_inputs(seed: int = 0) -> dict:
    key = jax.random.key(seed)
    ks = jax.random.split(key, 16)
    node_features = jax.random.normal(ks[0], (N_NODES, IN_F), dtype=jnp.float32)
    edge_index = jax.random.randint(ks[1], (2, N_EDGES), 0, N_NODES, dtype=jnp.int32)
    edge_features = jax.random.normal(ks[2], (N_EDGES, EDGE_F), dtype=jnp.float32)
    s_in = (1.0 / IN_F) ** 0.5
    s_ef = (1.0 / EDGE_F) ** 0.5
    s_out = (1.0 / OUT_F) ** 0.5
    Wq = jax.random.normal(ks[3], (IN_F, OUT_F), dtype=jnp.float32) * s_in
    bq = jnp.zeros((OUT_F,), dtype=jnp.float32)
    Wk = jax.random.normal(ks[4], (IN_F, OUT_F), dtype=jnp.float32) * s_in
    bk = jnp.zeros((OUT_F,), dtype=jnp.float32)
    Wv = jax.random.normal(ks[5], (IN_F, OUT_F), dtype=jnp.float32) * s_in
    bv = jnp.zeros((OUT_F,), dtype=jnp.float32)
    We = jax.random.normal(ks[6], (EDGE_F, H), dtype=jnp.float32) * s_ef
    be = jnp.zeros((H,), dtype=jnp.float32)
    Wo = jax.random.normal(ks[7], (OUT_F, OUT_F), dtype=jnp.float32) * s_out
    bo = jnp.zeros((OUT_F,), dtype=jnp.float32)
    return {
        "node_features": node_features,
        "edge_index": edge_index,
        "edge_features": edge_features,
        "Wq": Wq, "bq": bq,
        "Wk": Wk, "bk": bk,
        "Wv": Wv, "bv": bv,
        "We": We, "be": be,
        "Wo": Wo, "bo": bo,
    }


def reference(node_features, edge_index, edge_features, Wq, bq, Wk, bk, Wv, bv, We, be, Wo, bo):
    n_nodes = node_features.shape[0]
    n_edges = edge_index.shape[1]
    src = edge_index[0]
    tgt = edge_index[1]
    q = (node_features @ Wq + bq).reshape(n_nodes, H, HD)
    k = (node_features @ Wk + bk).reshape(n_nodes, H, HD)
    v = (node_features @ Wv + bv).reshape(n_nodes, H, HD)
    q_t = q[tgt]
    k_s = k[src]
    v_s = v[src]
    scale = HD ** (-0.5)
    attn_scores = jnp.sum(q_t * k_s, axis=-1) * scale
    edge_bias = edge_features @ We + be
    attn_scores = attn_scores + edge_bias
    max_scores = jax.ops.segment_max(attn_scores, tgt, num_segments=n_nodes)
    attn_scores = attn_scores - max_scores[tgt]
    attn_exp = jnp.exp(attn_scores)
    attn_sum = jax.ops.segment_sum(attn_exp, tgt, num_segments=n_nodes) + 1e-10
    attn_probs = attn_exp / attn_sum[tgt]
    weighted_values = attn_probs[:, :, None] * v_s
    aggregated = jax.ops.segment_sum(weighted_values.reshape(n_edges, -1), tgt, num_segments=n_nodes)
    return aggregated @ Wo + bo

if __name__ == "__main__":
    import jax
    _d = setup_inputs()
    print(jax.jit(kernel)(*tuple(_d.values())))

</pallas_src>

<mosaic_0001>
#map = affine_map<(d0, d1) -> (0, 0)>
#map1 = affine_map<(d0, d1) -> (0)>
#map2 = affine_map<(d0, d1) -> (0, 0, 0)>
module attributes {stable_mosaic.version = 14 : i64} {
  func.func @_score_kernel(%arg0: i32, %arg1: i32, %arg2: memref<10000x128xf32, #tpu.memory_space<hbm>>, %arg3: memref<10000x128xf32, #tpu.memory_space<hbm>>, %arg4: memref<320000x16xf32, #tpu.memory_space<hbm>>, %arg5: memref<320000xi32, #tpu.memory_space<hbm>>, %arg6: memref<320000xi32, #tpu.memory_space<hbm>>, %arg7: memref<10000x128xf32, #tpu.memory_space<hbm>>, %arg8: memref<320000x16xf32, #tpu.memory_space<hbm>>, %arg9: memref<2x10000x128xf32, #tpu.memory_space<hbm>>, %arg10: memref<2x40xi32, #tpu.memory_space<vmem>>, %arg11: memref<2x40xi32, #tpu.memory_space<vmem>>, %arg12: memref<40x128xf32, #tpu.memory_space<vmem>>, %arg13: memref<40x128xf32, #tpu.memory_space<vmem>>, %arg14: memref<2x40x16xf32, #tpu.memory_space<vmem>>, %arg15: memref<40x16xf32, #tpu.memory_space<vmem>>, %arg16: memref<40x128xf32, #tpu.memory_space<vmem>>, %arg17: memref<10000x128xf32, #tpu.memory_space<vmem_shared>>, %arg18: memref<!tpu.dma_semaphore, #tpu.memory_space<semaphore_mem>>, %arg19: memref<!tpu.dma_semaphore, #tpu.memory_space<semaphore_mem>>, %arg20: memref<!tpu.dma_semaphore, #tpu.memory_space<semaphore_mem>>, %arg21: memref<!tpu.dma_semaphore, #tpu.memory_space<semaphore_mem>>, %arg22: memref<!tpu.dma_semaphore, #tpu.memory_space<semaphore_mem>>, %arg23: memref<!tpu.dma_semaphore, #tpu.memory_space<semaphore_mem>>) attributes {dimension_semantics = [#tpu.dimension_semantics<core_parallel>, #tpu.dimension_semantics<subcore_parallel>], iteration_bounds = array<i64: 2, 16>, scalar_prefetch = 0 : i64, scratch_operands = 14 : i64, tpu.core_type = #tpu.core_type<sc_vector_subcore>, window_params = [{transform_indices = #map}, {transform_indices = #map}, {transform_indices = #map}, {transform_indices = #map1}, {transform_indices = #map1}, {transform_indices = #map}, {transform_indices = #map}, {transform_indices = #map2}]} {
    %mul3A = arith.constant 16 : i32
    %mul3A_0 = arith.muli %arg0, %mul3A : i32
    %add3A = arith.addi %mul3A_0, %arg1 : i32
    %add3A_1 = arith.constant 0 : i32
    %add3A_2 = arith.addi %arg1, %add3A_1 : i32
    %lt3A = arith.constant 25 : i32
    %lt3A_3 = arith.cmpi slt, %add3A_2, %lt3A : i32
    %convert_element_type3A = arith.extui %lt3A_3 : i1 to i32
    %cond3A = arith.constant 0 : i32
    %cond3A_4 = arith.cmpi ne, %convert_element_type3A, %cond3A : i32
    scf.if %cond3A_4 {
      %mul3A_130 = arith.constant 400 : i32
      %mul3A_131 = arith.muli %add3A_2, %mul3A_130 : i32
      %multiple_of3A_132 = tpu.assume_multiple %mul3A_131, 400 : i32
      "tpu.region"() ({
        %run_scoped3A = tpu.sem_alloc : memref<!tpu.dma_semaphore, #tpu.memory_space<semaphore_mem>>
        %dma_start3A_133 = arith.constant 0 : i32
        %dma_start3A_134 = tpu.memref_slice %arg17[%multiple_of3A_132, %dma_start3A_133] : memref<10000x128xf32, #tpu.memory_space<vmem_shared>> -> memref<400x128xf32, #tpu.memory_space<vmem_shared>>
        %dma_start3A_135 = arith.constant 0 : i32
        %dma_start3A_136 = tpu.memref_slice %arg7[%multiple_of3A_132, %dma_start3A_135] : memref<10000x128xf32, #tpu.memory_space<hbm>> -> memref<400x128xf32, #tpu.memory_space<hbm>>
        tpu.enqueue_dma source(%dma_start3A_136 : memref<400x128xf32, #tpu.memory_space<hbm>>) target(%dma_start3A_134 : memref<400x128xf32, #tpu.memory_space<vmem_shared>>) target_semaphore(%run_scoped3A : memref<!tpu.dma_semaphore, #tpu.memory_space<semaphore_mem>>)
        %dma_wait3A_137 = arith.constant 0 : i32
        %dma_wait3A_138 = tpu.memref_slice %arg17[%multiple_of3A_132, %dma_wait3A_137] : memref<10000x128xf32, #tpu.memory_space<vmem_shared>> -> memref<400x128xf32, #tpu.memory_space<vmem_shared>>
        %dma_wait3A_139 = arith.constant 0 : i32
        %dma_wait3A_140 = tpu.memref_slice %arg7[%multiple_of3A_132, %dma_wait3A_139] : memref<10000x128xf32, #tpu.memory_space<hbm>> -> memref<400x128xf32, #tpu.memory_space<hbm>>
        tpu.wait_dma2 semaphore(%run_scoped3A : memref<!tpu.dma_semaphore, #tpu.memory_space<semaphore_mem>>) src(%dma_wait3A_140 : memref<400x128xf32, #tpu.memory_space<hbm>>) dst(%dma_wait3A_138 : memref<400x128xf32, #tpu.memory_space<vmem_shared>>)
        tpu.yield
      }) : () -> ()
    } else {
    }
    %add3A_5 = arith.constant 16 : i32
    %add3A_6 = arith.addi %arg1, %add3A_5 : i32
    %lt3A_7 = arith.constant 25 : i32
    %lt3A_8 = arith.cmpi slt, %add3A_6, %lt3A_7 : i32
    %convert_element_type3A_9 = arith.extui %lt3A_8 : i1 to i32
    %cond3A_10 = arith.constant 0 : i32
    %cond3A_11 = arith.cmpi ne, %convert_element_type3A_9, %cond3A_10 : i32
    scf.if %cond3A_11 {
      %mul3A_130 = arith.constant 400 : i32
      %mul3A_131 = arith.muli %add3A_6, %mul3A_130 : i32
      %multiple_of3A_132 = tpu.assume_multiple %mul3A_131, 400 : i32
      "tpu.region"() ({
        %run_scoped3A = tpu.sem_alloc : memref<!tpu.dma_semaphore, #tpu.memory_space<semaphore_mem>>
        %dma_start3A_133 = arith.constant 0 : i32
        %dma_start3A_134 = tpu.memref_slice %arg17[%multiple_of3A_132, %dma_start3A_133] : memref<10000x128xf32, #tpu.memory_space<vmem_shared>> -> memref<400x128xf32, #tpu.memory_space<vmem_shared>>
        %dma_start3A_135 = arith.constant 0 : i32
        %dma_start3A_136 = tpu.memref_slice %arg7[%multiple_of3A_132, %dma_start3A_135] : memref<10000x128xf32, #tpu.memory_space<hbm>> -> memref<400x128xf32, #tpu.memory_space<hbm>>
        tpu.enqueue_dma source(%dma_start3A_136 : memref<400x128xf32, #tpu.memory_space<hbm>>) target(%dma_start3A_134 : memref<400x128xf32, #tpu.memory_space<vmem_shared>>) target_semaphore(%run_scoped3A : memref<!tpu.dma_semaphore, #tpu.memory_space<semaphore_mem>>)
        %dma_wait3A_137 = arith.constant 0 : i32
        %dma_wait3A_138 = tpu.memref_slice %arg17[%multiple_of3A_132, %dma_wait3A_137] : memref<10000x128xf32, #tpu.memory_space<vmem_shared>> -> memref<400x128xf32, #tpu.memory_space<vmem_shared>>
        %dma_wait3A_139 = arith.constant 0 : i32
        %dma_wait3A_140 = tpu.memref_slice %arg7[%multiple_of3A_132, %dma_wait3A_139] : memref<10000x128xf32, #tpu.memory_space<hbm>> -> memref<400x128xf32, #tpu.memory_space<hbm>>
        tpu.wait_dma2 semaphore(%run_scoped3A : memref<!tpu.dma_semaphore, #tpu.memory_space<semaphore_mem>>) src(%dma_wait3A_140 : memref<400x128xf32, #tpu.memory_space<hbm>>) dst(%dma_wait3A_138 : memref<400x128xf32, #tpu.memory_space<vmem_shared>>)
        tpu.yield
      }) : () -> ()
    } else {
    }
    %barrier3A = arith.constant 0 : index
    tpu.barrier barrier_id(%barrier3A)
    %iota3A = tpu.iota {dimensions = array<i32: 0>} : vector<16xi32>
    %lt3A_12 = arith.constant 8 : i32
    %lt3A_13 = vector.broadcast %lt3A_12 : i32 to vector<16xi32>
    %lt3A_14 = arith.cmpi slt, %iota3A, %lt3A_13 : vector<16xi32>
    %jit3A = arith.constant 0.000000e+00 : f32
    %jit3A_15 = arith.constant -1.000000e+30 : f32
    %broadcast_in_dim3A = vector.broadcast %jit3A : f32 to vector<16xf32>
    %broadcast_in_dim3A_16 = vector.broadcast %jit3A_15 : f32 to vector<16xf32>
    %select_n3A = arith.select %lt3A_14, %broadcast_in_dim3A, %broadcast_in_dim3A_16 : vector<16xi1>, vector<16xf32>
    %mul3A_17 = arith.constant 10000 : i32
    %mul3A_18 = arith.muli %add3A, %mul3A_17 : i32
    %add3A_19 = arith.constant 0 : i32
    %add3A_20 = arith.addi %mul3A_18, %add3A_19 : i32
    %multiple_of3A = tpu.assume_multiple %add3A_20, 40 : i32
    %dma_start3A = arith.constant 0 : i32
    %dma_start3A_21 = arith.constant 0 : i32
    %dma_start3A_22 = tpu.memref_slice %arg10[%dma_start3A, %dma_start3A_21] : memref<2x40xi32, #tpu.memory_space<vmem>> -> memref<1x40xi32, #tpu.memory_space<vmem>>
    %dma_start3A_23 = tpu.memref_squeeze %dma_start3A_22 : memref<1x40xi32, #tpu.memory_space<vmem>> -> memref<40xi32, #tpu.memory_space<vmem>>
    %dma_start3A_24 = tpu.memref_slice %arg6[%multiple_of3A] : memref<320000xi32, #tpu.memory_space<hbm>> -> memref<40xi32, #tpu.memory_space<hbm>>
    %dma_start3A_25 = arith.constant 0 : i32
    %dma_start3A_26 = tpu.memref_slice %arg10[%dma_start3A, %dma_start3A_25] : memref<2x40xi32, #tpu.memory_space<vmem>> -> memref<1x40xi32, #tpu.memory_space<vmem>>
    %dma_start3A_27 = tpu.memref_squeeze %dma_start3A_26 : memref<1x40xi32, #tpu.memory_space<vmem>> -> memref<40xi32, #tpu.memory_space<vmem>>
    %dma_start3A_28 = tpu.memref_slice %arg6[%multiple_of3A] : memref<320000xi32, #tpu.memory_space<hbm>> -> memref<40xi32, #tpu.memory_space<hbm>>
    tpu.enqueue_dma source(%dma_start3A_28 : memref<40xi32, #tpu.memory_space<hbm>>) target(%dma_start3A_27 : memref<40xi32, #tpu.memory_space<vmem>>) target_semaphore(%arg23 : memref<!tpu.dma_semaphore, #tpu.memory_space<semaphore_mem>>)
    %dma_start3A_29 = arith.constant 0 : i32
    %dma_start3A_30 = arith.constant 0 : i32
    %dma_start3A_31 = tpu.memref_slice %arg11[%dma_start3A_29, %dma_start3A_30] : memref<2x40xi32, #tpu.memory_space<vmem>> -> memref<1x40xi32, #tpu.memory_space<vmem>>
    %dma_start3A_32 = tpu.memref_squeeze %dma_start3A_31 : memref<1x40xi32, #tpu.memory_space<vmem>> -> memref<40xi32, #tpu.memory_space<vmem>>
    %dma_start3A_33 = tpu.memref_slice %arg5[%multiple_of3A] : memref<320000xi32, #tpu.memory_space<hbm>> -> memref<40xi32, #tpu.memory_space<hbm>>
    %dma_start3A_34 = arith.constant 0 : i32
    %dma_start3A_35 = tpu.memref_slice %arg11[%dma_start3A_29, %dma_start3A_34] : memref<2x40xi32, #tpu.memory_space<vmem>> -> memref<1x40xi32, #tpu.memory_space<vmem>>
    %dma_start3A_36 = tpu.memref_squeeze %dma_start3A_35 : memref<1x40xi32, #tpu.memory_space<vmem>> -> memref<40xi32, #tpu.memory_space<vmem>>
    %dma_start3A_37 = tpu.memref_slice %arg5[%multiple_of3A] : memref<320000xi32, #tpu.memory_space<hbm>> -> memref<40xi32, #tpu.memory_space<hbm>>
    tpu.enqueue_dma source(%dma_start3A_37 : memref<40xi32, #tpu.memory_space<hbm>>) target(%dma_start3A_36 : memref<40xi32, #tpu.memory_space<vmem>>) target_semaphore(%arg23 : memref<!tpu.dma_semaphore, #tpu.memory_space<semaphore_mem>>)
    %dma_start3A_38 = arith.constant 0 : i32
    %dma_start3A_39 = arith.constant 0 : i32
    %dma_start3A_40 = arith.constant 0 : i32
    %dma_start3A_41 = tpu.memref_slice %arg14[%dma_start3A_38, %dma_start3A_39, %dma_start3A_40] : memref<2x40x16xf32, #tpu.memory_space<vmem>> -> memref<1x40x16xf32, #tpu.memory_space<vmem>>
    %dma_start3A_42 = tpu.memref_squeeze %dma_start3A_41 : memref<1x40x16xf32, #tpu.memory_space<vmem>> -> memref<40x16xf32, #tpu.memory_space<vmem>>
    %dma_start3A_43 = arith.constant 0 : i32
    %dma_start3A_44 = tpu.memref_slice %arg4[%multiple_of3A, %dma_start3A_43] : memref<320000x16xf32, #tpu.memory_space<hbm>> -> memref<40x16xf32, #tpu.memory_space<hbm>>
    %dma_start3A_45 = arith.constant 0 : i32
    %dma_start3A_46 = arith.constant 0 : i32
    %dma_start3A_47 = tpu.memref_slice %arg14[%dma_start3A_38, %dma_start3A_45, %dma_start3A_46] : memref<2x40x16xf32, #tpu.memory_space<vmem>> -> memref<1x40x16xf32, #tpu.memory_space<vmem>>
    %dma_start3A_48 = tpu.memref_squeeze %dma_start3A_47 : memref<1x40x16xf32, #tpu.memory_space<vmem>> -> memref<40x16xf32, #tpu.memory_space<vmem>>
    %dma_start3A_49 = arith.constant 0 : i32
    %dma_start3A_50 = tpu.memref_slice %arg4[%multiple_of3A, %dma_start3A_49] : memref<320000x16xf32, #tpu.memory_space<hbm>> -> memref<40x16xf32, #tpu.memory_space<hbm>>
    tpu.enqueue_dma source(%dma_start3A_50 : memref<40x16xf32, #tpu.memory_space<hbm>>) target(%dma_start3A_48 : memref<40x16xf32, #tpu.memory_space<vmem>>) target_semaphore(%arg23 : memref<!tpu.dma_semaphore, #tpu.memory_space<semaphore_mem>>)
    %dma_start3A_51 = arith.constant 0 : i32
    %dma_start3A_52 = tpu.memref_slice %arg8[%mul3A_18, %dma_start3A_51] : memref<320000x16xf32, #tpu.memory_space<hbm>> -> memref<40x16xf32, #tpu.memory_space<hbm>>
    %dma_start3A_53 = arith.constant 0 : i32
    %dma_start3A_54 = tpu.memref_slice %arg8[%mul3A_18, %dma_start3A_53] : memref<320000x16xf32, #tpu.memory_space<hbm>> -> memref<40x16xf32, #tpu.memory_space<hbm>>
    tpu.enqueue_dma source(%dma_start3A_54 : memref<40x16xf32, #tpu.memory_space<hbm>>) target(%arg15 : memref<40x16xf32, #tpu.memory_space<vmem>>) target_semaphore(%arg22 : memref<!tpu.dma_semaphore, #tpu.memory_space<semaphore_mem>>)
    %dma_start3A_55 = arith.constant 0 : i32
    %dma_start3A_56 = arith.constant 0 : i32
    %dma_start3A_57 = tpu.memref_slice %arg7[%dma_start3A_55, %dma_start3A_56] : memref<10000x128xf32, #tpu.memory_space<hbm>> -> memref<40x128xf32, #tpu.memory_space<hbm>>
    %dma_start3A_58 = arith.constant 0 : i32
    %dma_start3A_59 = arith.constant 0 : i32
    %dma_start3A_60 = tpu.memref_slice %arg7[%dma_start3A_58, %dma_start3A_59] : memref<10000x128xf32, #tpu.memory_space<hbm>> -> memref<40x128xf32, #tpu.memory_space<hbm>>
    tpu.enqueue_dma source(%dma_start3A_60 : memref<40x128xf32, #tpu.memory_space<hbm>>) target(%arg16 : memref<40x128xf32, #tpu.memory_space<vmem>>) target_semaphore(%arg21 : memref<!tpu.dma_semaphore, #tpu.memory_space<semaphore_mem>>)
    %scan3A = arith.constant 0 : i32
    %scan3A_61 = arith.constant 0 : i32
    %scan3A_62 = arith.constant 125 : i32
    %scan3A_63 = arith.addi %scan3A_61, %scan3A_62 : i32
    %scan3A_64 = arith.constant 1 : i32
    %scan3A_65 = scf.for %scan3A_130 = %scan3A_61 to %scan3A_63 step %scan3A_64 iter_args(%scan3A_131 = %scan3A) -> (i32)  : i32 {
      %mul3A_132 = arith.constant 2 : i32
      %mul3A_133 = arith.muli %mul3A_132, %scan3A_130 : i32
      %mul3A_134 = arith.constant 40 : i32
      %mul3A_135 = arith.muli %mul3A_133, %mul3A_134 : i32
      %add3A_136 = arith.addi %mul3A_18, %mul3A_135 : i32
      %multiple_of3A_137 = tpu.assume_multiple %add3A_136, 40 : i32
      %dma_wait3A_138 = arith.constant 0 : i32
      %dma_wait3A_139 = arith.constant 0 : i32
      %dma_wait3A_140 = tpu.memref_slice %arg10[%dma_wait3A_138, %dma_wait3A_139] : memref<2x40xi32, #tpu.memory_space<vmem>> -> memref<1x40xi32, #tpu.memory_space<vmem>>
      %dma_wait3A_141 = tpu.memref_squeeze %dma_wait3A_140 : memref<1x40xi32, #tpu.memory_space<vmem>> -> memref<40xi32, #tpu.memory_space<vmem>>
      %dma_wait3A_142 = arith.constant 0 : i32
      %dma_wait3A_143 = tpu.memref_slice %arg6[%dma_wait3A_142] : memref<320000xi32, #tpu.memory_space<hbm>> -> memref<40xi32, #tpu.memory_space<hbm>>
      %dma_wait3A_144 = arith.constant 0 : i32
      %dma_wait3A_145 = tpu.memref_slice %arg10[%dma_wait3A_138, %dma_wait3A_144] : memref<2x40xi32, #tpu.memory_space<vmem>> -> memref<1x40xi32, #tpu.memory_space<vmem>>
      %dma_wait3A_146 = tpu.memref_squeeze %dma_wait3A_145 : memref<1x40xi32, #tpu.memory_space<vmem>> -> memref<40xi32, #tpu.memory_space<vmem>>
      %dma_wait3A_147 = arith.constant 0 : i32
      %dma_wait3A_148 = tpu.memref_slice %arg6[%dma_wait3A_147] : memref<320000xi32, #tpu.memory_space<hbm>> -> memref<40xi32, #tpu.memory_space<hbm>>
      tpu.wait_dma2 semaphore(%arg23 : memref<!tpu.dma_semaphore, #tpu.memory_space<semaphore_mem>>) src(%dma_wait3A_148 : memref<40xi32, #tpu.memory_space<hbm>>) dst(%dma_wait3A_146 : memref<40xi32, #tpu.memory_space<vmem>>)
      %dma_wait3A_149 = arith.constant 0 : i32
      %dma_wait3A_150 = arith.constant 0 : i32
      %dma_wait3A_151 = tpu.memref_slice %arg11[%dma_wait3A_149, %dma_wait3A_150] : memref<2x40xi32, #tpu.memory_space<vmem>> -> memref<1x40xi32, #tpu.memory_space<vmem>>
      %dma_wait3A_152 = tpu.memref_squeeze %dma_wait3A_151 : memref<1x40xi32, #tpu.memory_space<vmem>> -> memref<40xi32, #tpu.memory_space<vmem>>
      %dma_wait3A_153 = arith.constant 0 : i32
      %dma_wait3A_154 = tpu.memref_slice %arg5[%dma_wait3A_153] : memref<320000xi32, #tpu.memory_space<hbm>> -> memref<40xi32, #tpu.memory_space<hbm>>
      %dma_wait3A_155 = arith.constant 0 : i32
      %dma_wait3A_156 = tpu.memref_slice %arg11[%dma_wait3A_149, %dma_wait3A_155] : memref<2x40xi32, #tpu.memory_space<vmem>> -> memref<1x40xi32, #tpu.memory_space<vmem>>
      %dma_wait3A_157 = tpu.memref_squeeze %dma_wait3A_156 : memref<1x40xi32, #tpu.memory_space<vmem>> -> memref<40xi32, #tpu.memory_space<vmem>>
      %dma_wait3A_158 = arith.constant 0 : i32
      %dma_wait3A_159 = tpu.memref_slice %arg5[%dma_wait3A_158] : memref<320000xi32, #tpu.memory_space<hbm>> -> memref<40xi32, #tpu.memory_space<hbm>>
      tpu.wait_dma2 semaphore(%arg23 : memref<!tpu.dma_semaphore, #tpu.memory_space<semaphore_mem>>) src(%dma_wait3A_159 : memref<40xi32, #tpu.memory_space<hbm>>) dst(%dma_wait3A_157 : memref<40xi32, #tpu.memory_space<vmem>>)
      %dma_wait3A_160 = arith.constant 0 : i32
      %dma_wait3A_161 = arith.constant 0 : i32
      %dma_wait3A_162 = arith.constant 0 : i32
      %dma_wait3A_163 = tpu.memref_slice %arg14[%dma_wait3A_160, %dma_wait3A_161, %dma_wait3A_162] : memref<2x40x16xf32, #tpu.memory_space<vmem>> -> memref<1x40x16xf32, #tpu.memory_space<vmem>>
      %dma_wait3A_164 = tpu.memref_squeeze %dma_wait3A_163 : memref<1x40x16xf32, #tpu.memory_space<vmem>> -> memref<40x16xf32, #tpu.memory_space<vmem>>
      %dma_wait3A_165 = arith.constant 0 : i32
      %dma_wait3A_166 = arith.constant 0 : i32
      %dma_wait3A_167 = tpu.memref_slice %arg4[%dma_wait3A_165, %dma_wait3A_166] : memref<320000x16xf32, #tpu.memory_space<hbm>> -> memref<40x16xf32, #tpu.memory_space<hbm>>
      %dma_wait3A_168 = arith.constant 0 : i32
      %dma_wait3A_169 = arith.constant 0 : i32
      %dma_wait3A_170 = tpu.memref_slice %arg14[%dma_wait3A_160, %dma_wait3A_168, %dma_wait3A_169] : memref<2x40x16xf32, #tpu.memory_space<vmem>> -> memref<1x40x16xf32, #tpu.memory_space<vmem>>
      %dma_wait3A_171 = tpu.memref_squeeze %dma_wait3A_170 : memref<1x40x16xf32, #tpu.memory_space<vmem>> -> memref<40x16xf32, #tpu.memory_space<vmem>>
      %dma_wait3A_172 = arith.constant 0 : i32
      %dma_wait3A_173 = arith.constant 0 : i32
      %dma_wait3A_174 = tpu.memref_slice %arg4[%dma_wait3A_172, %dma_wait3A_173] : memref<320000x16xf32, #tpu.memory_space<hbm>> -> memref<40x16xf32, #tpu.memory_space<hbm>>
      tpu.wait_dma2 semaphore(%arg23 : memref<!tpu.dma_semaphore, #tpu.memory_space<semaphore_mem>>) src(%dma_wait3A_174 : memref<40x16xf32, #tpu.memory_space<hbm>>) dst(%dma_wait3A_171 : memref<40x16xf32, #tpu.memory_space<vmem>>)
      %dma_start3A_175 = arith.constant 0 : i32
      %dma_start3A_176 = arith.constant 0 : i32
      %dma_start3A_177 = tpu.memref_slice %arg10[%dma_start3A_175, %dma_start3A_176] : memref<2x40xi32, #tpu.memory_space<vmem>> -> memref<1x40xi32, #tpu.memory_space<vmem>>
      %dma_start3A_178 = tpu.memref_squeeze %dma_start3A_177 : memref<1x40xi32, #tpu.memory_space<vmem>> -> memref<40xi32, #tpu.memory_space<vmem>>
      %dma_start3A_179 = arith.constant 0 : i32
      %dma_start3A_180 = arith.constant 0 : i32
      %dma_start3A_181 = tpu.memref_slice %arg2[%dma_start3A_179, %dma_start3A_180] : memref<10000x128xf32, #tpu.memory_space<hbm>> -> memref<10000x128xf32, #tpu.memory_space<hbm>>
      tpu.enqueue_indirect_dma source(%dma_start3A_181 : memref<10000x128xf32, #tpu.memory_space<hbm>>) target(%arg12 : memref<40x128xf32, #tpu.memory_space<vmem>>) offsets(%dma_start3A_178 : memref<40xi32, #tpu.memory_space<vmem>>) semaphore(%arg18 : memref<!tpu.dma_semaphore, #tpu.memory_space<semaphore_mem>>)
      %dma_start3A_182 = arith.constant 0 : i32
      %dma_start3A_183 = arith.constant 0 : i32
      %dma_start3A_184 = tpu.memref_slice %arg11[%dma_start3A_182, %dma_start3A_183] : memref<2x40xi32, #tpu.memory_space<vmem>> -> memref<1x40xi32, #tpu.memory_space<vmem>>
      %dma_start3A_185 = tpu.memref_squeeze %dma_start3A_184 : memref<1x40xi32, #tpu.memory_space<vmem>> -> memref<40xi32, #tpu.memory_space<vmem>>
      %dma_start3A_186 = arith.constant 0 : i32
      %dma_start3A_187 = arith.constant 0 : i32
      %dma_start3A_188 = tpu.memref_slice %arg3[%dma_start3A_186, %dma_start3A_187] : memref<10000x128xf32, #tpu.memory_space<hbm>> -> memref<10000x128xf32, #tpu.memory_space<hbm>>
      tpu.enqueue_indirect_dma source(%dma_start3A_188 : memref<10000x128xf32, #tpu.memory_space<hbm>>) target(%arg13 : memref<40x128xf32, #tpu.memory_space<vmem>>) offsets(%dma_start3A_185 : memref<40xi32, #tpu.memory_space<vmem>>) semaphore(%arg19 : memref<!tpu.dma_semaphore, #tpu.memory_space<semaphore_mem>>)
      %dma_wait3A_189 = arith.constant 0 : i32
      %dma_wait3A_190 = arith.constant 0 : i32
      %dma_wait3A_191 = tpu.memref_slice %arg8[%dma_wait3A_189, %dma_wait3A_190] : memref<320000x16xf32, #tpu.memory_space<hbm>> -> memref<40x16xf32, #tpu.memory_space<hbm>>
      %dma_wait3A_192 = arith.constant 0 : i32
      %dma_wait3A_193 = arith.constant 0 : i32
      %dma_wait3A_194 = tpu.memref_slice %arg8[%dma_wait3A_192, %dma_wait3A_193] : memref<320000x16xf32, #tpu.memory_space<hbm>> -> memref<40x16xf32, #tpu.memory_space<hbm>>
      tpu.wait_dma2 semaphore(%arg22 : memref<!tpu.dma_semaphore, #tpu.memory_space<semaphore_mem>>) src(%arg15 : memref<40x16xf32, #tpu.memory_space<vmem>>) dst(%dma_wait3A_194 : memref<40x16xf32, #tpu.memory_space<hbm>>)
      %dma_wait3A_195 = arith.constant 0 : i32
      %dma_wait3A_196 = arith.constant 0 : i32
      %dma_wait3A_197 = tpu.memref_slice %arg7[%dma_wait3A_195, %dma_wait3A_196] : memref<10000x128xf32, #tpu.memory_space<hbm>> -> memref<40x128xf32, #tpu.memory_space<hbm>>
      %dma_wait3A_198 = arith.constant 0 : i32
      %dma_wait3A_199 = arith.constant 0 : i32
      %dma_wait3A_200 = tpu.memref_slice %arg7[%dma_wait3A_198, %dma_wait3A_199] : memref<10000x128xf32, #tpu.memory_space<hbm>> -> memref<40x128xf32, #tpu.memory_space<hbm>>
      tpu.wait_dma2 semaphore(%arg21 : memref<!tpu.dma_semaphore, #tpu.memory_space<semaphore_mem>>) src(%dma_wait3A_200 : memref<40x128xf32, #tpu.memory_space<hbm>>) dst(%arg16 : memref<40x128xf32, #tpu.memory_space<vmem>>)
      %add3A_201 = arith.constant 1 : i32
      %add3A_202 = arith.addi %mul3A_133, %add3A_201 : i32
      %min3A = arith.constant 249 : i32
      %min3A_203 = arith.minsi %add3A_202, %min3A : i32
      %mul3A_204 = arith.constant 40 : i32
      %mul3A_205 = arith.muli %min3A_203, %mul3A_204 : i32
      %add3A_206 = arith.addi %mul3A_18, %mul3A_205 : i32
      %multiple_of3A_207 = tpu.assume_multiple %add3A_206, 40 : i32
      %dma_start3A_208 = arith.constant 1 : i32
      %dma_start3A_209 = arith.constant 0 : i32
      %dma_start3A_210 = tpu.memref_slice %arg10[%dma_start3A_208, %dma_start3A_209] : memref<2x40xi32, #tpu.memory_space<vmem>> -> memref<1x40xi32, #tpu.memory_space<vmem>>
      %dma_start3A_211 = tpu.memref_squeeze %dma_start3A_210 : memref<1x40xi32, #tpu.memory_space<vmem>> -> memref<40xi32, #tpu.memory_space<vmem>>
      %dma_start3A_212 = tpu.memref_slice %arg6[%multiple_of3A_207] : memref<320000xi32, #tpu.memory_space<hbm>> -> memref<40xi32, #tpu.memory_space<hbm>>
      %dma_start3A_213 = arith.constant 0 : i32
      %dma_start3A_214 = tpu.memref_slice %arg10[%dma_start3A_208, %dma_start3A_213] : memref<2x40xi32, #tpu.memory_space<vmem>> -> memref<1x40xi32, #tpu.memory_space<vmem>>
      %dma_start3A_215 = tpu.memref_squeeze %dma_start3A_214 : memref<1x40xi32, #tpu.memory_space<vmem>> -> memref<40xi32, #tpu.memory_space<vmem>>
      %dma_start3A_216 = tpu.memref_slice %arg6[%multiple_of3A_207] : memref<320000xi32, #tpu.memory_space<hbm>> -> memref<40xi32, #tpu.memory_space<hbm>>
      tpu.enqueue_dma source(%dma_start3A_216 : memref<40xi32, #tpu.memory_space<hbm>>) target(%dma_start3A_215 : memref<40xi32, #tpu.memory_space<vmem>>) target_semaphore(%arg20 : memref<!tpu.dma_semaphore, #tpu.memory_space<semaphore_mem>>)
      %dma_start3A_217 = arith.constant 1 : i32
      %dma_start3A_218 = arith.constant 0 : i32
      %dma_start3A_219 = tpu.memref_slice %arg11[%dma_start3A_217, %dma_start3A_218] : memref<2x40xi32, #tpu.memory_space<vmem>> -> memref<1x40xi32, #tpu.memory_space<vmem>>
      %dma_start3A_220 = tpu.memref_squeeze %dma_start3A_219 : memref<1x40xi32, #tpu.memory_space<vmem>> -> memref<40xi32, #tpu.memory_space<vmem>>
      %dma_start3A_221 = tpu.memref_slice %arg5[%multiple_of3A_207] : memref<320000xi32, #tpu.memory_space<hbm>> -> memref<40xi32, #tpu.memory_space<hbm>>
      %dma_start3A_222 = arith.constant 0 : i32
      %dma_start3A_223 = tpu.memref_slice %arg11[%dma_start3A_217, %dma_start3A_222] : memref<2x40xi32, #tpu.memory_space<vmem>> -> memref<1x40xi32, #tpu.memory_space<vmem>>
      %dma_start3A_224 = tpu.memref_squeeze %dma_start3A_223 : memref<1x40xi32, #tpu.memory_space<vmem>> -> memref<40xi32, #tpu.memory_space<vmem>>
      %dma_start3A_225 = tpu.memref_slice %arg5[%multiple_of3A_207] : memref<320000xi32, #tpu.memory_space<hbm>> -> memref<40xi32, #tpu.memory_space<hbm>>
      tpu.enqueue_dma source(%dma_start3A_225 : memref<40xi32, #tpu.memory_space<hbm>>) target(%dma_start3A_224 : memref<40xi32, #tpu.memory_space<vmem>>) target_semaphore(%arg20 : memref<!tpu.dma_semaphore, #tpu.memory_space<semaphore_mem>>)
      %dma_start3A_226 = arith.constant 1 : i32
      %dma_start3A_227 = arith.constant 0 : i32
      %dma_start3A_228 = arith.constant 0 : i32
      %dma_start3A_229 = tpu.memref_slice %arg14[%dma_start3A_226, %dma_start3A_227, %dma_start3A_228] : memref<2x40x16xf32, #tpu.memory_space<vmem>> -> memref<1x40x16xf32, #tpu.memory_space<vmem>>
      %dma_start3A_230 = tpu.memref_squeeze %dma_start3A_229 : memref<1x40x16xf32, #tpu.memory_space<vmem>> -> memref<40x16xf32, #tpu.memory_space<vmem>>
      %dma_start3A_231 = arith.constant 0 : i32
      %dma_start3A_232 = tpu.memref_slice %arg4[%multiple_of3A_207, %dma_start3A_231] : memref<320000x16xf32, #tpu.memory_space<hbm>> -> memref<40x16xf32, #tpu.memory_space<hbm>>
      %dma_start3A_233 = arith.constant 0 : i32
      %dma_start3A_234 = arith.constant 0 : i32
      %dma_start3A_235 = tpu.memref_slice %arg14[%dma_start3A_226, %dma_start3A_233, %dma_start3A_234] : memref<2x40x16xf32, #tpu.memory_space<vmem>> -> memref<1x40x16xf32, #tpu.memory_space<vmem>>
      %dma_start3A_236 = tpu.memref_squeeze %dma_start3A_235 : memref<1x40x16xf32, #tpu.memory_space<vmem>> -> memref<40x16xf32, #tpu.memory_space<vmem>>
      %dma_start3A_237 = arith.constant 0 : i32
      %dma_start3A_238 = tpu.memref_slice %arg4[%multiple_of3A_207, %dma_start3A_237] : memref<320000x16xf32, #tpu.memory_space<hbm>> -> memref<40x16xf32, #tpu.memory_space<hbm>>
      tpu.enqueue_dma source(%dma_start3A_238 : memref<40x16xf32, #tpu.memory_space<hbm>>) target(%dma_start3A_236 : memref<40x16xf32, #tpu.memory_space<vmem>>) target_semaphore(%arg20 : memref<!tpu.dma_semaphore, #tpu.memory_space<semaphore_mem>>)
      %dma_wait3A_239 = arith.constant 0 : i32
      %dma_wait3A_240 = arith.constant 0 : i32
      %dma_wait3A_241 = tpu.memref_slice %arg10[%dma_wait3A_239, %dma_wait3A_240] : memref<2x40xi32, #tpu.memory_space<vmem>> -> memref<1x40xi32, #tpu.memory_space<vmem>>
      %dma_wait3A_242 = tpu.memref_squeeze %dma_wait3A_241 : memref<1x40xi32, #tpu.memory_space<vmem>> -> memref<40xi32, #tpu.memory_space<vmem>>
      %dma_wait3A_243 = arith.constant 0 : i32
      %dma_wait3A_244 = arith.constant 0 : i32
      %dma_wait3A_245 = tpu.memref_slice %arg2[%dma_wait3A_243, %dma_wait3A_244] : memref<10000x128xf32, #tpu.memory_space<hbm>> -> memref<10000x128xf32, #tpu.memory_space<hbm>>
      tpu.wait_indirect_dma semaphore(%arg18 : memref<!tpu.dma_semaphore, #tpu.memory_space<semaphore_mem>>) src(%dma_wait3A_245 : memref<10000x128xf32, #tpu.memory_space<hbm>>) dst(%arg12 : memref<40x128xf32, #tpu.memory_space<vmem>>)
      %dma_wait3A_246 = arith.constant 0 : i32
      %dma_wait3A_247 = arith.constant 0 : i32
      %dma_wait3A_248 = tpu.memref_slice %arg11[%dma_wait3A_246, %dma_wait3A_247] : memref<2x40xi32, #tpu.memory_space<vmem>> -> memref<1x40xi32, #tpu.memory_space<vmem>>
      %dma_wait3A_249 = tpu.memref_squeeze %dma_wait3A_248 : memref<1x40xi32, #tpu.memory_space<vmem>> -> memref<40xi32, #tpu.memory_space<vmem>>
      %dma_wait3A_250 = arith.constant 0 : i32
      %dma_wait3A_251 = arith.constant 0 : i32
      %dma_wait3A_252 = tpu.memref_slice %arg3[%dma_wait3A_250, %dma_wait3A_251] : memref<10000x128xf32, #tpu.memory_space<hbm>> -> memref<10000x128xf32, #tpu.memory_space<hbm>>
      tpu.wait_indirect_dma semaphore(%arg19 : memref<!tpu.dma_semaphore, #tpu.memory_space<semaphore_mem>>) src(%dma_wait3A_252 : memref<10000x128xf32, #tpu.memory_space<hbm>>) dst(%arg13 : memref<40x128xf32, #tpu.memory_space<vmem>>)
      %parallel_loop3A = arith.constant 0 : i32
      %parallel_loop3A_253 = arith.constant 40 : i32
      %parallel_loop3A_254 = arith.constant 1 : i32
      scf.for %parallel_loop3A_405 = %parallel_loop3A to %parallel_loop3A_253 step %parallel_loop3A_254  : i32 {
        %parallel_loop3A_406 = arith.index_cast %parallel_loop3A_405 : i32 to index
        %parallel_loop3A_407 = arith.constant 0 : index
        %parallel_loop3A_408 = tpu.vector_load %arg12[%parallel_loop3A_406, %parallel_loop3A_407] {strides = array<i32>} : memref<40x128xf32, #tpu.memory_space<vmem>>, vector<16xf32>,
        %parallel_loop3A_409 = arith.index_cast %parallel_loop3A_405 : i32 to index
        %parallel_loop3A_410 = arith.constant 0 : index
        %parallel_loop3A_411 = tpu.vector_load %arg13[%parallel_loop3A_409, %parallel_loop3A_410] {strides = array<i32>} : memref<40x128xf32, #tpu.memory_space<vmem>>, vector<16xf32>,
        %parallel_loop3A_412 = arith.mulf %parallel_loop3A_408, %parallel_loop3A_411 : vector<16xf32>
        %parallel_loop3A_413 = arith.constant true
        %parallel_loop3A_414 = vector.broadcast %parallel_loop3A_413 : i1 to vector<16xi1>
        %parallel_loop3A_415 = tpu.scan <sum>, %parallel_loop3A_412 masked %parallel_loop3A_414 : vector<16xf32>, vector<16xi1> -> vector<16xf32>
        %parallel_loop3A_416 = arith.constant 15 : i32
        %parallel_loop3A_417 = vector.broadcast %parallel_loop3A_416 : i32 to vector<16x1xi32>
        %parallel_loop3A_418 = vector.shape_cast %parallel_loop3A_417 : vector<16x1xi32> to vector<16xi32>
        %parallel_loop3A_419 = tpu.dynamic_gather %parallel_loop3A_415[%parallel_loop3A_418] in [0] : vector<16xf32>, vector<16xi32> -> vector<16xf32>
        %parallel_loop3A_420 = arith.constant 0 : i32
        %parallel_loop3A_421 = vector.broadcast %parallel_loop3A_420 : i32 to vector<16xi32>
        %parallel_loop3A_422 = arith.cmpi eq, %iota3A, %parallel_loop3A_421 : vector<16xi32>
        %parallel_loop3A_423 = arith.select %parallel_loop3A_422, %parallel_loop3A_419, %select_n3A : vector<16xi1>, vector<16xf32>
        %parallel_loop3A_424 = arith.index_cast %parallel_loop3A_405 : i32 to index
        %parallel_loop3A_425 = arith.constant 16 : index
        %parallel_loop3A_426 = tpu.vector_load %arg12[%parallel_loop3A_424, %parallel_loop3A_425] {strides = array<i32>} : memref<40x128xf32, #tpu.memory_space<vmem>>, vector<16xf32>,
        %parallel_loop3A_427 = arith.index_cast %parallel_loop3A_405 : i32 to index
        %parallel_loop3A_428 = arith.constant 16 : index
        %parallel_loop3A_429 = tpu.vector_load %arg13[%parallel_loop3A_427, %parallel_loop3A_428] {strides = array<i32>} : memref<40x128xf32, #tpu.memory_space<vmem>>, vector<16xf32>,
        %parallel_loop3A_430 = arith.mulf %parallel_loop3A_426, %parallel_loop3A_429 : vector<16xf32>
        %parallel_loop3A_431 = arith.constant true
        %parallel_loop3A_432 = vector.broadcast %parallel_loop3A_431 : i1 to vector<16xi1>
        %parallel_loop3A_433 = tpu.scan <sum>, %parallel_loop3A_430 masked %parallel_loop3A_432 : vector<16xf32>, vector<16xi1> -> vector<16xf32>
        %parallel_loop3A_434 = arith.constant 15 : i32
        %parallel_loop3A_435 = vector.broadcast %parallel_loop3A_434 : i32 to vector<16x1xi32>
        %parallel_loop3A_436 = vector.shape_cast %parallel_loop3A_435 : vector<16x1xi32> to vector<16xi32>
        %parallel_loop3A_437 = tpu.dynamic_gather %parallel_loop3A_433[%parallel_loop3A_436] in [0] : vector<16xf32>, vector<16xi32> -> vector<16xf32>
        %parallel_loop3A_438 = arith.constant 1 : i32
        %parallel_loop3A_439 = vector.broadcast %parallel_loop3A_438 : i32 to vector<16xi32>
        %parallel_loop3A_440 = arith.cmpi eq, %iota3A, %parallel_loop3A_439 : vector<16xi32>
        %parallel_loop3A_441 = arith.select %parallel_loop3A_440, %parallel_loop3A_437, %parallel_loop3A_423 : vector<16xi1>, vector<16xf32>
        %parallel_loop3A_442 = arith.index_cast %parallel_loop3A_405 : i32 to index
        %parallel_loop3A_443 = arith.constant 32 : index
        %parallel_loop3A_444 = tpu.vector_load %arg12[%parallel_loop3A_442, %parallel_loop3A_443] {strides = array<i32>} : memref<40x128xf32, #tpu.memory_space<vmem>>, vector<16xf32>,
        %parallel_loop3A_445 = arith.index_cast %parallel_loop3A_405 : i32 to index
        %parallel_loop3A_446 = arith.constant 32 : index
        %parallel_loop3A_447 = tpu.vector_load %arg13[%parallel_loop3A_445, %parallel_loop3A_446] {strides = array<i32>} : memref<40x128xf32, #tpu.memory_space<vmem>>, vector<16xf32>,
        %parallel_loop3A_448 = arith.mulf %parallel_loop3A_444, %parallel_loop3A_447 : vector<16xf32>
        %parallel_loop3A_449 = arith.constant true
        %parallel_loop3A_450 = vector.broadcast %parallel_loop3A_449 : i1 to vector<16xi1>
        %parallel_loop3A_451 = tpu.scan <sum>, %parallel_loop3A_448 masked %parallel_loop3A_450 : vector<16xf32>, vector<16xi1> -> vector<16xf32>
        %parallel_loop3A_452 = arith.constant 15 : i32
        %parallel_loop3A_453 = vector.broadcast %parallel_loop3A_452 : i32 to vector<16x1xi32>
        %parallel_loop3A_454 = vector.shape_cast %parallel_loop3A_453 : vector<16x1xi32> to vector<16xi32>
        %parallel_loop3A_455 = tpu.dynamic_gather %parallel_loop3A_451[%parallel_loop3A_454] in [0] : vector<16xf32>, vector<16xi32> -> vector<16xf32>
        %parallel_loop3A_456 = arith.constant 2 : i32
        %parallel_loop3A_457 = vector.broadcast %parallel_loop3A_456 : i32 to vector<16xi32>
        %parallel_loop3A_458 = arith.cmpi eq, %iota3A, %parallel_loop3A_457 : vector<16xi32>
        %parallel_loop3A_459 = arith.select %parallel_loop3A_458, %parallel_loop3A_455, %parallel_loop3A_441 : vector<16xi1>, vector<16xf32>
        %parallel_loop3A_460 = arith.index_cast %parallel_loop3A_405 : i32 to index
        %parallel_loop3A_461 = arith.constant 48 : index
        %parallel_loop3A_462 = tpu.vector_load %arg12[%parallel_loop3A_460, %parallel_loop3A_461] {strides = array<i32>} : memref<40x128xf32, #tpu.memory_space<vmem>>, vector<16xf32>,
        %parallel_loop3A_463 = arith.index_cast %parallel_loop3A_405 : i32 to index
        %parallel_loop3A_464 = arith.constant 48 : index
        %parallel_loop3A_465 = tpu.vector_load %arg13[%parallel_loop3A_463, %parallel_loop3A_464] {strides = array<i32>} : memref<40x128xf32, #tpu.memory_space<vmem>>, vector<16xf32>,
        %parallel_loop3A_466 = arith.mulf %parallel_loop3A_462, %parallel_loop3A_465 : vector<16xf32>
        %parallel_loop3A_467 = arith.constant true
        %parallel_loop3A_468 = vector.broadcast %parallel_loop3A_467 : i1 to vector<16xi1>
        %parallel_loop3A_469 = tpu.scan <sum>, %parallel_loop3A_466 masked %parallel_loop3A_468 : vector<16xf32>, vector<16xi1> -> vector<16xf32>
        %parallel_loop3A_470 = arith.constant 15 : i32
        %parallel_loop3A_471 = vector.broadcast %parallel_loop3A_470 : i32 to vector<16x1xi32>
        %parallel_loop3A_472 = vector.shape_cast %parallel_loop3A_471 : vector<16x1xi32> to vector<16xi32>
        %parallel_loop3A_473 = tpu.dynamic_gather %parallel_loop3A_469[%parallel_loop3A_472] in [0] : vector<16xf32>, vector<16xi32> -> vector<16xf32>
        %parallel_loop3A_474 = arith.constant 3 : i32
        %parallel_loop3A_475 = vector.broadcast %parallel_loop3A_474 : i32 to vector<16xi32>
        %parallel_loop3A_476 = arith.cmpi eq, %iota3A, %parallel_loop3A_475 : vector<16xi32>
        %parallel_loop3A_477 = arith.select %parallel_loop3A_476, %parallel_loop3A_473, %parallel_loop3A_459 : vector<16xi1>, vector<16xf32>
        %parallel_loop3A_478 = arith.index_cast %parallel_loop3A_405 : i32 to index
        %parallel_loop3A_479 = arith.constant 64 : index
        %parallel_loop3A_480 = tpu.vector_load %arg12[%parallel_loop3A_478, %parallel_loop3A_479] {strides = array<i32>} : memref<40x128xf32, #tpu.memory_space<vmem>>, vector<16xf32>,
        %parallel_loop3A_481 = arith.index_cast %parallel_loop3A_405 : i32 to index
        %parallel_loop3A_482 = arith.constant 64 : index
        %parallel_loop3A_483 = tpu.vector_load %arg13[%parallel_loop3A_481, %parallel_loop3A_482] {strides = array<i32>} : memref<40x128xf32, #tpu.memory_space<vmem>>, vector<16xf32>,
        %parallel_loop3A_484 = arith.mulf %parallel_loop3A_480, %parallel_loop3A_483 : vector<16xf32>
        %parallel_loop3A_485 = arith.constant true
        %parallel_loop3A_486 = vector.broadcast %parallel_loop3A_485 : i1 to vector<16xi1>
        %parallel_loop3A_487 = tpu.scan <sum>, %parallel_loop3A_484 masked %parallel_loop3A_486 : vector<16xf32>, vector<16xi1> -> vector<16xf32>
        %parallel_loop3A_488 = arith.constant 15 : i32
        %parallel_loop3A_489 = vector.broadcast %parallel_loop3A_488 : i32 to vector<16x1xi32>
        %parallel_loop3A_490 = vector.shape_cast %parallel_loop3A_489 : vector<16x1xi32> to vector<16xi32>
        %parallel_loop3A_491 = tpu.dynamic_gather %parallel_loop3A_487[%parallel_loop3A_490] in [0] : vector<16xf32>, vector<16xi32> -> vector<16xf32>
        %parallel_loop3A_492 = arith.constant 4 : i32
        %parallel_loop3A_493 = vector.broadcast %parallel_loop3A_492 : i32 to vector<16xi32>
        %parallel_loop3A_494 = arith.cmpi eq, %iota3A, %parallel_loop3A_493 : vector<16xi32>
        %parallel_loop3A_495 = arith.select %parallel_loop3A_494, %parallel_loop3A_491, %parallel_loop3A_477 : vector<16xi1>, vector<16xf32>
        %parallel_loop3A_496 = arith.index_cast %parallel_loop3A_405 : i32 to index
        %parallel_loop3A_497 = arith.constant 80 : index
        %parallel_loop3A_498 = tpu.vector_load %arg12[%parallel_loop3A_496, %parallel_loop3A_497] {strides = array<i32>} : memref<40x128xf32, #tpu.memory_space<vmem>>, vector<16xf32>,
        %parallel_loop3A_499 = arith.index_cast %parallel_loop3A_405 : i32 to index
        %parallel_loop3A_500 = arith.constant 80 : index
        %parallel_loop3A_501 = tpu.vector_load %arg13[%parallel_loop3A_499, %parallel_loop3A_500] {strides = array<i32>} : memref<40x128xf32, #tpu.memory_space<vmem>>, vector<16xf32>,
        %parallel_loop3A_502 = arith.mulf %parallel_loop3A_498, %parallel_loop3A_501 : vector<16xf32>
        %parallel_loop3A_503 = arith.constant true
        %parallel_loop3A_504 = vector.broadcast %parallel_loop3A_503 : i1 to vector<16xi1>
        %parallel_loop3A_505 = tpu.scan <sum>, %parallel_loop3A_502 masked %parallel_loop3A_504 : vector<16xf32>, vector<16xi1> -> vector<16xf32>
        %parallel_loop3A_506 = arith.constant 15 : i32
        %parallel_loop3A_507 = vector.broadcast %parallel_loop3A_506 : i32 to vector<16x1xi32>
        %parallel_loop3A_508 = vector.shape_cast %parallel_loop3A_507 : vector<16x1xi32> to vector<16xi32>
        %parallel_loop3A_509 = tpu.dynamic_gather %parallel_loop3A_505[%parallel_loop3A_508] in [0] : vector<16xf32>, vector<16xi32> -> vector<16xf32>
        %parallel_loop3A_510 = arith.constant 5 : i32
        %parallel_loop3A_511 = vector.broadcast %parallel_loop3A_510 : i32 to vector<16xi32>
        %parallel_loop3A_512 = arith.cmpi eq, %iota3A, %parallel_loop3A_511 : vector<16xi32>
        %parallel_loop3A_513 = arith.select %parallel_loop3A_512, %parallel_loop3A_509, %parallel_loop3A_495 : vector<16xi1>, vector<16xf32>
        %parallel_loop3A_514 = arith.index_cast %parallel_loop3A_405 : i32 to index
        %parallel_loop3A_515 = arith.constant 96 : index
        %parallel_loop3A_516 = tpu.vector_load %arg12[%parallel_loop3A_514, %parallel_loop3A_515] {strides = array<i32>} : memref<40x128xf32, #tpu.memory_space<vmem>>, vector<16xf32>,
        %parallel_loop3A_517 = arith.index_cast %parallel_loop3A_405 : i32 to index
        %parallel_loop3A_518 = arith.constant 96 : index
        %parallel_loop3A_519 = tpu.vector_load %arg13[%parallel_loop3A_517, %parallel_loop3A_518] {strides = array<i32>} : memref<40x128xf32, #tpu.memory_space<vmem>>, vector<16xf32>,
        %parallel_loop3A_520 = arith.mulf %parallel_loop3A_516, %parallel_loop3A_519 : vector<16xf32>
        %parallel_loop3A_521 = arith.constant true
        %parallel_loop3A_522 = vector.broadcast %parallel_loop3A_521 : i1 to vector<16xi1>
        %parallel_loop3A_523 = tpu.scan <sum>, %parallel_loop3A_520 masked %parallel_loop3A_522 : vector<16xf32>, vector<16xi1> -> vector<16xf32>
        %parallel_loop3A_524 = arith.constant 15 : i32
        %parallel_loop3A_525 = vector.broadcast %parallel_loop3A_524 : i32 to vector<16x1xi32>
        %parallel_loop3A_526 = vector.shape_cast %parallel_loop3A_525 : vector<16x1xi32> to vector<16xi32>
        %parallel_loop3A_527 = tpu.dynamic_gather %parallel_loop3A_523[%parallel_loop3A_526] in [0] : vector<16xf32>, vector<16xi32> -> vector<16xf32>
        %parallel_loop3A_528 = arith.constant 6 : i32
        %parallel_loop3A_529 = vector.broadcast %parallel_loop3A_528 : i32 to vector<16xi32>
        %parallel_loop3A_530 = arith.cmpi eq, %iota3A, %parallel_loop3A_529 : vector<16xi32>
        %parallel_loop3A_531 = arith.select %parallel_loop3A_530, %parallel_loop3A_527, %parallel_loop3A_513 : vector<16xi1>, vector<16xf32>
        %parallel_loop3A_532 = arith.index_cast %parallel_loop3A_405 : i32 to index
        %parallel_loop3A_533 = arith.constant 112 : index
        %parallel_loop3A_534 = tpu.vector_load %arg12[%parallel_loop3A_532, %parallel_loop3A_533] {strides = array<i32>} : memref<40x128xf32, #tpu.memory_space<vmem>>, vector<16xf32>,
        %parallel_loop3A_535 = arith.index_cast %parallel_loop3A_405 : i32 to index
        %parallel_loop3A_536 = arith.constant 112 : index
        %parallel_loop3A_537 = tpu.vector_load %arg13[%parallel_loop3A_535, %parallel_loop3A_536] {strides = array<i32>} : memref<40x128xf32, #tpu.memory_space<vmem>>, vector<16xf32>,
        %parallel_loop3A_538 = arith.mulf %parallel_loop3A_534, %parallel_loop3A_537 : vector<16xf32>
        %parallel_loop3A_539 = arith.constant true
        %parallel_loop3A_540 = vector.broadcast %parallel_loop3A_539 : i1 to vector<16xi1>
        %parallel_loop3A_541 = tpu.scan <sum>, %parallel_loop3A_538 masked %parallel_loop3A_540 : vector<16xf32>, vector<16xi1> -> vector<16xf32>
        %parallel_loop3A_542 = arith.constant 15 : i32
        %parallel_loop3A_543 = vector.broadcast %parallel_loop3A_542 : i32 to vector<16x1xi32>
        %parallel_loop3A_544 = vector.shape_cast %parallel_loop3A_543 : vector<16x1xi32> to vector<16xi32>
        %parallel_loop3A_545 = tpu.dynamic_gather %parallel_loop3A_541[%parallel_loop3A_544] in [0] : vector<16xf32>, vector<16xi32> -> vector<16xf32>
        %parallel_loop3A_546 = arith.constant 7 : i32
        %parallel_loop3A_547 = vector.broadcast %parallel_loop3A_546 : i32 to vector<16xi32>
        %parallel_loop3A_548 = arith.cmpi eq, %iota3A, %parallel_loop3A_547 : vector<16xi32>
        %parallel_loop3A_549 = arith.select %parallel_loop3A_548, %parallel_loop3A_545, %parallel_loop3A_531 : vector<16xi1>, vector<16xf32>
        %parallel_loop3A_550 = arith.constant 0 : i32
        %parallel_loop3A_551 = arith.index_cast %parallel_loop3A_550 : i32 to index
        %parallel_loop3A_552 = arith.index_cast %parallel_loop3A_405 : i32 to index
        %parallel_loop3A_553 = arith.constant 0 : index
        %parallel_loop3A_554 = tpu.vector_load %arg14[%parallel_loop3A_551, %parallel_loop3A_552, %parallel_loop3A_553] {strides = array<i32>} : memref<2x40x16xf32, #tpu.memory_space<vmem>>, vector<16xf32>,
        %parallel_loop3A_555 = arith.addf %parallel_loop3A_549, %parallel_loop3A_554 : vector<16xf32>
        %parallel_loop3A_556 = math.exp %parallel_loop3A_555 : vector<16xf32>
        %parallel_loop3A_557 = arith.index_cast %parallel_loop3A_405 : i32 to index
        %parallel_loop3A_558 = arith.constant 0 : index
        %parallel_loop3A_559 = tpu.vector_load %arg15[%parallel_loop3A_557, %parallel_loop3A_558] {strides = array<i32>} : memref<40x16xf32, #tpu.memory_space<vmem>>, vector<16xf32>,
        tpu.vector_store %arg15[%parallel_loop3A_557, %parallel_loop3A_558], %parallel_loop3A_556 {strides = array<i32>} : memref<40x16xf32, #tpu.memory_space<vmem>>, vector<16xf32>,
        %parallel_loop3A_560 = arith.index_cast %parallel_loop3A_405 : i32 to index
        %parallel_loop3A_561 = arith.constant 0 : index
        %parallel_loop3A_562 = tpu.vector_load %arg16[%parallel_loop3A_560, %parallel_loop3A_561] {strides = array<i32>} : memref<40x128xf32, #tpu.memory_space<vmem>>, vector<16xf32>,
        tpu.vector_store %arg16[%parallel_loop3A_560, %parallel_loop3A_561], %parallel_loop3A_556 {strides = array<i32>} : memref<40x128xf32, #tpu.memory_space<vmem>>, vector<16xf32>,
      } {sc.loop_unroll_factor = 8 : i64, sc.parallel_access}
      %dma_start3A_255 = arith.constant 0 : i32
      %dma_start3A_256 = tpu.memref_slice %arg8[%multiple_of3A_137, %dma_start3A_255] : memref<320000x16xf32, #tpu.memory_space<hbm>> -> memref<40x16xf32, #tpu.memory_space<hbm>>
      %dma_start3A_257 = arith.constant 0 : i32
      %dma_start3A_258 = tpu.memref_slice %arg8[%multiple_of3A_137, %dma_start3A_257] : memref<320000x16xf32, #tpu.memory_space<hbm>> -> memref<40x16xf32, #tpu.memory_space<hbm>>
      tpu.enqueue_dma source(%arg15 : memref<40x16xf32, #tpu.memory_space<vmem>>) target(%dma_start3A_258 : memref<40x16xf32, #tpu.memory_space<hbm>>) target_semaphore(%arg22 : memref<!tpu.dma_semaphore, #tpu.memory_space<semaphore_mem>>)
      %dma_start3A_259 = arith.constant 0 : i32
      %dma_start3A_260 = arith.constant 0 : i32
      %dma_start3A_261 = tpu.memref_slice %arg10[%dma_start3A_259, %dma_start3A_260] : memref<2x40xi32, #tpu.memory_space<vmem>> -> memref<1x40xi32, #tpu.memory_space<vmem>>
      %dma_start3A_262 = tpu.memref_squeeze %dma_start3A_261 : memref<1x40xi32, #tpu.memory_space<vmem>> -> memref<40xi32, #tpu.memory_space<vmem>>
      %dma_start3A_263 = arith.constant 0 : i32
      %dma_start3A_264 = arith.constant 0 : i32
      %dma_start3A_265 = tpu.memref_slice %arg17[%dma_start3A_263, %dma_start3A_264] : memref<10000x128xf32, #tpu.memory_space<vmem_shared>> -> memref<10000x128xf32, #tpu.memory_space<vmem_shared>>
      tpu.enqueue_indirect_dma source(%arg16 : memref<40x128xf32, #tpu.memory_space<vmem>>) target(%dma_start3A_265 : memref<10000x128xf32, #tpu.memory_space<vmem_shared>>) offsets(%dma_start3A_262 : memref<40xi32, #tpu.memory_space<vmem>>) semaphore(%arg21 : memref<!tpu.dma_semaphore, #tpu.memory_space<semaphore_mem>>) {add = true}
      %mul3A_266 = arith.constant 2 : i32
      %mul3A_267 = arith.muli %mul3A_266, %scan3A_130 : i32
      %add3A_268 = arith.constant 1 : i32
      %add3A_269 = arith.addi %mul3A_267, %add3A_268 : i32
      %mul3A_270 = arith.constant 40 : i32
      %mul3A_271 = arith.muli %add3A_269, %mul3A_270 : i32
      %add3A_272 = arith.addi %mul3A_18, %mul3A_271 : i32
      %multiple_of3A_273 = tpu.assume_multiple %add3A_272, 40 : i32
      %dma_wait3A_274 = arith.constant 1 : i32
      %dma_wait3A_275 = arith.constant 0 : i32
      %dma_wait3A_276 = tpu.memref_slice %arg10[%dma_wait3A_274, %dma_wait3A_275] : memref<2x40xi32, #tpu.memory_space<vmem>> -> memref<1x40xi32, #tpu.memory_space<vmem>>
      %dma_wait3A_277 = tpu.memref_squeeze %dma_wait3A_276 : memref<1x40xi32, #tpu.memory_space<vmem>> -> memref<40xi32, #tpu.memory_space<vmem>>
      %dma_wait3A_278 = arith.constant 0 : i32
      %dma_wait3A_279 = tpu.memref_slice %arg6[%dma_wait3A_278] : memref<320000xi32, #tpu.memory_space<hbm>> -> memref<40xi32, #tpu.memory_space<hbm>>
      %dma_wait3A_280 = arith.constant 0 : i32
      %dma_wait3A_281 = tpu.memref_slice %arg10[%dma_wait3A_274, %dma_wait3A_280] : memref<2x40xi32, #tpu.memory_space<vmem>> -> memref<1x40xi32, #tpu.memory_space<vmem>>
      %dma_wait3A_282 = tpu.memref_squeeze %dma_wait3A_281 : memref<1x40xi32, #tpu.memory_space<vmem>> -> memref<40xi32, #tpu.memory_space<vmem>>
      %dma_wait3A_283 = arith.constant 0 : i32
      %dma_wait3A_284 = tpu.memref_slice %arg6[%dma_wait3A_283] : memref<320000xi32, #tpu.memory_space<hbm>> -> memref<40xi32, #tpu.memory_space<hbm>>
      tpu.wait_dma2 semaphore(%arg20 : memref<!tpu.dma_semaphore, #tpu.memory_space<semaphore_mem>>) src(%dma_wait3A_284 : memref<40xi32, #tpu.memory_space<hbm>>) dst(%dma_wait3A_282 : memref<40xi32, #tpu.memory_space<vmem>>)
      %dma_wait3A_285 = arith.constant 1 : i32
      %dma_wait3A_286 = arith.constant 0 : i32
      %dma_wait3A_287 = tpu.memref_slice %arg11[%dma_wait3A_285, %dma_wait3A_286] : memref<2x40xi32, #tpu.memory_space<vmem>> -> memref<1x40xi32, #tpu.memory_space<vmem>>
      %dma_wait3A_288 = tpu.memref_squeeze %dma_wait3A_287 : memref<1x40xi32, #tpu.memory_space<vmem>> -> memref<40xi32, #tpu.memory_space<vmem>>
      %dma_wait3A_289 = arith.constant 0 : i32
      %dma_wait3A_290 = tpu.memref_slice %arg5[%dma_wait3A_289] : memref<320000xi32, #tpu.memory_space<hbm>> -> memref<40xi32, #tpu.memory_space<hbm>>
      %dma_wait3A_291 = arith.constant 0 : i32
      %dma_wait3A_292 = tpu.memref_slice %arg11[%dma_wait3A_285, %dma_wait3A_291] : memref<2x40xi32, #tpu.memory_space<vmem>> -> memref<1x40xi32, #tpu.memory_space<vmem>>
      %dma_wait3A_293 = tpu.memref_squeeze %dma_wait3A_292 : memref<1x40xi32, #tpu.memory_space<vmem>> -> memref<40xi32, #tpu.memory_space<vmem>>
      %dma_wait3A_294 = arith.constant 0 : i32
      %dma_wait3A_295 = tpu.memref_slice %arg5[%dma_wait3A_294] : memref<320000xi32, #tpu.memory_space<hbm>> -> memref<40xi32, #tpu.memory_space<hbm>>
      tpu.wait_dma2 semaphore(%arg20 : memref<!tpu.dma_semaphore, #tpu.memory_space<semaphore_mem>>) src(%dma_wait3A_295 : memref<40xi32, #tpu.memory_space<hbm>>) dst(%dma_wait3A_293 : memref<40xi32, #tpu.memory_space<vmem>>)
      %dma_wait3A_296 = arith.constant 1 : i32
      %dma_wait3A_297 = arith.constant 0 : i32
      %dma_wait3A_298 = arith.constant 0 : i32
      %dma_wait3A_299 = tpu.memref_slice %arg14[%dma_wait3A_296, %dma_wait3A_297, %dma_wait3A_298] : memref<2x40x16xf32, #tpu.memory_space<vmem>> -> memref<1x40x16xf32, #tpu.memory_space<vmem>>
      %dma_wait3A_300 = tpu.memref_squeeze %dma_wait3A_299 : memref<1x40x16xf32, #tpu.memory_space<vmem>> -> memref<40x16xf32, #tpu.memory_space<vmem>>
      %dma_wait3A_301 = arith.constant 0 : i32
      %dma_wait3A_302 = arith.constant 0 : i32
      %dma_wait3A_303 = tpu.memref_slice %arg4[%dma_wait3A_301, %dma_wait3A_302] : memref<320000x16xf32, #tpu.memory_space<hbm>> -> memref<40x16xf32, #tpu.memory_space<hbm>>
      %dma_wait3A_304 = arith.constant 0 : i32
      %dma_wait3A_305 = arith.constant 0 : i32
      %dma_wait3A_306 = tpu.memref_slice %arg14[%dma_wait3A_296, %dma_wait3A_304, %dma_wait3A_305] : memref<2x40x16xf32, #tpu.memory_space<vmem>> -> memref<1x40x16xf32, #tpu.memory_space<vmem>>
      %dma_wait3A_307 = tpu.memref_squeeze %dma_wait3A_306 : memref<1x40x16xf32, #tpu.memory_space<vmem>> -> memref<40x16xf32, #tpu.memory_space<vmem>>
      %dma_wait3A_308 = arith.constant 0 : i32
      %dma_wait3A_309 = arith.constant 0 : i32
      %dma_wait3A_310 = tpu.memref_slice %arg4[%dma_wait3A_308, %dma_wait3A_309] : memref<320000x16xf32, #tpu.memory_space<hbm>> -> memref<40x16xf32, #tpu.memory_space<hbm>>
      tpu.wait_dma2 semaphore(%arg20 : memref<!tpu.dma_semaphore, #tpu.memory_space<semaphore_mem>>) src(%dma_wait3A_310 : memref<40x16xf32, #tpu.memory_space<hbm>>) dst(%dma_wait3A_307 : memref<40x16xf32, #tpu.memory_space<vmem>>)
      %dma_start3A_311 = arith.constant 1 : i32
      %dma_start3A_312 = arith.constant 0 : i32
      %dma_start3A_313 = tpu.memref_slice %arg10[%dma_start3A_311, %dma_start3A_312] : memref<2x40xi32, #tpu.memory_space<vmem>> -> memref<1x40xi32, #tpu.memory_space<vmem>>
      %dma_start3A_314 = tpu.memref_squeeze %dma_start3A_313 : memref<1x40xi32, #tpu.memory_space<vmem>> -> memref<40xi32, #tpu.memory_space<vmem>>
      %dma_start3A_315 = arith.constant 0 : i32
      %dma_start3A_316 = arith.constant 0 : i32
      %dma_start3A_317 = tpu.memref_slice %arg2[%dma_start3A_315, %dma_start3A_316] : memref<10000x128xf32, #tpu.memory_space<hbm>> -> memref<10000x128xf32, #tpu.memory_space<hbm>>
      tpu.enqueue_indirect_dma source(%dma_start3A_317 : memref<10000x128xf32, #tpu.memory_space<hbm>>) target(%arg12 : memref<40x128xf32, #tpu.memory_space<vmem>>) offsets(%dma_start3A_314 : memref<40xi32, #tpu.memory_space<vmem>>) semaphore(%arg18 : memref<!tpu.dma_semaphore, #tpu.memory_space<semaphore_mem>>)
      %dma_start3A_318 = arith.constant 1 : i32
      %dma_start3A_319 = arith.constant 0 : i32
      %dma_start3A_320 = tpu.memref_slice %arg11[%dma_start3A_318, %dma_start3A_319] : memref<2x40xi32, #tpu.memory_space<vmem>> -> memref<1x40xi32, #tpu.memory_space<vmem>>
      %dma_start3A_321 = tpu.memref_squeeze %dma_start3A_320 : memref<1x40xi32, #tpu.memory_space<vmem>> -> memref<40xi32, #tpu.memory_space<vmem>>
      %dma_start3A_322 = arith.constant 0 : i32
      %dma_start3A_323 = arith.constant 0 : i32
      %dma_start3A_324 = tpu.memref_slice %arg3[%dma_start3A_322, %dma_start3A_323] : memref<10000x128xf32, #tpu.memory_space<hbm>> -> memref<10000x128xf32, #tpu.memory_space<hbm>>
      tpu.enqueue_indirect_dma source(%dma_start3A_324 : memref<10000x128xf32, #tpu.memory_space<hbm>>) target(%arg13 : memref<40x128xf32, #tpu.memory_space<vmem>>) offsets(%dma_start3A_321 : memref<40xi32, #tpu.memory_space<vmem>>) semaphore(%arg19 : memref<!tpu.dma_semaphore, #tpu.memory_space<semaphore_mem>>)
      %dma_wait3A_325 = arith.constant 0 : i32
      %dma_wait3A_326 = arith.constant 0 : i32
      %dma_wait3A_327 = tpu.memref_slice %arg8[%dma_wait3A_325, %dma_wait3A_326] : memref<320000x16xf32, #tpu.memory_space<hbm>> -> memref<40x16xf32, #tpu.memory_space<hbm>>
      %dma_wait3A_328 = arith.constant 0 : i32
      %dma_wait3A_329 = arith.constant 0 : i32
      %dma_wait3A_330 = tpu.memref_slice %arg8[%dma_wait3A_328, %dma_wait3A_329] : memref<320000x16xf32, #tpu.memory_space<hbm>> -> memref<40x16xf32, #tpu.memory_space<hbm>>
      tpu.wait_dma2 semaphore(%arg22 : memref<!tpu.dma_semaphore, #tpu.memory_space<semaphore_mem>>) src(%arg15 : memref<40x16xf32, #tpu.memory_space<vmem>>) dst(%dma_wait3A_330 : memref<40x16xf32, #tpu.memory_space<hbm>>)
      %dma_wait3A_331 = arith.constant 0 : i32
      %dma_wait3A_332 = arith.constant 0 : i32
      %dma_wait3A_333 = tpu.memref_slice %arg7[%dma_wait3A_331, %dma_wait3A_332] : memref<10000x128xf32, #tpu.memory_space<hbm>> -> memref<40x128xf32, #tpu.memory_space<hbm>>
      %dma_wait3A_334 = arith.constant 0 : i32
      %dma_wait3A_335 = arith.constant 0 : i32
      %dma_wait3A_336 = tpu.memref_slice %arg7[%dma_wait3A_334, %dma_wait3A_335] : memref<10000x128xf32, #tpu.memory_space<hbm>> -> memref<40x128xf32, #tpu.memory_space<hbm>>
      tpu.wait_dma2 semaphore(%arg21 : memref<!tpu.dma_semaphore, #tpu.memory_space<semaphore_mem>>) src(%dma_wait3A_336 : memref<40x128xf32, #tpu.memory_space<hbm>>) dst(%arg16 : memref<40x128xf32, #tpu.memory_space<vmem>>)
      %add3A_337 = arith.constant 1 : i32
      %add3A_338 = arith.addi %add3A_269, %add3A_337 : i32
      %min3A_339 = arith.constant 249 : i32
      %min3A_340 = arith.minsi %add3A_338, %min3A_339 : i32
      %mul3A_341 = arith.constant 40 : i32
      %mul3A_342 = arith.muli %min3A_340, %mul3A_341 : i32
      %add3A_343 = arith.addi %mul3A_18, %mul3A_342 : i32
      %multiple_of3A_344 = tpu.assume_multiple %add3A_343, 40 : i32
      %dma_start3A_345 = arith.constant 0 : i32
      %dma_start3A_346 = arith.constant 0 : i32
      %dma_start3A_347 = tpu.memref_slice %arg10[%dma_start3A_345, %dma_start3A_346] : memref<2x40xi32, #tpu.memory_space<vmem>> -> memref<1x40xi32, #tpu.memory_space<vmem>>
      %dma_start3A_348 = tpu.memref_squeeze %dma_start3A_347 : memref<1x40xi32, #tpu.memory_space<vmem>> -> memref<40xi32, #tpu.memory_space<vmem>>
      %dma_start3A_349 = tpu.memref_slice %arg6[%multiple_of3A_344] : memref<320000xi32, #tpu.memory_space<hbm>> -> memref<40xi32, #tpu.memory_space<hbm>>
      %dma_start3A_350 = arith.constant 0 : i32
      %dma_start3A_351 = tpu.memref_slice %arg10[%dma_start3A_345, %dma_start3A_350] : memref<2x40xi32, #tpu.memory_space<vmem>> -> memref<1x40xi32, #tpu.memory_space<vmem>>
      %dma_start3A_352 = tpu.memref_squeeze %dma_start3A_351 : memref<1x40xi32, #tpu.memory_space<vmem>> -> memref<40xi32, #tpu.memory_space<vmem>>
      %dma_start3A_353 = tpu.memref_slice %arg6[%multiple_of3A_344] : memref<320000xi32, #tpu.memory_space<hbm>> -> memref<40xi32, #tpu.memory_space<hbm>>
      tpu.enqueue_dma source(%dma_start3A_353 : memref<40xi32, #tpu.memory_space<hbm>>) target(%dma_start3A_352 : memref<40xi32, #tpu.memory_space<vmem>>) target_semaphore(%arg23 : memref<!tpu.dma_semaphore, #tpu.memory_space<semaphore_mem>>)
      %dma_start3A_354 = arith.constant 0 : i32
      %dma_start3A_355 = arith.constant 0 : i32
      %dma_start3A_356 = tpu.memref_slice %arg11[%dma_start3A_354, %dma_start3A_355] : memref<2x40xi32, #tpu.memory_space<vmem>> -> memref<1x40xi32, #tpu.memory_space<vmem>>
      %dma_start3A_357 = tpu.memref_squeeze %dma_start3A_356 : memref<1x40xi32, #tpu.memory_space<vmem>> -> memref<40xi32, #tpu.memory_space<vmem>>
      %dma_start3A_358 = tpu.memref_slice %arg5[%multiple_of3A_344] : memref<320000xi32, #tpu.memory_space<hbm>> -> memref<40xi32, #tpu.memory_space<hbm>>
      %dma_start3A_359 = arith.constant 0 : i32
      %dma_start3A_360 = tpu.memref_slice %arg11[%dma_start3A_354, %dma_start3A_359] : memref<2x40xi32, #tpu.memory_space<vmem>> -> memref<1x40xi32, #tpu.memory_space<vmem>>
      %dma_start3A_361 = tpu.memref_squeeze %dma_start3A_360 : memref<1x40xi32, #tpu.memory_space<vmem>> -> memref<40xi32, #tpu.memory_space<vmem>>
      %dma_start3A_362 = tpu.memref_slice %arg5[%multiple_of3A_344] : memref<320000xi32, #tpu.memory_space<hbm>> -> memref<40xi32, #tpu.memory_space<hbm>>
      tpu.enqueue_dma source(%dma_start3A_362 : memref<40xi32, #tpu.memory_space<hbm>>) target(%dma_start3A_361 : memref<40xi32, #tpu.memory_space<vmem>>) target_semaphore(%arg23 : memref<!tpu.dma_semaphore, #tpu.memory_space<semaphore_mem>>)
      %dma_start3A_363 = arith.constant 0 : i32
      %dma_start3A_364 = arith.constant 0 : i32
      %dma_start3A_365 = arith.constant 0 : i32
      %dma_start3A_366 = tpu.memref_slice %arg14[%dma_start3A_363, %dma_start3A_364, %dma_start3A_365] : memref<2x40x16xf32, #tpu.memory_space<vmem>> -> memref<1x40x16xf32, #tpu.memory_space<vmem>>
      %dma_start3A_367 = tpu.memref_squeeze %dma_start3A_366 : memref<1x40x16xf32, #tpu.memory_space<vmem>> -> memref<40x16xf32, #tpu.memory_space<vmem>>
      %dma_start3A_368 = arith.constant 0 : i32
      %dma_start3A_369 = tpu.memref_slice %arg4[%multiple_of3A_344, %dma_start3A_368] : memref<320000x16xf32, #tpu.memory_space<hbm>> -> memref<40x16xf32, #tpu.memory_space<hbm>>
      %dma_start3A_370 = arith.constant 0 : i32
      %dma_start3A_371 = arith.constant 0 : i32
      %dma_start3A_372 = tpu.memref_slice %arg14[%dma_start3A_363, %dma_start3A_370, %dma_start3A_371] : memref<2x40x16xf32, #tpu.memory_space<vmem>> -> memref<1x40x16xf32, #tpu.memory_space<vmem>>
      %dma_start3A_373 = tpu.memref_squeeze %dma_start3A_372 : memref<1x40x16xf32, #tpu.memory_space<vmem>> -> memref<40x16xf32, #tpu.memory_space<vmem>>
      %dma_start3A_374 = arith.constant 0 : i32
      %dma_start3A_375 = tpu.memref_slice %arg4[%multiple_of3A_344, %dma_start3A_374] : memref<320000x16xf32, #tpu.memory_space<hbm>> -> memref<40x16xf32, #tpu.memory_space<hbm>>
      tpu.enqueue_dma source(%dma_start3A_375 : memref<40x16xf32, #tpu.memory_space<hbm>>) target(%dma_start3A_373 : memref<40x16xf32, #tpu.memory_space<vmem>>) target_semaphore(%arg23 : memref<!tpu.dma_semaphore, #tpu.memory_space<semaphore_mem>>)
      %dma_wait3A_376 = arith.constant 1 : i32
      %dma_wait3A_377 = arith.constant 0 : i32
      %dma_wait3A_378 = tpu.memref_slice %arg10[%dma_wait3A_376, %dma_wait3A_377] : memref<2x40xi32, #tpu.memory_space<vmem>> -> memref<1x40xi32, #tpu.memory_space<vmem>>
      %dma_wait3A_379 = tpu.memref_squeeze %dma_wait3A_378 : memref<1x40xi32, #tpu.memory_space<vmem>> -> memref<40xi32, #tpu.memory_space<vmem>>
      %dma_wait3A_380 = arith.constant 0 : i32
      %dma_wait3A_381 = arith.constant 0 : i32
      %dma_wait3A_382 = tpu.memref_slice %arg2[%dma_wait3A_380, %dma_wait3A_381] : memref<10000x128xf32, #tpu.memory_space<hbm>> -> memref<10000x128xf32, #tpu.memory_space<hbm>>
      tpu.wait_indirect_dma semaphore(%arg18 : memref<!tpu.dma_semaphore, #tpu.memory_space<semaphore_mem>>) src(%dma_wait3A_382 : memref<10000x128xf32, #tpu.memory_space<hbm>>) dst(%arg12 : memref<40x128xf32, #tpu.memory_space<vmem>>)
      %dma_wait3A_383 = arith.constant 1 : i32
      %dma_wait3A_384 = arith.constant 0 : i32
      %dma_wait3A_385 = tpu.memref_slice %arg11[%dma_wait3A_383, %dma_wait3A_384] : memref<2x40xi32, #tpu.memory_space<vmem>> -> memref<1x40xi32, #tpu.memory_space<vmem>>
      %dma_wait3A_386 = tpu.memref_squeeze %dma_wait3A_385 : memref<1x40xi32, #tpu.memory_space<vmem>> -> memref<40xi32, #tpu.memory_space<vmem>>
      %dma_wait3A_387 = arith.constant 0 : i32
      %dma_wait3A_388 = arith.constant 0 : i32
      %dma_wait3A_389 = tpu.memref_slice %arg3[%dma_wait3A_387, %dma_wait3A_388] : memref<10000x128xf32, #tpu.memory_space<hbm>> -> memref<10000x128xf32, #tpu.memory_space<hbm>>
      tpu.wait_indirect_dma semaphore(%arg19 : memref<!tpu.dma_semaphore, #tpu.memory_space<semaphore_mem>>) src(%dma_wait3A_389 : memref<10000x128xf32, #tpu.memory_space<hbm>>) dst(%arg13 : memref<40x128xf32, #tpu.memory_space<vmem>>)
      %parallel_loop3A_390 = arith.constant 0 : i32
      %parallel_loop3A_391 = arith.constant 40 : i32
      %parallel_loop3A_392 = arith.constant 1 : i32
      scf.for %parallel_loop3A_405 = %parallel_loop3A_390 to %parallel_loop3A_391 step %parallel_loop3A_392  : i32 {
        %parallel_loop3A_406 = arith.index_cast %parallel_loop3A_405 : i32 to index
        %parallel_loop3A_407 = arith.constant 0 : index
        %parallel_loop3A_408 = tpu.vector_load %arg12[%parallel_loop3A_406, %parallel_loop3A_407] {strides = array<i32>} : memref<40x128xf32, #tpu.memory_space<vmem>>, vector<16xf32>,
        %parallel_loop3A_409 = arith.index_cast %parallel_loop3A_405 : i32 to index
        %parallel_loop3A_410 = arith.constant 0 : index
        %parallel_loop3A_411 = tpu.vector_load %arg13[%parallel_loop3A_409, %parallel_loop3A_410] {strides = array<i32>} : memref<40x128xf32, #tpu.memory_space<vmem>>, vector<16xf32>,
        %parallel_loop3A_412 = arith.mulf %parallel_loop3A_408, %parallel_loop3A_411 : vector<16xf32>
        %parallel_loop3A_413 = arith.constant true
        %parallel_loop3A_414 = vector.broadcast %parallel_loop3A_413 : i1 to vector<16xi1>
        %parallel_loop3A_415 = tpu.scan <sum>, %parallel_loop3A_412 masked %parallel_loop3A_414 : vector<16xf32>, vector<16xi1> -> vector<16xf32>
        %parallel_loop3A_416 = arith.constant 15 : i32
        %parallel_loop3A_417 = vector.broadcast %parallel_loop3A_416 : i32 to vector<16x1xi32>
        %parallel_loop3A_418 = vector.shape_cast %parallel_loop3A_417 : vector<16x1xi32> to vector<16xi32>
        %parallel_loop3A_419 = tpu.dynamic_gather %parallel_loop3A_415[%parallel_loop3A_418] in [0] : vector<16xf32>, vector<16xi32> -> vector<16xf32>
        %parallel_loop3A_420 = arith.constant 0 : i32
        %parallel_loop3A_421 = vector.broadcast %parallel_loop3A_420 : i32 to vector<16xi32>
        %parallel_loop3A_422 = arith.cmpi eq, %iota3A, %parallel_loop3A_421 : vector<16xi32>
        %parallel_loop3A_423 = arith.select %parallel_loop3A_422, %parallel_loop3A_419, %select_n3A : vector<16xi1>, vector<16xf32>
        %parallel_loop3A_424 = arith.index_cast %parallel_loop3A_405 : i32 to index
        %parallel_loop3A_425 = arith.constant 16 : index
        %parallel_loop3A_426 = tpu.vector_load %arg12[%parallel_loop3A_424, %parallel_loop3A_425] {strides = array<i32>} : memref<40x128xf32, #tpu.memory_space<vmem>>, vector<16xf32>,
        %parallel_loop3A_427 = arith.index_cast %parallel_loop3A_405 : i32 to index
        %parallel_loop3A_428 = arith.constant 16 : index
        %parallel_loop3A_429 = tpu.vector_load %arg13[%parallel_loop3A_427, %parallel_loop3A_428] {strides = array<i32>} : memref<40x128xf32, #tpu.memory_space<vmem>>, vector<16xf32>,
        %parallel_loop3A_430 = arith.mulf %parallel_loop3A_426, %parallel_loop3A_429 : vector<16xf32>
        %parallel_loop3A_431 = arith.constant true
        %parallel_loop3A_432 = vector.broadcast %parallel_loop3A_431 : i1 to vector<16xi1>
        %parallel_loop3A_433 = tpu.scan <sum>, %parallel_loop3A_430 masked %parallel_loop3A_432 : vector<16xf32>, vector<16xi1> -> vector<16xf32>
        %parallel_loop3A_434 = arith.constant 15 : i32
        %parallel_loop3A_435 = vector.broadcast %parallel_loop3A_434 : i32 to vector<16x1xi32>
        %parallel_loop3A_436 = vector.shape_cast %parallel_loop3A_435 : vector<16x1xi32> to vector<16xi32>
        %parallel_loop3A_437 = tpu.dynamic_gather %parallel_loop3A_433[%parallel_loop3A_436] in [0] : vector<16xf32>, vector<16xi32> -> vector<16xf32>
        %parallel_loop3A_438 = arith.constant 1 : i32
        %parallel_loop3A_439 = vector.broadcast %parallel_loop3A_438 : i32 to vector<16xi32>
        %parallel_loop3A_440 = arith.cmpi eq, %iota3A, %parallel_loop3A_439 : vector<16xi32>
        %parallel_loop3A_441 = arith.select %parallel_loop3A_440, %parallel_loop3A_437, %parallel_loop3A_423 : vector<16xi1>, vector<16xf32>
        %parallel_loop3A_442 = arith.index_cast %parallel_loop3A_405 : i32 to index
        %parallel_loop3A_443 = arith.constant 32 : index
        %parallel_loop3A_444 = tpu.vector_load %arg12[%parallel_loop3A_442, %parallel_loop3A_443] {strides = array<i32>} : memref<40x128xf32, #tpu.memory_space<vmem>>, vector<16xf32>,
        %parallel_loop3A_445 = arith.index_cast %parallel_loop3A_405 : i32 to index
        %parallel_loop3A_446 = arith.constant 32 : index
        %parallel_loop3A_447 = tpu.vector_load %arg13[%parallel_loop3A_445, %parallel_loop3A_446] {strides = array<i32>} : memref<40x128xf32, #tpu.memory_space<vmem>>, vector<16xf32>,
        %parallel_loop3A_448 = arith.mulf %parallel_loop3A_444, %parallel_loop3A_447 : vector<16xf32>
        %parallel_loop3A_449 = arith.constant true
        %parallel_loop3A_450 = vector.broadcast %parallel_loop3A_449 : i1 to vector<16xi1>
        %parallel_loop3A_451 = tpu.scan <sum>, %parallel_loop3A_448 masked %parallel_loop3A_450 : vector<16xf32>, vector<16xi1> -> vector<16xf32>
        %parallel_loop3A_452 = arith.constant 15 : i32
        %parallel_loop3A_453 = vector.broadcast %parallel_loop3A_452 : i32 to vector<16x1xi32>
        %parallel_loop3A_454 = vector.shape_cast %parallel_loop3A_453 : vector<16x1xi32> to vector<16xi32>
        %parallel_loop3A_455 = tpu.dynamic_gather %parallel_loop3A_451[%parallel_loop3A_454] in [0] : vector<16xf32>, vector<16xi32> -> vector<16xf32>
        %parallel_loop3A_456 = arith.constant 2 : i32
        %parallel_loop3A_457 = vector.broadcast %parallel_loop3A_456 : i32 to vector<16xi32>
        %parallel_loop3A_458 = arith.cmpi eq, %iota3A, %parallel_loop3A_457 : vector<16xi32>
        %parallel_loop3A_459 = arith.select %parallel_loop3A_458, %parallel_loop3A_455, %parallel_loop3A_441 : vector<16xi1>, vector<16xf32>
        %parallel_loop3A_460 = arith.index_cast %parallel_loop3A_405 : i32 to index
        %parallel_loop3A_461 = arith.constant 48 : index
        %parallel_loop3A_462 = tpu.vector_load %arg12[%parallel_loop3A_460, %parallel_loop3A_461] {strides = array<i32>} : memref<40x128xf32, #tpu.memory_space<vmem>>, vector<16xf32>,
        %parallel_loop3A_463 = arith.index_cast %parallel_loop3A_405 : i32 to index
        %parallel_loop3A_464 = arith.constant 48 : index
        %parallel_loop3A_465 = tpu.vector_load %arg13[%parallel_loop3A_463, %parallel_loop3A_464] {strides = array<i32>} : memref<40x128xf32, #tpu.memory_space<vmem>>, vector<16xf32>,
        %parallel_loop3A_466 = arith.mulf %parallel_loop3A_462, %parallel_loop3A_465 : vector<16xf32>
        %parallel_loop3A_467 = arith.constant true
        %parallel_loop3A_468 = vector.broadcast %parallel_loop3A_467 : i1 to vector<16xi1>
        %parallel_loop3A_469 = tpu.scan <sum>, %parallel_loop3A_466 masked %parallel_loop3A_468 : vector<16xf32>, vector<16xi1> -> vector<16xf32>
        %parallel_loop3A_470 = arith.constant 15 : i32
        %parallel_loop3A_471 = vector.broadcast %parallel_loop3A_470 : i32 to vector<16x1xi32>
        %parallel_loop3A_472 = vector.shape_cast %parallel_loop3A_471 : vector<16x1xi32> to vector<16xi32>
        %parallel_loop3A_473 = tpu.dynamic_gather %parallel_loop3A_469[%parallel_loop3A_472] in [0] : vector<16xf32>, vector<16xi32> -> vector<16xf32>
        %parallel_loop3A_474 = arith.constant 3 : i32
        %parallel_loop3A_475 = vector.broadcast %parallel_loop3A_474 : i32 to vector<16xi32>
        %parallel_loop3A_476 = arith.cmpi eq, %iota3A, %parallel_loop3A_475 : vector<16xi32>
        %parallel_loop3A_477 = arith.select %parallel_loop3A_476, %parallel_loop3A_473, %parallel_loop3A_459 : vector<16xi1>, vector<16xf32>
        %parallel_loop3A_478 = arith.index_cast %parallel_loop3A_405 : i32 to index
        %parallel_loop3A_479 = arith.constant 64 : index
        %parallel_loop3A_480 = tpu.vector_load %arg12[%parallel_loop3A_478, %parallel_loop3A_479] {strides = array<i32>} : memref<40x128xf32, #tpu.memory_space<vmem>>, vector<16xf32>,
        %parallel_loop3A_481 = arith.index_cast %parallel_loop3A_405 : i32 to index
        %parallel_loop3A_482 = arith.constant 64 : index
        %parallel_loop3A_483 = tpu.vector_load %arg13[%parallel_loop3A_481, %parallel_loop3A_482] {strides = array<i32>} : memref<40x128xf32, #tpu.memory_space<vmem>>, vector<16xf32>,
        %parallel_loop3A_484 = arith.mulf %parallel_loop3A_480, %parallel_loop3A_483 : vector<16xf32>
        %parallel_loop3A_485 = arith.constant true
        %parallel_loop3A_486 = vector.broadcast %parallel_loop3A_485 : i1 to vector<16xi1>
        %parallel_loop3A_487 = tpu.scan <sum>, %parallel_loop3A_484 masked %parallel_loop3A_486 : vector<16xf32>, vector<16xi1> -> vector<16xf32>
        %parallel_loop3A_488 = arith.constant 15 : i32
        %parallel_loop3A_489 = vector.broadcast %parallel_loop3A_488 : i32 to vector<16x1xi32>
        %parallel_loop3A_490 = vector.shape_cast %parallel_loop3A_489 : vector<16x1xi32> to vector<16xi32>
        %parallel_loop3A_491 = tpu.dynamic_gather %parallel_loop3A_487[%parallel_loop3A_490] in [0] : vector<16xf32>, vector<16xi32> -> vector<16xf32>
        %parallel_loop3A_492 = arith.constant 4 : i32
        %parallel_loop3A_493 = vector.broadcast %parallel_loop3A_492 : i32 to vector<16xi32>
        %parallel_loop3A_494 = arith.cmpi eq, %iota3A, %parallel_loop3A_493 : vector<16xi32>
        %parallel_loop3A_495 = arith.select %parallel_loop3A_494, %parallel_loop3A_491, %parallel_loop3A_477 : vector<16xi1>, vector<16xf32>
        %parallel_loop3A_496 = arith.index_cast %parallel_loop3A_405 : i32 to index
        %parallel_loop3A_497 = arith.constant 80 : index
        %parallel_loop3A_498 = tpu.vector_load %arg12[%parallel_loop3A_496, %parallel_loop3A_497] {strides = array<i32>} : memref<40x128xf32, #tpu.memory_space<vmem>>, vector<16xf32>,
        %parallel_loop3A_499 = arith.index_cast %parallel_loop3A_405 : i32 to index
        %parallel_loop3A_500 = arith.constant 80 : index
        %parallel_loop3A_501 = tpu.vector_load %arg13[%parallel_loop3A_499, %parallel_loop3A_500] {strides = array<i32>} : memref<40x128xf32, #tpu.memory_space<vmem>>, vector<16xf32>,
        %parallel_loop3A_502 = arith.mulf %parallel_loop3A_498, %parallel_loop3A_501 : vector<16xf32>
        %parallel_loop3A_503 = arith.constant true
        %parallel_loop3A_504 = vector.broadcast %parallel_loop3A_503 : i1 to vector<16xi1>
        %parallel_loop3A_505 = tpu.scan <sum>, %parallel_loop3A_502 masked %parallel_loop3A_504 : vector<16xf32>, vector<16xi1> -> vector<16xf32>
        %parallel_loop3A_506 = arith.constant 15 : i32
        %parallel_loop3A_507 = vector.broadcast %parallel_loop3A_506 : i32 to vector<16x1xi32>
        %parallel_loop3A_508 = vector.shape_cast %parallel_loop3A_507 : vector<16x1xi32> to vector<16xi32>
        %parallel_loop3A_509 = tpu.dynamic_gather %parallel_loop3A_505[%parallel_loop3A_508] in [0] : vector<16xf32>, vector<16xi32> -> vector<16xf32>
        %parallel_loop3A_510 = arith.constant 5 : i32
        %parallel_loop3A_511 = vector.broadcast %parallel_loop3A_510 : i32 to vector<16xi32>
        %parallel_loop3A_512 = arith.cmpi eq, %iota3A, %parallel_loop3A_511 : vector<16xi32>
        %parallel_loop3A_513 = arith.select %parallel_loop3A_512, %parallel_loop3A_509, %parallel_loop3A_495 : vector<16xi1>, vector<16xf32>
        %parallel_loop3A_514 = arith.index_cast %parallel_loop3A_405 : i32 to index
        %parallel_loop3A_515 = arith.constant 96 : index
        %parallel_loop3A_516 = tpu.vector_load %arg12[%parallel_loop3A_514, %parallel_loop3A_515] {strides = array<i32>} : memref<40x128xf32, #tpu.memory_space<vmem>>, vector<16xf32>,
        %parallel_loop3A_517 = arith.index_cast %parallel_loop3A_405 : i32 to index
        %parallel_loop3A_518 = arith.constant 96 : index
        %parallel_loop3A_519 = tpu.vector_load %arg13[%parallel_loop3A_517, %parallel_loop3A_518] {strides = array<i32>} : memref<40x128xf32, #tpu.memory_space<vmem>>, vector<16xf32>,
        %parallel_loop3A_520 = arith.mulf %parallel_loop3A_516, %parallel_loop3A_519 : vector<16xf32>
        %parallel_loop3A_521 = arith.constant true
        %parallel_loop3A_522 = vector.broadcast %parallel_loop3A_521 : i1 to vector<16xi1>
        %parallel_loop3A_523 = tpu.scan <sum>, %parallel_loop3A_520 masked %parallel_loop3A_522 : vector<16xf32>, vector<16xi1> -> vector<16xf32>
        %parallel_loop3A_524 = arith.constant 15 : i32
        %parallel_loop3A_525 = vector.broadcast %parallel_loop3A_524 : i32 to vector<16x1xi32>
        %parallel_loop3A_526 = vector.shape_cast %parallel_loop3A_525 : vector<16x1xi32> to vector<16xi32>
        %parallel_loop3A_527 = tpu.dynamic_gather %parallel_loop3A_523[%parallel_loop3A_526] in [0] : vector<16xf32>, vector<16xi32> -> vector<16xf32>
        %parallel_loop3A_528 = arith.constant 6 : i32
        %parallel_loop3A_529 = vector.broadcast %parallel_loop3A_528 : i32 to vector<16xi32>
        %parallel_loop3A_530 = arith.cmpi eq, %iota3A, %parallel_loop3A_529 : vector<16xi32>
        %parallel_loop3A_531 = arith.select %parallel_loop3A_530, %parallel_loop3A_527, %parallel_loop3A_513 : vector<16xi1>, vector<16xf32>
        %parallel_loop3A_532 = arith.index_cast %parallel_loop3A_405 : i32 to index
        %parallel_loop3A_533 = arith.constant 112 : index
        %parallel_loop3A_534 = tpu.vector_load %arg12[%parallel_loop3A_532, %parallel_loop3A_533] {strides = array<i32>} : memref<40x128xf32, #tpu.memory_space<vmem>>, vector<16xf32>,
        %parallel_loop3A_535 = arith.index_cast %parallel_loop3A_405 : i32 to index
        %parallel_loop3A_536 = arith.constant 112 : index
        %parallel_loop3A_537 = tpu.vector_load %arg13[%parallel_loop3A_535, %parallel_loop3A_536] {strides = array<i32>} : memref<40x128xf32, #tpu.memory_space<vmem>>, vector<16xf32>,
        %parallel_loop3A_538 = arith.mulf %parallel_loop3A_534, %parallel_loop3A_537 : vector<16xf32>
        %parallel_loop3A_539 = arith.constant true
        %parallel_loop3A_540 = vector.broadcast %parallel_loop3A_539 : i1 to vector<16xi1>
        %parallel_loop3A_541 = tpu.scan <sum>, %parallel_loop3A_538 masked %parallel_loop3A_540 : vector<16xf32>, vector<16xi1> -> vector<16xf32>
        %parallel_loop3A_542 = arith.constant 15 : i32
        %parallel_loop3A_543 = vector.broadcast %parallel_loop3A_542 : i32 to vector<16x1xi32>
        %parallel_loop3A_544 = vector.shape_cast %parallel_loop3A_543 : vector<16x1xi32> to vector<16xi32>
        %parallel_loop3A_545 = tpu.dynamic_gather %parallel_loop3A_541[%parallel_loop3A_544] in [0] : vector<16xf32>, vector<16xi32> -> vector<16xf32>
        %parallel_loop3A_546 = arith.constant 7 : i32
        %parallel_loop3A_547 = vector.broadcast %parallel_loop3A_546 : i32 to vector<16xi32>
        %parallel_loop3A_548 = arith.cmpi eq, %iota3A, %parallel_loop3A_547 : vector<16xi32>
        %parallel_loop3A_549 = arith.select %parallel_loop3A_548, %parallel_loop3A_545, %parallel_loop3A_531 : vector<16xi1>, vector<16xf32>
        %parallel_loop3A_550 = arith.constant 1 : i32
        %parallel_loop3A_551 = arith.index_cast %parallel_loop3A_550 : i32 to index
        %parallel_loop3A_552 = arith.index_cast %parallel_loop3A_405 : i32 to index
        %parallel_loop3A_553 = arith.constant 0 : index
        %parallel_loop3A_554 = tpu.vector_load %arg14[%parallel_loop3A_551, %parallel_loop3A_552, %parallel_loop3A_553] {strides = array<i32>} : memref<2x40x16xf32, #tpu.memory_space<vmem>>, vector<16xf32>,
        %parallel_loop3A_555 = arith.addf %parallel_loop3A_549, %parallel_loop3A_554 : vector<16xf32>
        %parallel_loop3A_556 = math.exp %parallel_loop3A_555 : vector<16xf32>
        %parallel_loop3A_557 = arith.index_cast %parallel_loop3A_405 : i32 to index
        %parallel_loop3A_558 = arith.constant 0 : index
        %parallel_loop3A_559 = tpu.vector_load %arg15[%parallel_loop3A_557, %parallel_loop3A_558] {strides = array<i32>} : memref<40x16xf32, #tpu.memory_space<vmem>>, vector<16xf32>,
        tpu.vector_store %arg15[%parallel_loop3A_557, %parallel_loop3A_558], %parallel_loop3A_556 {strides = array<i32>} : memref<40x16xf32, #tpu.memory_space<vmem>>, vector<16xf32>,
        %parallel_loop3A_560 = arith.index_cast %parallel_loop3A_405 : i32 to index
        %parallel_loop3A_561 = arith.constant 0 : index
        %parallel_loop3A_562 = tpu.vector_load %arg16[%parallel_loop3A_560, %parallel_loop3A_561] {strides = array<i32>} : memref<40x128xf32, #tpu.memory_space<vmem>>, vector<16xf32>,
        tpu.vector_store %arg16[%parallel_loop3A_560, %parallel_loop3A_561], %parallel_loop3A_556 {strides = array<i32>} : memref<40x128xf32, #tpu.memory_space<vmem>>, vector<16xf32>,
      } {sc.loop_unroll_factor = 8 : i64, sc.parallel_access}
      %dma_start3A_393 = arith.constant 0 : i32
      %dma_start3A_394 = tpu.memref_slice %arg8[%multiple_of3A_273, %dma_start3A_393] : memref<320000x16xf32, #tpu.memory_space<hbm>> -> memref<40x16xf32, #tpu.memory_space<hbm>>
      %dma_start3A_395 = arith.constant 0 : i32
      %dma_start3A_396 = tpu.memref_slice %arg8[%multiple_of3A_273, %dma_start3A_395] : memref<320000x16xf32, #tpu.memory_space<hbm>> -> memref<40x16xf32, #tpu.memory_space<hbm>>
      tpu.enqueue_dma source(%arg15 : memref<40x16xf32, #tpu.memory_space<vmem>>) target(%dma_start3A_396 : memref<40x16xf32, #tpu.memory_space<hbm>>) target_semaphore(%arg22 : memref<!tpu.dma_semaphore, #tpu.memory_space<semaphore_mem>>)
      %dma_start3A_397 = arith.constant 1 : i32
      %dma_start3A_398 = arith.constant 0 : i32
      %dma_start3A_399 = tpu.memref_slice %arg10[%dma_start3A_397, %dma_start3A_398] : memref<2x40xi32, #tpu.memory_space<vmem>> -> memref<1x40xi32, #tpu.memory_space<vmem>>
      %dma_start3A_400 = tpu.memref_squeeze %dma_start3A_399 : memref<1x40xi32, #tpu.memory_space<vmem>> -> memref<40xi32, #tpu.memory_space<vmem>>
      %dma_start3A_401 = arith.constant 0 : i32
      %dma_start3A_402 = arith.constant 0 : i32
      %dma_start3A_403 = tpu.memref_slice %arg17[%dma_start3A_401, %dma_start3A_402] : memref<10000x128xf32, #tpu.memory_space<vmem_shared>> -> memref<10000x128xf32, #tpu.memory_space<vmem_shared>>
      tpu.enqueue_indirect_dma source(%arg16 : memref<40x128xf32, #tpu.memory_space<vmem>>) target(%dma_start3A_403 : memref<10000x128xf32, #tpu.memory_space<vmem_shared>>) offsets(%dma_start3A_400 : memref<40xi32, #tpu.memory_space<vmem>>) semaphore(%arg21 : memref<!tpu.dma_semaphore, #tpu.memory_space<semaphore_mem>>) {add = true}
      %scan3A_404 = arith.constant 0 : i32
      scf.yield %scan3A_404 : i32
    }
    %scan3A_66 = arith.constant 125 : i32
    %dma_wait3A = arith.constant 0 : i32
    %dma_wait3A_67 = arith.constant 0 : i32
    %dma_wait3A_68 = tpu.memref_slice %arg10[%dma_wait3A, %dma_wait3A_67] : memref<2x40xi32, #tpu.memory_space<vmem>> -> memref<1x40xi32, #tpu.memory_space<vmem>>
    %dma_wait3A_69 = tpu.memref_squeeze %dma_wait3A_68 : memref<1x40xi32, #tpu.memory_space<vmem>> -> memref<40xi32, #tpu.memory_space<vmem>>
    %dma_wait3A_70 = arith.constant 0 : i32
    %dma_wait3A_71 = tpu.memref_slice %arg6[%dma_wait3A_70] : memref<320000xi32, #tpu.memory_space<hbm>> -> memref<40xi32, #tpu.memory_space<hbm>>
    %dma_wait3A_72 = arith.constant 0 : i32
    %dma_wait3A_73 = tpu.memref_slice %arg10[%dma_wait3A, %dma_wait3A_72] : memref<2x40xi32, #tpu.memory_space<vmem>> -> memref<1x40xi32, #tpu.memory_space<vmem>>
    %dma_wait3A_74 = tpu.memref_squeeze %dma_wait3A_73 : memref<1x40xi32, #tpu.memory_space<vmem>> -> memref<40xi32, #tpu.memory_space<vmem>>
    %dma_wait3A_75 = arith.constant 0 : i32
    %dma_wait3A_76 = tpu.memref_slice %arg6[%dma_wait3A_75] : memref<320000xi32, #tpu.memory_space<hbm>> -> memref<40xi32, #tpu.memory_space<hbm>>
    tpu.wait_dma2 semaphore(%arg23 : memref<!tpu.dma_semaphore, #tpu.memory_space<semaphore_mem>>) src(%dma_wait3A_76 : memref<40xi32, #tpu.memory_space<hbm>>) dst(%dma_wait3A_74 : memref<40xi32, #tpu.memory_space<vmem>>)
    %dma_wait3A_77 = arith.constant 0 : i32
    %dma_wait3A_78 = arith.constant 0 : i32
    %dma_wait3A_79 = tpu.memref_slice %arg11[%dma_wait3A_77, %dma_wait3A_78] : memref<2x40xi32, #tpu.memory_space<vmem>> -> memref<1x40xi32, #tpu.memory_space<vmem>>
    %dma_wait3A_80 = tpu.memref_squeeze %dma_wait3A_79 : memref<1x40xi32, #tpu.memory_space<vmem>> -> memref<40xi32, #tpu.memory_space<vmem>>
    %dma_wait3A_81 = arith.constant 0 : i32
    %dma_wait3A_82 = tpu.memref_slice %arg5[%dma_wait3A_81] : memref<320000xi32, #tpu.memory_space<hbm>> -> memref<40xi32, #tpu.memory_space<hbm>>
    %dma_wait3A_83 = arith.constant 0 : i32
    %dma_wait3A_84 = tpu.memref_slice %arg11[%dma_wait3A_77, %dma_wait3A_83] : memref<2x40xi32, #tpu.memory_space<vmem>> -> memref<1x40xi32, #tpu.memory_space<vmem>>
    %dma_wait3A_85 = tpu.memref_squeeze %dma_wait3A_84 : memref<1x40xi32, #tpu.memory_space<vmem>> -> memref<40xi32, #tpu.memory_space<vmem>>
    %dma_wait3A_86 = arith.constant 0 : i32
    %dma_wait3A_87 = tpu.memref_slice %arg5[%dma_wait3A_86] : memref<320000xi32, #tpu.memory_space<hbm>> -> memref<40xi32, #tpu.memory_space<hbm>>
    tpu.wait_dma2 semaphore(%arg23 : memref<!tpu.dma_semaphore, #tpu.memory_space<semaphore_mem>>) src(%dma_wait3A_87 : memref<40xi32, #tpu.memory_space<hbm>>) dst(%dma_wait3A_85 : memref<40xi32, #tpu.memory_space<vmem>>)
    %dma_wait3A_88 = arith.constant 0 : i32
    %dma_wait3A_89 = arith.constant 0 : i32
    %dma_wait3A_90 = arith.constant 0 : i32
    %dma_wait3A_91 = tpu.memref_slice %arg14[%dma_wait3A_88, %dma_wait3A_89, %dma_wait3A_90] : memref<2x40x16xf32, #tpu.memory_space<vmem>> -> memref<1x40x16xf32, #tpu.memory_space<vmem>>
    %dma_wait3A_92 = tpu.memref_squeeze %dma_wait3A_91 : memref<1x40x16xf32, #tpu.memory_space<vmem>> -> memref<40x16xf32, #tpu.memory_space<vmem>>
    %dma_wait3A_93 = arith.constant 0 : i32
    %dma_wait3A_94 = arith.constant 0 : i32
    %dma_wait3A_95 = tpu.memref_slice %arg4[%dma_wait3A_93, %dma_wait3A_94] : memref<320000x16xf32, #tpu.memory_space<hbm>> -> memref<40x16xf32, #tpu.memory_space<hbm>>
    %dma_wait3A_96 = arith.constant 0 : i32
    %dma_wait3A_97 = arith.constant 0 : i32
    %dma_wait3A_98 = tpu.memref_slice %arg14[%dma_wait3A_88, %dma_wait3A_96, %dma_wait3A_97] : memref<2x40x16xf32, #tpu.memory_space<vmem>> -> memref<1x40x16xf32, #tpu.memory_space<vmem>>
    %dma_wait3A_99 = tpu.memref_squeeze %dma_wait3A_98 : memref<1x40x16xf32, #tpu.memory_space<vmem>> -> memref<40x16xf32, #tpu.memory_space<vmem>>
    %dma_wait3A_100 = arith.constant 0 : i32
    %dma_wait3A_101 = arith.constant 0 : i32
    %dma_wait3A_102 = tpu.memref_slice %arg4[%dma_wait3A_100, %dma_wait3A_101] : memref<320000x16xf32, #tpu.memory_space<hbm>> -> memref<40x16xf32, #tpu.memory_space<hbm>>
    tpu.wait_dma2 semaphore(%arg23 : memref<!tpu.dma_semaphore, #tpu.memory_space<semaphore_mem>>) src(%dma_wait3A_102 : memref<40x16xf32, #tpu.memory_space<hbm>>) dst(%dma_wait3A_99 : memref<40x16xf32, #tpu.memory_space<vmem>>)
    %dma_wait3A_103 = arith.constant 0 : i32
    %dma_wait3A_104 = arith.constant 0 : i32
    %dma_wait3A_105 = tpu.memref_slice %arg8[%dma_wait3A_103, %dma_wait3A_104] : memref<320000x16xf32, #tpu.memory_space<hbm>> -> memref<40x16xf32, #tpu.memory_space<hbm>>
    %dma_wait3A_106 = arith.constant 0 : i32
    %dma_wait3A_107 = arith.constant 0 : i32
    %dma_wait3A_108 = tpu.memref_slice %arg8[%dma_wait3A_106, %dma_wait3A_107] : memref<320000x16xf32, #tpu.memory_space<hbm>> -> memref<40x16xf32, #tpu.memory_space<hbm>>
    tpu.wait_dma2 semaphore(%arg22 : memref<!tpu.dma_semaphore, #tpu.memory_space<semaphore_mem>>) src(%arg15 : memref<40x16xf32, #tpu.memory_space<vmem>>) dst(%dma_wait3A_108 : memref<40x16xf32, #tpu.memory_space<hbm>>)
    %dma_wait3A_109 = arith.constant 0 : i32
    %dma_wait3A_110 = arith.constant 0 : i32
    %dma_wait3A_111 = tpu.memref_slice %arg7[%dma_wait3A_109, %dma_wait3A_110] : memref<10000x128xf32, #tpu.memory_space<hbm>> -> memref<40x128xf32, #tpu.memory_space<hbm>>
    %dma_wait3A_112 = arith.constant 0 : i32
    %dma_wait3A_113 = arith.constant 0 : i32
    %dma_wait3A_114 = tpu.memref_slice %arg7[%dma_wait3A_112, %dma_wait3A_113] : memref<10000x128xf32, #tpu.memory_space<hbm>> -> memref<40x128xf32, #tpu.memory_space<hbm>>
    tpu.wait_dma2 semaphore(%arg21 : memref<!tpu.dma_semaphore, #tpu.memory_space<semaphore_mem>>) src(%dma_wait3A_114 : memref<40x128xf32, #tpu.memory_space<hbm>>) dst(%arg16 : memref<40x128xf32, #tpu.memory_space<vmem>>)
    %barrier3A_115 = arith.constant 0 : index
    tpu.barrier barrier_id(%barrier3A_115)
    %add3A_116 = arith.constant 0 : i32
    %add3A_117 = arith.addi %arg1, %add3A_116 : i32
    %lt3A_118 = arith.constant 25 : i32
    %lt3A_119 = arith.cmpi slt, %add3A_117, %lt3A_118 : i32
    %convert_element_type3A_120 = arith.extui %lt3A_119 : i1 to i32
    %cond3A_121 = arith.constant 0 : i32
    %cond3A_122 = arith.cmpi ne, %convert_element_type3A_120, %cond3A_121 : i32
    scf.if %cond3A_122 {
      %mul3A_130 = arith.constant 400 : i32
      %mul3A_131 = arith.muli %add3A_117, %mul3A_130 : i32
      %multiple_of3A_132 = tpu.assume_multiple %mul3A_131, 400 : i32
      "tpu.region"() ({
        %run_scoped3A = tpu.sem_alloc : memref<!tpu.dma_semaphore, #tpu.memory_space<semaphore_mem>>
        %dma_start3A_133 = arith.constant 0 : i32
        %dma_start3A_134 = tpu.memref_slice %arg9[%arg0, %multiple_of3A_132, %dma_start3A_133] : memref<2x10000x128xf32, #tpu.memory_space<hbm>> -> memref<1x400x128xf32, #tpu.memory_space<hbm>>
        %dma_start3A_135 = tpu.memref_squeeze %dma_start3A_134 : memref<1x400x128xf32, #tpu.memory_space<hbm>> -> memref<400x128xf32, #tpu.memory_space<hbm>>
        %dma_start3A_136 = arith.constant 0 : i32
        %dma_start3A_137 = tpu.memref_slice %arg17[%multiple_of3A_132, %dma_start3A_136] : memref<10000x128xf32, #tpu.memory_space<vmem_shared>> -> memref<400x128xf32, #tpu.memory_space<vmem_shared>>
        tpu.enqueue_dma source(%dma_start3A_137 : memref<400x128xf32, #tpu.memory_space<vmem_shared>>) target(%dma_start3A_135 : memref<400x128xf32, #tpu.memory_space<hbm>>) target_semaphore(%run_scoped3A : memref<!tpu.dma_semaphore, #tpu.memory_space<semaphore_mem>>)
        %dma_wait3A_138 = arith.constant 0 : i32
        %dma_wait3A_139 = tpu.memref_slice %arg9[%arg0, %multiple_of3A_132, %dma_wait3A_138] : memref<2x10000x128xf32, #tpu.memory_space<hbm>> -> memref<1x400x128xf32, #tpu.memory_space<hbm>>
        %dma_wait3A_140 = tpu.memref_squeeze %dma_wait3A_139 : memref<1x400x128xf32, #tpu.memory_space<hbm>> -> memref<400x128xf32, #tpu.memory_space<hbm>>
        %dma_wait3A_141 = arith.constant 0 : i32
        %dma_wait3A_142 = tpu.memref_slice %arg17[%multiple_of3A_132, %dma_wait3A_141] : memref<10000x128xf32, #tpu.memory_space<vmem_shared>> -> memref<400x128xf32, #tpu.memory_space<vmem_shared>>
        tpu.wait_dma2 semaphore(%run_scoped3A : memref<!tpu.dma_semaphore, #tpu.memory_space<semaphore_mem>>) src(%dma_wait3A_142 : memref<400x128xf32, #tpu.memory_space<vmem_shared>>) dst(%dma_wait3A_140 : memref<400x128xf32, #tpu.memory_space<hbm>>)
        tpu.yield
      }) : () -> ()
    } else {
    }
    %add3A_123 = arith.constant 16 : i32
    %add3A_124 = arith.addi %arg1, %add3A_123 : i32
    %lt3A_125 = arith.constant 25 : i32
    %lt3A_126 = arith.cmpi slt, %add3A_124, %lt3A_125 : i32
    %convert_element_type3A_127 = arith.extui %lt3A_126 : i1 to i32
    %cond3A_128 = arith.constant 0 : i32
    %cond3A_129 = arith.cmpi ne, %convert_element_type3A_127, %cond3A_128 : i32
    scf.if %cond3A_129 {
      %mul3A_130 = arith.constant 400 : i32
      %mul3A_131 = arith.muli %add3A_124, %mul3A_130 : i32
      %multiple_of3A_132 = tpu.assume_multiple %mul3A_131, 400 : i32
      "tpu.region"() ({
        %run_scoped3A = tpu.sem_alloc : memref<!tpu.dma_semaphore, #tpu.memory_space<semaphore_mem>>
        %dma_start3A_133 = arith.constant 0 : i32
        %dma_start3A_134 = tpu.memref_slice %arg9[%arg0, %multiple_of3A_132, %dma_start3A_133] : memref<2x10000x128xf32, #tpu.memory_space<hbm>> -> memref<1x400x128xf32, #tpu.memory_space<hbm>>
        %dma_start3A_135 = tpu.memref_squeeze %dma_start3A_134 : memref<1x400x128xf32, #tpu.memory_space<hbm>> -> memref<400x128xf32, #tpu.memory_space<hbm>>
        %dma_start3A_136 = arith.constant 0 : i32
        %dma_start3A_137 = tpu.memref_slice %arg17[%multiple_of3A_132, %dma_start3A_136] : memref<10000x128xf32, #tpu.memory_space<vmem_shared>> -> memref<400x128xf32, #tpu.memory_space<vmem_shared>>
        tpu.enqueue_dma source(%dma_start3A_137 : memref<400x128xf32, #tpu.memory_space<vmem_shared>>) target(%dma_start3A_135 : memref<400x128xf32, #tpu.memory_space<hbm>>) target_semaphore(%run_scoped3A : memref<!tpu.dma_semaphore, #tpu.memory_space<semaphore_mem>>)
        %dma_wait3A_138 = arith.constant 0 : i32
        %dma_wait3A_139 = tpu.memref_slice %arg9[%arg0, %multiple_of3A_132, %dma_wait3A_138] : memref<2x10000x128xf32, #tpu.memory_space<hbm>> -> memref<1x400x128xf32, #tpu.memory_space<hbm>>
        %dma_wait3A_140 = tpu.memref_squeeze %dma_wait3A_139 : memref<1x400x128xf32, #tpu.memory_space<hbm>> -> memref<400x128xf32, #tpu.memory_space<hbm>>
        %dma_wait3A_141 = arith.constant 0 : i32
        %dma_wait3A_142 = tpu.memref_slice %arg17[%multiple_of3A_132, %dma_wait3A_141] : memref<10000x128xf32, #tpu.memory_space<vmem_shared>> -> memref<400x128xf32, #tpu.memory_space<vmem_shared>>
        tpu.wait_dma2 semaphore(%run_scoped3A : memref<!tpu.dma_semaphore, #tpu.memory_space<semaphore_mem>>) src(%dma_wait3A_142 : memref<400x128xf32, #tpu.memory_space<vmem_shared>>) dst(%dma_wait3A_140 : memref<400x128xf32, #tpu.memory_space<hbm>>)
        tpu.yield
      }) : () -> ()
    } else {
    }
    return
  }
}

#map = affine_map<(d0, d1) -> (0, 0)>
#map1 = affine_map<(d0, d1) -> (0)>
#map2 = affine_map<(d0, d1) -> (0, 0, 0)>
module attributes {stable_mosaic.version = 14 : i64} {
  func.func @_agg_kernel(%arg0: i32, %arg1: i32, %arg2: memref<10000x128xf32, #tpu.memory_space<hbm>>, %arg3: memref<320000x16xf32, #tpu.memory_space<hbm>>, %arg4: memref<320000xi32, #tpu.memory_space<hbm>>, %arg5: memref<320000xi32, #tpu.memory_space<hbm>>, %arg6: memref<10000x128xf32, #tpu.memory_space<hbm>>, %arg7: memref<2x10000x128xf32, #tpu.memory_space<hbm>>, %arg8: memref<2x80xi32, #tpu.memory_space<vmem>>, %arg9: memref<2x80xi32, #tpu.memory_space<vmem>>, %arg10: memref<80x128xf32, #tpu.memory_space<vmem>>, %arg11: memref<2x80x16xf32, #tpu.memory_space<vmem>>, %arg12: memref<80x128xf32, #tpu.memory_space<vmem>>, %arg13: memref<10000x128xf32, #tpu.memory_space<vmem_shared>>, %arg14: memref<!tpu.dma_semaphore, #tpu.memory_space<semaphore_mem>>, %arg15: memref<!tpu.dma_semaphore, #tpu.memory_space<semaphore_mem>>, %arg16: memref<!tpu.dma_semaphore, #tpu.memory_space<semaphore_mem>>, %arg17: memref<!tpu.dma_semaphore, #tpu.memory_space<semaphore_mem>>) attributes {dimension_semantics = [#tpu.dimension_semantics<core_parallel>, #tpu.dimension_semantics<subcore_parallel>], iteration_bounds = array<i64: 2, 16>, scalar_prefetch = 0 : i64, scratch_operands = 10 : i64, tpu.core_type = #tpu.core_type<sc_vector_subcore>, window_params = [{transform_indices = #map}, {transform_indices = #map}, {transform_indices = #map1}, {transform_indices = #map1}, {transform_indices = #map}, {transform_indices = #map2}]} {
    %mul3A = arith.constant 16 : i32
    %mul3A_0 = arith.muli %arg0, %mul3A : i32
    %add3A = arith.addi %mul3A_0, %arg1 : i32
    %add3A_1 = arith.constant 0 : i32
    %add3A_2 = arith.addi %arg1, %add3A_1 : i32
    %lt3A = arith.constant 25 : i32
    %lt3A_3 = arith.cmpi slt, %add3A_2, %lt3A : i32
    %convert_element_type3A = arith.extui %lt3A_3 : i1 to i32
    %cond3A = arith.constant 0 : i32
    %cond3A_4 = arith.cmpi ne, %convert_element_type3A, %cond3A : i32
    scf.if %cond3A_4 {
      %mul3A_218 = arith.constant 400 : i32
      %mul3A_219 = arith.muli %add3A_2, %mul3A_218 : i32
      %multiple_of3A_220 = tpu.assume_multiple %mul3A_219, 400 : i32
      "tpu.region"() ({
        %run_scoped3A = tpu.sem_alloc : memref<!tpu.dma_semaphore, #tpu.memory_space<semaphore_mem>>
        %dma_start3A_221 = arith.constant 0 : i32
        %dma_start3A_222 = tpu.memref_slice %arg13[%multiple_of3A_220, %dma_start3A_221] : memref<10000x128xf32, #tpu.memory_space<vmem_shared>> -> memref<400x128xf32, #tpu.memory_space<vmem_shared>>
        %dma_start3A_223 = arith.constant 0 : i32
        %dma_start3A_224 = tpu.memref_slice %arg6[%multiple_of3A_220, %dma_start3A_223] : memref<10000x128xf32, #tpu.memory_space<hbm>> -> memref<400x128xf32, #tpu.memory_space<hbm>>
        tpu.enqueue_dma source(%dma_start3A_224 : memref<400x128xf32, #tpu.memory_space<hbm>>) target(%dma_start3A_222 : memref<400x128xf32, #tpu.memory_space<vmem_shared>>) target_semaphore(%run_scoped3A : memref<!tpu.dma_semaphore, #tpu.memory_space<semaphore_mem>>)
        %dma_wait3A_225 = arith.constant 0 : i32
        %dma_wait3A_226 = tpu.memref_slice %arg13[%multiple_of3A_220, %dma_wait3A_225] : memref<10000x128xf32, #tpu.memory_space<vmem_shared>> -> memref<400x128xf32, #tpu.memory_space<vmem_shared>>
        %dma_wait3A_227 = arith.constant 0 : i32
        %dma_wait3A_228 = tpu.memref_slice %arg6[%multiple_of3A_220, %dma_wait3A_227] : memref<10000x128xf32, #tpu.memory_space<hbm>> -> memref<400x128xf32, #tpu.memory_space<hbm>>
        tpu.wait_dma2 semaphore(%run_scoped3A : memref<!tpu.dma_semaphore, #tpu.memory_space<semaphore_mem>>) src(%dma_wait3A_228 : memref<400x128xf32, #tpu.memory_space<hbm>>) dst(%dma_wait3A_226 : memref<400x128xf32, #tpu.memory_space<vmem_shared>>)
        tpu.yield
      }) : () -> ()
    } else {
    }
    %add3A_5 = arith.constant 16 : i32
    %add3A_6 = arith.addi %arg1, %add3A_5 : i32
    %lt3A_7 = arith.constant 25 : i32
    %lt3A_8 = arith.cmpi slt, %add3A_6, %lt3A_7 : i32
    %convert_element_type3A_9 = arith.extui %lt3A_8 : i1 to i32
    %cond3A_10 = arith.constant 0 : i32
    %cond3A_11 = arith.cmpi ne, %convert_element_type3A_9, %cond3A_10 : i32
    scf.if %cond3A_11 {
      %mul3A_218 = arith.constant 400 : i32
      %mul3A_219 = arith.muli %add3A_6, %mul3A_218 : i32
      %multiple_of3A_220 = tpu.assume_multiple %mul3A_219, 400 : i32
      "tpu.region"() ({
        %run_scoped3A = tpu.sem_alloc : memref<!tpu.dma_semaphore, #tpu.memory_space<semaphore_mem>>
        %dma_start3A_221 = arith.constant 0 : i32
        %dma_start3A_222 = tpu.memref_slice %arg13[%multiple_of3A_220, %dma_start3A_221] : memref<10000x128xf32, #tpu.memory_space<vmem_shared>> -> memref<400x128xf32, #tpu.memory_space<vmem_shared>>
        %dma_start3A_223 = arith.constant 0 : i32
        %dma_start3A_224 = tpu.memref_slice %arg6[%multiple_of3A_220, %dma_start3A_223] : memref<10000x128xf32, #tpu.memory_space<hbm>> -> memref<400x128xf32, #tpu.memory_space<hbm>>
        tpu.enqueue_dma source(%dma_start3A_224 : memref<400x128xf32, #tpu.memory_space<hbm>>) target(%dma_start3A_222 : memref<400x128xf32, #tpu.memory_space<vmem_shared>>) target_semaphore(%run_scoped3A : memref<!tpu.dma_semaphore, #tpu.memory_space<semaphore_mem>>)
        %dma_wait3A_225 = arith.constant 0 : i32
        %dma_wait3A_226 = tpu.memref_slice %arg13[%multiple_of3A_220, %dma_wait3A_225] : memref<10000x128xf32, #tpu.memory_space<vmem_shared>> -> memref<400x128xf32, #tpu.memory_space<vmem_shared>>
        %dma_wait3A_227 = arith.constant 0 : i32
        %dma_wait3A_228 = tpu.memref_slice %arg6[%multiple_of3A_220, %dma_wait3A_227] : memref<10000x128xf32, #tpu.memory_space<hbm>> -> memref<400x128xf32, #tpu.memory_space<hbm>>
        tpu.wait_dma2 semaphore(%run_scoped3A : memref<!tpu.dma_semaphore, #tpu.memory_space<semaphore_mem>>) src(%dma_wait3A_228 : memref<400x128xf32, #tpu.memory_space<hbm>>) dst(%dma_wait3A_226 : memref<400x128xf32, #tpu.memory_space<vmem_shared>>)
        tpu.yield
      }) : () -> ()
    } else {
    }
    %barrier3A = arith.constant 0 : index
    tpu.barrier barrier_id(%barrier3A)
    %mul3A_12 = arith.constant 10000 : i32
    %mul3A_13 = arith.muli %add3A, %mul3A_12 : i32
    %add3A_14 = arith.constant 0 : i32
    %add3A_15 = arith.addi %mul3A_13, %add3A_14 : i32
    %multiple_of3A = tpu.assume_multiple %add3A_15, 80 : i32
    %dma_start3A = arith.constant 0 : i32
    %dma_start3A_16 = arith.constant 0 : i32
    %dma_start3A_17 = tpu.memref_slice %arg8[%dma_start3A, %dma_start3A_16] : memref<2x80xi32, #tpu.memory_space<vmem>> -> memref<1x80xi32, #tpu.memory_space<vmem>>
    %dma_start3A_18 = tpu.memref_squeeze %dma_start3A_17 : memref<1x80xi32, #tpu.memory_space<vmem>> -> memref<80xi32, #tpu.memory_space<vmem>>
    %dma_start3A_19 = tpu.memref_slice %arg5[%multiple_of3A] : memref<320000xi32, #tpu.memory_space<hbm>> -> memref<80xi32, #tpu.memory_space<hbm>>
    %dma_start3A_20 = arith.constant 0 : i32
    %dma_start3A_21 = tpu.memref_slice %arg8[%dma_start3A, %dma_start3A_20] : memref<2x80xi32, #tpu.memory_space<vmem>> -> memref<1x80xi32, #tpu.memory_space<vmem>>
    %dma_start3A_22 = tpu.memref_squeeze %dma_start3A_21 : memref<1x80xi32, #tpu.memory_space<vmem>> -> memref<80xi32, #tpu.memory_space<vmem>>
    %dma_start3A_23 = tpu.memref_slice %arg5[%multiple_of3A] : memref<320000xi32, #tpu.memory_space<hbm>> -> memref<80xi32, #tpu.memory_space<hbm>>
    tpu.enqueue_dma source(%dma_start3A_23 : memref<80xi32, #tpu.memory_space<hbm>>) target(%dma_start3A_22 : memref<80xi32, #tpu.memory_space<vmem>>) target_semaphore(%arg17 : memref<!tpu.dma_semaphore, #tpu.memory_space<semaphore_mem>>)
    %dma_start3A_24 = arith.constant 0 : i32
    %dma_start3A_25 = arith.constant 0 : i32
    %dma_start3A_26 = tpu.memref_slice %arg9[%dma_start3A_24, %dma_start3A_25] : memref<2x80xi32, #tpu.memory_space<vmem>> -> memref<1x80xi32, #tpu.memory_space<vmem>>
    %dma_start3A_27 = tpu.memref_squeeze %dma_start3A_26 : memref<1x80xi32, #tpu.memory_space<vmem>> -> memref<80xi32, #tpu.memory_space<vmem>>
    %dma_start3A_28 = tpu.memref_slice %arg4[%multiple_of3A] : memref<320000xi32, #tpu.memory_space<hbm>> -> memref<80xi32, #tpu.memory_space<hbm>>
    %dma_start3A_29 = arith.constant 0 : i32
    %dma_start3A_30 = tpu.memref_slice %arg9[%dma_start3A_24, %dma_start3A_29] : memref<2x80xi32, #tpu.memory_space<vmem>> -> memref<1x80xi32, #tpu.memory_space<vmem>>
    %dma_start3A_31 = tpu.memref_squeeze %dma_start3A_30 : memref<1x80xi32, #tpu.memory_space<vmem>> -> memref<80xi32, #tpu.memory_space<vmem>>
    %dma_start3A_32 = tpu.memref_slice %arg4[%multiple_of3A] : memref<320000xi32, #tpu.memory_space<hbm>> -> memref<80xi32, #tpu.memory_space<hbm>>
    tpu.enqueue_dma source(%dma_start3A_32 : memref<80xi32, #tpu.memory_space<hbm>>) target(%dma_start3A_31 : memref<80xi32, #tpu.memory_space<vmem>>) target_semaphore(%arg17 : memref<!tpu.dma_semaphore, #tpu.memory_space<semaphore_mem>>)
    %dma_start3A_33 = arith.constant 0 : i32
    %dma_start3A_34 = arith.constant 0 : i32
    %dma_start3A_35 = arith.constant 0 : i32
    %dma_start3A_36 = tpu.memref_slice %arg11[%dma_start3A_33, %dma_start3A_34, %dma_start3A_35] : memref<2x80x16xf32, #tpu.memory_space<vmem>> -> memref<1x80x16xf32, #tpu.memory_space<vmem>>
    %dma_start3A_37 = tpu.memref_squeeze %dma_start3A_36 : memref<1x80x16xf32, #tpu.memory_space<vmem>> -> memref<80x16xf32, #tpu.memory_space<vmem>>
    %dma_start3A_38 = arith.constant 0 : i32
    %dma_start3A_39 = tpu.memref_slice %arg3[%multiple_of3A, %dma_start3A_38] : memref<320000x16xf32, #tpu.memory_space<hbm>> -> memref<80x16xf32, #tpu.memory_space<hbm>>
    %dma_start3A_40 = arith.constant 0 : i32
    %dma_start3A_41 = arith.constant 0 : i32
    %dma_start3A_42 = tpu.memref_slice %arg11[%dma_start3A_33, %dma_start3A_40, %dma_start3A_41] : memref<2x80x16xf32, #tpu.memory_space<vmem>> -> memref<1x80x16xf32, #tpu.memory_space<vmem>>
    %dma_start3A_43 = tpu.memref_squeeze %dma_start3A_42 : memref<1x80x16xf32, #tpu.memory_space<vmem>> -> memref<80x16xf32, #tpu.memory_space<vmem>>
    %dma_start3A_44 = arith.constant 0 : i32
    %dma_start3A_45 = tpu.memref_slice %arg3[%multiple_of3A, %dma_start3A_44] : memref<320000x16xf32, #tpu.memory_space<hbm>> -> memref<80x16xf32, #tpu.memory_space<hbm>>
    tpu.enqueue_dma source(%dma_start3A_45 : memref<80x16xf32, #tpu.memory_space<hbm>>) target(%dma_start3A_43 : memref<80x16xf32, #tpu.memory_space<vmem>>) target_semaphore(%arg17 : memref<!tpu.dma_semaphore, #tpu.memory_space<semaphore_mem>>)
    %dma_start3A_46 = arith.constant 0 : i32
    %dma_start3A_47 = arith.constant 0 : i32
    %dma_start3A_48 = tpu.memref_slice %arg6[%dma_start3A_46, %dma_start3A_47] : memref<10000x128xf32, #tpu.memory_space<hbm>> -> memref<80x128xf32, #tpu.memory_space<hbm>>
    %dma_start3A_49 = arith.constant 0 : i32
    %dma_start3A_50 = arith.constant 0 : i32
    %dma_start3A_51 = tpu.memref_slice %arg6[%dma_start3A_49, %dma_start3A_50] : memref<10000x128xf32, #tpu.memory_space<hbm>> -> memref<80x128xf32, #tpu.memory_space<hbm>>
    tpu.enqueue_dma source(%dma_start3A_51 : memref<80x128xf32, #tpu.memory_space<hbm>>) target(%arg12 : memref<80x128xf32, #tpu.memory_space<vmem>>) target_semaphore(%arg16 : memref<!tpu.dma_semaphore, #tpu.memory_space<semaphore_mem>>)
    %scan3A = arith.constant 0 : i32
    %scan3A_52 = arith.constant 0 : i32
    %scan3A_53 = arith.constant 62 : i32
    %scan3A_54 = arith.addi %scan3A_52, %scan3A_53 : i32
    %scan3A_55 = arith.constant 1 : i32
    %scan3A_56 = scf.for %scan3A_218 = %scan3A_52 to %scan3A_54 step %scan3A_55 iter_args(%scan3A_219 = %scan3A) -> (i32)  : i32 {
      %mul3A_220 = arith.constant 2 : i32
      %mul3A_221 = arith.muli %mul3A_220, %scan3A_218 : i32
      %dma_wait3A_222 = arith.constant 0 : i32
      %dma_wait3A_223 = arith.constant 0 : i32
      %dma_wait3A_224 = tpu.memref_slice %arg8[%dma_wait3A_222, %dma_wait3A_223] : memref<2x80xi32, #tpu.memory_space<vmem>> -> memref<1x80xi32, #tpu.memory_space<vmem>>
      %dma_wait3A_225 = tpu.memref_squeeze %dma_wait3A_224 : memref<1x80xi32, #tpu.memory_space<vmem>> -> memref<80xi32, #tpu.memory_space<vmem>>
      %dma_wait3A_226 = arith.constant 0 : i32
      %dma_wait3A_227 = tpu.memref_slice %arg5[%dma_wait3A_226] : memref<320000xi32, #tpu.memory_space<hbm>> -> memref<80xi32, #tpu.memory_space<hbm>>
      %dma_wait3A_228 = arith.constant 0 : i32
      %dma_wait3A_229 = tpu.memref_slice %arg8[%dma_wait3A_222, %dma_wait3A_228] : memref<2x80xi32, #tpu.memory_space<vmem>> -> memref<1x80xi32, #tpu.memory_space<vmem>>
      %dma_wait3A_230 = tpu.memref_squeeze %dma_wait3A_229 : memref<1x80xi32, #tpu.memory_space<vmem>> -> memref<80xi32, #tpu.memory_space<vmem>>
      %dma_wait3A_231 = arith.constant 0 : i32
      %dma_wait3A_232 = tpu.memref_slice %arg5[%dma_wait3A_231] : memref<320000xi32, #tpu.memory_space<hbm>> -> memref<80xi32, #tpu.memory_space<hbm>>
      tpu.wait_dma2 semaphore(%arg17 : memref<!tpu.dma_semaphore, #tpu.memory_space<semaphore_mem>>) src(%dma_wait3A_232 : memref<80xi32, #tpu.memory_space<hbm>>) dst(%dma_wait3A_230 : memref<80xi32, #tpu.memory_space<vmem>>)
      %dma_wait3A_233 = arith.constant 0 : i32
      %dma_wait3A_234 = arith.constant 0 : i32
      %dma_wait3A_235 = tpu.memref_slice %arg9[%dma_wait3A_233, %dma_wait3A_234] : memref<2x80xi32, #tpu.memory_space<vmem>> -> memref<1x80xi32, #tpu.memory_space<vmem>>
      %dma_wait3A_236 = tpu.memref_squeeze %dma_wait3A_235 : memref<1x80xi32, #tpu.memory_space<vmem>> -> memref<80xi32, #tpu.memory_space<vmem>>
      %dma_wait3A_237 = arith.constant 0 : i32
      %dma_wait3A_238 = tpu.memref_slice %arg4[%dma_wait3A_237] : memref<320000xi32, #tpu.memory_space<hbm>> -> memref<80xi32, #tpu.memory_space<hbm>>
      %dma_wait3A_239 = arith.constant 0 : i32
      %dma_wait3A_240 = tpu.memref_slice %arg9[%dma_wait3A_233, %dma_wait3A_239] : memref<2x80xi32, #tpu.memory_space<vmem>> -> memref<1x80xi32, #tpu.memory_space<vmem>>
      %dma_wait3A_241 = tpu.memref_squeeze %dma_wait3A_240 : memref<1x80xi32, #tpu.memory_space<vmem>> -> memref<80xi32, #tpu.memory_space<vmem>>
      %dma_wait3A_242 = arith.constant 0 : i32
      %dma_wait3A_243 = tpu.memref_slice %arg4[%dma_wait3A_242] : memref<320000xi32, #tpu.memory_space<hbm>> -> memref<80xi32, #tpu.memory_space<hbm>>
      tpu.wait_dma2 semaphore(%arg17 : memref<!tpu.dma_semaphore, #tpu.memory_space<semaphore_mem>>) src(%dma_wait3A_243 : memref<80xi32, #tpu.memory_space<hbm>>) dst(%dma_wait3A_241 : memref<80xi32, #tpu.memory_space<vmem>>)
      %dma_wait3A_244 = arith.constant 0 : i32
      %dma_wait3A_245 = arith.constant 0 : i32
      %dma_wait3A_246 = arith.constant 0 : i32
      %dma_wait3A_247 = tpu.memref_slice %arg11[%dma_wait3A_244, %dma_wait3A_245, %dma_wait3A_246] : memref<2x80x16xf32, #tpu.memory_space<vmem>> -> memref<1x80x16xf32, #tpu.memory_space<vmem>>
      %dma_wait3A_248 = tpu.memref_squeeze %dma_wait3A_247 : memref<1x80x16xf32, #tpu.memory_space<vmem>> -> memref<80x16xf32, #tpu.memory_space<vmem>>
      %dma_wait3A_249 = arith.constant 0 : i32
      %dma_wait3A_250 = arith.constant 0 : i32
      %dma_wait3A_251 = tpu.memref_slice %arg3[%dma_wait3A_249, %dma_wait3A_250] : memref<320000x16xf32, #tpu.memory_space<hbm>> -> memref<80x16xf32, #tpu.memory_space<hbm>>
      %dma_wait3A_252 = arith.constant 0 : i32
      %dma_wait3A_253 = arith.constant 0 : i32
      %dma_wait3A_254 = tpu.memref_slice %arg11[%dma_wait3A_244, %dma_wait3A_252, %dma_wait3A_253] : memref<2x80x16xf32, #tpu.memory_space<vmem>> -> memref<1x80x16xf32, #tpu.memory_space<vmem>>
      %dma_wait3A_255 = tpu.memref_squeeze %dma_wait3A_254 : memref<1x80x16xf32, #tpu.memory_space<vmem>> -> memref<80x16xf32, #tpu.memory_space<vmem>>
      %dma_wait3A_256 = arith.constant 0 : i32
      %dma_wait3A_257 = arith.constant 0 : i32
      %dma_wait3A_258 = tpu.memref_slice %arg3[%dma_wait3A_256, %dma_wait3A_257] : memref<320000x16xf32, #tpu.memory_space<hbm>> -> memref<80x16xf32, #tpu.memory_space<hbm>>
      tpu.wait_dma2 semaphore(%arg17 : memref<!tpu.dma_semaphore, #tpu.memory_space<semaphore_mem>>) src(%dma_wait3A_258 : memref<80x16xf32, #tpu.memory_space<hbm>>) dst(%dma_wait3A_255 : memref<80x16xf32, #tpu.memory_space<vmem>>)
      %dma_start3A_259 = arith.constant 0 : i32
      %dma_start3A_260 = arith.constant 0 : i32
      %dma_start3A_261 = tpu.memref_slice %arg9[%dma_start3A_259, %dma_start3A_260] : memref<2x80xi32, #tpu.memory_space<vmem>> -> memref<1x80xi32, #tpu.memory_space<vmem>>
      %dma_start3A_262 = tpu.memref_squeeze %dma_start3A_261 : memref<1x80xi32, #tpu.memory_space<vmem>> -> memref<80xi32, #tpu.memory_space<vmem>>
      %dma_start3A_263 = arith.constant 0 : i32
      %dma_start3A_264 = arith.constant 0 : i32
      %dma_start3A_265 = tpu.memref_slice %arg2[%dma_start3A_263, %dma_start3A_264] : memref<10000x128xf32, #tpu.memory_space<hbm>> -> memref<10000x128xf32, #tpu.memory_space<hbm>>
      tpu.enqueue_indirect_dma source(%dma_start3A_265 : memref<10000x128xf32, #tpu.memory_space<hbm>>) target(%arg10 : memref<80x128xf32, #tpu.memory_space<vmem>>) offsets(%dma_start3A_262 : memref<80xi32, #tpu.memory_space<vmem>>) semaphore(%arg14 : memref<!tpu.dma_semaphore, #tpu.memory_space<semaphore_mem>>)
      %dma_wait3A_266 = arith.constant 0 : i32
      %dma_wait3A_267 = arith.constant 0 : i32
      %dma_wait3A_268 = tpu.memref_slice %arg6[%dma_wait3A_266, %dma_wait3A_267] : memref<10000x128xf32, #tpu.memory_space<hbm>> -> memref<80x128xf32, #tpu.memory_space<hbm>>
      %dma_wait3A_269 = arith.constant 0 : i32
      %dma_wait3A_270 = arith.constant 0 : i32
      %dma_wait3A_271 = tpu.memref_slice %arg6[%dma_wait3A_269, %dma_wait3A_270] : memref<10000x128xf32, #tpu.memory_space<hbm>> -> memref<80x128xf32, #tpu.memory_space<hbm>>
      tpu.wait_dma2 semaphore(%arg16 : memref<!tpu.dma_semaphore, #tpu.memory_space<semaphore_mem>>) src(%dma_wait3A_271 : memref<80x128xf32, #tpu.memory_space<hbm>>) dst(%arg12 : memref<80x128xf32, #tpu.memory_space<vmem>>)
      %add3A_272 = arith.constant 1 : i32
      %add3A_273 = arith.addi %mul3A_221, %add3A_272 : i32
      %min3A_274 = arith.constant 124 : i32
      %min3A_275 = arith.minsi %add3A_273, %min3A_274 : i32
      %mul3A_276 = arith.constant 80 : i32
      %mul3A_277 = arith.muli %min3A_275, %mul3A_276 : i32
      %add3A_278 = arith.addi %mul3A_13, %mul3A_277 : i32
      %multiple_of3A_279 = tpu.assume_multiple %add3A_278, 80 : i32
      %dma_start3A_280 = arith.constant 1 : i32
      %dma_start3A_281 = arith.constant 0 : i32
      %dma_start3A_282 = tpu.memref_slice %arg8[%dma_start3A_280, %dma_start3A_281] : memref<2x80xi32, #tpu.memory_space<vmem>> -> memref<1x80xi32, #tpu.memory_space<vmem>>
      %dma_start3A_283 = tpu.memref_squeeze %dma_start3A_282 : memref<1x80xi32, #tpu.memory_space<vmem>> -> memref<80xi32, #tpu.memory_space<vmem>>
      %dma_start3A_284 = tpu.memref_slice %arg5[%multiple_of3A_279] : memref<320000xi32, #tpu.memory_space<hbm>> -> memref<80xi32, #tpu.memory_space<hbm>>
      %dma_start3A_285 = arith.constant 0 : i32
      %dma_start3A_286 = tpu.memref_slice %arg8[%dma_start3A_280, %dma_start3A_285] : memref<2x80xi32, #tpu.memory_space<vmem>> -> memref<1x80xi32, #tpu.memory_space<vmem>>
      %dma_start3A_287 = tpu.memref_squeeze %dma_start3A_286 : memref<1x80xi32, #tpu.memory_space<vmem>> -> memref<80xi32, #tpu.memory_space<vmem>>
      %dma_start3A_288 = tpu.memref_slice %arg5[%multiple_of3A_279] : memref<320000xi32, #tpu.memory_space<hbm>> -> memref<80xi32, #tpu.memory_space<hbm>>
      tpu.enqueue_dma source(%dma_start3A_288 : memref<80xi32, #tpu.memory_space<hbm>>) target(%dma_start3A_287 : memref<80xi32, #tpu.memory_space<vmem>>) target_semaphore(%arg15 : memref<!tpu.dma_semaphore, #tpu.memory_space<semaphore_mem>>)
      %dma_start3A_289 = arith.constant 1 : i32
      %dma_start3A_290 = arith.constant 0 : i32
      %dma_start3A_291 = tpu.memref_slice %arg9[%dma_start3A_289, %dma_start3A_290] : memref<2x80xi32, #tpu.memory_space<vmem>> -> memref<1x80xi32, #tpu.memory_space<vmem>>
      %dma_start3A_292 = tpu.memref_squeeze %dma_start3A_291 : memref<1x80xi32, #tpu.memory_space<vmem>> -> memref<80xi32, #tpu.memory_space<vmem>>
      %dma_start3A_293 = tpu.memref_slice %arg4[%multiple_of3A_279] : memref<320000xi32, #tpu.memory_space<hbm>> -> memref<80xi32, #tpu.memory_space<hbm>>
      %dma_start3A_294 = arith.constant 0 : i32
      %dma_start3A_295 = tpu.memref_slice %arg9[%dma_start3A_289, %dma_start3A_294] : memref<2x80xi32, #tpu.memory_space<vmem>> -> memref<1x80xi32, #tpu.memory_space<vmem>>
      %dma_start3A_296 = tpu.memref_squeeze %dma_start3A_295 : memref<1x80xi32, #tpu.memory_space<vmem>> -> memref<80xi32, #tpu.memory_space<vmem>>
      %dma_start3A_297 = tpu.memref_slice %arg4[%multiple_of3A_279] : memref<320000xi32, #tpu.memory_space<hbm>> -> memref<80xi32, #tpu.memory_space<hbm>>
      tpu.enqueue_dma source(%dma_start3A_297 : memref<80xi32, #tpu.memory_space<hbm>>) target(%dma_start3A_296 : memref<80xi32, #tpu.memory_space<vmem>>) target_semaphore(%arg15 : memref<!tpu.dma_semaphore, #tpu.memory_space<semaphore_mem>>)
      %dma_start3A_298 = arith.constant 1 : i32
      %dma_start3A_299 = arith.constant 0 : i32
      %dma_start3A_300 = arith.constant 0 : i32
      %dma_start3A_301 = tpu.memref_slice %arg11[%dma_start3A_298, %dma_start3A_299, %dma_start3A_300] : memref<2x80x16xf32, #tpu.memory_space<vmem>> -> memref<1x80x16xf32, #tpu.memory_space<vmem>>
      %dma_start3A_302 = tpu.memref_squeeze %dma_start3A_301 : memref<1x80x16xf32, #tpu.memory_space<vmem>> -> memref<80x16xf32, #tpu.memory_space<vmem>>
      %dma_start3A_303 = arith.constant 0 : i32
      %dma_start3A_304 = tpu.memref_slice %arg3[%multiple_of3A_279, %dma_start3A_303] : memref<320000x16xf32, #tpu.memory_space<hbm>> -> memref<80x16xf32, #tpu.memory_space<hbm>>
      %dma_start3A_305 = arith.constant 0 : i32
      %dma_start3A_306 = arith.constant 0 : i32
      %dma_start3A_307 = tpu.memref_slice %arg11[%dma_start3A_298, %dma_start3A_305, %dma_start3A_306] : memref<2x80x16xf32, #tpu.memory_space<vmem>> -> memref<1x80x16xf32, #tpu.memory_space<vmem>>
      %dma_start3A_308 = tpu.memref_squeeze %dma_start3A_307 : memref<1x80x16xf32, #tpu.memory_space<vmem>> -> memref<80x16xf32, #tpu.memory_space<vmem>>
      %dma_start3A_309 = arith.constant 0 : i32
      %dma_start3A_310 = tpu.memref_slice %arg3[%multiple_of3A_279, %dma_start3A_309] : memref<320000x16xf32, #tpu.memory_space<hbm>> -> memref<80x16xf32, #tpu.memory_space<hbm>>
      tpu.enqueue_dma source(%dma_start3A_310 : memref<80x16xf32, #tpu.memory_space<hbm>>) target(%dma_start3A_308 : memref<80x16xf32, #tpu.memory_space<vmem>>) target_semaphore(%arg15 : memref<!tpu.dma_semaphore, #tpu.memory_space<semaphore_mem>>)
      %dma_wait3A_311 = arith.constant 0 : i32
      %dma_wait3A_312 = arith.constant 0 : i32
      %dma_wait3A_313 = tpu.memref_slice %arg9[%dma_wait3A_311, %dma_wait3A_312] : memref<2x80xi32, #tpu.memory_space<vmem>> -> memref<1x80xi32, #tpu.memory_space<vmem>>
      %dma_wait3A_314 = tpu.memref_squeeze %dma_wait3A_313 : memref<1x80xi32, #tpu.memory_space<vmem>> -> memref<80xi32, #tpu.memory_space<vmem>>
      %dma_wait3A_315 = arith.constant 0 : i32
      %dma_wait3A_316 = arith.constant 0 : i32
      %dma_wait3A_317 = tpu.memref_slice %arg2[%dma_wait3A_315, %dma_wait3A_316] : memref<10000x128xf32, #tpu.memory_space<hbm>> -> memref<10000x128xf32, #tpu.memory_space<hbm>>
      tpu.wait_indirect_dma semaphore(%arg14 : memref<!tpu.dma_semaphore, #tpu.memory_space<semaphore_mem>>) src(%dma_wait3A_317 : memref<10000x128xf32, #tpu.memory_space<hbm>>) dst(%arg10 : memref<80x128xf32, #tpu.memory_space<vmem>>)
      %parallel_loop3A_318 = arith.constant 0 : i32
      %parallel_loop3A_319 = arith.constant 80 : i32
      %parallel_loop3A_320 = arith.constant 1 : i32
      scf.for %parallel_loop3A_439 = %parallel_loop3A_318 to %parallel_loop3A_319 step %parallel_loop3A_320  : i32 {
        %parallel_loop3A_440 = arith.constant 0 : i32
        %parallel_loop3A_441 = arith.index_cast %parallel_loop3A_440 : i32 to index
        %parallel_loop3A_442 = arith.index_cast %parallel_loop3A_439 : i32 to index
        %parallel_loop3A_443 = arith.constant 0 : index
        %parallel_loop3A_444 = tpu.vector_load %arg11[%parallel_loop3A_441, %parallel_loop3A_442, %parallel_loop3A_443] {strides = array<i32>} : memref<2x80x16xf32, #tpu.memory_space<vmem>>, vector<16xf32>,
        %parallel_loop3A_445 = arith.constant 0 : i32
        %parallel_loop3A_446 = vector.broadcast %parallel_loop3A_445 : i32 to vector<16x1xi32>
        %parallel_loop3A_447 = vector.shape_cast %parallel_loop3A_446 : vector<16x1xi32> to vector<16xi32>
        %parallel_loop3A_448 = tpu.dynamic_gather %parallel_loop3A_444[%parallel_loop3A_447] in [0] : vector<16xf32>, vector<16xi32> -> vector<16xf32>
        %parallel_loop3A_449 = arith.index_cast %parallel_loop3A_439 : i32 to index
        %parallel_loop3A_450 = arith.constant 0 : index
        %parallel_loop3A_451 = tpu.vector_load %arg10[%parallel_loop3A_449, %parallel_loop3A_450] {strides = array<i32>} : memref<80x128xf32, #tpu.memory_space<vmem>>, vector<16xf32>,
        %parallel_loop3A_452 = arith.mulf %parallel_loop3A_448, %parallel_loop3A_451 : vector<16xf32>
        %parallel_loop3A_453 = arith.index_cast %parallel_loop3A_439 : i32 to index
        %parallel_loop3A_454 = arith.constant 0 : index
        %parallel_loop3A_455 = tpu.vector_load %arg12[%parallel_loop3A_453, %parallel_loop3A_454] {strides = array<i32>} : memref<80x128xf32, #tpu.memory_space<vmem>>, vector<16xf32>,
        tpu.vector_store %arg12[%parallel_loop3A_453, %parallel_loop3A_454], %parallel_loop3A_452 {strides = array<i32>} : memref<80x128xf32, #tpu.memory_space<vmem>>, vector<16xf32>,
        %parallel_loop3A_456 = arith.constant 1 : i32
        %parallel_loop3A_457 = vector.broadcast %parallel_loop3A_456 : i32 to vector<16x1xi32>
        %parallel_loop3A_458 = vector.shape_cast %parallel_loop3A_457 : vector<16x1xi32> to vector<16xi32>
        %parallel_loop3A_459 = tpu.dynamic_gather %parallel_loop3A_444[%parallel_loop3A_458] in [0] : vector<16xf32>, vector<16xi32> -> vector<16xf32>
        %parallel_loop3A_460 = arith.index_cast %parallel_loop3A_439 : i32 to index
        %parallel_loop3A_461 = arith.constant 16 : index
        %parallel_loop3A_462 = tpu.vector_load %arg10[%parallel_loop3A_460, %parallel_loop3A_461] {strides = array<i32>} : memref<80x128xf32, #tpu.memory_space<vmem>>, vector<16xf32>,
        %parallel_loop3A_463 = arith.mulf %parallel_loop3A_459, %parallel_loop3A_462 : vector<16xf32>
        %parallel_loop3A_464 = arith.index_cast %parallel_loop3A_439 : i32 to index
        %parallel_loop3A_465 = arith.constant 16 : index
        %parallel_loop3A_466 = tpu.vector_load %arg12[%parallel_loop3A_464, %parallel_loop3A_465] {strides = array<i32>} : memref<80x128xf32, #tpu.memory_space<vmem>>, vector<16xf32>,
        tpu.vector_store %arg12[%parallel_loop3A_464, %parallel_loop3A_465], %parallel_loop3A_463 {strides = array<i32>} : memref<80x128xf32, #tpu.memory_space<vmem>>, vector<16xf32>,
        %parallel_loop3A_467 = arith.constant 2 : i32
        %parallel_loop3A_468 = vector.broadcast %parallel_loop3A_467 : i32 to vector<16x1xi32>
        %parallel_loop3A_469 = vector.shape_cast %parallel_loop3A_468 : vector<16x1xi32> to vector<16xi32>
        %parallel_loop3A_470 = tpu.dynamic_gather %parallel_loop3A_444[%parallel_loop3A_469] in [0] : vector<16xf32>, vector<16xi32> -> vector<16xf32>
        %parallel_loop3A_471 = arith.index_cast %parallel_loop3A_439 : i32 to index
        %parallel_loop3A_472 = arith.constant 32 : index
        %parallel_loop3A_473 = tpu.vector_load %arg10[%parallel_loop3A_471, %parallel_loop3A_472] {strides = array<i32>} : memref<80x128xf32, #tpu.memory_space<vmem>>, vector<16xf32>,
        %parallel_loop3A_474 = arith.mulf %parallel_loop3A_470, %parallel_loop3A_473 : vector<16xf32>
        %parallel_loop3A_475 = arith.index_cast %parallel_loop3A_439 : i32 to index
        %parallel_loop3A_476 = arith.constant 32 : index
        %parallel_loop3A_477 = tpu.vector_load %arg12[%parallel_loop3A_475, %parallel_loop3A_476] {strides = array<i32>} : memref<80x128xf32, #tpu.memory_space<vmem>>, vector<16xf32>,
        tpu.vector_store %arg12[%parallel_loop3A_475, %parallel_loop3A_476], %parallel_loop3A_474 {strides = array<i32>} : memref<80x128xf32, #tpu.memory_space<vmem>>, vector<16xf32>,
        %parallel_loop3A_478 = arith.constant 3 : i32
        %parallel_loop3A_479 = vector.broadcast %parallel_loop3A_478 : i32 to vector<16x1xi32>
        %parallel_loop3A_480 = vector.shape_cast %parallel_loop3A_479 : vector<16x1xi32> to vector<16xi32>
        %parallel_loop3A_481 = tpu.dynamic_gather %parallel_loop3A_444[%parallel_loop3A_480] in [0] : vector<16xf32>, vector<16xi32> -> vector<16xf32>
        %parallel_loop3A_482 = arith.index_cast %parallel_loop3A_439 : i32 to index
        %parallel_loop3A_483 = arith.constant 48 : index
        %parallel_loop3A_484 = tpu.vector_load %arg10[%parallel_loop3A_482, %parallel_loop3A_483] {strides = array<i32>} : memref<80x128xf32, #tpu.memory_space<vmem>>, vector<16xf32>,
        %parallel_loop3A_485 = arith.mulf %parallel_loop3A_481, %parallel_loop3A_484 : vector<16xf32>
        %parallel_loop3A_486 = arith.index_cast %parallel_loop3A_439 : i32 to index
        %parallel_loop3A_487 = arith.constant 48 : index
        %parallel_loop3A_488 = tpu.vector_load %arg12[%parallel_loop3A_486, %parallel_loop3A_487] {strides = array<i32>} : memref<80x128xf32, #tpu.memory_space<vmem>>, vector<16xf32>,
        tpu.vector_store %arg12[%parallel_loop3A_486, %parallel_loop3A_487], %parallel_loop3A_485 {strides = array<i32>} : memref<80x128xf32, #tpu.memory_space<vmem>>, vector<16xf32>,
        %parallel_loop3A_489 = arith.constant 4 : i32
        %parallel_loop3A_490 = vector.broadcast %parallel_loop3A_489 : i32 to vector<16x1xi32>
        %parallel_loop3A_491 = vector.shape_cast %parallel_loop3A_490 : vector<16x1xi32> to vector<16xi32>
        %parallel_loop3A_492 = tpu.dynamic_gather %parallel_loop3A_444[%parallel_loop3A_491] in [0] : vector<16xf32>, vector<16xi32> -> vector<16xf32>
        %parallel_loop3A_493 = arith.index_cast %parallel_loop3A_439 : i32 to index
        %parallel_loop3A_494 = arith.constant 64 : index
        %parallel_loop3A_495 = tpu.vector_load %arg10[%parallel_loop3A_493, %parallel_loop3A_494] {strides = array<i32>} : memref<80x128xf32, #tpu.memory_space<vmem>>, vector<16xf32>,
        %parallel_loop3A_496 = arith.mulf %parallel_loop3A_492, %parallel_loop3A_495 : vector<16xf32>
        %parallel_loop3A_497 = arith.index_cast %parallel_loop3A_439 : i32 to index
        %parallel_loop3A_498 = arith.constant 64 : index
        %parallel_loop3A_499 = tpu.vector_load %arg12[%parallel_loop3A_497, %parallel_loop3A_498] {strides = array<i32>} : memref<80x128xf32, #tpu.memory_space<vmem>>, vector<16xf32>,
        tpu.vector_store %arg12[%parallel_loop3A_497, %parallel_loop3A_498], %parallel_loop3A_496 {strides = array<i32>} : memref<80x128xf32, #tpu.memory_space<vmem>>, vector<16xf32>,
        %parallel_loop3A_500 = arith.constant 5 : i32
        %parallel_loop3A_501 = vector.broadcast %parallel_loop3A_500 : i32 to vector<16x1xi32>
        %parallel_loop3A_502 = vector.shape_cast %parallel_loop3A_501 : vector<16x1xi32> to vector<16xi32>
        %parallel_loop3A_503 = tpu.dynamic_gather %parallel_loop3A_444[%parallel_loop3A_502] in [0] : vector<16xf32>, vector<16xi32> -> vector<16xf32>
        %parallel_loop3A_504 = arith.index_cast %parallel_loop3A_439 : i32 to index
        %parallel_loop3A_505 = arith.constant 80 : index
        %parallel_loop3A_506 = tpu.vector_load %arg10[%parallel_loop3A_504, %parallel_loop3A_505] {strides = array<i32>} : memref<80x128xf32, #tpu.memory_space<vmem>>, vector<16xf32>,
        %parallel_loop3A_507 = arith.mulf %parallel_loop3A_503, %parallel_loop3A_506 : vector<16xf32>
        %parallel_loop3A_508 = arith.index_cast %parallel_loop3A_439 : i32 to index
        %parallel_loop3A_509 = arith.constant 80 : index
        %parallel_loop3A_510 = tpu.vector_load %arg12[%parallel_loop3A_508, %parallel_loop3A_509] {strides = array<i32>} : memref<80x128xf32, #tpu.memory_space<vmem>>, vector<16xf32>,
        tpu.vector_store %arg12[%parallel_loop3A_508, %parallel_loop3A_509], %parallel_loop3A_507 {strides = array<i32>} : memref<80x128xf32, #tpu.memory_space<vmem>>, vector<16xf32>,
        %parallel_loop3A_511 = arith.constant 6 : i32
        %parallel_loop3A_512 = vector.broadcast %parallel_loop3A_511 : i32 to vector<16x1xi32>
        %parallel_loop3A_513 = vector.shape_cast %parallel_loop3A_512 : vector<16x1xi32> to vector<16xi32>
        %parallel_loop3A_514 = tpu.dynamic_gather %parallel_loop3A_444[%parallel_loop3A_513] in [0] : vector<16xf32>, vector<16xi32> -> vector<16xf32>
        %parallel_loop3A_515 = arith.index_cast %parallel_loop3A_439 : i32 to index
        %parallel_loop3A_516 = arith.constant 96 : index
        %parallel_loop3A_517 = tpu.vector_load %arg10[%parallel_loop3A_515, %parallel_loop3A_516] {strides = array<i32>} : memref<80x128xf32, #tpu.memory_space<vmem>>, vector<16xf32>,
        %parallel_loop3A_518 = arith.mulf %parallel_loop3A_514, %parallel_loop3A_517 : vector<16xf32>
        %parallel_loop3A_519 = arith.index_cast %parallel_loop3A_439 : i32 to index
        %parallel_loop3A_520 = arith.constant 96 : index
        %parallel_loop3A_521 = tpu.vector_load %arg12[%parallel_loop3A_519, %parallel_loop3A_520] {strides = array<i32>} : memref<80x128xf32, #tpu.memory_space<vmem>>, vector<16xf32>,
        tpu.vector_store %arg12[%parallel_loop3A_519, %parallel_loop3A_520], %parallel_loop3A_518 {strides = array<i32>} : memref<80x128xf32, #tpu.memory_space<vmem>>, vector<16xf32>,
        %parallel_loop3A_522 = arith.constant 7 : i32
        %parallel_loop3A_523 = vector.broadcast %parallel_loop3A_522 : i32 to vector<16x1xi32>
        %parallel_loop3A_524 = vector.shape_cast %parallel_loop3A_523 : vector<16x1xi32> to vector<16xi32>
        %parallel_loop3A_525 = tpu.dynamic_gather %parallel_loop3A_444[%parallel_loop3A_524] in [0] : vector<16xf32>, vector<16xi32> -> vector<16xf32>
        %parallel_loop3A_526 = arith.index_cast %parallel_loop3A_439 : i32 to index
        %parallel_loop3A_527 = arith.constant 112 : index
        %parallel_loop3A_528 = tpu.vector_load %arg10[%parallel_loop3A_526, %parallel_loop3A_527] {strides = array<i32>} : memref<80x128xf32, #tpu.memory_space<vmem>>, vector<16xf32>,
        %parallel_loop3A_529 = arith.mulf %parallel_loop3A_525, %parallel_loop3A_528 : vector<16xf32>
        %parallel_loop3A_530 = arith.index_cast %parallel_loop3A_439 : i32 to index
        %parallel_loop3A_531 = arith.constant 112 : index
        %parallel_loop3A_532 = tpu.vector_load %arg12[%parallel_loop3A_530, %parallel_loop3A_531] {strides = array<i32>} : memref<80x128xf32, #tpu.memory_space<vmem>>, vector<16xf32>,
        tpu.vector_store %arg12[%parallel_loop3A_530, %parallel_loop3A_531], %parallel_loop3A_529 {strides = array<i32>} : memref<80x128xf32, #tpu.memory_space<vmem>>, vector<16xf32>,
      } {sc.loop_unroll_factor = 8 : i64, sc.parallel_access}
      %dma_start3A_321 = arith.constant 0 : i32
      %dma_start3A_322 = arith.constant 0 : i32
      %dma_start3A_323 = tpu.memref_slice %arg8[%dma_start3A_321, %dma_start3A_322] : memref<2x80xi32, #tpu.memory_space<vmem>> -> memref<1x80xi32, #tpu.memory_space<vmem>>
      %dma_start3A_324 = tpu.memref_squeeze %dma_start3A_323 : memref<1x80xi32, #tpu.memory_space<vmem>> -> memref<80xi32, #tpu.memory_space<vmem>>
      %dma_start3A_325 = arith.constant 0 : i32
      %dma_start3A_326 = arith.constant 0 : i32
      %dma_start3A_327 = tpu.memref_slice %arg13[%dma_start3A_325, %dma_start3A_326] : memref<10000x128xf32, #tpu.memory_space<vmem_shared>> -> memref<10000x128xf32, #tpu.memory_space<vmem_shared>>
      tpu.enqueue_indirect_dma source(%arg12 : memref<80x128xf32, #tpu.memory_space<vmem>>) target(%dma_start3A_327 : memref<10000x128xf32, #tpu.memory_space<vmem_shared>>) offsets(%dma_start3A_324 : memref<80xi32, #tpu.memory_space<vmem>>) semaphore(%arg16 : memref<!tpu.dma_semaphore, #tpu.memory_space<semaphore_mem>>) {add = true}
      %mul3A_328 = arith.constant 2 : i32
      %mul3A_329 = arith.muli %mul3A_328, %scan3A_218 : i32
      %add3A_330 = arith.constant 1 : i32
      %add3A_331 = arith.addi %mul3A_329, %add3A_330 : i32
      %dma_wait3A_332 = arith.constant 1 : i32
      %dma_wait3A_333 = arith.constant 0 : i32
      %dma_wait3A_334 = tpu.memref_slice %arg8[%dma_wait3A_332, %dma_wait3A_333] : memref<2x80xi32, #tpu.memory_space<vmem>> -> memref<1x80xi32, #tpu.memory_space<vmem>>
      %dma_wait3A_335 = tpu.memref_squeeze %dma_wait3A_334 : memref<1x80xi32, #tpu.memory_space<vmem>> -> memref<80xi32, #tpu.memory_space<vmem>>
      %dma_wait3A_336 = arith.constant 0 : i32
      %dma_wait3A_337 = tpu.memref_slice %arg5[%dma_wait3A_336] : memref<320000xi32, #tpu.memory_space<hbm>> -> memref<80xi32, #tpu.memory_space<hbm>>
      %dma_wait3A_338 = arith.constant 0 : i32
      %dma_wait3A_339 = tpu.memref_slice %arg8[%dma_wait3A_332, %dma_wait3A_338] : memref<2x80xi32, #tpu.memory_space<vmem>> -> memref<1x80xi32, #tpu.memory_space<vmem>>
      %dma_wait3A_340 = tpu.memref_squeeze %dma_wait3A_339 : memref<1x80xi32, #tpu.memory_space<vmem>> -> memref<80xi32, #tpu.memory_space<vmem>>
      %dma_wait3A_341 = arith.constant 0 : i32
      %dma_wait3A_342 = tpu.memref_slice %arg5[%dma_wait3A_341] : memref<320000xi32, #tpu.memory_space<hbm>> -> memref<80xi32, #tpu.memory_space<hbm>>
      tpu.wait_dma2 semaphore(%arg15 : memref<!tpu.dma_semaphore, #tpu.memory_space<semaphore_mem>>) src(%dma_wait3A_342 : memref<80xi32, #tpu.memory_space<hbm>>) dst(%dma_wait3A_340 : memref<80xi32, #tpu.memory_space<vmem>>)
      %dma_wait3A_343 = arith.constant 1 : i32
      %dma_wait3A_344 = arith.constant 0 : i32
      %dma_wait3A_345 = tpu.memref_slice %arg9[%dma_wait3A_343, %dma_wait3A_344] : memref<2x80xi32, #tpu.memory_space<vmem>> -> memref<1x80xi32, #tpu.memory_space<vmem>>
      %dma_wait3A_346 = tpu.memref_squeeze %dma_wait3A_345 : memref<1x80xi32, #tpu.memory_space<vmem>> -> memref<80xi32, #tpu.memory_space<vmem>>
      %dma_wait3A_347 = arith.constant 0 : i32
      %dma_wait3A_348 = tpu.memref_slice %arg4[%dma_wait3A_347] : memref<320000xi32, #tpu.memory_space<hbm>> -> memref<80xi32, #tpu.memory_space<hbm>>
      %dma_wait3A_349 = arith.constant 0 : i32
      %dma_wait3A_350 = tpu.memref_slice %arg9[%dma_wait3A_343, %dma_wait3A_349] : memref<2x80xi32, #tpu.memory_space<vmem>> -> memref<1x80xi32, #tpu.memory_space<vmem>>
      %dma_wait3A_351 = tpu.memref_squeeze %dma_wait3A_350 : memref<1x80xi32, #tpu.memory_space<vmem>> -> memref<80xi32, #tpu.memory_space<vmem>>
      %dma_wait3A_352 = arith.constant 0 : i32
      %dma_wait3A_353 = tpu.memref_slice %arg4[%dma_wait3A_352] : memref<320000xi32, #tpu.memory_space<hbm>> -> memref<80xi32, #tpu.memory_space<hbm>>
      tpu.wait_dma2 semaphore(%arg15 : memref<!tpu.dma_semaphore, #tpu.memory_space<semaphore_mem>>) src(%dma_wait3A_353 : memref<80xi32, #tpu.memory_space<hbm>>) dst(%dma_wait3A_351 : memref<80xi32, #tpu.memory_space<vmem>>)
      %dma_wait3A_354 = arith.constant 1 : i32
      %dma_wait3A_355 = arith.constant 0 : i32
      %dma_wait3A_356 = arith.constant 0 : i32
      %dma_wait3A_357 = tpu.memref_slice %arg11[%dma_wait3A_354, %dma_wait3A_355, %dma_wait3A_356] : memref<2x80x16xf32, #tpu.memory_space<vmem>> -> memref<1x80x16xf32, #tpu.memory_space<vmem>>
      %dma_wait3A_358 = tpu.memref_squeeze %dma_wait3A_357 : memref<1x80x16xf32, #tpu.memory_space<vmem>> -> memref<80x16xf32, #tpu.memory_space<vmem>>
      %dma_wait3A_359 = arith.constant 0 : i32
      %dma_wait3A_360 = arith.constant 0 : i32
      %dma_wait3A_361 = tpu.memref_slice %arg3[%dma_wait3A_359, %dma_wait3A_360] : memref<320000x16xf32, #tpu.memory_space<hbm>> -> memref<80x16xf32, #tpu.memory_space<hbm>>
      %dma_wait3A_362 = arith.constant 0 : i32
      %dma_wait3A_363 = arith.constant 0 : i32
      %dma_wait3A_364 = tpu.memref_slice %arg11[%dma_wait3A_354, %dma_wait3A_362, %dma_wait3A_363] : memref<2x80x16xf32, #tpu.memory_space<vmem>> -> memref<1x80x16xf32, #tpu.memory_space<vmem>>
      %dma_wait3A_365 = tpu.memref_squeeze %dma_wait3A_364 : memref<1x80x16xf32, #tpu.memory_space<vmem>> -> memref<80x16xf32, #tpu.memory_space<vmem>>
      %dma_wait3A_366 = arith.constant 0 : i32
      %dma_wait3A_367 = arith.constant 0 : i32
      %dma_wait3A_368 = tpu.memref_slice %arg3[%dma_wait3A_366, %dma_wait3A_367] : memref<320000x16xf32, #tpu.memory_space<hbm>> -> memref<80x16xf32, #tpu.memory_space<hbm>>
      tpu.wait_dma2 semaphore(%arg15 : memref<!tpu.dma_semaphore, #tpu.memory_space<semaphore_mem>>) src(%dma_wait3A_368 : memref<80x16xf32, #tpu.memory_space<hbm>>) dst(%dma_wait3A_365 : memref<80x16xf32, #tpu.memory_space<vmem>>)
      %dma_start3A_369 = arith.constant 1 : i32
      %dma_start3A_370 = arith.constant 0 : i32
      %dma_start3A_371 = tpu.memref_slice %arg9[%dma_start3A_369, %dma_start3A_370] : memref<2x80xi32, #tpu.memory_space<vmem>> -> memref<1x80xi32, #tpu.memory_space<vmem>>
      %dma_start3A_372 = tpu.memref_squeeze %dma_start3A_371 : memref<1x80xi32, #tpu.memory_space<vmem>> -> memref<80xi32, #tpu.memory_space<vmem>>
      %dma_start3A_373 = arith.constant 0 : i32
      %dma_start3A_374 = arith.constant 0 : i32
      %dma_start3A_375 = tpu.memref_slice %arg2[%dma_start3A_373, %dma_start3A_374] : memref<10000x128xf32, #tpu.memory_space<hbm>> -> memref<10000x128xf32, #tpu.memory_space<hbm>>
      tpu.enqueue_indirect_dma source(%dma_start3A_375 : memref<10000x128xf32, #tpu.memory_space<hbm>>) target(%arg10 : memref<80x128xf32, #tpu.memory_space<vmem>>) offsets(%dma_start3A_372 : memref<80xi32, #tpu.memory_space<vmem>>) semaphore(%arg14 : memref<!tpu.dma_semaphore, #tpu.memory_space<semaphore_mem>>)
      %dma_wait3A_376 = arith.constant 0 : i32
      %dma_wait3A_377 = arith.constant 0 : i32
      %dma_wait3A_378 = tpu.memref_slice %arg6[%dma_wait3A_376, %dma_wait3A_377] : memref<10000x128xf32, #tpu.memory_space<hbm>> -> memref<80x128xf32, #tpu.memory_space<hbm>>
      %dma_wait3A_379 = arith.constant 0 : i32
      %dma_wait3A_380 = arith.constant 0 : i32
      %dma_wait3A_381 = tpu.memref_slice %arg6[%dma_wait3A_379, %dma_wait3A_380] : memref<10000x128xf32, #tpu.memory_space<hbm>> -> memref<80x128xf32, #tpu.memory_space<hbm>>
      tpu.wait_dma2 semaphore(%arg16 : memref<!tpu.dma_semaphore, #tpu.memory_space<semaphore_mem>>) src(%dma_wait3A_381 : memref<80x128xf32, #tpu.memory_space<hbm>>) dst(%arg12 : memref<80x128xf32, #tpu.memory_space<vmem>>)
      %add3A_382 = arith.constant 1 : i32
      %add3A_383 = arith.addi %add3A_331, %add3A_382 : i32
      %min3A_384 = arith.constant 124 : i32
      %min3A_385 = arith.minsi %add3A_383, %min3A_384 : i32
      %mul3A_386 = arith.constant 80 : i32
      %mul3A_387 = arith.muli %min3A_385, %mul3A_386 : i32
      %add3A_388 = arith.addi %mul3A_13, %mul3A_387 : i32
      %multiple_of3A_389 = tpu.assume_multiple %add3A_388, 80 : i32
      %dma_start3A_390 = arith.constant 0 : i32
      %dma_start3A_391 = arith.constant 0 : i32
      %dma_start3A_392 = tpu.memref_slice %arg8[%dma_start3A_390, %dma_start3A_391] : memref<2x80xi32, #tpu.memory_space<vmem>> -> memref<1x80xi32, #tpu.memory_space<vmem>>
      %dma_start3A_393 = tpu.memref_squeeze %dma_start3A_392 : memref<1x80xi32, #tpu.memory_space<vmem>> -> memref<80xi32, #tpu.memory_space<vmem>>
      %dma_start3A_394 = tpu.memref_slice %arg5[%multiple_of3A_389] : memref<320000xi32, #tpu.memory_space<hbm>> -> memref<80xi32, #tpu.memory_space<hbm>>
      %dma_start3A_395 = arith.constant 0 : i32
      %dma_start3A_396 = tpu.memref_slice %arg8[%dma_start3A_390, %dma_start3A_395] : memref<2x80xi32, #tpu.memory_space<vmem>> -> memref<1x80xi32, #tpu.memory_space<vmem>>
      %dma_start3A_397 = tpu.memref_squeeze %dma_start3A_396 : memref<1x80xi32, #tpu.memory_space<vmem>> -> memref<80xi32, #tpu.memory_space<vmem>>
      %dma_start3A_398 = tpu.memref_slice %arg5[%multiple_of3A_389] : memref<320000xi32, #tpu.memory_space<hbm>> -> memref<80xi32, #tpu.memory_space<hbm>>
      tpu.enqueue_dma source(%dma_start3A_398 : memref<80xi32, #tpu.memory_space<hbm>>) target(%dma_start3A_397 : memref<80xi32, #tpu.memory_space<vmem>>) target_semaphore(%arg17 : memref<!tpu.dma_semaphore, #tpu.memory_space<semaphore_mem>>)
      %dma_start3A_399 = arith.constant 0 : i32
      %dma_start3A_400 = arith.constant 0 : i32
      %dma_start3A_401 = tpu.memref_slice %arg9[%dma_start3A_399, %dma_start3A_400] : memref<2x80xi32, #tpu.memory_space<vmem>> -> memref<1x80xi32, #tpu.memory_space<vmem>>
      %dma_start3A_402 = tpu.memref_squeeze %dma_start3A_401 : memref<1x80xi32, #tpu.memory_space<vmem>> -> memref<80xi32, #tpu.memory_space<vmem>>
      %dma_start3A_403 = tpu.memref_slice %arg4[%multiple_of3A_389] : memref<320000xi32, #tpu.memory_space<hbm>> -> memref<80xi32, #tpu.memory_space<hbm>>
      %dma_start3A_404 = arith.constant 0 : i32
      %dma_start3A_405 = tpu.memref_slice %arg9[%dma_start3A_399, %dma_start3A_404] : memref<2x80xi32, #tpu.memory_space<vmem>> -> memref<1x80xi32, #tpu.memory_space<vmem>>
      %dma_start3A_406 = tpu.memref_squeeze %dma_start3A_405 : memref<1x80xi32, #tpu.memory_space<vmem>> -> memref<80xi32, #tpu.memory_space<vmem>>
      %dma_start3A_407 = tpu.memref_slice %arg4[%multiple_of3A_389] : memref<320000xi32, #tpu.memory_space<hbm>> -> memref<80xi32, #tpu.memory_space<hbm>>
      tpu.enqueue_dma source(%dma_start3A_407 : memref<80xi32, #tpu.memory_space<hbm>>) target(%dma_start3A_406 : memref<80xi32, #tpu.memory_space<vmem>>) target_semaphore(%arg17 : memref<!tpu.dma_semaphore, #tpu.memory_space<semaphore_mem>>)
      %dma_start3A_408 = arith.constant 0 : i32
      %dma_start3A_409 = arith.constant 0 : i32
      %dma_start3A_410 = arith.constant 0 : i32
      %dma_start3A_411 = tpu.memref_slice %arg11[%dma_start3A_408, %dma_start3A_409, %dma_start3A_410] : memref<2x80x16xf32, #tpu.memory_space<vmem>> -> memref<1x80x16xf32, #tpu.memory_space<vmem>>
      %dma_start3A_412 = tpu.memref_squeeze %dma_start3A_411 : memref<1x80x16xf32, #tpu.memory_space<vmem>> -> memref<80x16xf32, #tpu.memory_space<vmem>>
      %dma_start3A_413 = arith.constant 0 : i32
      %dma_start3A_414 = tpu.memref_slice %arg3[%multiple_of3A_389, %dma_start3A_413] : memref<320000x16xf32, #tpu.memory_space<hbm>> -> memref<80x16xf32, #tpu.memory_space<hbm>>
      %dma_start3A_415 = arith.constant 0 : i32
      %dma_start3A_416 = arith.constant 0 : i32
      %dma_start3A_417 = tpu.memref_slice %arg11[%dma_start3A_408, %dma_start3A_415, %dma_start3A_416] : memref<2x80x16xf32, #tpu.memory_space<vmem>> -> memref<1x80x16xf32, #tpu.memory_space<vmem>>
      %dma_start3A_418 = tpu.memref_squeeze %dma_start3A_417 : memref<1x80x16xf32, #tpu.memory_space<vmem>> -> memref<80x16xf32, #tpu.memory_space<vmem>>
      %dma_start3A_419 = arith.constant 0 : i32
      %dma_start3A_420 = tpu.memref_slice %arg3[%multiple_of3A_389, %dma_start3A_419] : memref<320000x16xf32, #tpu.memory_space<hbm>> -> memref<80x16xf32, #tpu.memory_space<hbm>>
      tpu.enqueue_dma source(%dma_start3A_420 : memref<80x16xf32, #tpu.memory_space<hbm>>) target(%dma_start3A_418 : memref<80x16xf32, #tpu.memory_space<vmem>>) target_semaphore(%arg17 : memref<!tpu.dma_semaphore, #tpu.memory_space<semaphore_mem>>)
      %dma_wait3A_421 = arith.constant 1 : i32
      %dma_wait3A_422 = arith.constant 0 : i32
      %dma_wait3A_423 = tpu.memref_slice %arg9[%dma_wait3A_421, %dma_wait3A_422] : memref<2x80xi32, #tpu.memory_space<vmem>> -> memref<1x80xi32, #tpu.memory_space<vmem>>
      %dma_wait3A_424 = tpu.memref_squeeze %dma_wait3A_423 : memref<1x80xi32, #tpu.memory_space<vmem>> -> memref<80xi32, #tpu.memory_space<vmem>>
      %dma_wait3A_425 = arith.constant 0 : i32
      %dma_wait3A_426 = arith.constant 0 : i32
      %dma_wait3A_427 = tpu.memref_slice %arg2[%dma_wait3A_425, %dma_wait3A_426] : memref<10000x128xf32, #tpu.memory_space<hbm>> -> memref<10000x128xf32, #tpu.memory_space<hbm>>
      tpu.wait_indirect_dma semaphore(%arg14 : memref<!tpu.dma_semaphore, #tpu.memory_space<semaphore_mem>>) src(%dma_wait3A_427 : memref<10000x128xf32, #tpu.memory_space<hbm>>) dst(%arg10 : memref<80x128xf32, #tpu.memory_space<vmem>>)
      %parallel_loop3A_428 = arith.constant 0 : i32
      %parallel_loop3A_429 = arith.constant 80 : i32
      %parallel_loop3A_430 = arith.constant 1 : i32
      scf.for %parallel_loop3A_439 = %parallel_loop3A_428 to %parallel_loop3A_429 step %parallel_loop3A_430  : i32 {
        %parallel_loop3A_440 = arith.constant 1 : i32
        %parallel_loop3A_441 = arith.index_cast %parallel_loop3A_440 : i32 to index
        %parallel_loop3A_442 = arith.index_cast %parallel_loop3A_439 : i32 to index
        %parallel_loop3A_443 = arith.constant 0 : index
        %parallel_loop3A_444 = tpu.vector_load %arg11[%parallel_loop3A_441, %parallel_loop3A_442, %parallel_loop3A_443] {strides = array<i32>} : memref<2x80x16xf32, #tpu.memory_space<vmem>>, vector<16xf32>,
        %parallel_loop3A_445 = arith.constant 0 : i32
        %parallel_loop3A_446 = vector.broadcast %parallel_loop3A_445 : i32 to vector<16x1xi32>
        %parallel_loop3A_447 = vector.shape_cast %parallel_loop3A_446 : vector<16x1xi32> to vector<16xi32>
        %parallel_loop3A_448 = tpu.dynamic_gather %parallel_loop3A_444[%parallel_loop3A_447] in [0] : vector<16xf32>, vector<16xi32> -> vector<16xf32>
        %parallel_loop3A_449 = arith.index_cast %parallel_loop3A_439 : i32 to index
        %parallel_loop3A_450 = arith.constant 0 : index
        %parallel_loop3A_451 = tpu.vector_load %arg10[%parallel_loop3A_449, %parallel_loop3A_450] {strides = array<i32>} : memref<80x128xf32, #tpu.memory_space<vmem>>, vector<16xf32>,
        %parallel_loop3A_452 = arith.mulf %parallel_loop3A_448, %parallel_loop3A_451 : vector<16xf32>
        %parallel_loop3A_453 = arith.index_cast %parallel_loop3A_439 : i32 to index
        %parallel_loop3A_454 = arith.constant 0 : index
        %parallel_loop3A_455 = tpu.vector_load %arg12[%parallel_loop3A_453, %parallel_loop3A_454] {strides = array<i32>} : memref<80x128xf32, #tpu.memory_space<vmem>>, vector<16xf32>,
        tpu.vector_store %arg12[%parallel_loop3A_453, %parallel_loop3A_454], %parallel_loop3A_452 {strides = array<i32>} : memref<80x128xf32, #tpu.memory_space<vmem>>, vector<16xf32>,
        %parallel_loop3A_456 = arith.constant 1 : i32
        %parallel_loop3A_457 = vector.broadcast %parallel_loop3A_456 : i32 to vector<16x1xi32>
        %parallel_loop3A_458 = vector.shape_cast %parallel_loop3A_457 : vector<16x1xi32> to vector<16xi32>
        %parallel_loop3A_459 = tpu.dynamic_gather %parallel_loop3A_444[%parallel_loop3A_458] in [0] : vector<16xf32>, vector<16xi32> -> vector<16xf32>
        %parallel_loop3A_460 = arith.index_cast %parallel_loop3A_439 : i32 to index
        %parallel_loop3A_461 = arith.constant 16 : index
        %parallel_loop3A_462 = tpu.vector_load %arg10[%parallel_loop3A_460, %parallel_loop3A_461] {strides = array<i32>} : memref<80x128xf32, #tpu.memory_space<vmem>>, vector<16xf32>,
        %parallel_loop3A_463 = arith.mulf %parallel_loop3A_459, %parallel_loop3A_462 : vector<16xf32>
        %parallel_loop3A_464 = arith.index_cast %parallel_loop3A_439 : i32 to index
        %parallel_loop3A_465 = arith.constant 16 : index
        %parallel_loop3A_466 = tpu.vector_load %arg12[%parallel_loop3A_464, %parallel_loop3A_465] {strides = array<i32>} : memref<80x128xf32, #tpu.memory_space<vmem>>, vector<16xf32>,
        tpu.vector_store %arg12[%parallel_loop3A_464, %parallel_loop3A_465], %parallel_loop3A_463 {strides = array<i32>} : memref<80x128xf32, #tpu.memory_space<vmem>>, vector<16xf32>,
        %parallel_loop3A_467 = arith.constant 2 : i32
        %parallel_loop3A_468 = vector.broadcast %parallel_loop3A_467 : i32 to vector<16x1xi32>
        %parallel_loop3A_469 = vector.shape_cast %parallel_loop3A_468 : vector<16x1xi32> to vector<16xi32>
        %parallel_loop3A_470 = tpu.dynamic_gather %parallel_loop3A_444[%parallel_loop3A_469] in [0] : vector<16xf32>, vector<16xi32> -> vector<16xf32>
        %parallel_loop3A_471 = arith.index_cast %parallel_loop3A_439 : i32 to index
        %parallel_loop3A_472 = arith.constant 32 : index
        %parallel_loop3A_473 = tpu.vector_load %arg10[%parallel_loop3A_471, %parallel_loop3A_472] {strides = array<i32>} : memref<80x128xf32, #tpu.memory_space<vmem>>, vector<16xf32>,
        %parallel_loop3A_474 = arith.mulf %parallel_loop3A_470, %parallel_loop3A_473 : vector<16xf32>
        %parallel_loop3A_475 = arith.index_cast %parallel_loop3A_439 : i32 to index
        %parallel_loop3A_476 = arith.constant 32 : index
        %parallel_loop3A_477 = tpu.vector_load %arg12[%parallel_loop3A_475, %parallel_loop3A_476] {strides = array<i32>} : memref<80x128xf32, #tpu.memory_space<vmem>>, vector<16xf32>,
        tpu.vector_store %arg12[%parallel_loop3A_475, %parallel_loop3A_476], %parallel_loop3A_474 {strides = array<i32>} : memref<80x128xf32, #tpu.memory_space<vmem>>, vector<16xf32>,
        %parallel_loop3A_478 = arith.constant 3 : i32
        %parallel_loop3A_479 = vector.broadcast %parallel_loop3A_478 : i32 to vector<16x1xi32>
        %parallel_loop3A_480 = vector.shape_cast %parallel_loop3A_479 : vector<16x1xi32> to vector<16xi32>
        %parallel_loop3A_481 = tpu.dynamic_gather %parallel_loop3A_444[%parallel_loop3A_480] in [0] : vector<16xf32>, vector<16xi32> -> vector<16xf32>
        %parallel_loop3A_482 = arith.index_cast %parallel_loop3A_439 : i32 to index
        %parallel_loop3A_483 = arith.constant 48 : index
        %parallel_loop3A_484 = tpu.vector_load %arg10[%parallel_loop3A_482, %parallel_loop3A_483] {strides = array<i32>} : memref<80x128xf32, #tpu.memory_space<vmem>>, vector<16xf32>,
        %parallel_loop3A_485 = arith.mulf %parallel_loop3A_481, %parallel_loop3A_484 : vector<16xf32>
        %parallel_loop3A_486 = arith.index_cast %parallel_loop3A_439 : i32 to index
        %parallel_loop3A_487 = arith.constant 48 : index
        %parallel_loop3A_488 = tpu.vector_load %arg12[%parallel_loop3A_486, %parallel_loop3A_487] {strides = array<i32>} : memref<80x128xf32, #tpu.memory_space<vmem>>, vector<16xf32>,
        tpu.vector_store %arg12[%parallel_loop3A_486, %parallel_loop3A_487], %parallel_loop3A_485 {strides = array<i32>} : memref<80x128xf32, #tpu.memory_space<vmem>>, vector<16xf32>,
        %parallel_loop3A_489 = arith.constant 4 : i32
        %parallel_loop3A_490 = vector.broadcast %parallel_loop3A_489 : i32 to vector<16x1xi32>
        %parallel_loop3A_491 = vector.shape_cast %parallel_loop3A_490 : vector<16x1xi32> to vector<16xi32>
        %parallel_loop3A_492 = tpu.dynamic_gather %parallel_loop3A_444[%parallel_loop3A_491] in [0] : vector<16xf32>, vector<16xi32> -> vector<16xf32>
        %parallel_loop3A_493 = arith.index_cast %parallel_loop3A_439 : i32 to index
        %parallel_loop3A_494 = arith.constant 64 : index
        %parallel_loop3A_495 = tpu.vector_load %arg10[%parallel_loop3A_493, %parallel_loop3A_494] {strides = array<i32>} : memref<80x128xf32, #tpu.memory_space<vmem>>, vector<16xf32>,
        %parallel_loop3A_496 = arith.mulf %parallel_loop3A_492, %parallel_loop3A_495 : vector<16xf32>
        %parallel_loop3A_497 = arith.index_cast %parallel_loop3A_439 : i32 to index
        %parallel_loop3A_498 = arith.constant 64 : index
        %parallel_loop3A_499 = tpu.vector_load %arg12[%parallel_loop3A_497, %parallel_loop3A_498] {strides = array<i32>} : memref<80x128xf32, #tpu.memory_space<vmem>>, vector<16xf32>,
        tpu.vector_store %arg12[%parallel_loop3A_497, %parallel_loop3A_498], %parallel_loop3A_496 {strides = array<i32>} : memref<80x128xf32, #tpu.memory_space<vmem>>, vector<16xf32>,
        %parallel_loop3A_500 = arith.constant 5 : i32
        %parallel_loop3A_501 = vector.broadcast %parallel_loop3A_500 : i32 to vector<16x1xi32>
        %parallel_loop3A_502 = vector.shape_cast %parallel_loop3A_501 : vector<16x1xi32> to vector<16xi32>
        %parallel_loop3A_503 = tpu.dynamic_gather %parallel_loop3A_444[%parallel_loop3A_502] in [0] : vector<16xf32>, vector<16xi32> -> vector<16xf32>
        %parallel_loop3A_504 = arith.index_cast %parallel_loop3A_439 : i32 to index
        %parallel_loop3A_505 = arith.constant 80 : index
        %parallel_loop3A_506 = tpu.vector_load %arg10[%parallel_loop3A_504, %parallel_loop3A_505] {strides = array<i32>} : memref<80x128xf32, #tpu.memory_space<vmem>>, vector<16xf32>,
        %parallel_loop3A_507 = arith.mulf %parallel_loop3A_503, %parallel_loop3A_506 : vector<16xf32>
        %parallel_loop3A_508 = arith.index_cast %parallel_loop3A_439 : i32 to index
        %parallel_loop3A_509 = arith.constant 80 : index
        %parallel_loop3A_510 = tpu.vector_load %arg12[%parallel_loop3A_508, %parallel_loop3A_509] {strides = array<i32>} : memref<80x128xf32, #tpu.memory_space<vmem>>, vector<16xf32>,
        tpu.vector_store %arg12[%parallel_loop3A_508, %parallel_loop3A_509], %parallel_loop3A_507 {strides = array<i32>} : memref<80x128xf32, #tpu.memory_space<vmem>>, vector<16xf32>,
        %parallel_loop3A_511 = arith.constant 6 : i32
        %parallel_loop3A_512 = vector.broadcast %parallel_loop3A_511 : i32 to vector<16x1xi32>
        %parallel_loop3A_513 = vector.shape_cast %parallel_loop3A_512 : vector<16x1xi32> to vector<16xi32>
        %parallel_loop3A_514 = tpu.dynamic_gather %parallel_loop3A_444[%parallel_loop3A_513] in [0] : vector<16xf32>, vector<16xi32> -> vector<16xf32>
        %parallel_loop3A_515 = arith.index_cast %parallel_loop3A_439 : i32 to index
        %parallel_loop3A_516 = arith.constant 96 : index
        %parallel_loop3A_517 = tpu.vector_load %arg10[%parallel_loop3A_515, %parallel_loop3A_516] {strides = array<i32>} : memref<80x128xf32, #tpu.memory_space<vmem>>, vector<16xf32>,
        %parallel_loop3A_518 = arith.mulf %parallel_loop3A_514, %parallel_loop3A_517 : vector<16xf32>
        %parallel_loop3A_519 = arith.index_cast %parallel_loop3A_439 : i32 to index
        %parallel_loop3A_520 = arith.constant 96 : index
        %parallel_loop3A_521 = tpu.vector_load %arg12[%parallel_loop3A_519, %parallel_loop3A_520] {strides = array<i32>} : memref<80x128xf32, #tpu.memory_space<vmem>>, vector<16xf32>,
        tpu.vector_store %arg12[%parallel_loop3A_519, %parallel_loop3A_520], %parallel_loop3A_518 {strides = array<i32>} : memref<80x128xf32, #tpu.memory_space<vmem>>, vector<16xf32>,
        %parallel_loop3A_522 = arith.constant 7 : i32
        %parallel_loop3A_523 = vector.broadcast %parallel_loop3A_522 : i32 to vector<16x1xi32>
        %parallel_loop3A_524 = vector.shape_cast %parallel_loop3A_523 : vector<16x1xi32> to vector<16xi32>
        %parallel_loop3A_525 = tpu.dynamic_gather %parallel_loop3A_444[%parallel_loop3A_524] in [0] : vector<16xf32>, vector<16xi32> -> vector<16xf32>
        %parallel_loop3A_526 = arith.index_cast %parallel_loop3A_439 : i32 to index
        %parallel_loop3A_527 = arith.constant 112 : index
        %parallel_loop3A_528 = tpu.vector_load %arg10[%parallel_loop3A_526, %parallel_loop3A_527] {strides = array<i32>} : memref<80x128xf32, #tpu.memory_space<vmem>>, vector<16xf32>,
        %parallel_loop3A_529 = arith.mulf %parallel_loop3A_525, %parallel_loop3A_528 : vector<16xf32>
        %parallel_loop3A_530 = arith.index_cast %parallel_loop3A_439 : i32 to index
        %parallel_loop3A_531 = arith.constant 112 : index
        %parallel_loop3A_532 = tpu.vector_load %arg12[%parallel_loop3A_530, %parallel_loop3A_531] {strides = array<i32>} : memref<80x128xf32, #tpu.memory_space<vmem>>, vector<16xf32>,
        tpu.vector_store %arg12[%parallel_loop3A_530, %parallel_loop3A_531], %parallel_loop3A_529 {strides = array<i32>} : memref<80x128xf32, #tpu.memory_space<vmem>>, vector<16xf32>,
      } {sc.loop_unroll_factor = 8 : i64, sc.parallel_access}
      %dma_start3A_431 = arith.constant 1 : i32
      %dma_start3A_432 = arith.constant 0 : i32
      %dma_start3A_433 = tpu.memref_slice %arg8[%dma_start3A_431, %dma_start3A_432] : memref<2x80xi32, #tpu.memory_space<vmem>> -> memref<1x80xi32, #tpu.memory_space<vmem>>
      %dma_start3A_434 = tpu.memref_squeeze %dma_start3A_433 : memref<1x80xi32, #tpu.memory_space<vmem>> -> memref<80xi32, #tpu.memory_space<vmem>>
      %dma_start3A_435 = arith.constant 0 : i32
      %dma_start3A_436 = arith.constant 0 : i32
      %dma_start3A_437 = tpu.memref_slice %arg13[%dma_start3A_435, %dma_start3A_436] : memref<10000x128xf32, #tpu.memory_space<vmem_shared>> -> memref<10000x128xf32, #tpu.memory_space<vmem_shared>>
      tpu.enqueue_indirect_dma source(%arg12 : memref<80x128xf32, #tpu.memory_space<vmem>>) target(%dma_start3A_437 : memref<10000x128xf32, #tpu.memory_space<vmem_shared>>) offsets(%dma_start3A_434 : memref<80xi32, #tpu.memory_space<vmem>>) semaphore(%arg16 : memref<!tpu.dma_semaphore, #tpu.memory_space<semaphore_mem>>) {add = true}
      %scan3A_438 = arith.constant 0 : i32
      scf.yield %scan3A_438 : i32
    }
    %scan3A_57 = arith.constant 62 : i32
    %dma_wait3A = arith.constant 0 : i32
    %dma_wait3A_58 = arith.constant 0 : i32
    %dma_wait3A_59 = tpu.memref_slice %arg8[%dma_wait3A, %dma_wait3A_58] : memref<2x80xi32, #tpu.memory_space<vmem>> -> memref<1x80xi32, #tpu.memory_space<vmem>>
    %dma_wait3A_60 = tpu.memref_squeeze %dma_wait3A_59 : memref<1x80xi32, #tpu.memory_space<vmem>> -> memref<80xi32, #tpu.memory_space<vmem>>
    %dma_wait3A_61 = arith.constant 0 : i32
    %dma_wait3A_62 = tpu.memref_slice %arg5[%dma_wait3A_61] : memref<320000xi32, #tpu.memory_space<hbm>> -> memref<80xi32, #tpu.memory_space<hbm>>
    %dma_wait3A_63 = arith.constant 0 : i32
    %dma_wait3A_64 = tpu.memref_slice %arg8[%dma_wait3A, %dma_wait3A_63] : memref<2x80xi32, #tpu.memory_space<vmem>> -> memref<1x80xi32, #tpu.memory_space<vmem>>
    %dma_wait3A_65 = tpu.memref_squeeze %dma_wait3A_64 : memref<1x80xi32, #tpu.memory_space<vmem>> -> memref<80xi32, #tpu.memory_space<vmem>>
    %dma_wait3A_66 = arith.constant 0 : i32
    %dma_wait3A_67 = tpu.memref_slice %arg5[%dma_wait3A_66] : memref<320000xi32, #tpu.memory_space<hbm>> -> memref<80xi32, #tpu.memory_space<hbm>>
    tpu.wait_dma2 semaphore(%arg17 : memref<!tpu.dma_semaphore, #tpu.memory_space<semaphore_mem>>) src(%dma_wait3A_67 : memref<80xi32, #tpu.memory_space<hbm>>) dst(%dma_wait3A_65 : memref<80xi32, #tpu.memory_space<vmem>>)
    %dma_wait3A_68 = arith.constant 0 : i32
    %dma_wait3A_69 = arith.constant 0 : i32
    %dma_wait3A_70 = tpu.memref_slice %arg9[%dma_wait3A_68, %dma_wait3A_69] : memref<2x80xi32, #tpu.memory_space<vmem>> -> memref<1x80xi32, #tpu.memory_space<vmem>>
    %dma_wait3A_71 = tpu.memref_squeeze %dma_wait3A_70 : memref<1x80xi32, #tpu.memory_space<vmem>> -> memref<80xi32, #tpu.memory_space<vmem>>
    %dma_wait3A_72 = arith.constant 0 : i32
    %dma_wait3A_73 = tpu.memref_slice %arg4[%dma_wait3A_72] : memref<320000xi32, #tpu.memory_space<hbm>> -> memref<80xi32, #tpu.memory_space<hbm>>
    %dma_wait3A_74 = arith.constant 0 : i32
    %dma_wait3A_75 = tpu.memref_slice %arg9[%dma_wait3A_68, %dma_wait3A_74] : memref<2x80xi32, #tpu.memory_space<vmem>> -> memref<1x80xi32, #tpu.memory_space<vmem>>
    %dma_wait3A_76 = tpu.memref_squeeze %dma_wait3A_75 : memref<1x80xi32, #tpu.memory_space<vmem>> -> memref<80xi32, #tpu.memory_space<vmem>>
    %dma_wait3A_77 = arith.constant 0 : i32
    %dma_wait3A_78 = tpu.memref_slice %arg4[%dma_wait3A_77] : memref<320000xi32, #tpu.memory_space<hbm>> -> memref<80xi32, #tpu.memory_space<hbm>>
    tpu.wait_dma2 semaphore(%arg17 : memref<!tpu.dma_semaphore, #tpu.memory_space<semaphore_mem>>) src(%dma_wait3A_78 : memref<80xi32, #tpu.memory_space<hbm>>) dst(%dma_wait3A_76 : memref<80xi32, #tpu.memory_space<vmem>>)
    %dma_wait3A_79 = arith.constant 0 : i32
    %dma_wait3A_80 = arith.constant 0 : i32
    %dma_wait3A_81 = arith.constant 0 : i32
    %dma_wait3A_82 = tpu.memref_slice %arg11[%dma_wait3A_79, %dma_wait3A_80, %dma_wait3A_81] : memref<2x80x16xf32, #tpu.memory_space<vmem>> -> memref<1x80x16xf32, #tpu.memory_space<vmem>>
    %dma_wait3A_83 = tpu.memref_squeeze %dma_wait3A_82 : memref<1x80x16xf32, #tpu.memory_space<vmem>> -> memref<80x16xf32, #tpu.memory_space<vmem>>
    %dma_wait3A_84 = arith.constant 0 : i32
    %dma_wait3A_85 = arith.constant 0 : i32
    %dma_wait3A_86 = tpu.memref_slice %arg3[%dma_wait3A_84, %dma_wait3A_85] : memref<320000x16xf32, #tpu.memory_space<hbm>> -> memref<80x16xf32, #tpu.memory_space<hbm>>
    %dma_wait3A_87 = arith.constant 0 : i32
    %dma_wait3A_88 = arith.constant 0 : i32
    %dma_wait3A_89 = tpu.memref_slice %arg11[%dma_wait3A_79, %dma_wait3A_87, %dma_wait3A_88] : memref<2x80x16xf32, #tpu.memory_space<vmem>> -> memref<1x80x16xf32, #tpu.memory_space<vmem>>
    %dma_wait3A_90 = tpu.memref_squeeze %dma_wait3A_89 : memref<1x80x16xf32, #tpu.memory_space<vmem>> -> memref<80x16xf32, #tpu.memory_space<vmem>>
    %dma_wait3A_91 = arith.constant 0 : i32
    %dma_wait3A_92 = arith.constant 0 : i32
    %dma_wait3A_93 = tpu.memref_slice %arg3[%dma_wait3A_91, %dma_wait3A_92] : memref<320000x16xf32, #tpu.memory_space<hbm>> -> memref<80x16xf32, #tpu.memory_space<hbm>>
    tpu.wait_dma2 semaphore(%arg17 : memref<!tpu.dma_semaphore, #tpu.memory_space<semaphore_mem>>) src(%dma_wait3A_93 : memref<80x16xf32, #tpu.memory_space<hbm>>) dst(%dma_wait3A_90 : memref<80x16xf32, #tpu.memory_space<vmem>>)
    %dma_start3A_94 = arith.constant 0 : i32
    %dma_start3A_95 = arith.constant 0 : i32
    %dma_start3A_96 = tpu.memref_slice %arg9[%dma_start3A_94, %dma_start3A_95] : memref<2x80xi32, #tpu.memory_space<vmem>> -> memref<1x80xi32, #tpu.memory_space<vmem>>
    %dma_start3A_97 = tpu.memref_squeeze %dma_start3A_96 : memref<1x80xi32, #tpu.memory_space<vmem>> -> memref<80xi32, #tpu.memory_space<vmem>>
    %dma_start3A_98 = arith.constant 0 : i32
    %dma_start3A_99 = arith.constant 0 : i32
    %dma_start3A_100 = tpu.memref_slice %arg2[%dma_start3A_98, %dma_start3A_99] : memref<10000x128xf32, #tpu.memory_space<hbm>> -> memref<10000x128xf32, #tpu.memory_space<hbm>>
    tpu.enqueue_indirect_dma source(%dma_start3A_100 : memref<10000x128xf32, #tpu.memory_space<hbm>>) target(%arg10 : memref<80x128xf32, #tpu.memory_space<vmem>>) offsets(%dma_start3A_97 : memref<80xi32, #tpu.memory_space<vmem>>) semaphore(%arg14 : memref<!tpu.dma_semaphore, #tpu.memory_space<semaphore_mem>>)
    %dma_wait3A_101 = arith.constant 0 : i32
    %dma_wait3A_102 = arith.constant 0 : i32
    %dma_wait3A_103 = tpu.memref_slice %arg6[%dma_wait3A_101, %dma_wait3A_102] : memref<10000x128xf32, #tpu.memory_space<hbm>> -> memref<80x128xf32, #tpu.memory_space<hbm>>
    %dma_wait3A_104 = arith.constant 0 : i32
    %dma_wait3A_105 = arith.constant 0 : i32
    %dma_wait3A_106 = tpu.memref_slice %arg6[%dma_wait3A_104, %dma_wait3A_105] : memref<10000x128xf32, #tpu.memory_space<hbm>> -> memref<80x128xf32, #tpu.memory_space<hbm>>
    tpu.wait_dma2 semaphore(%arg16 : memref<!tpu.dma_semaphore, #tpu.memory_space<semaphore_mem>>) src(%dma_wait3A_106 : memref<80x128xf32, #tpu.memory_space<hbm>>) dst(%arg12 : memref<80x128xf32, #tpu.memory_space<vmem>>)
    %min3A = arith.constant 125 : i32
    %min3A_107 = arith.constant 124 : i32
    %min3A_108 = arith.minsi %min3A, %min3A_107 : i32
    %mul3A_109 = arith.constant 80 : i32
    %mul3A_110 = arith.muli %min3A_108, %mul3A_109 : i32
    %add3A_111 = arith.addi %mul3A_13, %mul3A_110 : i32
    %multiple_of3A_112 = tpu.assume_multiple %add3A_111, 80 : i32
    %dma_start3A_113 = arith.constant 1 : i32
    %dma_start3A_114 = arith.constant 0 : i32
    %dma_start3A_115 = tpu.memref_slice %arg8[%dma_start3A_113, %dma_start3A_114] : memref<2x80xi32, #tpu.memory_space<vmem>> -> memref<1x80xi32, #tpu.memory_space<vmem>>
    %dma_start3A_116 = tpu.memref_squeeze %dma_start3A_115 : memref<1x80xi32, #tpu.memory_space<vmem>> -> memref<80xi32, #tpu.memory_space<vmem>>
    %dma_start3A_117 = tpu.memref_slice %arg5[%multiple_of3A_112] : memref<320000xi32, #tpu.memory_space<hbm>> -> memref<80xi32, #tpu.memory_space<hbm>>
    %dma_start3A_118 = arith.constant 0 : i32
    %dma_start3A_119 = tpu.memref_slice %arg8[%dma_start3A_113, %dma_start3A_118] : memref<2x80xi32, #tpu.memory_space<vmem>> -> memref<1x80xi32, #tpu.memory_space<vmem>>
    %dma_start3A_120 = tpu.memref_squeeze %dma_start3A_119 : memref<1x80xi32, #tpu.memory_space<vmem>> -> memref<80xi32, #tpu.memory_space<vmem>>
    %dma_start3A_121 = tpu.memref_slice %arg5[%multiple_of3A_112] : memref<320000xi32, #tpu.memory_space<hbm>> -> memref<80xi32, #tpu.memory_space<hbm>>
    tpu.enqueue_dma source(%dma_start3A_121 : memref<80xi32, #tpu.memory_space<hbm>>) target(%dma_start3A_120 : memref<80xi32, #tpu.memory_space<vmem>>) target_semaphore(%arg15 : memref<!tpu.dma_semaphore, #tpu.memory_space<semaphore_mem>>)
    %dma_start3A_122 = arith.constant 1 : i32
    %dma_start3A_123 = arith.constant 0 : i32
    %dma_start3A_124 = tpu.memref_slice %arg9[%dma_start3A_122, %dma_start3A_123] : memref<2x80xi32, #tpu.memory_space<vmem>> -> memref<1x80xi32, #tpu.memory_space<vmem>>
    %dma_start3A_125 = tpu.memref_squeeze %dma_start3A_124 : memref<1x80xi32, #tpu.memory_space<vmem>> -> memref<80xi32, #tpu.memory_space<vmem>>
    %dma_start3A_126 = tpu.memref_slice %arg4[%multiple_of3A_112] : memref<320000xi32, #tpu.memory_space<hbm>> -> memref<80xi32, #tpu.memory_space<hbm>>
    %dma_start3A_127 = arith.constant 0 : i32
    %dma_start3A_128 = tpu.memref_slice %arg9[%dma_start3A_122, %dma_start3A_127] : memref<2x80xi32, #tpu.memory_space<vmem>> -> memref<1x80xi32, #tpu.memory_space<vmem>>
    %dma_start3A_129 = tpu.memref_squeeze %dma_start3A_128 : memref<1x80xi32, #tpu.memory_space<vmem>> -> memref<80xi32, #tpu.memory_space<vmem>>
    %dma_start3A_130 = tpu.memref_slice %arg4[%multiple_of3A_112] : memref<320000xi32, #tpu.memory_space<hbm>> -> memref<80xi32, #tpu.memory_space<hbm>>
    tpu.enqueue_dma source(%dma_start3A_130 : memref<80xi32, #tpu.memory_space<hbm>>) target(%dma_start3A_129 : memref<80xi32, #tpu.memory_space<vmem>>) target_semaphore(%arg15 : memref<!tpu.dma_semaphore, #tpu.memory_space<semaphore_mem>>)
    %dma_start3A_131 = arith.constant 1 : i32
    %dma_start3A_132 = arith.constant 0 : i32
    %dma_start3A_133 = arith.constant 0 : i32
    %dma_start3A_134 = tpu.memref_slice %arg11[%dma_start3A_131, %dma_start3A_132, %dma_start3A_133] : memref<2x80x16xf32, #tpu.memory_space<vmem>> -> memref<1x80x16xf32, #tpu.memory_space<vmem>>
    %dma_start3A_135 = tpu.memref_squeeze %dma_start3A_134 : memref<1x80x16xf32, #tpu.memory_space<vmem>> -> memref<80x16xf32, #tpu.memory_space<vmem>>
    %dma_start3A_136 = arith.constant 0 : i32
    %dma_start3A_137 = tpu.memref_slice %arg3[%multiple_of3A_112, %dma_start3A_136] : memref<320000x16xf32, #tpu.memory_space<hbm>> -> memref<80x16xf32, #tpu.memory_space<hbm>>
    %dma_start3A_138 = arith.constant 0 : i32
    %dma_start3A_139 = arith.constant 0 : i32
    %dma_start3A_140 = tpu.memref_slice %arg11[%dma_start3A_131, %dma_start3A_138, %dma_start3A_139] : memref<2x80x16xf32, #tpu.memory_space<vmem>> -> memref<1x80x16xf32, #tpu.memory_space<vmem>>
    %dma_start3A_141 = tpu.memref_squeeze %dma_start3A_140 : memref<1x80x16xf32, #tpu.memory_space<vmem>> -> memref<80x16xf32, #tpu.memory_space<vmem>>
    %dma_start3A_142 = arith.constant 0 : i32
    %dma_start3A_143 = tpu.memref_slice %arg3[%multiple_of3A_112, %dma_start3A_142] : memref<320000x16xf32, #tpu.memory_space<hbm>> -> memref<80x16xf32, #tpu.memory_space<hbm>>
    tpu.enqueue_dma source(%dma_start3A_143 : memref<80x16xf32, #tpu.memory_space<hbm>>) target(%dma_start3A_141 : memref<80x16xf32, #tpu.memory_space<vmem>>) target_semaphore(%arg15 : memref<!tpu.dma_semaphore, #tpu.memory_space<semaphore_mem>>)
    %dma_wait3A_144 = arith.constant 0 : i32
    %dma_wait3A_145 = arith.constant 0 : i32
    %dma_wait3A_146 = tpu.memref_slice %arg9[%dma_wait3A_144, %dma_wait3A_145] : memref<2x80xi32, #tpu.memory_space<vmem>> -> memref<1x80xi32, #tpu.memory_space<vmem>>
    %dma_wait3A_147 = tpu.memref_squeeze %dma_wait3A_146 : memref<1x80xi32, #tpu.memory_space<vmem>> -> memref<80xi32, #tpu.memory_space<vmem>>
    %dma_wait3A_148 = arith.constant 0 : i32
    %dma_wait3A_149 = arith.constant 0 : i32
    %dma_wait3A_150 = tpu.memref_slice %arg2[%dma_wait3A_148, %dma_wait3A_149] : memref<10000x128xf32, #tpu.memory_space<hbm>> -> memref<10000x128xf32, #tpu.memory_space<hbm>>
    tpu.wait_indirect_dma semaphore(%arg14 : memref<!tpu.dma_semaphore, #tpu.memory_space<semaphore_mem>>) src(%dma_wait3A_150 : memref<10000x128xf32, #tpu.memory_space<hbm>>) dst(%arg10 : memref<80x128xf32, #tpu.memory_space<vmem>>)
    %parallel_loop3A = arith.constant 0 : i32
    %parallel_loop3A_151 = arith.constant 80 : i32
    %parallel_loop3A_152 = arith.constant 1 : i32
    scf.for %parallel_loop3A_218 = %parallel_loop3A to %parallel_loop3A_151 step %parallel_loop3A_152  : i32 {
      %parallel_loop3A_219 = arith.constant 0 : i32
      %parallel_loop3A_220 = arith.index_cast %parallel_loop3A_219 : i32 to index
      %parallel_loop3A_221 = arith.index_cast %parallel_loop3A_218 : i32 to index
      %parallel_loop3A_222 = arith.constant 0 : index
      %parallel_loop3A_223 = tpu.vector_load %arg11[%parallel_loop3A_220, %parallel_loop3A_221, %parallel_loop3A_222] {strides = array<i32>} : memref<2x80x16xf32, #tpu.memory_space<vmem>>, vector<16xf32>,
      %parallel_loop3A_224 = arith.constant 0 : i32
      %parallel_loop3A_225 = vector.broadcast %parallel_loop3A_224 : i32 to vector<16x1xi32>
      %parallel_loop3A_226 = vector.shape_cast %parallel_loop3A_225 : vector<16x1xi32> to vector<16xi32>
      %parallel_loop3A_227 = tpu.dynamic_gather %parallel_loop3A_223[%parallel_loop3A_226] in [0] : vector<16xf32>, vector<16xi32> -> vector<16xf32>
      %parallel_loop3A_228 = arith.index_cast %parallel_loop3A_218 : i32 to index
      %parallel_loop3A_229 = arith.constant 0 : index
      %parallel_loop3A_230 = tpu.vector_load %arg10[%parallel_loop3A_228, %parallel_loop3A_229] {strides = array<i32>} : memref<80x128xf32, #tpu.memory_space<vmem>>, vector<16xf32>,
      %parallel_loop3A_231 = arith.mulf %parallel_loop3A_227, %parallel_loop3A_230 : vector<16xf32>
      %parallel_loop3A_232 = arith.index_cast %parallel_loop3A_218 : i32 to index
      %parallel_loop3A_233 = arith.constant 0 : index
      %parallel_loop3A_234 = tpu.vector_load %arg12[%parallel_loop3A_232, %parallel_loop3A_233] {strides = array<i32>} : memref<80x128xf32, #tpu.memory_space<vmem>>, vector<16xf32>,
      tpu.vector_store %arg12[%parallel_loop3A_232, %parallel_loop3A_233], %parallel_loop3A_231 {strides = array<i32>} : memref<80x128xf32, #tpu.memory_space<vmem>>, vector<16xf32>,
      %parallel_loop3A_235 = arith.constant 1 : i32
      %parallel_loop3A_236 = vector.broadcast %parallel_loop3A_235 : i32 to vector<16x1xi32>
      %parallel_loop3A_237 = vector.shape_cast %parallel_loop3A_236 : vector<16x1xi32> to vector<16xi32>
      %parallel_loop3A_238 = tpu.dynamic_gather %parallel_loop3A_223[%parallel_loop3A_237] in [0] : vector<16xf32>, vector<16xi32> -> vector<16xf32>
      %parallel_loop3A_239 = arith.index_cast %parallel_loop3A_218 : i32 to index
      %parallel_loop3A_240 = arith.constant 16 : index
      %parallel_loop3A_241 = tpu.vector_load %arg10[%parallel_loop3A_239, %parallel_loop3A_240] {strides = array<i32>} : memref<80x128xf32, #tpu.memory_space<vmem>>, vector<16xf32>,
      %parallel_loop3A_242 = arith.mulf %parallel_loop3A_238, %parallel_loop3A_241 : vector<16xf32>
      %parallel_loop3A_243 = arith.index_cast %parallel_loop3A_218 : i32 to index
      %parallel_loop3A_244 = arith.constant 16 : index
      %parallel_loop3A_245 = tpu.vector_load %arg12[%parallel_loop3A_243, %parallel_loop3A_244] {strides = array<i32>} : memref<80x128xf32, #tpu.memory_space<vmem>>, vector<16xf32>,
      tpu.vector_store %arg12[%parallel_loop3A_243, %parallel_loop3A_244], %parallel_loop3A_242 {strides = array<i32>} : memref<80x128xf32, #tpu.memory_space<vmem>>, vector<16xf32>,
      %parallel_loop3A_246 = arith.constant 2 : i32
      %parallel_loop3A_247 = vector.broadcast %parallel_loop3A_246 : i32 to vector<16x1xi32>
      %parallel_loop3A_248 = vector.shape_cast %parallel_loop3A_247 : vector<16x1xi32> to vector<16xi32>
      %parallel_loop3A_249 = tpu.dynamic_gather %parallel_loop3A_223[%parallel_loop3A_248] in [0] : vector<16xf32>, vector<16xi32> -> vector<16xf32>
      %parallel_loop3A_250 = arith.index_cast %parallel_loop3A_218 : i32 to index
      %parallel_loop3A_251 = arith.constant 32 : index
      %parallel_loop3A_252 = tpu.vector_load %arg10[%parallel_loop3A_250, %parallel_loop3A_251] {strides = array<i32>} : memref<80x128xf32, #tpu.memory_space<vmem>>, vector<16xf32>,
      %parallel_loop3A_253 = arith.mulf %parallel_loop3A_249, %parallel_loop3A_252 : vector<16xf32>
      %parallel_loop3A_254 = arith.index_cast %parallel_loop3A_218 : i32 to index
      %parallel_loop3A_255 = arith.constant 32 : index
      %parallel_loop3A_256 = tpu.vector_load %arg12[%parallel_loop3A_254, %parallel_loop3A_255] {strides = array<i32>} : memref<80x128xf32, #tpu.memory_space<vmem>>, vector<16xf32>,
      tpu.vector_store %arg12[%parallel_loop3A_254, %parallel_loop3A_255], %parallel_loop3A_253 {strides = array<i32>} : memref<80x128xf32, #tpu.memory_space<vmem>>, vector<16xf32>,
      %parallel_loop3A_257 = arith.constant 3 : i32
      %parallel_loop3A_258 = vector.broadcast %parallel_loop3A_257 : i32 to vector<16x1xi32>
      %parallel_loop3A_259 = vector.shape_cast %parallel_loop3A_258 : vector<16x1xi32> to vector<16xi32>
      %parallel_loop3A_260 = tpu.dynamic_gather %parallel_loop3A_223[%parallel_loop3A_259] in [0] : vector<16xf32>, vector<16xi32> -> vector<16xf32>
      %parallel_loop3A_261 = arith.index_cast %parallel_loop3A_218 : i32 to index
      %parallel_loop3A_262 = arith.constant 48 : index
      %parallel_loop3A_263 = tpu.vector_load %arg10[%parallel_loop3A_261, %parallel_loop3A_262] {strides = array<i32>} : memref<80x128xf32, #tpu.memory_space<vmem>>, vector<16xf32>,
      %parallel_loop3A_264 = arith.mulf %parallel_loop3A_260, %parallel_loop3A_263 : vector<16xf32>
      %parallel_loop3A_265 = arith.index_cast %parallel_loop3A_218 : i32 to index
      %parallel_loop3A_266 = arith.constant 48 : index
      %parallel_loop3A_267 = tpu.vector_load %arg12[%parallel_loop3A_265, %parallel_loop3A_266] {strides = array<i32>} : memref<80x128xf32, #tpu.memory_space<vmem>>, vector<16xf32>,
      tpu.vector_store %arg12[%parallel_loop3A_265, %parallel_loop3A_266], %parallel_loop3A_264 {strides = array<i32>} : memref<80x128xf32, #tpu.memory_space<vmem>>, vector<16xf32>,
      %parallel_loop3A_268 = arith.constant 4 : i32
      %parallel_loop3A_269 = vector.broadcast %parallel_loop3A_268 : i32 to vector<16x1xi32>
      %parallel_loop3A_270 = vector.shape_cast %parallel_loop3A_269 : vector<16x1xi32> to vector<16xi32>
      %parallel_loop3A_271 = tpu.dynamic_gather %parallel_loop3A_223[%parallel_loop3A_270] in [0] : vector<16xf32>, vector<16xi32> -> vector<16xf32>
      %parallel_loop3A_272 = arith.index_cast %parallel_loop3A_218 : i32 to index
      %parallel_loop3A_273 = arith.constant 64 : index
      %parallel_loop3A_274 = tpu.vector_load %arg10[%parallel_loop3A_272, %parallel_loop3A_273] {strides = array<i32>} : memref<80x128xf32, #tpu.memory_space<vmem>>, vector<16xf32>,
      %parallel_loop3A_275 = arith.mulf %parallel_loop3A_271, %parallel_loop3A_274 : vector<16xf32>
      %parallel_loop3A_276 = arith.index_cast %parallel_loop3A_218 : i32 to index
      %parallel_loop3A_277 = arith.constant 64 : index
      %parallel_loop3A_278 = tpu.vector_load %arg12[%parallel_loop3A_276, %parallel_loop3A_277] {strides = array<i32>} : memref<80x128xf32, #tpu.memory_space<vmem>>, vector<16xf32>,
      tpu.vector_store %arg12[%parallel_loop3A_276, %parallel_loop3A_277], %parallel_loop3A_275 {strides = array<i32>} : memref<80x128xf32, #tpu.memory_space<vmem>>, vector<16xf32>,
      %parallel_loop3A_279 = arith.constant 5 : i32
      %parallel_loop3A_280 = vector.broadcast %parallel_loop3A_279 : i32 to vector<16x1xi32>
      %parallel_loop3A_281 = vector.shape_cast %parallel_loop3A_280 : vector<16x1xi32> to vector<16xi32>
      %parallel_loop3A_282 = tpu.dynamic_gather %parallel_loop3A_223[%parallel_loop3A_281] in [0] : vector<16xf32>, vector<16xi32> -> vector<16xf32>
      %parallel_loop3A_283 = arith.index_cast %parallel_loop3A_218 : i32 to index
      %parallel_loop3A_284 = arith.constant 80 : index
      %parallel_loop3A_285 = tpu.vector_load %arg10[%parallel_loop3A_283, %parallel_loop3A_284] {strides = array<i32>} : memref<80x128xf32, #tpu.memory_space<vmem>>, vector<16xf32>,
      %parallel_loop3A_286 = arith.mulf %parallel_loop3A_282, %parallel_loop3A_285 : vector<16xf32>
      %parallel_loop3A_287 = arith.index_cast %parallel_loop3A_218 : i32 to index
      %parallel_loop3A_288 = arith.constant 80 : index
      %parallel_loop3A_289 = tpu.vector_load %arg12[%parallel_loop3A_287, %parallel_loop3A_288] {strides = array<i32>} : memref<80x128xf32, #tpu.memory_space<vmem>>, vector<16xf32>,
      tpu.vector_store %arg12[%parallel_loop3A_287, %parallel_loop3A_288], %parallel_loop3A_286 {strides = array<i32>} : memref<80x128xf32, #tpu.memory_space<vmem>>, vector<16xf32>,
      %parallel_loop3A_290 = arith.constant 6 : i32
      %parallel_loop3A_291 = vector.broadcast %parallel_loop3A_290 : i32 to vector<16x1xi32>
      %parallel_loop3A_292 = vector.shape_cast %parallel_loop3A_291 : vector<16x1xi32> to vector<16xi32>
      %parallel_loop3A_293 = tpu.dynamic_gather %parallel_loop3A_223[%parallel_loop3A_292] in [0] : vector<16xf32>, vector<16xi32> -> vector<16xf32>
      %parallel_loop3A_294 = arith.index_cast %parallel_loop3A_218 : i32 to index
      %parallel_loop3A_295 = arith.constant 96 : index
      %parallel_loop3A_296 = tpu.vector_load %arg10[%parallel_loop3A_294, %parallel_loop3A_295] {strides = array<i32>} : memref<80x128xf32, #tpu.memory_space<vmem>>, vector<16xf32>,
      %parallel_loop3A_297 = arith.mulf %parallel_loop3A_293, %parallel_loop3A_296 : vector<16xf32>
      %parallel_loop3A_298 = arith.index_cast %parallel_loop3A_218 : i32 to index
      %parallel_loop3A_299 = arith.constant 96 : index
      %parallel_loop3A_300 = tpu.vector_load %arg12[%parallel_loop3A_298, %parallel_loop3A_299] {strides = array<i32>} : memref<80x128xf32, #tpu.memory_space<vmem>>, vector<16xf32>,
      tpu.vector_store %arg12[%parallel_loop3A_298, %parallel_loop3A_299], %parallel_loop3A_297 {strides = array<i32>} : memref<80x128xf32, #tpu.memory_space<vmem>>, vector<16xf32>,
      %parallel_loop3A_301 = arith.constant 7 : i32
      %parallel_loop3A_302 = vector.broadcast %parallel_loop3A_301 : i32 to vector<16x1xi32>
      %parallel_loop3A_303 = vector.shape_cast %parallel_loop3A_302 : vector<16x1xi32> to vector<16xi32>
      %parallel_loop3A_304 = tpu.dynamic_gather %parallel_loop3A_223[%parallel_loop3A_303] in [0] : vector<16xf32>, vector<16xi32> -> vector<16xf32>
      %parallel_loop3A_305 = arith.index_cast %parallel_loop3A_218 : i32 to index
      %parallel_loop3A_306 = arith.constant 112 : index
      %parallel_loop3A_307 = tpu.vector_load %arg10[%parallel_loop3A_305, %parallel_loop3A_306] {strides = array<i32>} : memref<80x128xf32, #tpu.memory_space<vmem>>, vector<16xf32>,
      %parallel_loop3A_308 = arith.mulf %parallel_loop3A_304, %parallel_loop3A_307 : vector<16xf32>
      %parallel_loop3A_309 = arith.index_cast %parallel_loop3A_218 : i32 to index
      %parallel_loop3A_310 = arith.constant 112 : index
      %parallel_loop3A_311 = tpu.vector_load %arg12[%parallel_loop3A_309, %parallel_loop3A_310] {strides = array<i32>} : memref<80x128xf32, #tpu.memory_space<vmem>>, vector<16xf32>,
      tpu.vector_store %arg12[%parallel_loop3A_309, %parallel_loop3A_310], %parallel_loop3A_308 {strides = array<i32>} : memref<80x128xf32, #tpu.memory_space<vmem>>, vector<16xf32>,
    } {sc.loop_unroll_factor = 8 : i64, sc.parallel_access}
    %dma_start3A_153 = arith.constant 0 : i32
    %dma_start3A_154 = arith.constant 0 : i32
    %dma_start3A_155 = tpu.memref_slice %arg8[%dma_start3A_153, %dma_start3A_154] : memref<2x80xi32, #tpu.memory_space<vmem>> -> memref<1x80xi32, #tpu.memory_space<vmem>>
    %dma_start3A_156 = tpu.memref_squeeze %dma_start3A_155 : memref<1x80xi32, #tpu.memory_space<vmem>> -> memref<80xi32, #tpu.memory_space<vmem>>
    %dma_start3A_157 = arith.constant 0 : i32
    %dma_start3A_158 = arith.constant 0 : i32
    %dma_start3A_159 = tpu.memref_slice %arg13[%dma_start3A_157, %dma_start3A_158] : memref<10000x128xf32, #tpu.memory_space<vmem_shared>> -> memref<10000x128xf32, #tpu.memory_space<vmem_shared>>
    tpu.enqueue_indirect_dma source(%arg12 : memref<80x128xf32, #tpu.memory_space<vmem>>) target(%dma_start3A_159 : memref<10000x128xf32, #tpu.memory_space<vmem_shared>>) offsets(%dma_start3A_156 : memref<80xi32, #tpu.memory_space<vmem>>) semaphore(%arg16 : memref<!tpu.dma_semaphore, #tpu.memory_space<semaphore_mem>>) {add = true}
    %dma_wait3A_160 = arith.constant 1 : i32
    %dma_wait3A_161 = arith.constant 0 : i32
    %dma_wait3A_162 = tpu.memref_slice %arg8[%dma_wait3A_160, %dma_wait3A_161] : memref<2x80xi32, #tpu.memory_space<vmem>> -> memref<1x80xi32, #tpu.memory_space<vmem>>
    %dma_wait3A_163 = tpu.memref_squeeze %dma_wait3A_162 : memref<1x80xi32, #tpu.memory_space<vmem>> -> memref<80xi32, #tpu.memory_space<vmem>>
    %dma_wait3A_164 = arith.constant 0 : i32
    %dma_wait3A_165 = tpu.memref_slice %arg5[%dma_wait3A_164] : memref<320000xi32, #tpu.memory_space<hbm>> -> memref<80xi32, #tpu.memory_space<hbm>>
    %dma_wait3A_166 = arith.constant 0 : i32
    %dma_wait3A_167 = tpu.memref_slice %arg8[%dma_wait3A_160, %dma_wait3A_166] : memref<2x80xi32, #tpu.memory_space<vmem>> -> memref<1x80xi32, #tpu.memory_space<vmem>>
    %dma_wait3A_168 = tpu.memref_squeeze %dma_wait3A_167 : memref<1x80xi32, #tpu.memory_space<vmem>> -> memref<80xi32, #tpu.memory_space<vmem>>
    %dma_wait3A_169 = arith.constant 0 : i32
    %dma_wait3A_170 = tpu.memref_slice %arg5[%dma_wait3A_169] : memref<320000xi32, #tpu.memory_space<hbm>> -> memref<80xi32, #tpu.memory_space<hbm>>
    tpu.wait_dma2 semaphore(%arg15 : memref<!tpu.dma_semaphore, #tpu.memory_space<semaphore_mem>>) src(%dma_wait3A_170 : memref<80xi32, #tpu.memory_space<hbm>>) dst(%dma_wait3A_168 : memref<80xi32, #tpu.memory_space<vmem>>)
    %dma_wait3A_171 = arith.constant 1 : i32
    %dma_wait3A_172 = arith.constant 0 : i32
    %dma_wait3A_173 = tpu.memref_slice %arg9[%dma_wait3A_171, %dma_wait3A_172] : memref<2x80xi32, #tpu.memory_space<vmem>> -> memref<1x80xi32, #tpu.memory_space<vmem>>
    %dma_wait3A_174 = tpu.memref_squeeze %dma_wait3A_173 : memref<1x80xi32, #tpu.memory_space<vmem>> -> memref<80xi32, #tpu.memory_space<vmem>>
    %dma_wait3A_175 = arith.constant 0 : i32
    %dma_wait3A_176 = tpu.memref_slice %arg4[%dma_wait3A_175] : memref<320000xi32, #tpu.memory_space<hbm>> -> memref<80xi32, #tpu.memory_space<hbm>>
    %dma_wait3A_177 = arith.constant 0 : i32
    %dma_wait3A_178 = tpu.memref_slice %arg9[%dma_wait3A_171, %dma_wait3A_177] : memref<2x80xi32, #tpu.memory_space<vmem>> -> memref<1x80xi32, #tpu.memory_space<vmem>>
    %dma_wait3A_179 = tpu.memref_squeeze %dma_wait3A_178 : memref<1x80xi32, #tpu.memory_space<vmem>> -> memref<80xi32, #tpu.memory_space<vmem>>
    %dma_wait3A_180 = arith.constant 0 : i32
    %dma_wait3A_181 = tpu.memref_slice %arg4[%dma_wait3A_180] : memref<320000xi32, #tpu.memory_space<hbm>> -> memref<80xi32, #tpu.memory_space<hbm>>
    tpu.wait_dma2 semaphore(%arg15 : memref<!tpu.dma_semaphore, #tpu.memory_space<semaphore_mem>>) src(%dma_wait3A_181 : memref<80xi32, #tpu.memory_space<hbm>>) dst(%dma_wait3A_179 : memref<80xi32, #tpu.memory_space<vmem>>)
    %dma_wait3A_182 = arith.constant 1 : i32
    %dma_wait3A_183 = arith.constant 0 : i32
    %dma_wait3A_184 = arith.constant 0 : i32
    %dma_wait3A_185 = tpu.memref_slice %arg11[%dma_wait3A_182, %dma_wait3A_183, %dma_wait3A_184] : memref<2x80x16xf32, #tpu.memory_space<vmem>> -> memref<1x80x16xf32, #tpu.memory_space<vmem>>
    %dma_wait3A_186 = tpu.memref_squeeze %dma_wait3A_185 : memref<1x80x16xf32, #tpu.memory_space<vmem>> -> memref<80x16xf32, #tpu.memory_space<vmem>>
    %dma_wait3A_187 = arith.constant 0 : i32
    %dma_wait3A_188 = arith.constant 0 : i32
    %dma_wait3A_189 = tpu.memref_slice %arg3[%dma_wait3A_187, %dma_wait3A_188] : memref<320000x16xf32, #tpu.memory_space<hbm>> -> memref<80x16xf32, #tpu.memory_space<hbm>>
    %dma_wait3A_190 = arith.constant 0 : i32
    %dma_wait3A_191 = arith.constant 0 : i32
    %dma_wait3A_192 = tpu.memref_slice %arg11[%dma_wait3A_182, %dma_wait3A_190, %dma_wait3A_191] : memref<2x80x16xf32, #tpu.memory_space<vmem>> -> memref<1x80x16xf32, #tpu.memory_space<vmem>>
    %dma_wait3A_193 = tpu.memref_squeeze %dma_wait3A_192 : memref<1x80x16xf32, #tpu.memory_space<vmem>> -> memref<80x16xf32, #tpu.memory_space<vmem>>
    %dma_wait3A_194 = arith.constant 0 : i32
    %dma_wait3A_195 = arith.constant 0 : i32
    %dma_wait3A_196 = tpu.memref_slice %arg3[%dma_wait3A_194, %dma_wait3A_195] : memref<320000x16xf32, #tpu.memory_space<hbm>> -> memref<80x16xf32, #tpu.memory_space<hbm>>
    tpu.wait_dma2 semaphore(%arg15 : memref<!tpu.dma_semaphore, #tpu.memory_space<semaphore_mem>>) src(%dma_wait3A_196 : memref<80x16xf32, #tpu.memory_space<hbm>>) dst(%dma_wait3A_193 : memref<80x16xf32, #tpu.memory_space<vmem>>)
    %dma_wait3A_197 = arith.constant 0 : i32
    %dma_wait3A_198 = arith.constant 0 : i32
    %dma_wait3A_199 = tpu.memref_slice %arg6[%dma_wait3A_197, %dma_wait3A_198] : memref<10000x128xf32, #tpu.memory_space<hbm>> -> memref<80x128xf32, #tpu.memory_space<hbm>>
    %dma_wait3A_200 = arith.constant 0 : i32
    %dma_wait3A_201 = arith.constant 0 : i32
    %dma_wait3A_202 = tpu.memref_slice %arg6[%dma_wait3A_200, %dma_wait3A_201] : memref<10000x128xf32, #tpu.memory_space<hbm>> -> memref<80x128xf32, #tpu.memory_space<hbm>>
    tpu.wait_dma2 semaphore(%arg16 : memref<!tpu.dma_semaphore, #tpu.memory_space<semaphore_mem>>) src(%dma_wait3A_202 : memref<80x128xf32, #tpu.memory_space<hbm>>) dst(%arg12 : memref<80x128xf32, #tpu.memory_space<vmem>>)
    %barrier3A_203 = arith.constant 0 : index
    tpu.barrier barrier_id(%barrier3A_203)
    %add3A_204 = arith.constant 0 : i32
    %add3A_205 = arith.addi %arg1, %add3A_204 : i32
    %lt3A_206 = arith.constant 25 : i32
    %lt3A_207 = arith.cmpi slt, %add3A_205, %lt3A_206 : i32
    %convert_element_type3A_208 = arith.extui %lt3A_207 : i1 to i32
    %cond3A_209 = arith.constant 0 : i32
    %cond3A_210 = arith.cmpi ne, %convert_element_type3A_208, %cond3A_209 : i32
    scf.if %cond3A_210 {
      %mul3A_218 = arith.constant 400 : i32
      %mul3A_219 = arith.muli %add3A_205, %mul3A_218 : i32
      %multiple_of3A_220 = tpu.assume_multiple %mul3A_219, 400 : i32
      "tpu.region"() ({
        %run_scoped3A = tpu.sem_alloc : memref<!tpu.dma_semaphore, #tpu.memory_space<semaphore_mem>>
        %dma_start3A_221 = arith.constant 0 : i32
        %dma_start3A_222 = tpu.memref_slice %arg7[%arg0, %multiple_of3A_220, %dma_start3A_221] : memref<2x10000x128xf32, #tpu.memory_space<hbm>> -> memref<1x400x128xf32, #tpu.memory_space<hbm>>
        %dma_start3A_223 = tpu.memref_squeeze %dma_start3A_222 : memref<1x400x128xf32, #tpu.memory_space<hbm>> -> memref<400x128xf32, #tpu.memory_space<hbm>>
        %dma_start3A_224 = arith.constant 0 : i32
        %dma_start3A_225 = tpu.memref_slice %arg13[%multiple_of3A_220, %dma_start3A_224] : memref<10000x128xf32, #tpu.memory_space<vmem_shared>> -> memref<400x128xf32, #tpu.memory_space<vmem_shared>>
        tpu.enqueue_dma source(%dma_start3A_225 : memref<400x128xf32, #tpu.memory_space<vmem_shared>>) target(%dma_start3A_223 : memref<400x128xf32, #tpu.memory_space<hbm>>) target_semaphore(%run_scoped3A : memref<!tpu.dma_semaphore, #tpu.memory_space<semaphore_mem>>)
        %dma_wait3A_226 = arith.constant 0 : i32
        %dma_wait3A_227 = tpu.memref_slice %arg7[%arg0, %multiple_of3A_220, %dma_wait3A_226] : memref<2x10000x128xf32, #tpu.memory_space<hbm>> -> memref<1x400x128xf32, #tpu.memory_space<hbm>>
        %dma_wait3A_228 = tpu.memref_squeeze %dma_wait3A_227 : memref<1x400x128xf32, #tpu.memory_space<hbm>> -> memref<400x128xf32, #tpu.memory_space<hbm>>
        %dma_wait3A_229 = arith.constant 0 : i32
        %dma_wait3A_230 = tpu.memref_slice %arg13[%multiple_of3A_220, %dma_wait3A_229] : memref<10000x128xf32, #tpu.memory_space<vmem_shared>> -> memref<400x128xf32, #tpu.memory_space<vmem_shared>>
        tpu.wait_dma2 semaphore(%run_scoped3A : memref<!tpu.dma_semaphore, #tpu.memory_space<semaphore_mem>>) src(%dma_wait3A_230 : memref<400x128xf32, #tpu.memory_space<vmem_shared>>) dst(%dma_wait3A_228 : memref<400x128xf32, #tpu.memory_space<hbm>>)
        tpu.yield
      }) : () -> ()
    } else {
    }
    %add3A_211 = arith.constant 16 : i32
    %add3A_212 = arith.addi %arg1, %add3A_211 : i32
    %lt3A_213 = arith.constant 25 : i32
    %lt3A_214 = arith.cmpi slt, %add3A_212, %lt3A_213 : i32
    %convert_element_type3A_215 = arith.extui %lt3A_214 : i1 to i32
    %cond3A_216 = arith.constant 0 : i32
    %cond3A_217 = arith.cmpi ne, %convert_element_type3A_215, %cond3A_216 : i32
    scf.if %cond3A_217 {
      %mul3A_218 = arith.constant 400 : i32
      %mul3A_219 = arith.muli %add3A_212, %mul3A_218 : i32
      %multiple_of3A_220 = tpu.assume_multiple %mul3A_219, 400 : i32
      "tpu.region"() ({
        %run_scoped3A = tpu.sem_alloc : memref<!tpu.dma_semaphore, #tpu.memory_space<semaphore_mem>>
        %dma_start3A_221 = arith.constant 0 : i32
        %dma_start3A_222 = tpu.memref_slice %arg7[%arg0, %multiple_of3A_220, %dma_start3A_221] : memref<2x10000x128xf32, #tpu.memory_space<hbm>> -> memref<1x400x128xf32, #tpu.memory_space<hbm>>
        %dma_start3A_223 = tpu.memref_squeeze %dma_start3A_222 : memref<1x400x128xf32, #tpu.memory_space<hbm>> -> memref<400x128xf32, #tpu.memory_space<hbm>>
        %dma_start3A_224 = arith.constant 0 : i32
        %dma_start3A_225 = tpu.memref_slice %arg13[%multiple_of3A_220, %dma_start3A_224] : memref<10000x128xf32, #tpu.memory_space<vmem_shared>> -> memref<400x128xf32, #tpu.memory_space<vmem_shared>>
        tpu.enqueue_dma source(%dma_start3A_225 : memref<400x128xf32, #tpu.memory_space<vmem_shared>>) target(%dma_start3A_223 : memref<400x128xf32, #tpu.memory_space<hbm>>) target_semaphore(%run_scoped3A : memref<!tpu.dma_semaphore, #tpu.memory_space<semaphore_mem>>)
        %dma_wait3A_226 = arith.constant 0 : i32
        %dma_wait3A_227 = tpu.memref_slice %arg7[%arg0, %multiple_of3A_220, %dma_wait3A_226] : memref<2x10000x128xf32, #tpu.memory_space<hbm>> -> memref<1x400x128xf32, #tpu.memory_space<hbm>>
        %dma_wait3A_228 = tpu.memref_squeeze %dma_wait3A_227 : memref<1x400x128xf32, #tpu.memory_space<hbm>> -> memref<400x128xf32, #tpu.memory_space<hbm>>
        %dma_wait3A_229 = arith.constant 0 : i32
        %dma_wait3A_230 = tpu.memref_slice %arg13[%multiple_of3A_220, %dma_wait3A_229] : memref<10000x128xf32, #tpu.memory_space<vmem_shared>> -> memref<400x128xf32, #tpu.memory_space<vmem_shared>>
        tpu.wait_dma2 semaphore(%run_scoped3A : memref<!tpu.dma_semaphore, #tpu.memory_space<semaphore_mem>>) src(%dma_wait3A_230 : memref<400x128xf32, #tpu.memory_space<vmem_shared>>) dst(%dma_wait3A_228 : memref<400x128xf32, #tpu.memory_space<hbm>>)
        tpu.yield
      }) : () -> ()
    } else {
    }
    return
  }
}

module attributes {stable_mosaic.version = 14 : i64} {
  func.func @_ebias_body(%arg0: i32, %arg1: memref<8000x16xf32, #tpu.memory_space<vmem>>, %arg2: memref<16x8xf32, #tpu.memory_space<vmem>>, %arg3: memref<8xf32, #tpu.memory_space<vmem>>, %arg4: memref<8000x16xf32, #tpu.memory_space<vmem>>) attributes {dimension_semantics = [#tpu.dimension_semantics<arbitrary>], iteration_bounds = array<i64: 40>, scalar_prefetch = 0 : i64, scratch_operands = 0 : i64, tpu.core_type = #tpu.core_type<tc>, window_params = [{transform_indices = @transform_0, window_bounds = array<i64: 8000, 16>}, {pipeline_mode = #tpu.pipeline_mode<synchronous>, transform_indices = @transform_1, window_bounds = array<i64: 16, 8>}, {pipeline_mode = #tpu.pipeline_mode<synchronous>, transform_indices = @transform_2, window_bounds = array<i64: 8>}, {transform_indices = @transform_3, window_bounds = array<i64: 8000, 16>}]} {
    %get3A = arith.constant 0 : index
    %get3A_0 = arith.constant 0 : index
    %get3A_1 = vector.load %arg2[%get3A, %get3A_0] : memref<16x8xf32, #tpu.memory_space<vmem>>, vector<16x8xf32>
    %broadcast_in_dim3A = arith.constant 0.000000e+00 : f32
    %broadcast_in_dim3A_2 = vector.broadcast %broadcast_in_dim3A : f32 to vector<16x8xf32>
    %concatenate3A = tpu.concatenate %get3A_1, %broadcast_in_dim3A_2 in 1 : vector<16x8xf32>, vector<16x8xf32> -> vector<16x16xf32>
    %get3A_3 = arith.constant 0 : index
    %get3A_4 = vector.load %arg3[%get3A_3] : memref<8xf32, #tpu.memory_space<vmem>>, vector<8xf32>
    %broadcast_in_dim3A_5 = arith.constant 0.000000e+00 : f32
    %broadcast_in_dim3A_6 = vector.broadcast %broadcast_in_dim3A_5 : f32 to vector<8xf32>
    %concatenate3A_7 = tpu.concatenate %get3A_4, %broadcast_in_dim3A_6 in 0 : vector<8xf32>, vector<8xf32> -> vector<16xf32>
    %get3A_8 = arith.constant 0 : index
    %get3A_9 = arith.constant 0 : index
    %get3A_10 = vector.load %arg1[%get3A_8, %get3A_9] : memref<8000x16xf32, #tpu.memory_space<vmem>>, vector<8000x16xf32>
    %dot_general3A = arith.constant dense<0.000000e+00> : vector<8000x16xf32>
    %dot_general3A_11 = tpu.matmul %get3A_10, %concatenate3A, %dot_general3A {dimension_numbers = #tpu.dot_dimension_numbers<[1], [0], [0], [1], [0, 0, 1, 1], [], []>, transpose_lhs_hint = false} : vector<8000x16xf32>, vector<16x16xf32>, vector<8000x16xf32> -> vector<8000x16xf32>
    %broadcast_in_dim3A_12 = vector.shape_cast %concatenate3A_7 : vector<16xf32> to vector<1x16xf32>
    %add3A = vector.broadcast %broadcast_in_dim3A_12 : vector<1x16xf32> to vector<8000x16xf32>
    %add3A_13 = arith.addf %dot_general3A_11, %add3A : vector<8000x16xf32>
    %swap3A = arith.constant 0 : index
    %swap3A_14 = arith.constant 0 : index
    %swap3A_15 = vector.load %arg4[%swap3A, %swap3A_14] : memref<8000x16xf32, #tpu.memory_space<vmem>>, vector<8000x16xf32>
    tpu.vector_store %arg4[%swap3A, %swap3A_14], %add3A_13 {strides = array<i32>} : memref<8000x16xf32, #tpu.memory_space<vmem>>, vector<8000x16xf32>,
    return
  }
  func.func @transform_0(%arg0: i32) -> (i32, i32) {
    %c0_i32 = arith.constant 0 : i32
    %c0_i32_0 = arith.constant 0 : i32
    return %arg0, %c0_i32 : i32, i32
  }
  func.func @transform_1(%arg0: i32) -> (i32, i32) {
    %c0_i32 = arith.constant 0 : i32
    %c0_i32_0 = arith.constant 0 : i32
    %c0_i32_1 = arith.constant 0 : i32
    return %c0_i32, %c0_i32_0 : i32, i32
  }
  func.func @transform_2(%arg0: i32) -> i32 {
    %c0_i32 = arith.constant 0 : i32
    %c0_i32_0 = arith.constant 0 : i32
    return %c0_i32 : i32
  }
  func.func @transform_3(%arg0: i32) -> (i32, i32) {
    %c0_i32 = arith.constant 0 : i32
    %c0_i32_0 = arith.constant 0 : i32
    return %arg0, %c0_i32 : i32, i32
  }
}

module attributes {stable_mosaic.version = 14 : i64} {
  func.func @_qkv_body(%arg0: i32, %arg1: memref<2000x128xf32, #tpu.memory_space<vmem>>, %arg2: memref<128x128xf32, #tpu.memory_space<vmem>>, %arg3: memref<128xf32, #tpu.memory_space<vmem>>, %arg4: memref<128x128xf32, #tpu.memory_space<vmem>>, %arg5: memref<128xf32, #tpu.memory_space<vmem>>, %arg6: memref<128x128xf32, #tpu.memory_space<vmem>>, %arg7: memref<128xf32, #tpu.memory_space<vmem>>, %arg8: memref<2000x128xf32, #tpu.memory_space<vmem>>, %arg9: memref<2000x128xf32, #tpu.memory_space<vmem>>, %arg10: memref<2000x128xf32, #tpu.memory_space<vmem>>) attributes {dimension_semantics = [#tpu.dimension_semantics<arbitrary>], iteration_bounds = array<i64: 5>, scalar_prefetch = 0 : i64, scratch_operands = 0 : i64, tpu.core_type = #tpu.core_type<tc>, window_params = [{transform_indices = @transform_0, window_bounds = array<i64: 2000, 128>}, {pipeline_mode = #tpu.pipeline_mode<synchronous>, transform_indices = @transform_1, window_bounds = array<i64: 128, 128>}, {pipeline_mode = #tpu.pipeline_mode<synchronous>, transform_indices = @transform_2, window_bounds = array<i64: 128>}, {pipeline_mode = #tpu.pipeline_mode<synchronous>, transform_indices = @transform_3, window_bounds = array<i64: 128, 128>}, {pipeline_mode = #tpu.pipeline_mode<synchronous>, transform_indices = @transform_4, window_bounds = array<i64: 128>}, {pipeline_mode = #tpu.pipeline_mode<synchronous>, transform_indices = @transform_5, window_bounds = array<i64: 128, 128>}, {pipeline_mode = #tpu.pipeline_mode<synchronous>, transform_indices = @transform_6, window_bounds = array<i64: 128>}, {transform_indices = @transform_7, window_bounds = array<i64: 2000, 128>}, {transform_indices = @transform_8, window_bounds = array<i64: 2000, 128>}, {transform_indices = @transform_9, window_bounds = array<i64: 2000, 128>}]} {
    %get3A = arith.constant 0 : index
    %get3A_0 = arith.constant 0 : index
    %get3A_1 = vector.load %arg1[%get3A, %get3A_0] : memref<2000x128xf32, #tpu.memory_space<vmem>>, vector<2000x128xf32>
    %get3A_2 = arith.constant 0 : index
    %get3A_3 = arith.constant 0 : index
    %get3A_4 = vector.load %arg2[%get3A_2, %get3A_3] : memref<128x128xf32, #tpu.memory_space<vmem>>, vector<128x128xf32>
    %dot_general3A = arith.constant dense<0.000000e+00> : vector<2000x128xf32>
    %dot_general3A_5 = tpu.matmul %get3A_1, %get3A_4, %dot_general3A {dimension_numbers = #tpu.dot_dimension_numbers<[1], [0], [0], [1], [0, 0, 1, 1], [], []>, transpose_lhs_hint = false} : vector<2000x128xf32>, vector<128x128xf32>, vector<2000x128xf32> -> vector<2000x128xf32>
    %get3A_6 = arith.constant 0 : index
    %get3A_7 = vector.load %arg3[%get3A_6] : memref<128xf32, #tpu.memory_space<vmem>>, vector<128xf32>
    %broadcast_in_dim3A = vector.shape_cast %get3A_7 : vector<128xf32> to vector<1x128xf32>
    %add3A = vector.broadcast %broadcast_in_dim3A : vector<1x128xf32> to vector<2000x128xf32>
    %add3A_8 = arith.addf %dot_general3A_5, %add3A : vector<2000x128xf32>
    %mul3A = arith.constant 2.500000e-01 : f32
    %mul3A_9 = vector.broadcast %mul3A : f32 to vector<2000x128xf32>
    %mul3A_10 = arith.mulf %add3A_8, %mul3A_9 : vector<2000x128xf32>
    %swap3A = arith.constant 0 : index
    %swap3A_11 = arith.constant 0 : index
    %swap3A_12 = vector.load %arg8[%swap3A, %swap3A_11] : memref<2000x128xf32, #tpu.memory_space<vmem>>, vector<2000x128xf32>
    tpu.vector_store %arg8[%swap3A, %swap3A_11], %mul3A_10 {strides = array<i32>} : memref<2000x128xf32, #tpu.memory_space<vmem>>, vector<2000x128xf32>,
    %get3A_13 = arith.constant 0 : index
    %get3A_14 = arith.constant 0 : index
    %get3A_15 = vector.load %arg4[%get3A_13, %get3A_14] : memref<128x128xf32, #tpu.memory_space<vmem>>, vector<128x128xf32>
    %dot_general3A_16 = arith.constant dense<0.000000e+00> : vector<2000x128xf32>
    %dot_general3A_17 = tpu.matmul %get3A_1, %get3A_15, %dot_general3A_16 {dimension_numbers = #tpu.dot_dimension_numbers<[1], [0], [0], [1], [0, 0, 1, 1], [], []>, transpose_lhs_hint = false} : vector<2000x128xf32>, vector<128x128xf32>, vector<2000x128xf32> -> vector<2000x128xf32>
    %get3A_18 = arith.constant 0 : index
    %get3A_19 = vector.load %arg5[%get3A_18] : memref<128xf32, #tpu.memory_space<vmem>>, vector<128xf32>
    %broadcast_in_dim3A_20 = vector.shape_cast %get3A_19 : vector<128xf32> to vector<1x128xf32>
    %add3A_21 = vector.broadcast %broadcast_in_dim3A_20 : vector<1x128xf32> to vector<2000x128xf32>
    %add3A_22 = arith.addf %dot_general3A_17, %add3A_21 : vector<2000x128xf32>
    %swap3A_23 = arith.constant 0 : index
    %swap3A_24 = arith.constant 0 : index
    %swap3A_25 = vector.load %arg9[%swap3A_23, %swap3A_24] : memref<2000x128xf32, #tpu.memory_space<vmem>>, vector<2000x128xf32>
    tpu.vector_store %arg9[%swap3A_23, %swap3A_24], %add3A_22 {strides = array<i32>} : memref<2000x128xf32, #tpu.memory_space<vmem>>, vector<2000x128xf32>,
    %get3A_26 = arith.constant 0 : index
    %get3A_27 = arith.constant 0 : index
    %get3A_28 = vector.load %arg6[%get3A_26, %get3A_27] : memref<128x128xf32, #tpu.memory_space<vmem>>, vector<128x128xf32>
    %dot_general3A_29 = arith.constant dense<0.000000e+00> : vector<2000x128xf32>
    %dot_general3A_30 = tpu.matmul %get3A_1, %get3A_28, %dot_general3A_29 {dimension_numbers = #tpu.dot_dimension_numbers<[1], [0], [0], [1], [0, 0, 1, 1], [], []>, transpose_lhs_hint = false} : vector<2000x128xf32>, vector<128x128xf32>, vector<2000x128xf32> -> vector<2000x128xf32>
    %get3A_31 = arith.constant 0 : index
    %get3A_32 = vector.load %arg7[%get3A_31] : memref<128xf32, #tpu.memory_space<vmem>>, vector<128xf32>
    %broadcast_in_dim3A_33 = vector.shape_cast %get3A_32 : vector<128xf32> to vector<1x128xf32>
    %add3A_34 = vector.broadcast %broadcast_in_dim3A_33 : vector<1x128xf32> to vector<2000x128xf32>
    %add3A_35 = arith.addf %dot_general3A_30, %add3A_34 : vector<2000x128xf32>
    %swap3A_36 = arith.constant 0 : index
    %swap3A_37 = arith.constant 0 : index
    %swap3A_38 = vector.load %arg10[%swap3A_36, %swap3A_37] : memref<2000x128xf32, #tpu.memory_space<vmem>>, vector<2000x128xf32>
    tpu.vector_store %arg10[%swap3A_36, %swap3A_37], %add3A_35 {strides = array<i32>} : memref<2000x128xf32, #tpu.memory_space<vmem>>, vector<2000x128xf32>,
    return
  }
  func.func @transform_0(%arg0: i32) -> (i32, i32) {
    %c0_i32 = arith.constant 0 : i32
    %c0_i32_0 = arith.constant 0 : i32
    return %arg0, %c0_i32 : i32, i32
  }
  func.func @transform_1(%arg0: i32) -> (i32, i32) {
    %c0_i32 = arith.constant 0 : i32
    %c0_i32_0 = arith.constant 0 : i32
    %c0_i32_1 = arith.constant 0 : i32
    return %c0_i32, %c0_i32_0 : i32, i32
  }
  func.func @transform_2(%arg0: i32) -> i32 {
    %c0_i32 = arith.constant 0 : i32
    %c0_i32_0 = arith.constant 0 : i32
    return %c0_i32 : i32
  }
  func.func @transform_3(%arg0: i32) -> (i32, i32) {
    %c0_i32 = arith.constant 0 : i32
    %c0_i32_0 = arith.constant 0 : i32
    %c0_i32_1 = arith.constant 0 : i32
    return %c0_i32, %c0_i32_0 : i32, i32
  }
  func.func @transform_4(%arg0: i32) -> i32 {
    %c0_i32 = arith.constant 0 : i32
    %c0_i32_0 = arith.constant 0 : i32
    return %c0_i32 : i32
  }
  func.func @transform_5(%arg0: i32) -> (i32, i32) {
    %c0_i32 = arith.constant 0 : i32
    %c0_i32_0 = arith.constant 0 : i32
    %c0_i32_1 = arith.constant 0 : i32
    return %c0_i32, %c0_i32_0 : i32, i32
  }
  func.func @transform_6(%arg0: i32) -> i32 {
    %c0_i32 = arith.constant 0 : i32
    %c0_i32_0 = arith.constant 0 : i32
    return %c0_i32 : i32
  }
  func.func @transform_7(%arg0: i32) -> (i32, i32) {
    %c0_i32 = arith.constant 0 : i32
    %c0_i32_0 = arith.constant 0 : i32
    return %arg0, %c0_i32 : i32, i32
  }
  func.func @transform_8(%arg0: i32) -> (i32, i32) {
    %c0_i32 = arith.constant 0 : i32
    %c0_i32_0 = arith.constant 0 : i32
    return %arg0, %c0_i32 : i32, i32
  }
  func.func @transform_9(%arg0: i32) -> (i32, i32) {
    %c0_i32 = arith.constant 0 : i32
    %c0_i32_0 = arith.constant 0 : i32
    return %arg0, %c0_i32 : i32, i32
  }
}

module attributes {stable_mosaic.version = 14 : i64} {
  func.func @_final_body(%arg0: i32, %arg1: memref<2x2000x128xf32, #tpu.memory_space<vmem>>, %arg2: memref<2x2000x128xf32, #tpu.memory_space<vmem>>, %arg3: memref<128x128xf32, #tpu.memory_space<vmem>>, %arg4: memref<128xf32, #tpu.memory_space<vmem>>, %arg5: memref<2000x128xf32, #tpu.memory_space<vmem>>) attributes {dimension_semantics = [#tpu.dimension_semantics<arbitrary>], iteration_bounds = array<i64: 5>, scalar_prefetch = 0 : i64, scratch_operands = 0 : i64, tpu.core_type = #tpu.core_type<tc>, window_params = [{transform_indices = @transform_0, window_bounds = array<i64: 2, 2000, 128>}, {transform_indices = @transform_1, window_bounds = array<i64: 2, 2000, 128>}, {pipeline_mode = #tpu.pipeline_mode<synchronous>, transform_indices = @transform_2, window_bounds = array<i64: 128, 128>}, {pipeline_mode = #tpu.pipeline_mode<synchronous>, transform_indices = @transform_3, window_bounds = array<i64: 128>}, {transform_indices = @transform_4, window_bounds = array<i64: 2000, 128>}]} {
    %get3A = arith.constant 0 : index
    %get3A_0 = arith.constant 0 : index
    %get3A_1 = arith.constant 0 : index
    %get3A_2 = vector.load %arg1[%get3A, %get3A_0, %get3A_1] : memref<2x2000x128xf32, #tpu.memory_space<vmem>>, vector<1x2000x128xf32>
    %get3A_3 = vector.shape_cast %get3A_2 : vector<1x2000x128xf32> to vector<2000x128xf32>
    %get3A_4 = arith.constant 1 : index
    %get3A_5 = arith.constant 0 : index
    %get3A_6 = arith.constant 0 : index
    %get3A_7 = vector.load %arg1[%get3A_4, %get3A_5, %get3A_6] : memref<2x2000x128xf32, #tpu.memory_space<vmem>>, vector<1x2000x128xf32>
    %get3A_8 = vector.shape_cast %get3A_7 : vector<1x2000x128xf32> to vector<2000x128xf32>
    %add3A = arith.addf %get3A_3, %get3A_8 : vector<2000x128xf32>
    %get3A_9 = arith.constant 0 : index
    %get3A_10 = arith.constant 0 : index
    %get3A_11 = arith.constant 0 : index
    %get3A_12 = vector.load %arg2[%get3A_9, %get3A_10, %get3A_11] : memref<2x2000x128xf32, #tpu.memory_space<vmem>>, vector<1x2000x128xf32>
    %get3A_13 = vector.shape_cast %get3A_12 : vector<1x2000x128xf32> to vector<2000x128xf32>
    %get3A_14 = arith.constant 1 : index
    %get3A_15 = arith.constant 0 : index
    %get3A_16 = arith.constant 0 : index
    %get3A_17 = vector.load %arg2[%get3A_14, %get3A_15, %get3A_16] : memref<2x2000x128xf32, #tpu.memory_space<vmem>>, vector<1x2000x128xf32>
    %get3A_18 = vector.shape_cast %get3A_17 : vector<1x2000x128xf32> to vector<2000x128xf32>
    %add3A_19 = arith.addf %get3A_13, %get3A_18 : vector<2000x128xf32>
    %add3A_20 = arith.constant 1.000000e-10 : f32
    %add3A_21 = vector.broadcast %add3A_20 : f32 to vector<2000x128xf32>
    %add3A_22 = arith.addf %add3A_19, %add3A_21 : vector<2000x128xf32>
    %div3A = arith.constant 1.000000e+00 : f32
    %div3A_23 = vector.broadcast %div3A : f32 to vector<2000x128xf32>
    %div3A_24 = arith.divf %div3A_23, %add3A_22 : vector<2000x128xf32>
    %iota3A = tpu.iota {dimensions = array<i32: 0>} : vector<128x128xi32>
    %iota3A_25 = tpu.iota {dimensions = array<i32: 1>} : vector<128x128xi32>
    %jit3A = arith.constant 16 : i32
    %div3A_26 = vector.broadcast %jit3A : i32 to vector<128x128xi32>
    %div3A_27 = arith.divsi %iota3A_25, %div3A_26 : vector<128x128xi32>
    %sign3A = arith.constant 0 : i32
    %sign3A_28 = vector.broadcast %sign3A : i32 to vector<128x128xi32>
    %sign3A_29 = arith.cmpi sgt, %iota3A_25, %sign3A_28 : vector<128x128xi32>
    %sign3A_30 = arith.extui %sign3A_29 : vector<128x128xi1> to vector<128x128xi32>
    %sign3A_31 = arith.constant 0 : i32
    %sign3A_32 = vector.broadcast %sign3A_31 : i32 to vector<128x128xi32>
    %sign3A_33 = arith.cmpi slt, %iota3A_25, %sign3A_32 : vector<128x128xi32>
    %sign3A_34 = arith.extui %sign3A_33 : vector<128x128xi1> to vector<128x128xi32>
    %sign3A_35 = arith.subi %sign3A_30, %sign3A_34 : vector<128x128xi32>
    %sign3A_36 = arith.constant 0 : i32
    %sign3A_37 = arith.cmpi sgt, %jit3A, %sign3A_36 : i32
    %sign3A_38 = arith.extui %sign3A_37 : i1 to i32
    %sign3A_39 = arith.constant 0 : i32
    %sign3A_40 = arith.cmpi slt, %jit3A, %sign3A_39 : i32
    %sign3A_41 = arith.extui %sign3A_40 : i1 to i32
    %sign3A_42 = arith.subi %sign3A_38, %sign3A_41 : i32
    %ne3A = vector.broadcast %sign3A_42 : i32 to vector<128x128xi32>
    %ne3A_43 = arith.cmpi ne, %sign3A_35, %ne3A : vector<128x128xi32>
    %rem3A = vector.broadcast %jit3A : i32 to vector<128x128xi32>
    %rem3A_44 = arith.remsi %iota3A_25, %rem3A : vector<128x128xi32>
    %ne3A_45 = arith.constant 0 : i32
    %ne3A_46 = vector.broadcast %ne3A_45 : i32 to vector<128x128xi32>
    %ne3A_47 = arith.cmpi ne, %rem3A_44, %ne3A_46 : vector<128x128xi32>
    %and3A = arith.andi %ne3A_43, %ne3A_47 : vector<128x128xi1>
    %sub3A = arith.constant 1 : i32
    %sub3A_48 = vector.broadcast %sub3A : i32 to vector<128x128xi32>
    %sub3A_49 = arith.subi %div3A_27, %sub3A_48 : vector<128x128xi32>
    %select_n3A = arith.select %and3A, %sub3A_49, %div3A_27 : vector<128x128xi1>, vector<128x128xi32>
    %eq3A = arith.cmpi eq, %iota3A, %select_n3A : vector<128x128xi32>
    %convert_element_type3A = arith.extui %eq3A : vector<128x128xi1> to vector<128x128xi32>
    %convert_element_type3A_50 = arith.sitofp %convert_element_type3A : vector<128x128xi32> to vector<128x128xf32>
    %dot_general3A = arith.constant dense<0.000000e+00> : vector<2000x128xf32>
    %dot_general3A_51 = tpu.matmul %div3A_24, %convert_element_type3A_50, %dot_general3A {dimension_numbers = #tpu.dot_dimension_numbers<[1], [0], [0], [1], [0, 0, 1, 1], [], []>, transpose_lhs_hint = false} : vector<2000x128xf32>, vector<128x128xf32>, vector<2000x128xf32> -> vector<2000x128xf32>
    %mul3A = arith.mulf %add3A, %dot_general3A_51 : vector<2000x128xf32>
    %get3A_52 = arith.constant 0 : index
    %get3A_53 = arith.constant 0 : index
    %get3A_54 = vector.load %arg3[%get3A_52, %get3A_53] : memref<128x128xf32, #tpu.memory_space<vmem>>, vector<128x128xf32>
    %dot_general3A_55 = arith.constant dense<0.000000e+00> : vector<2000x128xf32>
    %dot_general3A_56 = tpu.matmul %mul3A, %get3A_54, %dot_general3A_55 {dimension_numbers = #tpu.dot_dimension_numbers<[1], [0], [0], [1], [0, 0, 1, 1], [], []>, transpose_lhs_hint = false} : vector<2000x128xf32>, vector<128x128xf32>, vector<2000x128xf32> -> vector<2000x128xf32>
    %get3A_57 = arith.constant 0 : index
    %get3A_58 = vector.load %arg4[%get3A_57] : memref<128xf32, #tpu.memory_space<vmem>>, vector<128xf32>
    %broadcast_in_dim3A = vector.shape_cast %get3A_58 : vector<128xf32> to vector<1x128xf32>
    %add3A_59 = vector.broadcast %broadcast_in_dim3A : vector<1x128xf32> to vector<2000x128xf32>
    %add3A_60 = arith.addf %dot_general3A_56, %add3A_59 : vector<2000x128xf32>
    %swap3A = arith.constant 0 : index
    %swap3A_61 = arith.constant 0 : index
    %swap3A_62 = vector.load %arg5[%swap3A, %swap3A_61] : memref<2000x128xf32, #tpu.memory_space<vmem>>, vector<2000x128xf32>
    tpu.vector_store %arg5[%swap3A, %swap3A_61], %add3A_60 {strides = array<i32>} : memref<2000x128xf32, #tpu.memory_space<vmem>>, vector<2000x128xf32>,
    return
  }
  func.func @transform_0(%arg0: i32) -> (i32, i32, i32) {
    %c0_i32 = arith.constant 0 : i32
    %c0_i32_0 = arith.constant 0 : i32
    %c0_i32_1 = arith.constant 0 : i32
    return %c0_i32, %arg0, %c0_i32_0 : i32, i32, i32
  }
  func.func @transform_1(%arg0: i32) -> (i32, i32, i32) {
    %c0_i32 = arith.constant 0 : i32
    %c0_i32_0 = arith.constant 0 : i32
    %c0_i32_1 = arith.constant 0 : i32
    return %c0_i32, %arg0, %c0_i32_0 : i32, i32, i32
  }
  func.func @transform_2(%arg0: i32) -> (i32, i32) {
    %c0_i32 = arith.constant 0 : i32
    %c0_i32_0 = arith.constant 0 : i32
    %c0_i32_1 = arith.constant 0 : i32
    return %c0_i32, %c0_i32_0 : i32, i32
  }
  func.func @transform_3(%arg0: i32) -> i32 {
    %c0_i32 = arith.constant 0 : i32
    %c0_i32_0 = arith.constant 0 : i32
    return %c0_i32 : i32
  }
  func.func @transform_4(%arg0: i32) -> (i32, i32) {
    %c0_i32 = arith.constant 0 : i32
    %c0_i32_0 = arith.constant 0 : i32
    return %arg0, %c0_i32 : i32, i32
  }
}

</mosaic_0001>

<sc_bundles>
// kernel: kernel.10.cloned.1.call-start
scs
__scs_entry_jumppad:
0x0: {  	(pc) =	sbr.rel $0x88, $3  }
0x1: {  	(tag) =	ssettag $0x0;
	lr =	simm.s32 $0x1  }
0x2: {  	[smem:$0x3F94] =	sst lr;
	_ =	strace $0xD0000000  }
0x3: {  	_ = 	snop  }
0x4: {  	_ = 	snop  }
0x5: {  	_ = 	snop  }
0x6: {  	_ = 	snop  }
0x7: {  	_ = 	snop  }
__scs_overlays_trampoline_lowered:
0x8: {  	[smem:$0x3FA3] =	sst s0  }
0x9: {  	[smem:$0x3FA4] =	sst s1  }
0xa: {  	[smem:$0x3FA5] =	sst s2  }
0xb: {  	[smem:$0x3FA6] =	sst s3  }
0xc: {  	[smem:$0x3FA7] =	sst s4  }
0xd: {  	[smem:$0x3FA8] =	sst s5  }
0xe: {  	[smem:$0x3FA9] =	sst s6  }
0xf: {  	[smem:$0x3FAA] =	sst s7  }
0x10: {  	[smem:$0x3FAB] =	sst s8  }
0x11: {  	[smem:$0x3FAC] =	sst s9;
	s0 =	simm.s32 @!p0 $0x0  }
0x12: {  	s1 =	sld [smem:$0x3F92];
	s0 =	simm.s32 @p0 $0x1  }
0x13: {  	[smem:$0x3FAD] =	sst s0;
	s0 =	simm.s32 @!p1 $0x0  }
0x14: {  	s2 =	sld [smem:$0x3F91];
	s0 =	simm.s32 @p1 $0x1  }
0x15: {  	[smem:$0x3FAE] =	sst s0;
	s0 =	simm.s32 @!p2 $0x0  }
0x16: {  	s3 =	sld [smem:$0x3FDB];
	s0 =	simm.s32 @p2 $0x1  }
0x17: {  	s4 =	simm.s32 $0x1BF5;
	[smem:$0x3FB0] =	sst s0  }
0x18: {  	s0 =	sld [smem:$0x3F93];
	_ =	swait.ge [sflag:s4], $0x0  }
0x19: {  	s7 =	sld [smem:$0x3F94]  }
0x1a: {  	s8 =	sadd.s32 $0xFFFFE003, lr  }
0x1b: {  	s9 =	sadd.s32 $0xFFFFFEF7, lr;
	s5 =	simm.s32 $0xFFFFFFFF;
	p2 =	slt.u32 s8, $0xFFFFF086  }
0x1c: {  	p1 =	slt.u32 s9, $0xF7A;
	s5 =	simm.s32 @!p2 $0x0  }
0x1d: {  	s5 =	simm.s32 @p1 $0x1;
	p0 =	seq.s32 s7, s2  }
0x1e: {  	s7 =	smul.u32 @!p0 $0xF7A, s2;
	p2 =	seq.s32 @!p0 s5, $0x0  }
0x1f: {  	s9 =	smul.u32 $0xF7A, s1;
	s8 =	simm.s32 @!p0 $0x1BF5;
	p2 =	por !p2, p0  }
0x20: {  	[sflag:s8] =	ssyncset.s32 @!p0 $0xFFFFF086;
	s6 =	sadd.s32 @!p0 s3, s7;
	s7 =	simm.s32 @!p0 $0x108  }
0x21: {  	s3 =	sadd.s32 s3, s9;
	s6 =	sadd.s32 @!p0 $0x88, s6;
	s7 =	simm.s32 @p2 $0x1082  }
0x22: {  	[simem:s7], [sflag:s8] =	dma.local @!p0 [hbm:s6], $0xF7A  }
0x23: {  	s9 =	sor.u32 $0xD0000000, s2;
	s6 =	simm.s32 $0x108;
	_ =	swait.ge @!p0 [sflag:s8], $0x0  }
0x24: {  	s3 =	sadd.s32 $0x88, s3;
	s6 =	simm.s32 @!p1 $0x1082;
	[sflag:s4] =	ssyncset.s32 $0xFFFFF086  }
0x25: {  	[simem:s6], [sflag:s4] =	dma.local [hbm:s3], $0xF7A  }
0x26: {  	[smem:$0x3F94] =	sst s1;
	(tag) =	ssettag s2;
	_ =	strace s9  }
0x27: {  	s1 =	sld [smem:$0x3FA4]  }
0x28: {  	s2 =	sld [smem:$0x3FA5]  }
0x29: {  	s4 =	sld [smem:$0x3FA7]  }
0x2a: {  	p0 =	seq.s32 s5, $0x0;
	s5 =	sld [smem:$0x3FA8]  }
0x2b: {  	s6 =	sld [smem:$0x3FA9]  }
0x2c: {  	s7 =	sld [smem:$0x3FAA]  }
0x2d: {  	s3 =	simm.s32 $0x108;
	s8 =	sld [smem:$0x3FAB]  }
0x2e: {  	s3 =	simm.s32 @!p0 $0x1082;
	s9 =	sld [smem:$0x3FAC]  }
0x2f: {  	lr =	sadd.s32 s0, s3;
	s0 =	sld [smem:$0x3FA3]  }
0x30: {  	s3 =	sld [smem:$0x3FA6]  }
0x31: {  	[smem:$0x3FAF] =	sst s10  }
0x32: {  	s10 =	sld [smem:$0x3FAD];
	_ =	sdelay $0x3  }
0x33: {  	p0 =	seq.s32 s10, $0x1;
	s10 =	sld [smem:$0x3FAF];
	_ =	sdelay $0x3  }
0x34: {  	[smem:$0x3FAF] =	sst s10  }
0x35: {  	s10 =	sld [smem:$0x3FAE];
	_ =	sdelay $0x3  }
0x36: {  	p1 =	seq.s32 s10, $0x1;
	s10 =	sld [smem:$0x3FAF];
	_ =	sdelay $0x3  }
0x37: {  	[smem:$0x3FAF] =	sst s10  }
0x38: {  	s10 =	sld [smem:$0x3FB0]  }
0x39: {  	_ = 	snop;
	(pc) =	sbr.ind lr, $3  }
0x3a: {  	_ = 	snop  }
0x3b: {  	_ = 	snop  }
0x3c: {  	p2 =	seq.s32 s10, $0x1;
	s10 =	sld [smem:$0x3FAF]  }
0x3d: {  	_ =	shalt  }
0x3e: {  	_ =	shalt  }
0x3f: {  	_ =	shalt  }
0x40: {  	_ =	shalt  }
0x41: {  	_ =	shalt  }
0x42: {  	_ =	shalt  }
0x43: {  	_ =	shalt  }
0x44: {  	_ =	shalt  }
0x45: {  	_ =	shalt  }
0x46: {  	_ =	shalt  }
0x47: {  	_ =	shalt  }
0x48: {  	_ =	shalt  }
0x49: {  	_ =	shalt  }
0x4a: {  	_ =	shalt  }
0x4b: {  	_ =	shalt  }
0x4c: {  	_ =	shalt  }
0x4d: {  	_ =	shalt  }
0x4e: {  	_ =	shalt  }
0x4f: {  	_ =	shalt  }
0x50: {  	_ =	shalt  }
0x51: {  	_ =	shalt  }
0x52: {  	_ =	shalt  }
0x53: {  	_ =	shalt  }
0x54: {  	_ =	shalt  }
0x55: {  	_ =	shalt  }
0x56: {  	_ =	shalt  }
0x57: {  	_ =	shalt  }
0x58: {  	_ =	shalt  }
0x59: {  	_ =	shalt  }
0x5a: {  	_ =	shalt  }
0x5b: {  	_ =	shalt  }
0x5c: {  	_ =	shalt  }
0x5d: {  	_ =	shalt  }
0x5e: {  	_ =	shalt  }
0x5f: {  	_ =	shalt  }
0x60: {  	_ =	shalt  }
0x61: {  	_ =	shalt  }
0x62: {  	_ =	shalt  }
0x63: {  	_ =	shalt  }
0x64: {  	_ =	shalt  }
0x65: {  	_ =	shalt  }
0x66: {  	_ =	shalt  }
0x67: {  	_ =	shalt  }
0x68: {  	_ =	shalt  }
0x69: {  	_ =	shalt  }
0x6a: {  	_ =	shalt  }
0x6b: {  	_ =	shalt  }
0x6c: {  	_ =	shalt  }
0x6d: {  	_ =	shalt  }
0x6e: {  	_ =	shalt  }
0x6f: {  	_ =	shalt  }
0x70: {  	_ =	shalt  }
0x71: {  	_ =	shalt  }
0x72: {  	_ =	shalt  }
0x73: {  	_ =	shalt  }
0x74: {  	_ =	shalt  }
0x75: {  	_ =	shalt  }
0x76: {  	_ =	shalt  }
0x77: {  	_ =	shalt  }
0x78: {  	_ =	shalt  }
0x79: {  	_ =	shalt  }
0x7a: {  	_ =	shalt  }
0x7b: {  	_ =	shalt  }
0x7c: {  	_ =	shalt  }
0x7d: {  	_ =	shalt  }
0x7e: {  	_ =	shalt  }
0x7f: {  	_ =	shalt  }
0x80: {  	_ =	shalt  }
0x81: {  	_ =	shalt  }
0x82: {  	_ =	shalt  }
0x83: {  	_ =	shalt  }
0x84: {  	_ =	shalt  }
0x85: {  	_ =	shalt  }
0x86: {  	_ =	shalt  }
0x87: {  	_ =	shalt  }
.Lfunc_end0:
.L_simem_size_0:
called_computation.1_lowered:
.L_overlay_start_0:
0x88: {  	s2 =	sld [smem:$0x3FD9]  }
0x89: {  	s3 =	sld [smem:$0x3FFE];
	_ =	sdelay $0x1  }
0x8a: {  	s1 =	srdreg.scid  }
0x8b: {  	s0 =	sand.u32 $0x1, s1  }
0x8c: {  	s17 =	sshll.u32 s0, $0xA;
	s2 =	sadd.s32 s3, s2  }
0x8d: {  	s2 =	sadd.s32 s2, s17  }
0x8e: {  	[smem:$0x3FBB] =	sst s2  }
0x8f: {  	_ = 	snop  }
0x90: {  	s2 =	sld [smem:$0x3FD0];
	(tm) =	ssettm $0x1  }
0x91: {  	s18 =	sld [smem:$0x3FFB];
	_ =	sdelay $0x3  }
0x92: {  	_ =	strace s18  }
0x93: {  	s3 =	sld [smem:$0x3FFC];
	_ =	sdelay $0x3  }
0x94: {  	_ =	strace s3  }
0x95: {  	s3 =	sld [smem:$0x3FFD];
	_ =	sdelay $0x3  }
0x96: {  	_ =	strace s3  }
0x97: {  	_ =	strace $0x8FFFFFFF  }
0x98: {  	s19 =	sld [smem:$0x3FDB];
	_ =	sdelay $0x1  }
0x99: {  	s4 =	simm.s32 $_scs_section_size  }
0x9a: {  	s5 =	simm.s32 $_size__tile_overlayer_lowered;
	s6 =	simm.s32 $_tile_overlayer_lowered  }
0x9b: {  	s22 =	simm.s32 $0x1BFF;
	s21 =	sshll.u32 s6, $0x1;
	s3 =	sadd.s32 s4, s19  }
0x9c: {  	s7 =	simm.s32 $0x0;
	s20 =	sshll.u32 s5, $0x1;
	s5 =	sadd.s32 s21, s3  }
0x9d: {  	[timem:s7], [sflag:s22] =	dma.local [hbm:s5], s20  }
0x9e: {  	_ =	swait.ge [sflag:s22], s20  }
0x9f: {  	s4 =	ssub.s32 $0x0, s20;
	[sflag:s22] =	ssyncset.done $0x0  }
0xa0: {  	[sflag:s22] =	ssyncadd.s32 s4;
	_ =	sdelay $0x1  }
0xa1: {  	s23 =	simm.s32 $0x1B8B  }
0xa2: {  	_ =	swait.ge [sflag:s23], $0x1  }
0xa3: {  	[sflag:s23] =	ssyncset.done $0x0  }
0xa4: {  	s25 =	simm.s32 $0x1B8E;
	s24 =	sld [smem:$0x3FFE];
	[sflag:s23] =	ssyncadd.s32 $0xFFFFFFFF  }
0xa5: {  	s26 =	simm.s32 $execute0_lowered;
	[smem:$0x3FD2] =	sst s25  }
0xa6: {  	s5 =	sshll.u32 s26, $0x1;
	_ =	strace $0x80000049;
	[dreg:$0x1] =	wrdreg $0xFFFFFFFF  }
0xa7: {  	s28 =	simm.s32 $_size_execute0_lowered;
	s3 =	sadd.s32 s3, s5;
	[dreg:$0x0] =	wrdreg $0x0  }
0xa8: {  	s5 =	sshll.u32 s28, $0x1;
	[dreg:$0x2] =	wrdreg s3  }
0xa9: {  	[dreg:$0x3] =	wrdreg s5  }
0xaa: {  	[dreg:$0x4] =	wrdreg $0xC0  }
0xab: {  	_ =	task [dreg:s7], $0x5FFFF  }
0xac: {  	[dreg:$0x1] =	wrdreg $0xFFFFFFFF  }
0xad: {  	[dreg:$0x0] =	wrdreg $0x60  }
0xae: {  	[dreg:$0x2] =	wrdreg s2  }
0xaf: {  	[dreg:$0x3] =	wrdreg s24  }
0xb0: {  	[dreg:$0x4] =	wrdreg $0xA2000  }
0xb1: {  	[dreg:$0x5] =	wrdreg $0x9  }
0xb2: {  	_ =	task.clear_ibuf [dreg:s7], $0x6FFFF;
	_ =	strace $0x90000049  }
0xb3: {  	s29 =	simm.s32 $0x9;
	_ =	strace $0x8000004B  }
0xb4: {  	_ =	swait.ge [sflag:s29], $0x1  }
0xb5: {  	[sflag:s29] =	ssyncadd.s32 $0xFFFFFFFF  }
0xb6: {  	_ =	strace $0x9000004B  }
0xb7: {  	_ =	sfence  }
0xb8: {  	s30 =	sld [smem:$0x0];
	_ =	sdelay $0x2  }
0xb9: {  	s31 =	sshll.u32 s1, $0xD;
	s1 =	sshrl.u32 s1, $0x2  }
0xba: {  	s3 =	sand.u32 $0x4000, s31;
	s1 =	sadd.s32 s1, s30  }
0xbb: {  	s0 =	sor.u32 s3, s0;
	s1 =	sshll.u32 s1, $0x11  }
0xbc: {  	s0 =	sor.u32 s1, s0  }
0xbd: {  	s0 =	sadd.s32 $0x8F2B, s0  }
0xbe: {  	[sflag:s0] =	ssyncadd.remote.s32 $0x1  }
0xbf: {  	_ =	sfence.sel $0xFFFF  }
0xc0: {  	[dreg:$0x0] =	wrdreg $0xFFFFFFFF;
	(pc) =	sbr.abs _section_cstart, $3  }
0xc1: {  	[dreg:$0x1] =	wrdreg $0xFFFFFFFF  }
0xc2: {  	_ =	task.clear_ibuf [dreg:s7], $0x2FFFF;
	_ =	strace $0x9FFFFFFF  }
0xc3: {  	(tm) =	ssettm $0x7FFFFFFF  }
tec
execute0_lowered:
.L_overlay_start_1:
0x0: {  	(tag) =	ssettag $0x1  }
0x1: {  	s1 =	rddreg [dreg:$0x0]  }
0x2: {  	s0 =	rddreg [dreg:$0x1]  }
0x3: {  	s2 =	rddreg [dreg:$0x2];
	s3 =	simm.s32 $0x0  }
0x4: {  	s5 =	srdreg.scid;
	s16 =	stileid.u32;
	s28 =	simm.s32 $0x2A00  }
0x5: {  	s29 =	simm.s32 $0x7A00;
	s30 =	simm.s32 $0x4;
	s31 =	simm.s32 $0x50  }
0x6: {  	[smem:$0x7FF] =	sst s3;
	s4 =	sadd.s32 $0x9DA600, s0;
	s6 =	sadd.s32 $0xC800, s0  }
0x7: {  	s7 =	sadd.s32 $0x2A00, s0;
	s5 =	sand.u32 $0x1, s5;
	s10 =	smul.u32 $0x32000, s16  }
0x8: {  	s17 =	sadd.s32 $0x64A00, s0;
	s20 =	smul.u32 $0x1900, s16;
	s12 =	sor.u32 $0x10, s16  }
0x9: {  	s0 =	sadd.s32 $0x16600, s0;
	s22 =	sshll.u32 s16, $0x6;
	s13 =	smul.u32 $0x32000, s12  }
0xa: {  	p0 =	sgt.u32 s16, $0x8;
	_ =	strace $0x8000004A;
	s21 =	smul.u32 $0x1900, s12  }
0xb: {  	s8 =	ssub.s32 $0x2, s5;
	s11 =	sshll.u32 s5, $0x4;
	s5 =	smul.u32 $0x138800, s5  }
0xc: {  	[dreg:$0x4] =	wrdreg s17;
	s19 =	smul.u32 $0xC800, s12;
	s12 =	simm.s32 $0x5200  }
0xd: {  	s9 =	sshrl.u32 s8, $0x1;
	s10 =	sshrl.u32 s10, $0x2;
	s14 =	sor.u32 s16, s11  }
0xe: {  	s11 =	sor.u32 $0x1C05, s22;
	s8 =	ssub.s32 s8, s9;
	s15 =	smul.u32 $0x2710, s14  }
0xf: {  	s10 =	sadd.s32 s10, s2;
	s9 =	sadd.s32 s17, s20;
	s24 =	smul.u32 $0x27100, s14  }
0x10: {  	s23 =	sshrl.u32 s13, $0x2;
	s14 =	smul.u32 $0xC800, s16;
	[dreg:$0x5] =	wrdreg s10  }
0x11: {  	s13 =	simm.s32 $0x1;
	[dreg:$0x6] =	wrdreg s9;
	s9 =	sadd.s32 s23, s2  }
0x12: {  	s10 =	sadd.s32 s17, s21;
	[dreg:$0x7] =	wrdreg s9;
	s25 =	sshrl.u32 s15, $0x3  }
0x13: {  	[dreg:$0x8] =	wrdreg s10;
	s18 =	sadd.s32 s4, s24;
	s17 =	sadd.s32 $0x50, s15  }
0x14: {  	s20 =	sadd.s32 $0x26C0, s15;
	s10 =	sadd.s32 s14, s5;
	s5 =	sadd.s32 s5, s19  }
0x15: {  	s14 =	simm.s32 $0x2;
	s26 =	sadd.s32 s7, s25;
	s9 =	sadd.s32 s6, s25  }
0x16: {  	[dreg:$0xb] =	wrdreg s18;
	s18 =	sadd.s32 $0xA0, s15;
	s21 =	sshrl.u32 s20, $0x3  }
0x17: {  	s24 =	sshll.u32 s20, $0x4;
	s25 =	sshrl.u32 s10, $0x3;
	[dreg:$0x9] =	wrdreg s26  }
0x18: {  	s5 =	sshrl.u32 s5, $0x3;
	[dreg:$0xa] =	wrdreg s9;
	s22 =	sadd.s32 s7, s21  }
0x19: {  	s20 =	simm.s32 $0x5;
	s23 =	sadd.s32 s6, s21;
	[dreg:$0xc] =	wrdreg s22  }
0x1a: {  	s10 =	simm.s32 $0x180;
	s9 =	sadd.s32 s4, s24;
	[dreg:$0xd] =	wrdreg s23  }
0x1b: {  	s15 =	simm.s32 $0x0;
	s26 =	smax.u32 s8, $0x1;
	[dreg:$0xe] =	wrdreg s9  }
0x1c: {  	v0 =	vimm.s32 $0x0;
	v1 =	vimm.s32 $0x1;
	s9 =	sadd.s32 s0, s25;
	s0 =	sadd.s32 s0, s5;
	[dreg:$0x11] =	wrdreg s26  }
0x1d: {  	v2 =	vimm.s32 $0x2;
	v3 =	vimm.s32 $0x3;
	v4 =	vimm.s32 $0x4;
	s26 =	simm.s32 $0x100;
	s5 =	simm.s32 $0x3;
	[dreg:$0xf] =	wrdreg s9  }
0x1e: {  	v5 =	vimm.s32 $0x5;
	v6 =	vimm.s32 $0x6;
	v7 =	vimm.s32 $0x7;
	[dreg:$0x10] =	wrdreg s0;
	s0 =	simm.s32 $0x200;
	s9 =	simm.s32 $0x80  }
.LBB2_1:
0x1f: {  	s8 =	rddreg [dreg:$0x5]  }
0x20: {  	s21 =	rddreg [dreg:$0x6];
	s16 =	sshrl.u32 s8, $0x3  }
0x21: {  	[dreg:$0x12] =	wrdreg s16  }
0x22: {  	[spmem:s16], [sflag:s11] =	dma.local [hbm:s21], $0x1900  }
0x23: {  	_ =	swait.ge [sflag:s20], $0x1900  }
0x24: {  	[sflag:s20] =	ssyncset.done $0x0;
	s8 =	rddreg [dreg:$0x7]  }
0x25: {  	[sflag:s20] =	ssyncadd.s32 $0xFFFFE700;
	s19 =	sshrl.u32 @!p0 s8, $0x3;
	s8 =	rddreg [dreg:$0x8]  }
0x26: {  	[spmem:s19], [sflag:s11] =	dma.local @!p0 [hbm:s8], $0x1900  }
0x27: {  	s8 =	simm.s32 @!p0 $0x5  }
0x28: {  	_ =	swait.ge @!p0 [sflag:s8], $0x1900  }
0x29: {  	[sflag:s8] =	ssyncset.done @!p0 $0x0  }
0x2a: {  	[sflag:s8] =	ssyncadd.s32 @!p0 $0xFFFFE700  }
0x2b: {  	[bflag:$0x0] =	sbarrier.arrive $0xFFFF  }
0x2c: {  	s22 =	rddreg [dreg:$0x9]  }
0x2d: {  	[tilespmem:s3], [sflag:$0x4] =	stream.linear.gather [hbm4b:s22+s3], $0x50, $0x38;
	[tilespmem:$0x1DA80] =	vst v63  }
0x2e: {  	s23 =	rddreg [dreg:$0xa]  }
0x2f: {  	[tilespmem:s26], [sflag:$0x4] =	stream.linear.gather [hbm4b:s23+s3], $0x50, $0x38;
	[tilespmem:$0x1DA80] =	vst v63  }
0x30: {  	s24 =	rddreg [dreg:$0xb]  }
0x31: {  	[tilespmem:s28], [sflag:$0x4] =	stream.linear.gather [hbm4b:s24+s3], $0x2800, $0x38;
	[tilespmem:$0x1DA80] =	vst v63  }
0x32: {  	s20 =	simm.s32 $0x0;
	s25 =	rddreg [dreg:$0x4]  }
0x33: {  	[tilespmem:s29], [sflag:$0x3] =	stream.linear.gather [hbm4b:s25+s3], $0x2800, $0x38;
	[tilespmem:$0x1DA80] =	vst v63  }
.LBB2_2:
0x34: {  	_ =	swait.ge [sflag:s30], $0x50  }
0x35: {  	[sflag:s30] =	ssyncset.done $0x0  }
0x36: {  	[sflag:s30] =	ssyncadd.s32 $0xFFFFFFB0  }
0x37: {  	_ =	swait.ge [sflag:s30], $0x50  }
0x38: {  	[sflag:s30] =	ssyncset.done $0x0  }
0x39: {  	[sflag:s30] =	ssyncadd.s32 $0xFFFFFFB0  }
0x3a: {  	_ =	swait.ge [sflag:s30], $0x2800  }
0x3b: {  	[sflag:s30] =	ssyncset.done $0x0  }
0x3c: {  	s21 =	smul.u32 $0xA0, s20;
	[sflag:s30] =	ssyncadd.s32 $0xFFFFD800  }
0x3d: {  	[tilespmem:s0], [sflag:$0x1] =	stream.indirect.gather [hbm4b:s1+s31], $0x80, s26, s31, $0xb8;
	[tilespmem:$0x1DA80] =	vst v63  }
0x3e: {  	s8 =	sadd.s32 s21, s17;
	_ =	swait.ge [sflag:s5], $0x2800  }
0x3f: {  	s16 =	sshrl.u32 s8, $0x3;
	[sflag:s5] =	ssyncset.done $0x0  }
0x40: {  	s22 =	sadd.s32 s7, s16;
	[sflag:s5] =	ssyncadd.s32 $0xFFFFD800  }
0x41: {  	[tilespmem:s9], [sflag:$0x2] =	stream.linear.gather [hbm4b:s22+s3], $0x50, $0x38;
	[tilespmem:$0x1DA80] =	vst v63  }
0x42: {  	s8 =	sshll.u32 s8, $0x4;
	s16 =	sadd.s32 s6, s16  }
0x43: {  	[tilespmem:s10], [sflag:$0x2] =	stream.linear.gather [hbm4b:s16+s3], $0x50, $0x38;
	[tilespmem:$0x1DA80] =	vst v63  }
0x44: {  	s8 =	sadd.s32 s4, s8  }
0x45: {  	[tilespmem:s12], [sflag:$0x2] =	stream.linear.gather [hbm4b:s8+s3], $0x2800, $0x38;
	[tilespmem:$0x1DA80] =	vst v63  }
0x46: {  	_ =	swait.ge [sflag:s13], $0x2800  }
0x47: {  	[sflag:s13] =	ssyncset.done $0x0  }
0x48: {  	s24 =	simm.s32 $0x2C00;
	[sflag:s13] =	ssyncadd.s32 $0xFFFFD800  }
0x49: {  	v9 =	vld [tilespmem:s24+$0x180]  }
0x4a: {  	s8 =	simm.s32 $0x400;
	v13 =	vld [tilespmem:s24+$0xFFFFFE80]  }
0x4b: {  	v8 =	vld [tilespmem:s8+$0x180]  }
0x4c: {  	v15 =	vld [tilespmem:s24+$0xFFFFFF00]  }
0x4d: {  	v14 =	vld [tilespmem:s24+$0xFFFFFF80]  }
0x4e: {  	v12 =	vld [tilespmem:s24+$0x0]  }
0x4f: {  	v11 =	vld [tilespmem:s24+$0x80]  }
0x50: {  	v17 =	vld [tilespmem:s24+$0xFFFFFE00]  }
0x51: {  	v10 =	vld [tilespmem:s24+$0x100]  }
0x52: {  	v18 =	vld [tilespmem:s8+$0xFFFFFE00]  }
0x53: {  	v19 =	vld [tilespmem:s8+$0xFFFFFE80]  }
0x54: {  	v21 =	vld [tilespmem:s8+$0xFFFFFF80]  }
0x55: {  	v25 =	vld [tilespmem:s8+$0x80]  }
0x56: {  	s23 =	simm.s32 $0x800;
	v26 =	vld [tilespmem:s8+$0x100];
	v16 =	vperm.xlane v9, v0  }
0x57: {  	v58 =	vld [tilespmem:s23+$0xFFFFFE00];
	v20 =	vperm.xlane v17, v0  }
0x58: {  	v22 =	vperm.xlane v13, v0;
	v8 =	vmul.f32 v8, v16;
	v16 =	vld [tilespmem:s8+$0xFFFFFF00]  }
0x59: {  	s22 =	simm.s32 $0x7C00;
	v60 =	vld [tilespmem:s23+$0xFFFFFE80];
	v18 =	vmul.f32 v18, v20  }
0x5a: {  	v20 =	vperm.xlane v14, v0;
	v19 =	vmul.f32 v19, v22;
	[tilespmem:s22+$0x180] =	vst v8;
	v8 =	vld [tilespmem:s8+$0x0]  }
0x5b: {  	v23 =	vperm.xlane v15, v0;
	[tilespmem:s22+$0xFFFFFE00] =	vst v18;
	v24 =	vld [tilespmem:s8+$0x190]  }
0x5c: {  	v61 =	vld [tilespmem:s23+$0xFFFFFF00];
	v20 =	vmul.f32 v21, v20;
	[tilespmem:s22+$0xFFFFFE80] =	vst v19;
	v19 =	vperm.xlane v11, v0  }
0x5d: {  	v22 =	vperm.xlane v12, v0;
	v21 =	vld [tilespmem:s8+$0xFFFFFE10];
	v16 =	vmul.f32 v16, v23  }
0x5e: {  	v62 =	vld [tilespmem:s23+$0xFFFFFF80];
	v18 =	vperm.xlane v9, v1;
	[tilespmem:s22+$0xFFFFFF80] =	vst v20;
	v19 =	vmul.f32 v25, v19  }
0x5f: {  	v8 =	vmul.f32 v8, v22;
	v22 =	vld [tilespmem:s8+$0xFFFFFE90];
	[tilespmem:s22+$0xFFFFFF00] =	vst v16  }
0x60: {  	v20 =	vperm.xlane v17, v1;
	[tilespmem:s22+$0x80] =	vst v19;
	v18 =	vmul.f32 v24, v18;
	v23 =	vld [tilespmem:s8+$0xFFFFFF10]  }
0x61: {  	v34 =	vld [tilespmem:s8+$0xFFFFFF90];
	v16 =	vperm.xlane v10, v0;
	[tilespmem:s22+$0x0] =	vst v8  }
0x62: {  	v19 =	vmul.f32 v21, v20;
	v8 =	vperm.xlane v13, v1;
	[tilespmem:s22+$0x190] =	vst v18;
	v18 =	vld [tilespmem:s8+$0x10]  }
0x63: {  	v35 =	vperm.xlane v15, v1;
	v16 =	vmul.f32 v26, v16;
	v36 =	vld [tilespmem:s8+$0x1A0]  }
0x64: {  	v20 =	vperm.xlane v14, v1;
	v21 =	vld [tilespmem:s8+$0x90];
	[tilespmem:s22+$0xFFFFFE10] =	vst v19;
	v8 =	vmul.f32 v22, v8  }
0x65: {  	[tilespmem:s22+$0x100] =	vst v16;
	v16 =	vperm.xlane v12, v1;
	v37 =	vld [tilespmem:s8+$0xFFFFFE20];
	v19 =	vmul.f32 v23, v35  }
0x66: {  	v22 =	vld [tilespmem:s8+$0x110];
	v23 =	vperm.xlane v9, v2;
	[tilespmem:s22+$0xFFFFFE90] =	vst v8;
	v8 =	vmul.f32 v34, v20  }
0x67: {  	v20 =	vperm.xlane v11, v1;
	v38 =	vld [tilespmem:s8+$0xFFFFFEA0];
	[tilespmem:s22+$0xFFFFFF10] =	vst v19;
	v16 =	vmul.f32 v18, v16  }
0x68: {  	v18 =	vperm.xlane v10, v1;
	v19 =	vmul.f32 v36, v23;
	v23 =	vld [tilespmem:s8+$0xFFFFFF20];
	[tilespmem:s22+$0xFFFFFF90] =	vst v8  }
0x69: {  	v8 =	vperm.xlane v17, v2;
	v20 =	vmul.f32 v21, v20;
	v21 =	vld [tilespmem:s8+$0xFFFFFFA0];
	[tilespmem:s22+$0x10] =	vst v16  }
0x6a: {  	v16 =	vperm.xlane v13, v2;
	[tilespmem:s22+$0x1A0] =	vst v19;
	v19 =	vld [tilespmem:s8+$0x20]  }
0x6b: {  	v18 =	vmul.f32 v22, v18;
	v8 =	vmul.f32 v37, v8;
	v37 =	vld [tilespmem:s23+$0x0]  }
0x6c: {  	v43 =	vperm.xlane v15, v3;
	v22 =	vperm.xlane v15, v2;
	[tilespmem:s22+$0x90] =	vst v20;
	v39 =	vld [tilespmem:s8+$0x1B0]  }
0x6d: {  	v20 =	vperm.xlane v14, v2;
	v40 =	vld [tilespmem:s8+$0xA0];
	[tilespmem:s22+$0x110] =	vst v18;
	v16 =	vmul.f32 v38, v16  }
0x6e: {  	v18 =	vperm.xlane v12, v2;
	v41 =	vld [tilespmem:s8+$0x120];
	[tilespmem:s22+$0xFFFFFE20] =	vst v8;
	v8 =	vmul.f32 v23, v22  }
0x6f: {  	v22 =	vperm.xlane v9, v3;
	v23 =	vld [tilespmem:s8+$0xFFFFFE30];
	[tilespmem:s22+$0xFFFFFEA0] =	vst v16;
	v16 =	vmul.f32 v21, v20  }
0x70: {  	v20 =	vperm.xlane v11, v2;
	v21 =	vld [tilespmem:s8+$0xFFFFFEB0];
	[tilespmem:s22+$0xFFFFFF20] =	vst v8;
	v8 =	vmul.f32 v19, v18  }
0x71: {  	v18 =	vperm.xlane v10, v2;
	v19 =	vmul.f32 v39, v22;
	v22 =	vld [tilespmem:s8+$0xFFFFFF30];
	[tilespmem:s22+$0xFFFFFFA0] =	vst v16  }
0x72: {  	v16 =	vperm.xlane v17, v3;
	v20 =	vmul.f32 v40, v20;
	v42 =	vld [tilespmem:s8+$0xFFFFFFB0];
	[tilespmem:s22+$0x20] =	vst v8  }
0x73: {  	v8 =	vperm.xlane v13, v3;
	v18 =	vmul.f32 v41, v18;
	[tilespmem:s22+$0x1B0] =	vst v19;
	v19 =	vld [tilespmem:s8+$0x30]  }
0x74: {  	v51 =	vperm.xlane v15, v5;
	[tilespmem:s22+$0xA0] =	vst v20;
	v16 =	vmul.f32 v23, v16;
	v44 =	vld [tilespmem:s8+$0x1C0]  }
0x75: {  	v20 =	vperm.xlane v14, v3;
	v23 =	vld [tilespmem:s8+$0xB0];
	[tilespmem:s22+$0x120] =	vst v18;
	v8 =	vmul.f32 v21, v8  }
0x76: {  	v18 =	vperm.xlane v12, v3;
	v21 =	vld [tilespmem:s8+$0x130];
	[tilespmem:s22+$0xFFFFFE30] =	vst v16;
	v16 =	vmul.f32 v22, v43  }
0x77: {  	v22 =	vperm.xlane v9, v4;
	v45 =	vld [tilespmem:s8+$0xFFFFFE40];
	[tilespmem:s22+$0xFFFFFEB0] =	vst v8;
	v8 =	vmul.f32 v42, v20  }
0x78: {  	v20 =	vperm.xlane v11, v3;
	v46 =	vld [tilespmem:s8+$0xFFFFFEC0];
	[tilespmem:s22+$0xFFFFFF30] =	vst v16;
	v16 =	vmul.f32 v19, v18  }
0x79: {  	v18 =	vperm.xlane v10, v3;
	v19 =	vmul.f32 v44, v22;
	v22 =	vld [tilespmem:s8+$0xFFFFFF40];
	[tilespmem:s22+$0xFFFFFFB0] =	vst v8  }
0x7a: {  	v8 =	vperm.xlane v17, v4;
	v20 =	vmul.f32 v23, v20;
	v23 =	vld [tilespmem:s8+$0xFFFFFFC0];
	[tilespmem:s22+$0x30] =	vst v16  }
0x7b: {  	v16 =	vperm.xlane v13, v4;
	v18 =	vmul.f32 v21, v18;
	[tilespmem:s22+$0x1C0] =	vst v19;
	v19 =	vld [tilespmem:s8+$0x40]  }
0x7c: {  	v21 =	vperm.xlane v15, v4;
	[tilespmem:s22+$0xB0] =	vst v20;
	v8 =	vmul.f32 v45, v8;
	v47 =	vld [tilespmem:s8+$0x1D0]  }
0x7d: {  	v20 =	vperm.xlane v14, v4;
	v48 =	vld [tilespmem:s8+$0xC0];
	[tilespmem:s22+$0x130] =	vst v18;
	v16 =	vmul.f32 v46, v16  }
0x7e: {  	v18 =	vperm.xlane v12, v4;
	v49 =	vld [tilespmem:s8+$0x140];
	[tilespmem:s22+$0xFFFFFE40] =	vst v8;
	v8 =	vmul.f32 v22, v21  }
0x7f: {  	v21 =	vperm.xlane v9, v5;
	v22 =	vld [tilespmem:s8+$0xFFFFFE50];
	[tilespmem:s22+$0xFFFFFEC0] =	vst v16;
	v16 =	vmul.f32 v23, v20  }
0x80: {  	v20 =	vperm.xlane v11, v4;
	v23 =	vld [tilespmem:s8+$0xFFFFFED0];
	[tilespmem:s22+$0xFFFFFF40] =	vst v8;
	v8 =	vmul.f32 v19, v18  }
0x81: {  	v18 =	vperm.xlane v10, v4;
	v19 =	vmul.f32 v47, v21;
	v21 =	vld [tilespmem:s8+$0xFFFFFF50];
	[tilespmem:s22+$0xFFFFFFC0] =	vst v16  }
0x82: {  	v16 =	vperm.xlane v17, v5;
	v20 =	vmul.f32 v48, v20;
	v50 =	vld [tilespmem:s8+$0xFFFFFFD0];
	[tilespmem:s22+$0x40] =	vst v8  }
0x83: {  	v8 =	vperm.xlane v13, v5;
	v18 =	vmul.f32 v49, v18;
	[tilespmem:s22+$0x1D0] =	vst v19;
	v19 =	vld [tilespmem:s8+$0x50]  }
0x84: {  	v28 =	vperm.xlane v17, v7;
	[tilespmem:s22+$0xC0] =	vst v20;
	v16 =	vmul.f32 v22, v16;
	v52 =	vld [tilespmem:s8+$0x1E0]  }
0x85: {  	v20 =	vperm.xlane v14, v5;
	v22 =	vld [tilespmem:s8+$0xD0];
	[tilespmem:s22+$0x140] =	vst v18;
	v8 =	vmul.f32 v23, v8  }
0x86: {  	v18 =	vperm.xlane v12, v5;
	v23 =	vld [tilespmem:s8+$0x150];
	[tilespmem:s22+$0xFFFFFE50] =	vst v16;
	v16 =	vmul.f32 v21, v51  }
0x87: {  	v21 =	vperm.xlane v9, v6;
	v53 =	vld [tilespmem:s8+$0xFFFFFE60];
	[tilespmem:s22+$0xFFFFFED0] =	vst v8;
	v8 =	vmul.f32 v50, v20  }
0x88: {  	v30 =	vperm.xlane v15, v7;
	v20 =	vperm.xlane v11, v5;
	v54 =	vld [tilespmem:s8+$0xFFFFFEE0];
	[tilespmem:s22+$0xFFFFFF50] =	vst v16  }
0x89: {  	v16 =	vmul.f32 v19, v18;
	v19 =	vmul.f32 v52, v21;
	v21 =	vld [tilespmem:s8+$0xFFFFFF60];
	[tilespmem:s22+$0xFFFFFFD0] =	vst v8  }
0x8a: {  	v18 =	vperm.xlane v10, v5;
	v20 =	vmul.f32 v22, v20;
	v22 =	vld [tilespmem:s8+$0xFFFFFFE0]  }
0x8b: {  	s25 =	simm.s32 $0x3000;
	v8 =	vperm.xlane v17, v6;
	v17 =	vld [tilespmem:s23+$0x180];
	[tilespmem:s22+$0x50] =	vst v16;
	v16 =	vperm.xlane v13, v6  }
0x8c: {  	v18 =	vmul.f32 v23, v18;
	v23 =	vperm.xlane v15, v6;
	v15 =	vld [tilespmem:s25+$0xFFFFFF00];
	[tilespmem:s22+$0x1E0] =	vst v19  }
0x8d: {  	v19 =	vld [tilespmem:s8+$0x60];
	[tilespmem:s22+$0xD0] =	vst v20;
	v20 =	vperm.xlane v14, v6;
	v16 =	vmul.f32 v54, v16  }
0x8e: {  	v8 =	vmul.f32 v53, v8;
	v55 =	vld [tilespmem:s8+$0x1F0];
	[tilespmem:s22+$0x150] =	vst v18  }
0x8f: {  	v56 =	vld [tilespmem:s8+$0xE0];
	[tilespmem:s22+$0xFFFFFEE0] =	vst v16;
	v16 =	vmul.f32 v22, v20  }
0x90: {  	v57 =	vld [tilespmem:s8+$0x160];
	[tilespmem:s22+$0xFFFFFE60] =	vst v8  }
0x91: {  	v18 =	vperm.xlane v12, v6;
	v8 =	vmul.f32 v21, v23;
	[tilespmem:s22+$0xFFFFFFE0] =	vst v16;
	v16 =	vld [tilespmem:s25+$0x180]  }
0x92: {  	v27 =	vperm.xlane v10, v6;
	v9 =	vperm.xlane v9, v7;
	v21 =	vld [tilespmem:s8+$0xFFFFFE70]  }
0x93: {  	v23 =	vperm.xlane v11, v6;
	v20 =	vld [tilespmem:s8+$0xFFFFFEF0];
	[tilespmem:s22+$0xFFFFFF60] =	vst v8;
	v8 =	vmul.f32 v19, v18  }
0x94: {  	v29 =	vperm.xlane v13, v7;
	v26 =	vmul.f32 v55, v9;
	v19 =	vld [tilespmem:s8+$0xFFFFFFF0]  }
0x95: {  	v31 =	vperm.xlane v14, v7;
	v23 =	vmul.f32 v56, v23;
	[tilespmem:s22+$0x60] =	vst v8;
	v8 =	vld [tilespmem:s25+$0xFFFFFE80]  }
0x96: {  	v18 =	vld [tilespmem:s8+$0xFFFFFF70];
	v24 =	vmul.f32 v57, v27;
	[tilespmem:s22+$0x1F0] =	vst v26;
	v33 =	vperm.xlane v16, v0  }
0x97: {  	v32 =	vperm.xlane v12, v7;
	v14 =	vld [tilespmem:s25+$0xFFFFFF80];
	v21 =	vmul.f32 v21, v28;
	[tilespmem:s22+$0xE0] =	vst v23  }
0x98: {  	v10 =	vperm.xlane v10, v7;
	[tilespmem:s22+$0x160] =	vst v24;
	v33 =	vmul.f32 v17, v33;
	v17 =	vld [tilespmem:s25+$0xFFFFFE00]  }
0x99: {  	s24 =	simm.s32 $0x8000;
	v13 =	vld [tilespmem:s25+$0x80];
	v11 =	vperm.xlane v11, v7;
	v20 =	vmul.f32 v20, v29;
	[tilespmem:s22+$0xFFFFFE70] =	vst v21  }
0x9a: {  	v12 =	vld [tilespmem:s25+$0x0];
	v19 =	vmul.f32 v19, v31;
	v59 =	vperm.xlane v8, v0;
	[tilespmem:s24+$0x180] =	vst v33  }
0x9b: {  	v18 =	vmul.f32 v18, v30;
	[tilespmem:s22+$0xFFFFFEF0] =	vst v20;
	v20 =	vperm.xlane v15, v0;
	v23 =	vld [tilespmem:s23+$0x190]  }
0x9c: {  	v22 =	vld [tilespmem:s8+$0x70];
	[tilespmem:s22+$0xFFFFFFF0] =	vst v19;
	v19 =	vperm.xlane v14, v0;
	v24 =	vmul.f32 v60, v59  }
0x9d: {  	v38 =	vld [tilespmem:s23+$0x80];
	[tilespmem:s22+$0xFFFFFF70] =	vst v18;
	v20 =	vmul.f32 v61, v20;
	v18 =	vperm.xlane v17, v0  }
0x9e: {  	v9 =	vld [tilespmem:s25+$0x100];
	v63 =	vperm.xlane v16, v1;
	v19 =	vmul.f32 v62, v19;
	[tilespmem:s24+$0xFFFFFE80] =	vst v24  }
0x9f: {  	v36 =	vperm.xlane v15, v1;
	[tilespmem:s24+$0xFFFFFF00] =	vst v20;
	v45 =	vld [tilespmem:s23+$0xFFFFFE90];
	v25 =	vmul.f32 v58, v18  }
0xa0: {  	v39 =	vld [tilespmem:s23+$0x100];
	v41 =	vperm.xlane v13, v0;
	[tilespmem:s24+$0xFFFFFF80] =	vst v19;
	v23 =	vmul.f32 v23, v63  }
0xa1: {  	v34 =	vperm.xlane v12, v0;
	v22 =	vmul.f32 v22, v32;
	v48 =	vld [tilespmem:s23+$0xFFFFFF90];
	[tilespmem:s24+$0xFFFFFE00] =	vst v25  }
0xa2: {  	v21 =	vperm.xlane v8, v1;
	v20 =	vmul.f32 v38, v41;
	[tilespmem:s24+$0x190] =	vst v23;
	v42 =	vld [tilespmem:s23+$0xFFFFFE10]  }
0xa3: {  	v44 =	vmul.f32 v37, v34;
	v43 =	vperm.xlane v9, v0;
	[tilespmem:s22+$0x70] =	vst v22;
	v40 =	vld [tilespmem:s23+$0x1A0]  }
0xa4: {  	v22 =	vperm.xlane v14, v1;
	v46 =	vld [tilespmem:s23+$0xFFFFFF10];
	[tilespmem:s24+$0x80] =	vst v20;
	v21 =	vmul.f32 v45, v21  }
0xa5: {  	[tilespmem:s24+$0x0] =	vst v44;
	v24 =	vmul.f32 v39, v43;
	v47 =	vperm.xlane v17, v1;
	v52 =	vld [tilespmem:s23+$0x90]  }
0xa6: {  	v50 =	vld [tilespmem:s23+$0x10];
	v19 =	vperm.xlane v16, v2;
	[tilespmem:s24+$0xFFFFFE90] =	vst v21;
	v21 =	vmul.f32 v48, v22  }
0xa7: {  	v49 =	vperm.xlane v13, v1;
	[tilespmem:s24+$0x100] =	vst v24;
	v59 =	vld [tilespmem:s23+$0xFFFFFEA0];
	v51 =	vmul.f32 v42, v47  }
0xa8: {  	v57 =	vperm.xlane v14, v2;
	v54 =	vld [tilespmem:s23+$0x110];
	[tilespmem:s24+$0xFFFFFF90] =	vst v21;
	v19 =	vmul.f32 v40, v19  }
0xa9: {  	v55 =	vmul.f32 v46, v36;
	v23 =	vperm.xlane v12, v1;
	v62 =	vld [tilespmem:s23+$0xFFFFFFA0];
	[tilespmem:s24+$0xFFFFFE10] =	vst v51  }
0xaa: {  	v27 =	vperm.xlane v8, v2;
	v21 =	vmul.f32 v52, v49;
	[tilespmem:s24+$0x1A0] =	vst v19;
	v58 =	vld [tilespmem:s23+$0xFFFFFE20]  }
0xab: {  	v20 =	vperm.xlane v9, v1;
	[tilespmem:s24+$0xFFFFFF10] =	vst v55;
	v23 =	vmul.f32 v50, v23;
	v56 =	vld [tilespmem:s23+$0x1B0]  }
0xac: {  	v60 =	vperm.xlane v16, v3;
	v25 =	vld [tilespmem:s23+$0xFFFFFF20];
	[tilespmem:s24+$0x90] =	vst v21;
	v27 =	vmul.f32 v59, v27  }
0xad: {  	v53 =	vperm.xlane v17, v2;
	v20 =	vmul.f32 v54, v20;
	[tilespmem:s24+$0x10] =	vst v23;
	v37 =	vld [tilespmem:s23+$0xA0]  }
0xae: {  	v61 =	vperm.xlane v13, v2;
	v63 =	vld [tilespmem:s23+$0x20];
	[tilespmem:s24+$0xFFFFFEA0] =	vst v27;
	v42 =	vmul.f32 v62, v57  }
0xaf: {  	[tilespmem:s24+$0x110] =	vst v20;
	v19 =	vperm.xlane v15, v2;
	v44 =	vld [tilespmem:s23+$0xFFFFFEB0];
	v24 =	vmul.f32 v58, v53  }
0xb0: {  	v43 =	vperm.xlane v12, v3;
	v38 =	vld [tilespmem:s23+$0x120];
	[tilespmem:s24+$0xFFFFFFA0] =	vst v42;
	v21 =	vmul.f32 v56, v60  }
0xb1: {  	v22 =	vperm.xlane v12, v2;
	v19 =	vmul.f32 v25, v19;
	v48 =	vld [tilespmem:s23+$0xFFFFFFB0];
	[tilespmem:s24+$0xFFFFFE20] =	vst v24  }
0xb2: {  	v20 =	vperm.xlane v8, v3;
	v45 =	vmul.f32 v37, v61;
	[tilespmem:s24+$0x1B0] =	vst v21;
	v41 =	vld [tilespmem:s23+$0xFFFFFE30]  }
0xb3: {  	v23 =	vperm.xlane v9, v2;
	[tilespmem:s24+$0xFFFFFF20] =	vst v19;
	v19 =	vmul.f32 v63, v22;
	v39 =	vld [tilespmem:s23+$0x1C0]  }
0xb4: {  	v40 =	vperm.xlane v14, v3;
	v22 =	vld [tilespmem:s23+$0xFFFFFF30];
	[tilespmem:s24+$0xA0] =	vst v45;
	v20 =	vmul.f32 v44, v20  }
0xb5: {  	v36 =	vperm.xlane v17, v3;
	[tilespmem:s24+$0x20] =	vst v19;
	v19 =	vmul.f32 v38, v23;
	v51 =	vld [tilespmem:s23+$0xB0]  }
0xb6: {  	v46 =	vperm.xlane v16, v4;
	v49 =	vld [tilespmem:s23+$0x30];
	[tilespmem:s24+$0xFFFFFEB0] =	vst v20;
	v20 =	vmul.f32 v48, v40  }
0xb7: {  	v21 =	vperm.xlane v15, v3;
	[tilespmem:s24+$0x120] =	vst v19;
	v26 =	vmul.f32 v41, v36  }
0xb8: {  	v47 =	vperm.xlane v13, v3;
	v52 =	vld [tilespmem:s23+$0x130];
	[tilespmem:s24+$0xFFFFFFB0] =	vst v20;
	v24 =	vmul.f32 v39, v46  }
0xb9: {  	v54 =	vperm.xlane v14, v4;
	v21 =	vmul.f32 v22, v21;
	v57 =	vld [tilespmem:s23+$0xFFFFFEC0];
	[tilespmem:s24+$0xFFFFFE30] =	vst v26  }
0xba: {  	v50 =	vperm.xlane v17, v4;
	v20 =	vmul.f32 v51, v47;
	[tilespmem:s24+$0x1C0] =	vst v24;
	v55 =	vld [tilespmem:s23+$0xFFFFFE40]  }
0xbb: {  	v23 =	vperm.xlane v9, v3;
	[tilespmem:s24+$0xFFFFFF30] =	vst v21;
	v21 =	vmul.f32 v49, v43;
	v22 =	vld [tilespmem:s23+$0x1D0]  }
0xbc: {  	v59 =	vperm.xlane v16, v5;
	v19 =	vperm.xlane v8, v4;
	v61 =	vld [tilespmem:s23+$0xFFFFFFC0];
	[tilespmem:s24+$0xB0] =	vst v20  }
0xbd: {  	v53 =	vperm.xlane v15, v4;
	v58 =	vld [tilespmem:s23+$0xFFFFFF40];
	[tilespmem:s24+$0x30] =	vst v21;
	v21 =	vmul.f32 v52, v23  }
0xbe: {  	v45 =	vperm.xlane v13, v5;
	v63 =	vld [tilespmem:s23+$0xC0];
	v19 =	vmul.f32 v57, v19  }
0xbf: {  	v56 =	vperm.xlane v12, v4;
	v62 =	vld [tilespmem:s23+$0x40];
	[tilespmem:s24+$0x130] =	vst v21;
	v27 =	vmul.f32 v55, v50  }
0xc0: {  	v60 =	vperm.xlane v13, v4;
	v36 =	vld [tilespmem:s23+$0x140];
	[tilespmem:s24+$0xFFFFFEC0] =	vst v19;
	v20 =	vmul.f32 v22, v59  }
0xc1: {  	v38 =	vperm.xlane v14, v5;
	v19 =	vmul.f32 v61, v54;
	v41 =	vld [tilespmem:s23+$0xFFFFFED0];
	[tilespmem:s24+$0xFFFFFE40] =	vst v27  }
0xc2: {  	v44 =	vperm.xlane v16, v6;
	v24 =	vmul.f32 v58, v53;
	[tilespmem:s24+$0x1D0] =	vst v20;
	v39 =	vld [tilespmem:s23+$0xFFFFFE50]  }
0xc3: {  	v23 =	vperm.xlane v9, v4;
	[tilespmem:s24+$0xFFFFFFC0] =	vst v19;
	v19 =	vmul.f32 v63, v60;
	v37 =	vld [tilespmem:s23+$0x1E0]  }
0xc4: {  	v21 =	vperm.xlane v8, v5;
	[tilespmem:s24+$0xFFFFFF40] =	vst v24;
	v42 =	vmul.f32 v62, v56;
	v46 =	vld [tilespmem:s23+$0xFFFFFFD0]  }
0xc5: {  	v43 =	vld [tilespmem:s23+$0xFFFFFF50];
	[tilespmem:s24+$0xC0] =	vst v19;
	v22 =	vperm.xlane v17, v5;
	v23 =	vmul.f32 v36, v23  }
0xc6: {  	v16 =	vperm.xlane v16, v7;
	[tilespmem:s24+$0x40] =	vst v42;
	v50 =	vld [tilespmem:s23+$0xD0];
	v21 =	vmul.f32 v41, v21  }
0xc7: {  	v40 =	vperm.xlane v12, v5;
	v48 =	vld [tilespmem:s23+$0x50];
	[tilespmem:s24+$0x140] =	vst v23;
	v22 =	vmul.f32 v39, v22  }
0xc8: {  	v20 =	vperm.xlane v15, v5;
	v51 =	vld [tilespmem:s23+$0x150];
	[tilespmem:s24+$0xFFFFFED0] =	vst v21;
	v19 =	vmul.f32 v37, v44  }
0xc9: {  	v47 =	vperm.xlane v9, v5;
	v21 =	vmul.f32 v46, v38;
	v55 =	vld [tilespmem:s23+$0xFFFFFEE0];
	[tilespmem:s24+$0xFFFFFE50] =	vst v22  }
0xca: {  	v49 =	vperm.xlane v17, v6;
	[tilespmem:s24+$0x1E0] =	vst v19;
	v19 =	vmul.f32 v43, v20;
	v53 =	vld [tilespmem:s23+$0xFFFFFE60]  }
0xcb: {  	v52 =	vperm.xlane v15, v6;
	v57 =	vperm.xlane v13, v6;
	[tilespmem:s24+$0xFFFFFFD0] =	vst v21;
	v20 =	vld [tilespmem:s23+$0x1F0]  }
0xcc: {  	v54 =	vperm.xlane v12, v6;
	v58 =	vld [tilespmem:s23+$0xFFFFFFE0];
	[tilespmem:s24+$0xFFFFFF50] =	vst v19;
	v19 =	vmul.f32 v48, v40  }
0xcd: {  	v59 =	vperm.xlane v9, v6;
	v21 =	vmul.f32 v50, v45;
	v56 =	vld [tilespmem:s23+$0xFFFFFF60]  }
0xce: {  	v18 =	vld [tilespmem:s8+$0xF0];
	v23 =	vperm.xlane v8, v6;
	v24 =	vmul.f32 v51, v47;
	[tilespmem:s24+$0x50] =	vst v19  }
0xcf: {  	[tilespmem:s24+$0xD0] =	vst v21;
	v19 =	vperm.xlane v17, v7;
	v60 =	vld [tilespmem:s23+$0x60];
	v17 =	vmul.f32 v53, v49  }
0xd0: {  	v61 =	vld [tilespmem:s23+$0xE0];
	v22 =	vperm.xlane v14, v6;
	[tilespmem:s24+$0x150] =	vst v24;
	v16 =	vmul.f32 v20, v16  }
0xd1: {  	v20 =	vperm.xlane v8, v7;
	v8 =	vmul.f32 v55, v23;
	v23 =	vld [tilespmem:s23+$0x160];
	[tilespmem:s24+$0xFFFFFE60] =	vst v17  }
0xd2: {  	v62 =	vld [tilespmem:s8+$0x170];
	v63 =	vmul.f32 v58, v22;
	[tilespmem:s24+$0x1F0] =	vst v16;
	v17 =	vmul.f32 v56, v52  }
0xd3: {  	v16 =	vperm.xlane v15, v7;
	v15 =	vperm.xlane v14, v7;
	v14 =	vld [tilespmem:s23+$0xFFFFFE70];
	[tilespmem:s24+$0xFFFFFEE0] =	vst v8  }
0xd4: {  	v21 =	vperm.xlane v12, v7;
	v22 =	vld [tilespmem:s23+$0xFFFFFEF0];
	[tilespmem:s24+$0xFFFFFF60] =	vst v17;
	v17 =	vmul.f32 v60, v54  }
0xd5: {  	[tilespmem:s24+$0xFFFFFFE0] =	vst v63;
	v25 =	vmul.f32 v61, v57;
	v8 =	vperm.xlane v13, v7;
	v13 =	vld [tilespmem:s23+$0xFFFFFF70]  }
0xd6: {  	v12 =	vmul.f32 v18, v11;
	v18 =	vld [tilespmem:s23+$0xFFFFFFF0];
	v11 =	vmul.f32 v23, v59;
	[tilespmem:s24+$0x60] =	vst v17  }
0xd7: {  	s16 =	simm.s32 $0x3400;
	s25 =	simm.s32 $0x8;
	s8 =	simm.s32 $0x800;
	v9 =	vperm.xlane v9, v7;
	[tilespmem:s24+$0xE0] =	vst v25;
	v17 =	vmul.f32 v62, v10;
	v23 =	vld [tilespmem:s23+$0x70]  }
.LBB2_3:
0xd8: {  	v10 =	vld [tilespmem:s16+$0x180];
	s25 =	sadd.s32 $0x8, s25;
	v14 =	vmul.f32 v14, v19;
	[tilespmem:s24+$0x160] =	vst v11  }
0xd9: {  	s23 =	sadd.s32 $0x400, s23;
	v11 =	vld [tilespmem:s16+$0xFFFFFE80];
	p1 =	slt.u32 s25, $0x48;
	v19 =	vmul.f32 v22, v20;
	[tilespmem:s22+$0xF0] =	vst v12  }
0xda: {  	v20 =	vld [tilespmem:s23+$0x180];
	[tilespmem:s24+$0xFFFFFE70] =	vst v14;
	v12 =	vmul.f32 v13, v16  }
0xdb: {  	v16 =	vld [tilespmem:s16+$0xFFFFFF00];
	[tilespmem:s24+$0xFFFFFEF0] =	vst v19;
	v14 =	vmul.f32 v18, v15  }
0xdc: {  	v15 =	vld [tilespmem:s16+$0xFFFFFF80];
	[tilespmem:s24+$0xFFFFFF70] =	vst v12;
	v12 =	vmul.f32 v23, v21  }
0xdd: {  	v13 =	vld [tilespmem:s16+$0x0];
	v18 =	vperm.xlane v10, v0;
	[tilespmem:s24+$0xFFFFFFF0] =	vst v14  }
0xde: {  	v19 =	vperm.xlane v11, v0;
	v21 =	vperm.xlane v11, v1;
	v14 =	vld [tilespmem:s16+$0x80];
	[tilespmem:s24+$0x70] =	vst v12  }
0xdf: {  	v22 =	vperm.xlane v11, v2;
	v12 =	vld [tilespmem:s16+$0x100];
	v20 =	vmul.f32 v20, v18;
	[tilespmem:s22+$0x170] =	vst v17;
	s22 =	smov.u32 s24  }
0xe0: {  	s24 =	sadd.s32 $0x400, s24;
	v18 =	vld [tilespmem:s16+$0xFFFFFE00];
	v17 =	vperm.xlane v16, v0;
	v23 =	vperm.xlane v16, v1  }
0xe1: {  	v24 =	vld [tilespmem:s23+$0xFFFFFE00];
	v25 =	vperm.xlane v15, v0;
	v26 =	vperm.xlane v15, v1;
	[tilespmem:s24+$0x180] =	vst v20  }
0xe2: {  	v20 =	vperm.xlane v13, v0;
	v27 =	vperm.xlane v13, v1;
	v28 =	vld [tilespmem:s23+$0x190]  }
0xe3: {  	v29 =	vld [tilespmem:s23+$0xFFFFFE80];
	v30 =	vperm.xlane v14, v0;
	v31 =	vperm.xlane v14, v1  }
0xe4: {  	v32 =	vld [tilespmem:s23+$0xFFFFFF00];
	v33 =	vperm.xlane v12, v0;
	v34 =	vperm.xlane v12, v1  }
0xe5: {  	v37 =	vperm.xlane v10, v1;
	v35 =	vperm.xlane v18, v0;
	v36 =	vld [tilespmem:s23+$0xFFFFFF80]  }
0xe6: {  	v38 =	vperm.xlane v18, v1;
	v39 =	vperm.xlane v18, v2;
	v40 =	vld [tilespmem:s23+$0x0]  }
0xe7: {  	v24 =	vmul.f32 v24, v35;
	v35 =	vld [tilespmem:s23+$0x80];
	v28 =	vmul.f32 v28, v37  }
0xe8: {  	v19 =	vmul.f32 v29, v19;
	v29 =	vperm.xlane v16, v2;
	v37 =	vld [tilespmem:s23+$0x100]  }
0xe9: {  	v41 =	vperm.xlane v15, v2;
	v32 =	vmul.f32 v32, v17;
	[tilespmem:s24+$0x190] =	vst v28;
	v17 =	vld [tilespmem:s8+$0xF0]  }
0xea: {  	[tilespmem:s24+$0xFFFFFE00] =	vst v24;
	v24 =	vmul.f32 v36, v25;
	v25 =	vperm.xlane v13, v2;
	v28 =	vld [tilespmem:s23+$0x1A0]  }
0xeb: {  	v36 =	vld [tilespmem:s23+$0xFFFFFE10];
	[tilespmem:s24+$0xFFFFFE80] =	vst v19;
	v19 =	vmul.f32 v40, v20;
	v20 =	vperm.xlane v14, v2  }
0xec: {  	v40 =	vld [tilespmem:s23+$0xFFFFFE90];
	[tilespmem:s24+$0xFFFFFF00] =	vst v32;
	v30 =	vmul.f32 v35, v30;
	v32 =	vperm.xlane v12, v2  }
0xed: {  	v35 =	vld [tilespmem:s23+$0xFFFFFF10];
	[tilespmem:s24+$0xFFFFFF80] =	vst v24;
	v24 =	vmul.f32 v37, v33;
	v33 =	vperm.xlane v10, v2  }
0xee: {  	v42 =	vperm.xlane v11, v3;
	v37 =	vperm.xlane v18, v3;
	v43 =	vld [tilespmem:s23+$0xFFFFFF90];
	[tilespmem:s24+$0x0] =	vst v19  }
0xef: {  	v19 =	vperm.xlane v16, v3;
	v44 =	vld [tilespmem:s23+$0x10];
	[tilespmem:s24+$0x80] =	vst v30;
	v28 =	vmul.f32 v28, v33  }
0xf0: {  	v33 =	vperm.xlane v15, v3;
	v30 =	vmul.f32 v36, v38;
	v36 =	vld [tilespmem:s23+$0x90];
	[tilespmem:s24+$0x100] =	vst v24  }
0xf1: {  	v24 =	vperm.xlane v13, v3;
	v21 =	vmul.f32 v40, v21;
	v38 =	vld [tilespmem:s23+$0x110];
	[tilespmem:s24+$0x1A0] =	vst v28  }
0xf2: {  	v28 =	vperm.xlane v14, v3;
	[tilespmem:s24+$0xFFFFFE10] =	vst v30;
	v23 =	vmul.f32 v35, v23;
	v30 =	vld [tilespmem:s23+$0x1B0]  }
0xf3: {  	v35 =	vld [tilespmem:s23+$0xFFFFFE20];
	[tilespmem:s24+$0xFFFFFE90] =	vst v21;
	v21 =	vmul.f32 v43, v26;
	v26 =	vperm.xlane v12, v3  }
0xf4: {  	v40 =	vperm.xlane v18, v4;
	v43 =	vld [tilespmem:s23+$0xFFFFFEA0];
	[tilespmem:s24+$0xFFFFFF10] =	vst v23;
	v23 =	vmul.f32 v44, v27  }
0xf5: {  	v27 =	vld [tilespmem:s23+$0xFFFFFF20];
	[tilespmem:s24+$0xFFFFFF90] =	vst v21;
	v21 =	vmul.f32 v36, v31;
	v31 =	vperm.xlane v10, v3  }
0xf6: {  	v36 =	vperm.xlane v11, v4;
	v44 =	vld [tilespmem:s23+$0xFFFFFFA0];
	[tilespmem:s24+$0x10] =	vst v23;
	v23 =	vmul.f32 v38, v34  }
0xf7: {  	v34 =	vperm.xlane v16, v4;
	v38 =	vld [tilespmem:s23+$0x20];
	[tilespmem:s24+$0x90] =	vst v21;
	v21 =	vmul.f32 v30, v31  }
0xf8: {  	v31 =	vperm.xlane v15, v4;
	v30 =	vmul.f32 v35, v39;
	v35 =	vld [tilespmem:s23+$0xA0];
	[tilespmem:s24+$0x110] =	vst v23  }
0xf9: {  	v23 =	vperm.xlane v13, v4;
	v22 =	vmul.f32 v43, v22;
	v39 =	vld [tilespmem:s23+$0x120];
	[tilespmem:s24+$0x1B0] =	vst v21  }
0xfa: {  	[tilespmem:s24+$0xFFFFFE20] =	vst v30;
	v21 =	vmul.f32 v27, v29;
	v27 =	vperm.xlane v14, v4;
	v29 =	vld [tilespmem:s23+$0x1C0]  }
0xfb: {  	v30 =	vld [tilespmem:s23+$0xFFFFFE30];
	[tilespmem:s24+$0xFFFFFEA0] =	vst v22;
	v22 =	vmul.f32 v44, v41;
	v41 =	vperm.xlane v12, v4  }
0xfc: {  	v43 =	vperm.xlane v18, v5;
	v44 =	vld [tilespmem:s23+$0xFFFFFEB0];
	[tilespmem:s24+$0xFFFFFF20] =	vst v21;
	v21 =	vmul.f32 v38, v25  }
0xfd: {  	v25 =	vld [tilespmem:s23+$0xFFFFFF30];
	[tilespmem:s24+$0xFFFFFFA0] =	vst v22;
	v20 =	vmul.f32 v35, v20;
	v22 =	vperm.xlane v10, v4  }
0xfe: {  	v35 =	vperm.xlane v11, v5;
	v38 =	vld [tilespmem:s23+$0xFFFFFFB0];
	[tilespmem:s24+$0x20] =	vst v21;
	v21 =	vmul.f32 v39, v32  }
0xff: {  	v32 =	vperm.xlane v16, v5;
	v39 =	vld [tilespmem:s23+$0x30];
	[tilespmem:s24+$0xA0] =	vst v20;
	v20 =	vmul.f32 v29, v22  }
0x100: {  	v29 =	vperm.xlane v15, v5;
	v22 =	vmul.f32 v30, v37;
	v30 =	vld [tilespmem:s23+$0xB0];
	[tilespmem:s24+$0x120] =	vst v21  }
0x101: {  	v37 =	vperm.xlane v13, v5;
	v21 =	vmul.f32 v44, v42;
	v42 =	vld [tilespmem:s23+$0x130];
	[tilespmem:s24+$0x1C0] =	vst v20  }
0x102: {  	[tilespmem:s24+$0xFFFFFE30] =	vst v22;
	v19 =	vmul.f32 v25, v19;
	v22 =	vperm.xlane v14, v5;
	v20 =	vld [tilespmem:s23+$0x1D0]  }
0x103: {  	v25 =	vld [tilespmem:s23+$0xFFFFFE40];
	[tilespmem:s24+$0xFFFFFEB0] =	vst v21;
	v21 =	vmul.f32 v38, v33;
	v33 =	vperm.xlane v12, v5  }
0x104: {  	v38 =	vperm.xlane v18, v6;
	v44 =	vld [tilespmem:s23+$0xFFFFFEC0];
	[tilespmem:s24+$0xFFFFFF30] =	vst v19;
	v19 =	vmul.f32 v39, v24  }
0x105: {  	v24 =	vld [tilespmem:s23+$0xFFFFFF40];
	[tilespmem:s24+$0xFFFFFFB0] =	vst v21;
	v21 =	vmul.f32 v30, v28;
	v28 =	vperm.xlane v10, v5  }
0x106: {  	v30 =	vperm.xlane v11, v6;
	v39 =	vld [tilespmem:s23+$0xFFFFFFC0];
	[tilespmem:s24+$0x30] =	vst v19;
	v19 =	vmul.f32 v42, v26  }
0x107: {  	v26 =	vperm.xlane v16, v6;
	v42 =	vld [tilespmem:s23+$0x40];
	[tilespmem:s24+$0xB0] =	vst v21;
	v20 =	vmul.f32 v20, v28  }
0x108: {  	v21 =	vmul.f32 v25, v40;
	v25 =	vperm.xlane v15, v6;
	v28 =	vld [tilespmem:s23+$0xC0];
	[tilespmem:s24+$0x130] =	vst v19  }
0x109: {  	v19 =	vmul.f32 v44, v36;
	v36 =	vperm.xlane v13, v6;
	v40 =	vld [tilespmem:s23+$0x140];
	[tilespmem:s24+$0x1D0] =	vst v20  }
0x10a: {  	[tilespmem:s24+$0xFFFFFE40] =	vst v21;
	v20 =	vmul.f32 v24, v34;
	v24 =	vperm.xlane v14, v6;
	v21 =	vld [tilespmem:s23+$0x1E0]  }
0x10b: {  	v34 =	vld [tilespmem:s23+$0xFFFFFE50];
	[tilespmem:s24+$0xFFFFFEC0] =	vst v19;
	v31 =	vmul.f32 v39, v31;
	v39 =	vperm.xlane v12, v6  }
0x10c: {  	v19 =	vperm.xlane v18, v7;
	v18 =	vld [tilespmem:s23+$0xFFFFFED0];
	[tilespmem:s24+$0xFFFFFF40] =	vst v20;
	v23 =	vmul.f32 v42, v23  }
0x10d: {  	v42 =	vld [tilespmem:s23+$0xFFFFFF50];
	[tilespmem:s24+$0xFFFFFFC0] =	vst v31;
	v27 =	vmul.f32 v28, v27;
	v28 =	vperm.xlane v10, v6  }
0x10e: {  	v20 =	vperm.xlane v11, v7;
	v11 =	vld [tilespmem:s23+$0xFFFFFFD0];
	[tilespmem:s24+$0x40] =	vst v23;
	v23 =	vmul.f32 v40, v41  }
0x10f: {  	v16 =	vperm.xlane v16, v7;
	v31 =	vld [tilespmem:s23+$0x50];
	[tilespmem:s24+$0xC0] =	vst v27;
	v27 =	vmul.f32 v21, v28  }
0x110: {  	v15 =	vperm.xlane v15, v7;
	v28 =	vmul.f32 v34, v43;
	v34 =	vld [tilespmem:s23+$0xD0];
	[tilespmem:s24+$0x140] =	vst v23  }
0x111: {  	v21 =	vperm.xlane v13, v7;
	v18 =	vmul.f32 v18, v35;
	v13 =	vld [tilespmem:s23+$0x150];
	[tilespmem:s24+$0x1E0] =	vst v27  }
0x112: {  	v14 =	vperm.xlane v14, v7;
	[tilespmem:s24+$0xFFFFFE50] =	vst v28;
	v23 =	vmul.f32 v42, v32;
	v27 =	vld [tilespmem:s23+$0x1F0]  }
0x113: {  	v28 =	vld [tilespmem:s23+$0xFFFFFE60];
	[tilespmem:s24+$0xFFFFFED0] =	vst v18;
	v11 =	vmul.f32 v11, v29;
	v29 =	vperm.xlane v12, v7  }
0x114: {  	v12 =	vmul.f32 v17, v8;
	v8 =	vmov v14;
	v18 =	vld [tilespmem:s23+$0xFFFFFEE0];
	[tilespmem:s24+$0xFFFFFF50] =	vst v23;
	v23 =	vmul.f32 v31, v37  }
0x115: {  	v10 =	vperm.xlane v10, v7;
	v14 =	vld [tilespmem:s23+$0xFFFFFF60];
	[tilespmem:s24+$0xFFFFFFD0] =	vst v11;
	v11 =	vmul.f32 v34, v22  }
0x116: {  	v17 =	vld [tilespmem:s23+$0xFFFFFFE0];
	[tilespmem:s24+$0x50] =	vst v23;
	v13 =	vmul.f32 v13, v33  }
0x117: {  	v23 =	vld [tilespmem:s23+$0x60];
	[tilespmem:s24+$0xD0] =	vst v11;
	v10 =	vmul.f32 v27, v10  }
0x118: {  	v11 =	vmul.f32 v28, v38;
	v27 =	vld [tilespmem:s23+$0xE0];
	[tilespmem:s24+$0x150] =	vst v13  }
0x119: {  	v13 =	vmul.f32 v18, v30;
	v28 =	vld [tilespmem:s23+$0x160];
	[tilespmem:s24+$0x1F0] =	vst v10  }
0x11a: {  	[tilespmem:s24+$0xFFFFFE60] =	vst v11;
	v10 =	vmul.f32 v14, v26;
	v26 =	vld [tilespmem:s8+$0x170];
	s8 =	smov.u32 s23  }
.Ltmp0:
0x11b: {  	v14 =	vld [tilespmem:s23+$0xFFFFFE70];
	[tilespmem:s24+$0xFFFFFEE0] =	vst v13;
	v11 =	vmul.f32 v17, v25;
	(pc) =	sbr.rel @p1 .LBB2_3-.Ltmp0, $4  }
0x11c: {  	v22 =	vld [tilespmem:s23+$0xFFFFFEF0];
	[tilespmem:s24+$0xFFFFFF60] =	vst v10;
	v10 =	vmul.f32 v23, v36  }
0x11d: {  	v13 =	vld [tilespmem:s23+$0xFFFFFF70];
	[tilespmem:s24+$0xFFFFFFE0] =	vst v11;
	v17 =	vmul.f32 v27, v24  }
0x11e: {  	v18 =	vld [tilespmem:s23+$0xFFFFFFF0];
	[tilespmem:s24+$0x60] =	vst v10;
	v11 =	vmul.f32 v28, v39  }
0x11f: {  	s16 =	sadd.s32 $0x400, s16;
	v23 =	vld [tilespmem:s23+$0x70];
	[tilespmem:s24+$0xE0] =	vst v17;
	v17 =	vmul.f32 v26, v9;
	v9 =	vmov v29  }
0x120: {  	v10 =	vmul.f32 v14, v19;
	[tilespmem:s24+$0x160] =	vst v11  }
0x121: {  	[tilespmem:s22+$0xF0] =	vst v12;
	v12 =	vld [tilespmem:s8+$0xF0]  }
0x122: {  	v11 =	vmul.f32 v22, v20;
	[tilespmem:s24+$0xFFFFFE70] =	vst v10;
	v10 =	vmul.f32 v13, v16;
	v13 =	vld [tilespmem:s8+$0x170]  }
0x123: {  	[tilespmem:s22+$0x170] =	vst v17  }
0x124: {  	[tilespmem:s24+$0xFFFFFEF0] =	vst v11;
	v11 =	vmul.f32 v18, v15  }
0x125: {  	[tilespmem:s24+$0xFFFFFF70] =	vst v10;
	v10 =	vmul.f32 v23, v21  }
0x126: {  	[tilespmem:s24+$0xFFFFFFF0] =	vst v11;
	v8 =	vmul.f32 v12, v8  }
0x127: {  	[tilespmem:s24+$0x70] =	vst v10;
	v9 =	vmul.f32 v13, v9  }
0x128: {  	[tilespmem:s24+$0xF0] =	vst v8  }
0x129: {  	[tilespmem:s24+$0x170] =	vst v9  }
0x12a: {  	[spmem:s2] =	stream.indirect.scatter.add.f32 [tilespmem:s29], [sflag:$0x3], $0x80, s3, s31, $0xb8;
	[tilespmem:$0x1DA80] =	vst v63  }
0x12b: {  	_ =	swait.ge [sflag:s14], $0x50  }
0x12c: {  	[sflag:s14] =	ssyncset.done $0x0  }
0x12d: {  	[sflag:s14] =	ssyncadd.s32 $0xFFFFFFB0  }
0x12e: {  	_ =	swait.ge [sflag:s14], $0x50  }
0x12f: {  	[sflag:s14] =	ssyncset.done $0x0  }
0x130: {  	[sflag:s14] =	ssyncadd.s32 $0xFFFFFFB0  }
0x131: {  	_ =	swait.ge [sflag:s14], $0x2800  }
0x132: {  	[sflag:s14] =	ssyncset.done $0x0  }
0x133: {  	[sflag:s14] =	ssyncadd.s32 $0xFFFFD800  }
0x134: {  	[tilespmem:s0], [sflag:$0x1] =	stream.indirect.gather [hbm4b:s1+s31], $0x80, s10, s31, $0xb8;
	[tilespmem:$0x1DA80] =	vst v63  }
0x135: {  	s25 =	sadd.s32 s21, s18;
	_ =	swait.ge [sflag:s5], $0x2800  }
0x136: {  	s16 =	sshrl.u32 s25, $0x3;
	[sflag:s5] =	ssyncset.done $0x0  }
0x137: {  	s22 =	sadd.s32 s7, s16;
	[sflag:s5] =	ssyncadd.s32 $0xFFFFD800  }
0x138: {  	[tilespmem:s3], [sflag:$0x4] =	stream.linear.gather [hbm4b:s22+s3], $0x50, $0x38;
	[tilespmem:$0x1DA80] =	vst v63  }
0x139: {  	s16 =	sadd.s32 s6, s16;
	s8 =	sshll.u32 s25, $0x4  }
0x13a: {  	[tilespmem:s26], [sflag:$0x4] =	stream.linear.gather [hbm4b:s16+s3], $0x50, $0x38;
	[tilespmem:$0x1DA80] =	vst v63  }
0x13b: {  	s8 =	sadd.s32 s4, s8  }
0x13c: {  	[tilespmem:s28], [sflag:$0x4] =	stream.linear.gather [hbm4b:s8+s3], $0x2800, $0x38;
	[tilespmem:$0x1DA80] =	vst v63  }
0x13d: {  	_ =	swait.ge [sflag:s13], $0x2800  }
0x13e: {  	[sflag:s13] =	ssyncset.done $0x0  }
0x13f: {  	s23 =	simm.s32 $0x5580;
	[sflag:s13] =	ssyncadd.s32 $0xFFFFD800  }
0x140: {  	v9 =	vld [tilespmem:s23+$0x0]  }
0x141: {  	s24 =	simm.s32 $0x400;
	v13 =	vld [tilespmem:s23+$0xFFFFFD00]  }
0x142: {  	v8 =	vld [tilespmem:s24+$0x180]  }
0x143: {  	v15 =	vld [tilespmem:s23+$0xFFFFFD80]  }
0x144: {  	v14 =	vld [tilespmem:s23+$0xFFFFFE00]  }
0x145: {  	v12 =	vld [tilespmem:s23+$0xFFFFFE80]  }
0x146: {  	v11 =	vld [tilespmem:s23+$0xFFFFFF00]  }
0x147: {  	v17 =	vld [tilespmem:s23+$0xFFFFFC80]  }
0x148: {  	v10 =	vld [tilespmem:s23+$0xFFFFFF80]  }
0x149: {  	v18 =	vld [tilespmem:s24+$0xFFFFFE00]  }
0x14a: {  	v19 =	vld [tilespmem:s24+$0xFFFFFE80]  }
0x14b: {  	v21 =	vld [tilespmem:s24+$0xFFFFFF80]  }
0x14c: {  	v25 =	vld [tilespmem:s24+$0x80]  }
0x14d: {  	s22 =	simm.s32 $0x800;
	v26 =	vld [tilespmem:s24+$0x100];
	v16 =	vperm.xlane v9, v0  }
0x14e: {  	v58 =	vld [tilespmem:s22+$0xFFFFFE00];
	v20 =	vperm.xlane v17, v0  }
0x14f: {  	v22 =	vperm.xlane v13, v0;
	v8 =	vmul.f32 v8, v16;
	v16 =	vld [tilespmem:s24+$0xFFFFFF00]  }
0x150: {  	s21 =	simm.s32 $0x7C00;
	v60 =	vld [tilespmem:s22+$0xFFFFFE80];
	v18 =	vmul.f32 v18, v20  }
0x151: {  	v20 =	vperm.xlane v14, v0;
	v19 =	vmul.f32 v19, v22;
	[tilespmem:s21+$0x180] =	vst v8;
	v8 =	vld [tilespmem:s24+$0x0]  }
0x152: {  	v23 =	vperm.xlane v15, v0;
	[tilespmem:s21+$0xFFFFFE00] =	vst v18;
	v24 =	vld [tilespmem:s24+$0x190]  }
0x153: {  	v61 =	vld [tilespmem:s22+$0xFFFFFF00];
	v20 =	vmul.f32 v21, v20;
	[tilespmem:s21+$0xFFFFFE80] =	vst v19;
	v19 =	vperm.xlane v11, v0  }
0x154: {  	v22 =	vperm.xlane v12, v0;
	v21 =	vld [tilespmem:s24+$0xFFFFFE10];
	v16 =	vmul.f32 v16, v23  }
0x155: {  	v62 =	vld [tilespmem:s22+$0xFFFFFF80];
	v18 =	vperm.xlane v9, v1;
	[tilespmem:s21+$0xFFFFFF80] =	vst v20;
	v19 =	vmul.f32 v25, v19  }
0x156: {  	v8 =	vmul.f32 v8, v22;
	v22 =	vld [tilespmem:s24+$0xFFFFFE90];
	[tilespmem:s21+$0xFFFFFF00] =	vst v16  }
0x157: {  	v20 =	vperm.xlane v17, v1;
	[tilespmem:s21+$0x80] =	vst v19;
	v18 =	vmul.f32 v24, v18;
	v23 =	vld [tilespmem:s24+$0xFFFFFF10]  }
0x158: {  	v34 =	vld [tilespmem:s24+$0xFFFFFF90];
	v16 =	vperm.xlane v10, v0;
	[tilespmem:s21+$0x0] =	vst v8  }
0x159: {  	v19 =	vmul.f32 v21, v20;
	v8 =	vperm.xlane v13, v1;
	[tilespmem:s21+$0x190] =	vst v18;
	v18 =	vld [tilespmem:s24+$0x10]  }
0x15a: {  	v35 =	vperm.xlane v15, v1;
	v16 =	vmul.f32 v26, v16;
	v36 =	vld [tilespmem:s24+$0x1A0]  }
0x15b: {  	v20 =	vperm.xlane v14, v1;
	v21 =	vld [tilespmem:s24+$0x90];
	[tilespmem:s21+$0xFFFFFE10] =	vst v19;
	v8 =	vmul.f32 v22, v8  }
0x15c: {  	[tilespmem:s21+$0x100] =	vst v16;
	v16 =	vperm.xlane v12, v1;
	v37 =	vld [tilespmem:s24+$0xFFFFFE20];
	v19 =	vmul.f32 v23, v35  }
0x15d: {  	v22 =	vld [tilespmem:s24+$0x110];
	v23 =	vperm.xlane v9, v2;
	[tilespmem:s21+$0xFFFFFE90] =	vst v8;
	v8 =	vmul.f32 v34, v20  }
0x15e: {  	v20 =	vperm.xlane v11, v1;
	v38 =	vld [tilespmem:s24+$0xFFFFFEA0];
	[tilespmem:s21+$0xFFFFFF10] =	vst v19;
	v16 =	vmul.f32 v18, v16  }
0x15f: {  	v18 =	vperm.xlane v10, v1;
	v19 =	vmul.f32 v36, v23;
	v23 =	vld [tilespmem:s24+$0xFFFFFF20];
	[tilespmem:s21+$0xFFFFFF90] =	vst v8  }
0x160: {  	v8 =	vperm.xlane v17, v2;
	v20 =	vmul.f32 v21, v20;
	v21 =	vld [tilespmem:s24+$0xFFFFFFA0];
	[tilespmem:s21+$0x10] =	vst v16  }
0x161: {  	v16 =	vperm.xlane v13, v2;
	[tilespmem:s21+$0x1A0] =	vst v19;
	v19 =	vld [tilespmem:s24+$0x20]  }
0x162: {  	v18 =	vmul.f32 v22, v18;
	v8 =	vmul.f32 v37, v8;
	v37 =	vld [tilespmem:s22+$0x0]  }
0x163: {  	v43 =	vperm.xlane v15, v3;
	v22 =	vperm.xlane v15, v2;
	[tilespmem:s21+$0x90] =	vst v20;
	v39 =	vld [tilespmem:s24+$0x1B0]  }
0x164: {  	v20 =	vperm.xlane v14, v2;
	v40 =	vld [tilespmem:s24+$0xA0];
	[tilespmem:s21+$0x110] =	vst v18;
	v16 =	vmul.f32 v38, v16  }
0x165: {  	v18 =	vperm.xlane v12, v2;
	v41 =	vld [tilespmem:s24+$0x120];
	[tilespmem:s21+$0xFFFFFE20] =	vst v8;
	v8 =	vmul.f32 v23, v22  }
0x166: {  	v22 =	vperm.xlane v9, v3;
	v23 =	vld [tilespmem:s24+$0xFFFFFE30];
	[tilespmem:s21+$0xFFFFFEA0] =	vst v16;
	v16 =	vmul.f32 v21, v20  }
0x167: {  	v20 =	vperm.xlane v11, v2;
	v21 =	vld [tilespmem:s24+$0xFFFFFEB0];
	[tilespmem:s21+$0xFFFFFF20] =	vst v8;
	v8 =	vmul.f32 v19, v18  }
0x168: {  	v18 =	vperm.xlane v10, v2;
	v19 =	vmul.f32 v39, v22;
	v22 =	vld [tilespmem:s24+$0xFFFFFF30];
	[tilespmem:s21+$0xFFFFFFA0] =	vst v16  }
0x169: {  	v16 =	vperm.xlane v17, v3;
	v20 =	vmul.f32 v40, v20;
	v42 =	vld [tilespmem:s24+$0xFFFFFFB0];
	[tilespmem:s21+$0x20] =	vst v8  }
0x16a: {  	v8 =	vperm.xlane v13, v3;
	v18 =	vmul.f32 v41, v18;
	[tilespmem:s21+$0x1B0] =	vst v19;
	v19 =	vld [tilespmem:s24+$0x30]  }
0x16b: {  	v51 =	vperm.xlane v15, v5;
	[tilespmem:s21+$0xA0] =	vst v20;
	v16 =	vmul.f32 v23, v16;
	v44 =	vld [tilespmem:s24+$0x1C0]  }
0x16c: {  	v20 =	vperm.xlane v14, v3;
	v23 =	vld [tilespmem:s24+$0xB0];
	[tilespmem:s21+$0x120] =	vst v18;
	v8 =	vmul.f32 v21, v8  }
0x16d: {  	v18 =	vperm.xlane v12, v3;
	v21 =	vld [tilespmem:s24+$0x130];
	[tilespmem:s21+$0xFFFFFE30] =	vst v16;
	v16 =	vmul.f32 v22, v43  }
0x16e: {  	v22 =	vperm.xlane v9, v4;
	v45 =	vld [tilespmem:s24+$0xFFFFFE40];
	[tilespmem:s21+$0xFFFFFEB0] =	vst v8;
	v8 =	vmul.f32 v42, v20  }
0x16f: {  	v20 =	vperm.xlane v11, v3;
	v46 =	vld [tilespmem:s24+$0xFFFFFEC0];
	[tilespmem:s21+$0xFFFFFF30] =	vst v16;
	v16 =	vmul.f32 v19, v18  }
0x170: {  	v18 =	vperm.xlane v10, v3;
	v19 =	vmul.f32 v44, v22;
	v22 =	vld [tilespmem:s24+$0xFFFFFF40];
	[tilespmem:s21+$0xFFFFFFB0] =	vst v8  }
0x171: {  	v8 =	vperm.xlane v17, v4;
	v20 =	vmul.f32 v23, v20;
	v23 =	vld [tilespmem:s24+$0xFFFFFFC0];
	[tilespmem:s21+$0x30] =	vst v16  }
0x172: {  	v16 =	vperm.xlane v13, v4;
	v18 =	vmul.f32 v21, v18;
	[tilespmem:s21+$0x1C0] =	vst v19;
	v19 =	vld [tilespmem:s24+$0x40]  }
0x173: {  	v21 =	vperm.xlane v15, v4;
	[tilespmem:s21+$0xB0] =	vst v20;
	v8 =	vmul.f32 v45, v8;
	v47 =	vld [tilespmem:s24+$0x1D0]  }
0x174: {  	v20 =	vperm.xlane v14, v4;
	v48 =	vld [tilespmem:s24+$0xC0];
	[tilespmem:s21+$0x130] =	vst v18;
	v16 =	vmul.f32 v46, v16  }
0x175: {  	v18 =	vperm.xlane v12, v4;
	v49 =	vld [tilespmem:s24+$0x140];
	[tilespmem:s21+$0xFFFFFE40] =	vst v8;
	v8 =	vmul.f32 v22, v21  }
0x176: {  	v21 =	vperm.xlane v9, v5;
	v22 =	vld [tilespmem:s24+$0xFFFFFE50];
	[tilespmem:s21+$0xFFFFFEC0] =	vst v16;
	v16 =	vmul.f32 v23, v20  }
0x177: {  	v20 =	vperm.xlane v11, v4;
	v23 =	vld [tilespmem:s24+$0xFFFFFED0];
	[tilespmem:s21+$0xFFFFFF40] =	vst v8;
	v8 =	vmul.f32 v19, v18  }
0x178: {  	v18 =	vperm.xlane v10, v4;
	v19 =	vmul.f32 v47, v21;
	v21 =	vld [tilespmem:s24+$0xFFFFFF50];
	[tilespmem:s21+$0xFFFFFFC0] =	vst v16  }
0x179: {  	v16 =	vperm.xlane v17, v5;
	v20 =	vmul.f32 v48, v20;
	v50 =	vld [tilespmem:s24+$0xFFFFFFD0];
	[tilespmem:s21+$0x40] =	vst v8  }
0x17a: {  	v8 =	vperm.xlane v13, v5;
	v18 =	vmul.f32 v49, v18;
	[tilespmem:s21+$0x1D0] =	vst v19;
	v19 =	vld [tilespmem:s24+$0x50]  }
0x17b: {  	v28 =	vperm.xlane v17, v7;
	[tilespmem:s21+$0xC0] =	vst v20;
	v16 =	vmul.f32 v22, v16;
	v52 =	vld [tilespmem:s24+$0x1E0]  }
0x17c: {  	v20 =	vperm.xlane v14, v5;
	v22 =	vld [tilespmem:s24+$0xD0];
	[tilespmem:s21+$0x140] =	vst v18;
	v8 =	vmul.f32 v23, v8  }
0x17d: {  	v18 =	vperm.xlane v12, v5;
	v23 =	vld [tilespmem:s24+$0x150];
	[tilespmem:s21+$0xFFFFFE50] =	vst v16;
	v16 =	vmul.f32 v21, v51  }
0x17e: {  	v21 =	vperm.xlane v9, v6;
	v53 =	vld [tilespmem:s24+$0xFFFFFE60];
	[tilespmem:s21+$0xFFFFFED0] =	vst v8;
	v8 =	vmul.f32 v50, v20  }
0x17f: {  	v30 =	vperm.xlane v15, v7;
	v20 =	vperm.xlane v11, v5;
	v54 =	vld [tilespmem:s24+$0xFFFFFEE0];
	[tilespmem:s21+$0xFFFFFF50] =	vst v16  }
0x180: {  	v16 =	vmul.f32 v19, v18;
	v19 =	vmul.f32 v52, v21;
	v21 =	vld [tilespmem:s24+$0xFFFFFF60];
	[tilespmem:s21+$0xFFFFFFD0] =	vst v8  }
0x181: {  	v18 =	vperm.xlane v10, v5;
	v20 =	vmul.f32 v22, v20;
	v22 =	vld [tilespmem:s24+$0xFFFFFFE0]  }
0x182: {  	s25 =	simm.s32 $0x5980;
	v8 =	vperm.xlane v17, v6;
	v17 =	vld [tilespmem:s22+$0x180];
	[tilespmem:s21+$0x50] =	vst v16;
	v16 =	vperm.xlane v13, v6  }
0x183: {  	v18 =	vmul.f32 v23, v18;
	v23 =	vperm.xlane v15, v6;
	v15 =	vld [tilespmem:s25+$0xFFFFFD80];
	[tilespmem:s21+$0x1E0] =	vst v19  }
0x184: {  	v19 =	vld [tilespmem:s24+$0x60];
	[tilespmem:s21+$0xD0] =	vst v20;
	v20 =	vperm.xlane v14, v6;
	v16 =	vmul.f32 v54, v16  }
0x185: {  	v8 =	vmul.f32 v53, v8;
	v55 =	vld [tilespmem:s24+$0x1F0];
	[tilespmem:s21+$0x150] =	vst v18  }
0x186: {  	v56 =	vld [tilespmem:s24+$0xE0];
	[tilespmem:s21+$0xFFFFFEE0] =	vst v16;
	v16 =	vmul.f32 v22, v20  }
0x187: {  	v57 =	vld [tilespmem:s24+$0x160];
	[tilespmem:s21+$0xFFFFFE60] =	vst v8  }
0x188: {  	v18 =	vperm.xlane v12, v6;
	v8 =	vmul.f32 v21, v23;
	[tilespmem:s21+$0xFFFFFFE0] =	vst v16;
	v16 =	vld [tilespmem:s25+$0x0]  }
0x189: {  	v27 =	vperm.xlane v10, v6;
	v9 =	vperm.xlane v9, v7;
	v21 =	vld [tilespmem:s24+$0xFFFFFE70]  }
0x18a: {  	v23 =	vperm.xlane v11, v6;
	v20 =	vld [tilespmem:s24+$0xFFFFFEF0];
	[tilespmem:s21+$0xFFFFFF60] =	vst v8;
	v8 =	vmul.f32 v19, v18  }
0x18b: {  	v29 =	vperm.xlane v13, v7;
	v26 =	vmul.f32 v55, v9;
	v19 =	vld [tilespmem:s24+$0xFFFFFFF0]  }
0x18c: {  	v31 =	vperm.xlane v14, v7;
	v23 =	vmul.f32 v56, v23;
	[tilespmem:s21+$0x60] =	vst v8;
	v8 =	vld [tilespmem:s25+$0xFFFFFD00]  }
0x18d: {  	v18 =	vld [tilespmem:s24+$0xFFFFFF70];
	v24 =	vmul.f32 v57, v27;
	[tilespmem:s21+$0x1F0] =	vst v26;
	v33 =	vperm.xlane v16, v0  }
0x18e: {  	v32 =	vperm.xlane v12, v7;
	v14 =	vld [tilespmem:s25+$0xFFFFFE00];
	v21 =	vmul.f32 v21, v28;
	[tilespmem:s21+$0xE0] =	vst v23  }
0x18f: {  	v10 =	vperm.xlane v10, v7;
	[tilespmem:s21+$0x160] =	vst v24;
	v33 =	vmul.f32 v17, v33;
	v17 =	vld [tilespmem:s25+$0xFFFFFC80]  }
0x190: {  	s23 =	simm.s32 $0x8000;
	v13 =	vld [tilespmem:s25+$0xFFFFFF00];
	v11 =	vperm.xlane v11, v7;
	v20 =	vmul.f32 v20, v29;
	[tilespmem:s21+$0xFFFFFE70] =	vst v21  }
0x191: {  	v12 =	vld [tilespmem:s25+$0xFFFFFE80];
	v19 =	vmul.f32 v19, v31;
	v59 =	vperm.xlane v8, v0;
	[tilespmem:s23+$0x180] =	vst v33  }
0x192: {  	v18 =	vmul.f32 v18, v30;
	[tilespmem:s21+$0xFFFFFEF0] =	vst v20;
	v20 =	vperm.xlane v15, v0;
	v23 =	vld [tilespmem:s22+$0x190]  }
0x193: {  	v22 =	vld [tilespmem:s24+$0x70];
	[tilespmem:s21+$0xFFFFFFF0] =	vst v19;
	v19 =	vperm.xlane v14, v0;
	v24 =	vmul.f32 v60, v59  }
0x194: {  	v38 =	vld [tilespmem:s22+$0x80];
	[tilespmem:s21+$0xFFFFFF70] =	vst v18;
	v20 =	vmul.f32 v61, v20;
	v18 =	vperm.xlane v17, v0  }
0x195: {  	v9 =	vld [tilespmem:s25+$0xFFFFFF80];
	v63 =	vperm.xlane v16, v1;
	v19 =	vmul.f32 v62, v19;
	[tilespmem:s23+$0xFFFFFE80] =	vst v24  }
0x196: {  	v36 =	vperm.xlane v15, v1;
	[tilespmem:s23+$0xFFFFFF00] =	vst v20;
	v45 =	vld [tilespmem:s22+$0xFFFFFE90];
	v25 =	vmul.f32 v58, v18  }
0x197: {  	v39 =	vld [tilespmem:s22+$0x100];
	v41 =	vperm.xlane v13, v0;
	[tilespmem:s23+$0xFFFFFF80] =	vst v19;
	v23 =	vmul.f32 v23, v63  }
0x198: {  	v34 =	vperm.xlane v12, v0;
	v22 =	vmul.f32 v22, v32;
	v48 =	vld [tilespmem:s22+$0xFFFFFF90];
	[tilespmem:s23+$0xFFFFFE00] =	vst v25  }
0x199: {  	v21 =	vperm.xlane v8, v1;
	v20 =	vmul.f32 v38, v41;
	[tilespmem:s23+$0x190] =	vst v23;
	v42 =	vld [tilespmem:s22+$0xFFFFFE10]  }
0x19a: {  	v44 =	vmul.f32 v37, v34;
	v43 =	vperm.xlane v9, v0;
	[tilespmem:s21+$0x70] =	vst v22;
	v40 =	vld [tilespmem:s22+$0x1A0]  }
0x19b: {  	v22 =	vperm.xlane v14, v1;
	v46 =	vld [tilespmem:s22+$0xFFFFFF10];
	[tilespmem:s23+$0x80] =	vst v20;
	v21 =	vmul.f32 v45, v21  }
0x19c: {  	[tilespmem:s23+$0x0] =	vst v44;
	v24 =	vmul.f32 v39, v43;
	v47 =	vperm.xlane v17, v1;
	v52 =	vld [tilespmem:s22+$0x90]  }
0x19d: {  	v50 =	vld [tilespmem:s22+$0x10];
	v19 =	vperm.xlane v16, v2;
	[tilespmem:s23+$0xFFFFFE90] =	vst v21;
	v21 =	vmul.f32 v48, v22  }
0x19e: {  	v49 =	vperm.xlane v13, v1;
	[tilespmem:s23+$0x100] =	vst v24;
	v59 =	vld [tilespmem:s22+$0xFFFFFEA0];
	v51 =	vmul.f32 v42, v47  }
0x19f: {  	v57 =	vperm.xlane v14, v2;
	v54 =	vld [tilespmem:s22+$0x110];
	[tilespmem:s23+$0xFFFFFF90] =	vst v21;
	v19 =	vmul.f32 v40, v19  }
0x1a0: {  	v55 =	vmul.f32 v46, v36;
	v23 =	vperm.xlane v12, v1;
	v62 =	vld [tilespmem:s22+$0xFFFFFFA0];
	[tilespmem:s23+$0xFFFFFE10] =	vst v51  }
0x1a1: {  	v27 =	vperm.xlane v8, v2;
	v21 =	vmul.f32 v52, v49;
	[tilespmem:s23+$0x1A0] =	vst v19;
	v58 =	vld [tilespmem:s22+$0xFFFFFE20]  }
0x1a2: {  	v20 =	vperm.xlane v9, v1;
	[tilespmem:s23+$0xFFFFFF10] =	vst v55;
	v23 =	vmul.f32 v50, v23;
	v56 =	vld [tilespmem:s22+$0x1B0]  }
0x1a3: {  	v60 =	vperm.xlane v16, v3;
	v25 =	vld [tilespmem:s22+$0xFFFFFF20];
	[tilespmem:s23+$0x90] =	vst v21;
	v27 =	vmul.f32 v59, v27  }
0x1a4: {  	v53 =	vperm.xlane v17, v2;
	v20 =	vmul.f32 v54, v20;
	[tilespmem:s23+$0x10] =	vst v23;
	v37 =	vld [tilespmem:s22+$0xA0]  }
0x1a5: {  	v61 =	vperm.xlane v13, v2;
	v63 =	vld [tilespmem:s22+$0x20];
	[tilespmem:s23+$0xFFFFFEA0] =	vst v27;
	v42 =	vmul.f32 v62, v57  }
0x1a6: {  	[tilespmem:s23+$0x110] =	vst v20;
	v19 =	vperm.xlane v15, v2;
	v44 =	vld [tilespmem:s22+$0xFFFFFEB0];
	v24 =	vmul.f32 v58, v53  }
0x1a7: {  	v43 =	vperm.xlane v12, v3;
	v38 =	vld [tilespmem:s22+$0x120];
	[tilespmem:s23+$0xFFFFFFA0] =	vst v42;
	v21 =	vmul.f32 v56, v60  }
0x1a8: {  	v22 =	vperm.xlane v12, v2;
	v19 =	vmul.f32 v25, v19;
	v48 =	vld [tilespmem:s22+$0xFFFFFFB0];
	[tilespmem:s23+$0xFFFFFE20] =	vst v24  }
0x1a9: {  	v20 =	vperm.xlane v8, v3;
	v45 =	vmul.f32 v37, v61;
	[tilespmem:s23+$0x1B0] =	vst v21;
	v41 =	vld [tilespmem:s22+$0xFFFFFE30]  }
0x1aa: {  	v23 =	vperm.xlane v9, v2;
	[tilespmem:s23+$0xFFFFFF20] =	vst v19;
	v19 =	vmul.f32 v63, v22;
	v39 =	vld [tilespmem:s22+$0x1C0]  }
0x1ab: {  	v40 =	vperm.xlane v14, v3;
	v22 =	vld [tilespmem:s22+$0xFFFFFF30];
	[tilespmem:s23+$0xA0] =	vst v45;
	v20 =	vmul.f32 v44, v20  }
0x1ac: {  	v36 =	vperm.xlane v17, v3;
	[tilespmem:s23+$0x20] =	vst v19;
	v19 =	vmul.f32 v38, v23;
	v51 =	vld [tilespmem:s22+$0xB0]  }
0x1ad: {  	v46 =	vperm.xlane v16, v4;
	v49 =	vld [tilespmem:s22+$0x30];
	[tilespmem:s23+$0xFFFFFEB0] =	vst v20;
	v20 =	vmul.f32 v48, v40  }
0x1ae: {  	v21 =	vperm.xlane v15, v3;
	[tilespmem:s23+$0x120] =	vst v19;
	v26 =	vmul.f32 v41, v36  }
0x1af: {  	v47 =	vperm.xlane v13, v3;
	v52 =	vld [tilespmem:s22+$0x130];
	[tilespmem:s23+$0xFFFFFFB0] =	vst v20;
	v24 =	vmul.f32 v39, v46  }
0x1b0: {  	v54 =	vperm.xlane v14, v4;
	v21 =	vmul.f32 v22, v21;
	v57 =	vld [tilespmem:s22+$0xFFFFFEC0];
	[tilespmem:s23+$0xFFFFFE30] =	vst v26  }
0x1b1: {  	v50 =	vperm.xlane v17, v4;
	v20 =	vmul.f32 v51, v47;
	[tilespmem:s23+$0x1C0] =	vst v24;
	v55 =	vld [tilespmem:s22+$0xFFFFFE40]  }
0x1b2: {  	v23 =	vperm.xlane v9, v3;
	[tilespmem:s23+$0xFFFFFF30] =	vst v21;
	v21 =	vmul.f32 v49, v43;
	v22 =	vld [tilespmem:s22+$0x1D0]  }
0x1b3: {  	v59 =	vperm.xlane v16, v5;
	v19 =	vperm.xlane v8, v4;
	v61 =	vld [tilespmem:s22+$0xFFFFFFC0];
	[tilespmem:s23+$0xB0] =	vst v20  }
0x1b4: {  	v53 =	vperm.xlane v15, v4;
	v58 =	vld [tilespmem:s22+$0xFFFFFF40];
	[tilespmem:s23+$0x30] =	vst v21;
	v21 =	vmul.f32 v52, v23  }
0x1b5: {  	v45 =	vperm.xlane v13, v5;
	v63 =	vld [tilespmem:s22+$0xC0];
	v19 =	vmul.f32 v57, v19  }
0x1b6: {  	v56 =	vperm.xlane v12, v4;
	v62 =	vld [tilespmem:s22+$0x40];
	[tilespmem:s23+$0x130] =	vst v21;
	v27 =	vmul.f32 v55, v50  }
0x1b7: {  	v60 =	vperm.xlane v13, v4;
	v36 =	vld [tilespmem:s22+$0x140];
	[tilespmem:s23+$0xFFFFFEC0] =	vst v19;
	v20 =	vmul.f32 v22, v59  }
0x1b8: {  	v38 =	vperm.xlane v14, v5;
	v19 =	vmul.f32 v61, v54;
	v41 =	vld [tilespmem:s22+$0xFFFFFED0];
	[tilespmem:s23+$0xFFFFFE40] =	vst v27  }
0x1b9: {  	v44 =	vperm.xlane v16, v6;
	v24 =	vmul.f32 v58, v53;
	[tilespmem:s23+$0x1D0] =	vst v20;
	v39 =	vld [tilespmem:s22+$0xFFFFFE50]  }
0x1ba: {  	v23 =	vperm.xlane v9, v4;
	[tilespmem:s23+$0xFFFFFFC0] =	vst v19;
	v19 =	vmul.f32 v63, v60;
	v37 =	vld [tilespmem:s22+$0x1E0]  }
0x1bb: {  	v21 =	vperm.xlane v8, v5;
	[tilespmem:s23+$0xFFFFFF40] =	vst v24;
	v42 =	vmul.f32 v62, v56;
	v46 =	vld [tilespmem:s22+$0xFFFFFFD0]  }
0x1bc: {  	v43 =	vld [tilespmem:s22+$0xFFFFFF50];
	[tilespmem:s23+$0xC0] =	vst v19;
	v22 =	vperm.xlane v17, v5;
	v23 =	vmul.f32 v36, v23  }
0x1bd: {  	v16 =	vperm.xlane v16, v7;
	[tilespmem:s23+$0x40] =	vst v42;
	v50 =	vld [tilespmem:s22+$0xD0];
	v21 =	vmul.f32 v41, v21  }
0x1be: {  	v40 =	vperm.xlane v12, v5;
	v48 =	vld [tilespmem:s22+$0x50];
	[tilespmem:s23+$0x140] =	vst v23;
	v22 =	vmul.f32 v39, v22  }
0x1bf: {  	v20 =	vperm.xlane v15, v5;
	v51 =	vld [tilespmem:s22+$0x150];
	[tilespmem:s23+$0xFFFFFED0] =	vst v21;
	v19 =	vmul.f32 v37, v44  }
0x1c0: {  	v47 =	vperm.xlane v9, v5;
	v21 =	vmul.f32 v46, v38;
	v55 =	vld [tilespmem:s22+$0xFFFFFEE0];
	[tilespmem:s23+$0xFFFFFE50] =	vst v22  }
0x1c1: {  	v49 =	vperm.xlane v17, v6;
	[tilespmem:s23+$0x1E0] =	vst v19;
	v19 =	vmul.f32 v43, v20;
	v53 =	vld [tilespmem:s22+$0xFFFFFE60]  }
0x1c2: {  	v52 =	vperm.xlane v15, v6;
	v57 =	vperm.xlane v13, v6;
	[tilespmem:s23+$0xFFFFFFD0] =	vst v21;
	v20 =	vld [tilespmem:s22+$0x1F0]  }
0x1c3: {  	v54 =	vperm.xlane v12, v6;
	v58 =	vld [tilespmem:s22+$0xFFFFFFE0];
	[tilespmem:s23+$0xFFFFFF50] =	vst v19;
	v19 =	vmul.f32 v48, v40  }
0x1c4: {  	v59 =	vperm.xlane v9, v6;
	v21 =	vmul.f32 v50, v45;
	v56 =	vld [tilespmem:s22+$0xFFFFFF60]  }
0x1c5: {  	v18 =	vld [tilespmem:s24+$0xF0];
	v23 =	vperm.xlane v8, v6;
	v24 =	vmul.f32 v51, v47;
	[tilespmem:s23+$0x50] =	vst v19  }
0x1c6: {  	[tilespmem:s23+$0xD0] =	vst v21;
	v19 =	vperm.xlane v17, v7;
	v60 =	vld [tilespmem:s22+$0x60];
	v17 =	vmul.f32 v53, v49  }
0x1c7: {  	v61 =	vld [tilespmem:s22+$0xE0];
	v22 =	vperm.xlane v14, v6;
	[tilespmem:s23+$0x150] =	vst v24;
	v16 =	vmul.f32 v20, v16  }
0x1c8: {  	v20 =	vperm.xlane v8, v7;
	v8 =	vmul.f32 v55, v23;
	v23 =	vld [tilespmem:s22+$0x160];
	[tilespmem:s23+$0xFFFFFE60] =	vst v17  }
0x1c9: {  	v62 =	vld [tilespmem:s24+$0x170];
	v63 =	vmul.f32 v58, v22;
	[tilespmem:s23+$0x1F0] =	vst v16;
	v17 =	vmul.f32 v56, v52  }
0x1ca: {  	v16 =	vperm.xlane v15, v7;
	v15 =	vperm.xlane v14, v7;
	v14 =	vld [tilespmem:s22+$0xFFFFFE70];
	[tilespmem:s23+$0xFFFFFEE0] =	vst v8  }
0x1cb: {  	v21 =	vperm.xlane v12, v7;
	v22 =	vld [tilespmem:s22+$0xFFFFFEF0];
	[tilespmem:s23+$0xFFFFFF60] =	vst v17;
	v17 =	vmul.f32 v60, v54  }
0x1cc: {  	[tilespmem:s23+$0xFFFFFFE0] =	vst v63;
	v25 =	vmul.f32 v61, v57;
	v8 =	vperm.xlane v13, v7;
	v13 =	vld [tilespmem:s22+$0xFFFFFF70]  }
0x1cd: {  	v12 =	vmul.f32 v18, v11;
	v18 =	vld [tilespmem:s22+$0xFFFFFFF0];
	v11 =	vmul.f32 v23, v59;
	[tilespmem:s23+$0x60] =	vst v17  }
0x1ce: {  	s16 =	simm.s32 $0x5D80;
	s8 =	simm.s32 $0x800;
	s24 =	simm.s32 $0x8;
	v9 =	vperm.xlane v9, v7;
	[tilespmem:s23+$0xE0] =	vst v25;
	v17 =	vmul.f32 v62, v10;
	v23 =	vld [tilespmem:s22+$0x70]  }
.LBB2_5:
0x1cf: {  	v10 =	vld [tilespmem:s16+$0x0];
	s24 =	sadd.s32 $0x8, s24;
	v14 =	vmul.f32 v14, v19;
	[tilespmem:s23+$0x160] =	vst v11  }
0x1d0: {  	s22 =	sadd.s32 $0x400, s22;
	v11 =	vld [tilespmem:s16+$0xFFFFFD00];
	p1 =	slt.u32 s24, $0x48;
	v19 =	vmul.f32 v22, v20;
	[tilespmem:s21+$0xF0] =	vst v12  }
0x1d1: {  	v20 =	vld [tilespmem:s22+$0x180];
	[tilespmem:s23+$0xFFFFFE70] =	vst v14;
	v12 =	vmul.f32 v13, v16  }
0x1d2: {  	v16 =	vld [tilespmem:s16+$0xFFFFFD80];
	[tilespmem:s23+$0xFFFFFEF0] =	vst v19;
	v14 =	vmul.f32 v18, v15  }
0x1d3: {  	v15 =	vld [tilespmem:s16+$0xFFFFFE00];
	[tilespmem:s23+$0xFFFFFF70] =	vst v12;
	v12 =	vmul.f32 v23, v21  }
0x1d4: {  	v13 =	vld [tilespmem:s16+$0xFFFFFE80];
	v18 =	vperm.xlane v10, v0;
	[tilespmem:s23+$0xFFFFFFF0] =	vst v14  }
0x1d5: {  	v19 =	vperm.xlane v11, v0;
	v21 =	vperm.xlane v11, v1;
	v14 =	vld [tilespmem:s16+$0xFFFFFF00];
	[tilespmem:s23+$0x70] =	vst v12  }
0x1d6: {  	v22 =	vperm.xlane v11, v2;
	v12 =	vld [tilespmem:s16+$0xFFFFFF80];
	v20 =	vmul.f32 v20, v18;
	[tilespmem:s21+$0x170] =	vst v17;
	s21 =	smov.u32 s23  }
0x1d7: {  	s23 =	sadd.s32 $0x400, s23;
	v18 =	vld [tilespmem:s16+$0xFFFFFC80];
	v17 =	vperm.xlane v16, v0;
	v23 =	vperm.xlane v16, v1  }
0x1d8: {  	v24 =	vld [tilespmem:s22+$0xFFFFFE00];
	v25 =	vperm.xlane v15, v0;
	v26 =	vperm.xlane v15, v1;
	[tilespmem:s23+$0x180] =	vst v20  }
0x1d9: {  	v20 =	vperm.xlane v13, v0;
	v27 =	vperm.xlane v13, v1;
	v28 =	vld [tilespmem:s22+$0x190]  }
0x1da: {  	v29 =	vld [tilespmem:s22+$0xFFFFFE80];
	v30 =	vperm.xlane v14, v0;
	v31 =	vperm.xlane v14, v1  }
0x1db: {  	v32 =	vld [tilespmem:s22+$0xFFFFFF00];
	v33 =	vperm.xlane v12, v0;
	v34 =	vperm.xlane v12, v1  }
0x1dc: {  	v37 =	vperm.xlane v10, v1;
	v35 =	vperm.xlane v18, v0;
	v36 =	vld [tilespmem:s22+$0xFFFFFF80]  }
0x1dd: {  	v38 =	vperm.xlane v18, v1;
	v39 =	vperm.xlane v18, v2;
	v40 =	vld [tilespmem:s22+$0x0]  }
0x1de: {  	v24 =	vmul.f32 v24, v35;
	v35 =	vld [tilespmem:s22+$0x80];
	v28 =	vmul.f32 v28, v37  }
0x1df: {  	v19 =	vmul.f32 v29, v19;
	v29 =	vperm.xlane v16, v2;
	v37 =	vld [tilespmem:s22+$0x100]  }
0x1e0: {  	v41 =	vperm.xlane v15, v2;
	v32 =	vmul.f32 v32, v17;
	[tilespmem:s23+$0x190] =	vst v28;
	v17 =	vld [tilespmem:s8+$0xF0]  }
0x1e1: {  	[tilespmem:s23+$0xFFFFFE00] =	vst v24;
	v24 =	vmul.f32 v36, v25;
	v25 =	vperm.xlane v13, v2;
	v28 =	vld [tilespmem:s22+$0x1A0]  }
0x1e2: {  	v36 =	vld [tilespmem:s22+$0xFFFFFE10];
	[tilespmem:s23+$0xFFFFFE80] =	vst v19;
	v19 =	vmul.f32 v40, v20;
	v20 =	vperm.xlane v14, v2  }
0x1e3: {  	v40 =	vld [tilespmem:s22+$0xFFFFFE90];
	[tilespmem:s23+$0xFFFFFF00] =	vst v32;
	v30 =	vmul.f32 v35, v30;
	v32 =	vperm.xlane v12, v2  }
0x1e4: {  	v35 =	vld [tilespmem:s22+$0xFFFFFF10];
	[tilespmem:s23+$0xFFFFFF80] =	vst v24;
	v24 =	vmul.f32 v37, v33;
	v33 =	vperm.xlane v10, v2  }
0x1e5: {  	v42 =	vperm.xlane v11, v3;
	v37 =	vperm.xlane v18, v3;
	v43 =	vld [tilespmem:s22+$0xFFFFFF90];
	[tilespmem:s23+$0x0] =	vst v19  }
0x1e6: {  	v19 =	vperm.xlane v16, v3;
	v44 =	vld [tilespmem:s22+$0x10];
	[tilespmem:s23+$0x80] =	vst v30;
	v28 =	vmul.f32 v28, v33  }
0x1e7: {  	v33 =	vperm.xlane v15, v3;
	v30 =	vmul.f32 v36, v38;
	v36 =	vld [tilespmem:s22+$0x90];
	[tilespmem:s23+$0x100] =	vst v24  }
0x1e8: {  	v24 =	vperm.xlane v13, v3;
	v21 =	vmul.f32 v40, v21;
	v38 =	vld [tilespmem:s22+$0x110];
	[tilespmem:s23+$0x1A0] =	vst v28  }
0x1e9: {  	v28 =	vperm.xlane v14, v3;
	[tilespmem:s23+$0xFFFFFE10] =	vst v30;
	v23 =	vmul.f32 v35, v23;
	v30 =	vld [tilespmem:s22+$0x1B0]  }
0x1ea: {  	v35 =	vld [tilespmem:s22+$0xFFFFFE20];
	[tilespmem:s23+$0xFFFFFE90] =	vst v21;
	v21 =	vmul.f32 v43, v26;
	v26 =	vperm.xlane v12, v3  }
0x1eb: {  	v40 =	vperm.xlane v18, v4;
	v43 =	vld [tilespmem:s22+$0xFFFFFEA0];
	[tilespmem:s23+$0xFFFFFF10] =	vst v23;
	v23 =	vmul.f32 v44, v27  }
0x1ec: {  	v27 =	vld [tilespmem:s22+$0xFFFFFF20];
	[tilespmem:s23+$0xFFFFFF90] =	vst v21;
	v21 =	vmul.f32 v36, v31;
	v31 =	vperm.xlane v10, v3  }
0x1ed: {  	v36 =	vperm.xlane v11, v4;
	v44 =	vld [tilespmem:s22+$0xFFFFFFA0];
	[tilespmem:s23+$0x10] =	vst v23;
	v23 =	vmul.f32 v38, v34  }
0x1ee: {  	v34 =	vperm.xlane v16, v4;
	v38 =	vld [tilespmem:s22+$0x20];
	[tilespmem:s23+$0x90] =	vst v21;
	v21 =	vmul.f32 v30, v31  }
0x1ef: {  	v31 =	vperm.xlane v15, v4;
	v30 =	vmul.f32 v35, v39;
	v35 =	vld [tilespmem:s22+$0xA0];
	[tilespmem:s23+$0x110] =	vst v23  }
0x1f0: {  	v23 =	vperm.xlane v13, v4;
	v22 =	vmul.f32 v43, v22;
	v39 =	vld [tilespmem:s22+$0x120];
	[tilespmem:s23+$0x1B0] =	vst v21  }
0x1f1: {  	[tilespmem:s23+$0xFFFFFE20] =	vst v30;
	v21 =	vmul.f32 v27, v29;
	v27 =	vperm.xlane v14, v4;
	v29 =	vld [tilespmem:s22+$0x1C0]  }
0x1f2: {  	v30 =	vld [tilespmem:s22+$0xFFFFFE30];
	[tilespmem:s23+$0xFFFFFEA0] =	vst v22;
	v22 =	vmul.f32 v44, v41;
	v41 =	vperm.xlane v12, v4  }
0x1f3: {  	v43 =	vperm.xlane v18, v5;
	v44 =	vld [tilespmem:s22+$0xFFFFFEB0];
	[tilespmem:s23+$0xFFFFFF20] =	vst v21;
	v21 =	vmul.f32 v38, v25  }
0x1f4: {  	v25 =	vld [tilespmem:s22+$0xFFFFFF30];
	[tilespmem:s23+$0xFFFFFFA0] =	vst v22;
	v20 =	vmul.f32 v35, v20;
	v22 =	vperm.xlane v10, v4  }
0x1f5: {  	v35 =	vperm.xlane v11, v5;
	v38 =	vld [tilespmem:s22+$0xFFFFFFB0];
	[tilespmem:s23+$0x20] =	vst v21;
	v21 =	vmul.f32 v39, v32  }
0x1f6: {  	v32 =	vperm.xlane v16, v5;
	v39 =	vld [tilespmem:s22+$0x30];
	[tilespmem:s23+$0xA0] =	vst v20;
	v20 =	vmul.f32 v29, v22  }
0x1f7: {  	v29 =	vperm.xlane v15, v5;
	v22 =	vmul.f32 v30, v37;
	v30 =	vld [tilespmem:s22+$0xB0];
	[tilespmem:s23+$0x120] =	vst v21  }
0x1f8: {  	v37 =	vperm.xlane v13, v5;
	v21 =	vmul.f32 v44, v42;
	v42 =	vld [tilespmem:s22+$0x130];
	[tilespmem:s23+$0x1C0] =	vst v20  }
0x1f9: {  	[tilespmem:s23+$0xFFFFFE30] =	vst v22;
	v19 =	vmul.f32 v25, v19;
	v22 =	vperm.xlane v14, v5;
	v20 =	vld [tilespmem:s22+$0x1D0]  }
0x1fa: {  	v25 =	vld [tilespmem:s22+$0xFFFFFE40];
	[tilespmem:s23+$0xFFFFFEB0] =	vst v21;
	v21 =	vmul.f32 v38, v33;
	v33 =	vperm.xlane v12, v5  }
0x1fb: {  	v38 =	vperm.xlane v18, v6;
	v44 =	vld [tilespmem:s22+$0xFFFFFEC0];
	[tilespmem:s23+$0xFFFFFF30] =	vst v19;
	v19 =	vmul.f32 v39, v24  }
0x1fc: {  	v24 =	vld [tilespmem:s22+$0xFFFFFF40];
	[tilespmem:s23+$0xFFFFFFB0] =	vst v21;
	v21 =	vmul.f32 v30, v28;
	v28 =	vperm.xlane v10, v5  }
0x1fd: {  	v30 =	vperm.xlane v11, v6;
	v39 =	vld [tilespmem:s22+$0xFFFFFFC0];
	[tilespmem:s23+$0x30] =	vst v19;
	v19 =	vmul.f32 v42, v26  }
0x1fe: {  	v26 =	vperm.xlane v16, v6;
	v42 =	vld [tilespmem:s22+$0x40];
	[tilespmem:s23+$0xB0] =	vst v21;
	v20 =	vmul.f32 v20, v28  }
0x1ff: {  	v21 =	vmul.f32 v25, v40;
	v25 =	vperm.xlane v15, v6;
	v28 =	vld [tilespmem:s22+$0xC0];
	[tilespmem:s23+$0x130] =	vst v19  }
0x200: {  	v19 =	vmul.f32 v44, v36;
	v36 =	vperm.xlane v13, v6;
	v40 =	vld [tilespmem:s22+$0x140];
	[tilespmem:s23+$0x1D0] =	vst v20  }
0x201: {  	[tilespmem:s23+$0xFFFFFE40] =	vst v21;
	v20 =	vmul.f32 v24, v34;
	v24 =	vperm.xlane v14, v6;
	v21 =	vld [tilespmem:s22+$0x1E0]  }
0x202: {  	v34 =	vld [tilespmem:s22+$0xFFFFFE50];
	[tilespmem:s23+$0xFFFFFEC0] =	vst v19;
	v31 =	vmul.f32 v39, v31;
	v39 =	vperm.xlane v12, v6  }
0x203: {  	v19 =	vperm.xlane v18, v7;
	v18 =	vld [tilespmem:s22+$0xFFFFFED0];
	[tilespmem:s23+$0xFFFFFF40] =	vst v20;
	v23 =	vmul.f32 v42, v23  }
0x204: {  	v42 =	vld [tilespmem:s22+$0xFFFFFF50];
	[tilespmem:s23+$0xFFFFFFC0] =	vst v31;
	v27 =	vmul.f32 v28, v27;
	v28 =	vperm.xlane v10, v6  }
0x205: {  	v20 =	vperm.xlane v11, v7;
	v11 =	vld [tilespmem:s22+$0xFFFFFFD0];
	[tilespmem:s23+$0x40] =	vst v23;
	v23 =	vmul.f32 v40, v41  }
0x206: {  	v16 =	vperm.xlane v16, v7;
	v31 =	vld [tilespmem:s22+$0x50];
	[tilespmem:s23+$0xC0] =	vst v27;
	v27 =	vmul.f32 v21, v28  }
0x207: {  	v15 =	vperm.xlane v15, v7;
	v28 =	vmul.f32 v34, v43;
	v34 =	vld [tilespmem:s22+$0xD0];
	[tilespmem:s23+$0x140] =	vst v23  }
0x208: {  	v21 =	vperm.xlane v13, v7;
	v18 =	vmul.f32 v18, v35;
	v13 =	vld [tilespmem:s22+$0x150];
	[tilespmem:s23+$0x1E0] =	vst v27  }
0x209: {  	v14 =	vperm.xlane v14, v7;
	[tilespmem:s23+$0xFFFFFE50] =	vst v28;
	v23 =	vmul.f32 v42, v32;
	v27 =	vld [tilespmem:s22+$0x1F0]  }
0x20a: {  	v28 =	vld [tilespmem:s22+$0xFFFFFE60];
	[tilespmem:s23+$0xFFFFFED0] =	vst v18;
	v11 =	vmul.f32 v11, v29;
	v29 =	vperm.xlane v12, v7  }
0x20b: {  	v12 =	vmul.f32 v17, v8;
	v8 =	vmov v14;
	v18 =	vld [tilespmem:s22+$0xFFFFFEE0];
	[tilespmem:s23+$0xFFFFFF50] =	vst v23;
	v23 =	vmul.f32 v31, v37  }
0x20c: {  	v10 =	vperm.xlane v10, v7;
	v14 =	vld [tilespmem:s22+$0xFFFFFF60];
	[tilespmem:s23+$0xFFFFFFD0] =	vst v11;
	v11 =	vmul.f32 v34, v22  }
0x20d: {  	v17 =	vld [tilespmem:s22+$0xFFFFFFE0];
	[tilespmem:s23+$0x50] =	vst v23;
	v13 =	vmul.f32 v13, v33  }
0x20e: {  	v23 =	vld [tilespmem:s22+$0x60];
	[tilespmem:s23+$0xD0] =	vst v11;
	v10 =	vmul.f32 v27, v10  }
0x20f: {  	v11 =	vmul.f32 v28, v38;
	v27 =	vld [tilespmem:s22+$0xE0];
	[tilespmem:s23+$0x150] =	vst v13  }
0x210: {  	v13 =	vmul.f32 v18, v30;
	v28 =	vld [tilespmem:s22+$0x160];
	[tilespmem:s23+$0x1F0] =	vst v10  }
0x211: {  	[tilespmem:s23+$0xFFFFFE60] =	vst v11;
	v10 =	vmul.f32 v14, v26;
	v26 =	vld [tilespmem:s8+$0x170];
	s8 =	smov.u32 s22  }
.Ltmp1:
0x212: {  	v14 =	vld [tilespmem:s22+$0xFFFFFE70];
	[tilespmem:s23+$0xFFFFFEE0] =	vst v13;
	v11 =	vmul.f32 v17, v25;
	(pc) =	sbr.rel @p1 .LBB2_5-.Ltmp1, $4  }
0x213: {  	v22 =	vld [tilespmem:s22+$0xFFFFFEF0];
	[tilespmem:s23+$0xFFFFFF60] =	vst v10;
	v10 =	vmul.f32 v23, v36  }
0x214: {  	v13 =	vld [tilespmem:s22+$0xFFFFFF70];
	[tilespmem:s23+$0xFFFFFFE0] =	vst v11;
	v17 =	vmul.f32 v27, v24  }
0x215: {  	v18 =	vld [tilespmem:s22+$0xFFFFFFF0];
	[tilespmem:s23+$0x60] =	vst v10;
	v11 =	vmul.f32 v28, v39  }
0x216: {  	s16 =	sadd.s32 $0x400, s16;
	v23 =	vld [tilespmem:s22+$0x70];
	[tilespmem:s23+$0xE0] =	vst v17;
	v17 =	vmul.f32 v26, v9;
	v9 =	vmov v29  }
0x217: {  	[tilespmem:s23+$0x160] =	vst v11  }
0x218: {  	v10 =	vmul.f32 v14, v19;
	[tilespmem:s21+$0xF0] =	vst v12;
	v59 =	vld [tilespmem:s8+$0xF0]  }
0x219: {  	v58 =	vmul.f32 v22, v20;
	v61 =	vld [tilespmem:s8+$0x170];
	[tilespmem:s21+$0x170] =	vst v17  }
0x21a: {  	[tilespmem:s23+$0xFFFFFE70] =	vst v10;
	v60 =	vmul.f32 v13, v16  }
0x21b: {  	s20 =	sadd.s32 $0x1, s20;
	[tilespmem:s23+$0xFFFFFEF0] =	vst v58;
	v62 =	vmul.f32 v18, v15  }
0x21c: {  	p1 =	sne.s32 s20, $0x3E;
	[tilespmem:s23+$0xFFFFFF70] =	vst v60;
	v63 =	vmul.f32 v23, v21  }
.Ltmp2:
0x21d: {  	[tilespmem:s23+$0xFFFFFFF0] =	vst v62;
	v8 =	vmul.f32 v59, v8;
	(pc) =	sbr.rel @p1 .LBB2_2-.Ltmp2, $4  }
0x21e: {  	[tilespmem:s23+$0x70] =	vst v63;
	v9 =	vmul.f32 v61, v9  }
0x21f: {  	[tilespmem:s23+$0xF0] =	vst v8  }
0x220: {  	[tilespmem:s23+$0x170] =	vst v9  }
0x221: {  	[spmem:s2] =	stream.indirect.scatter.add.f32 [tilespmem:s29], [sflag:$0x3], $0x80, s9, s31, $0xb8;
	[tilespmem:$0x1DA80] =	vst v63  }
0x222: {  	_ =	swait.ge [sflag:s30], $0x50  }
0x223: {  	[sflag:s30] =	ssyncset.done $0x0  }
0x224: {  	[sflag:s30] =	ssyncadd.s32 $0xFFFFFFB0  }
0x225: {  	_ =	swait.ge [sflag:s30], $0x50  }
0x226: {  	[sflag:s30] =	ssyncset.done $0x0  }
0x227: {  	[sflag:s30] =	ssyncadd.s32 $0xFFFFFFB0  }
0x228: {  	_ =	swait.ge [sflag:s30], $0x2800  }
0x229: {  	[sflag:s30] =	ssyncset.done $0x0  }
0x22a: {  	[sflag:s30] =	ssyncadd.s32 $0xFFFFD800  }
0x22b: {  	[tilespmem:s0], [sflag:$0x1] =	stream.indirect.gather [hbm4b:s1+s31], $0x80, s26, s31, $0xb8;
	[tilespmem:$0x1DA80] =	vst v63  }
0x22c: {  	_ =	swait.ge [sflag:s5], $0x2800  }
0x22d: {  	[sflag:s5] =	ssyncset.done $0x0  }
0x22e: {  	s8 =	rddreg [dreg:$0xc];
	[sflag:s5] =	ssyncadd.s32 $0xFFFFD800  }
0x22f: {  	[tilespmem:s9], [sflag:$0x2] =	stream.linear.gather [hbm4b:s8+s3], $0x50, $0x38;
	[tilespmem:$0x1DA80] =	vst v63  }
0x230: {  	s22 =	rddreg [dreg:$0xd]  }
0x231: {  	[tilespmem:s10], [sflag:$0x2] =	stream.linear.gather [hbm4b:s22+s3], $0x50, $0x38;
	[tilespmem:$0x1DA80] =	vst v63  }
0x232: {  	s23 =	rddreg [dreg:$0xe]  }
0x233: {  	[tilespmem:s12], [sflag:$0x2] =	stream.linear.gather [hbm4b:s23+s3], $0x2800, $0x38;
	[tilespmem:$0x1DA80] =	vst v63  }
0x234: {  	_ =	swait.ge [sflag:s13], $0x2800  }
0x235: {  	[sflag:s13] =	ssyncset.done $0x0  }
0x236: {  	s16 =	simm.s32 $0x2C00;
	[sflag:s13] =	ssyncadd.s32 $0xFFFFD800  }
0x237: {  	v9 =	vld [tilespmem:s16+$0x180]  }
0x238: {  	s24 =	simm.s32 $0x400;
	v13 =	vld [tilespmem:s16+$0xFFFFFE80]  }
0x239: {  	v8 =	vld [tilespmem:s24+$0x180]  }
0x23a: {  	v15 =	vld [tilespmem:s16+$0xFFFFFF00]  }
0x23b: {  	v14 =	vld [tilespmem:s16+$0xFFFFFF80]  }
0x23c: {  	v12 =	vld [tilespmem:s16+$0x0]  }
0x23d: {  	v11 =	vld [tilespmem:s16+$0x80]  }
0x23e: {  	v17 =	vld [tilespmem:s16+$0xFFFFFE00]  }
0x23f: {  	v10 =	vld [tilespmem:s16+$0x100]  }
0x240: {  	v18 =	vld [tilespmem:s24+$0xFFFFFE00]  }
0x241: {  	v19 =	vld [tilespmem:s24+$0xFFFFFE80]  }
0x242: {  	v21 =	vld [tilespmem:s24+$0xFFFFFF80]  }
0x243: {  	v25 =	vld [tilespmem:s24+$0x80]  }
0x244: {  	s21 =	simm.s32 $0x800;
	v26 =	vld [tilespmem:s24+$0x100];
	v16 =	vperm.xlane v9, v0  }
0x245: {  	v58 =	vld [tilespmem:s21+$0xFFFFFE00];
	v20 =	vperm.xlane v17, v0  }
0x246: {  	v22 =	vperm.xlane v13, v0;
	v8 =	vmul.f32 v8, v16;
	v16 =	vld [tilespmem:s24+$0xFFFFFF00]  }
0x247: {  	s20 =	simm.s32 $0x7C00;
	v60 =	vld [tilespmem:s21+$0xFFFFFE80];
	v18 =	vmul.f32 v18, v20  }
0x248: {  	v20 =	vperm.xlane v14, v0;
	v19 =	vmul.f32 v19, v22;
	[tilespmem:s20+$0x180] =	vst v8;
	v8 =	vld [tilespmem:s24+$0x0]  }
0x249: {  	v23 =	vperm.xlane v15, v0;
	[tilespmem:s20+$0xFFFFFE00] =	vst v18;
	v24 =	vld [tilespmem:s24+$0x190]  }
0x24a: {  	v61 =	vld [tilespmem:s21+$0xFFFFFF00];
	v20 =	vmul.f32 v21, v20;
	[tilespmem:s20+$0xFFFFFE80] =	vst v19;
	v19 =	vperm.xlane v11, v0  }
0x24b: {  	v22 =	vperm.xlane v12, v0;
	v21 =	vld [tilespmem:s24+$0xFFFFFE10];
	v16 =	vmul.f32 v16, v23  }
0x24c: {  	v62 =	vld [tilespmem:s21+$0xFFFFFF80];
	v18 =	vperm.xlane v9, v1;
	[tilespmem:s20+$0xFFFFFF80] =	vst v20;
	v19 =	vmul.f32 v25, v19  }
0x24d: {  	v8 =	vmul.f32 v8, v22;
	v22 =	vld [tilespmem:s24+$0xFFFFFE90];
	[tilespmem:s20+$0xFFFFFF00] =	vst v16  }
0x24e: {  	v20 =	vperm.xlane v17, v1;
	[tilespmem:s20+$0x80] =	vst v19;
	v18 =	vmul.f32 v24, v18;
	v23 =	vld [tilespmem:s24+$0xFFFFFF10]  }
0x24f: {  	v34 =	vld [tilespmem:s24+$0xFFFFFF90];
	v16 =	vperm.xlane v10, v0;
	[tilespmem:s20+$0x0] =	vst v8  }
0x250: {  	v19 =	vmul.f32 v21, v20;
	v8 =	vperm.xlane v13, v1;
	[tilespmem:s20+$0x190] =	vst v18;
	v18 =	vld [tilespmem:s24+$0x10]  }
0x251: {  	v35 =	vperm.xlane v15, v1;
	v16 =	vmul.f32 v26, v16;
	v36 =	vld [tilespmem:s24+$0x1A0]  }
0x252: {  	v20 =	vperm.xlane v14, v1;
	v21 =	vld [tilespmem:s24+$0x90];
	[tilespmem:s20+$0xFFFFFE10] =	vst v19;
	v8 =	vmul.f32 v22, v8  }
0x253: {  	[tilespmem:s20+$0x100] =	vst v16;
	v16 =	vperm.xlane v12, v1;
	v37 =	vld [tilespmem:s24+$0xFFFFFE20];
	v19 =	vmul.f32 v23, v35  }
0x254: {  	v22 =	vld [tilespmem:s24+$0x110];
	v23 =	vperm.xlane v9, v2;
	[tilespmem:s20+$0xFFFFFE90] =	vst v8;
	v8 =	vmul.f32 v34, v20  }
0x255: {  	v20 =	vperm.xlane v11, v1;
	v38 =	vld [tilespmem:s24+$0xFFFFFEA0];
	[tilespmem:s20+$0xFFFFFF10] =	vst v19;
	v16 =	vmul.f32 v18, v16  }
0x256: {  	v18 =	vperm.xlane v10, v1;
	v19 =	vmul.f32 v36, v23;
	v23 =	vld [tilespmem:s24+$0xFFFFFF20];
	[tilespmem:s20+$0xFFFFFF90] =	vst v8  }
0x257: {  	v8 =	vperm.xlane v17, v2;
	v20 =	vmul.f32 v21, v20;
	v21 =	vld [tilespmem:s24+$0xFFFFFFA0];
	[tilespmem:s20+$0x10] =	vst v16  }
0x258: {  	v16 =	vperm.xlane v13, v2;
	[tilespmem:s20+$0x1A0] =	vst v19;
	v19 =	vld [tilespmem:s24+$0x20]  }
0x259: {  	v18 =	vmul.f32 v22, v18;
	v8 =	vmul.f32 v37, v8;
	v37 =	vld [tilespmem:s21+$0x0]  }
0x25a: {  	v43 =	vperm.xlane v15, v3;
	v22 =	vperm.xlane v15, v2;
	[tilespmem:s20+$0x90] =	vst v20;
	v39 =	vld [tilespmem:s24+$0x1B0]  }
0x25b: {  	v20 =	vperm.xlane v14, v2;
	v40 =	vld [tilespmem:s24+$0xA0];
	[tilespmem:s20+$0x110] =	vst v18;
	v16 =	vmul.f32 v38, v16  }
0x25c: {  	v18 =	vperm.xlane v12, v2;
	v41 =	vld [tilespmem:s24+$0x120];
	[tilespmem:s20+$0xFFFFFE20] =	vst v8;
	v8 =	vmul.f32 v23, v22  }
0x25d: {  	v22 =	vperm.xlane v9, v3;
	v23 =	vld [tilespmem:s24+$0xFFFFFE30];
	[tilespmem:s20+$0xFFFFFEA0] =	vst v16;
	v16 =	vmul.f32 v21, v20  }
0x25e: {  	v20 =	vperm.xlane v11, v2;
	v21 =	vld [tilespmem:s24+$0xFFFFFEB0];
	[tilespmem:s20+$0xFFFFFF20] =	vst v8;
	v8 =	vmul.f32 v19, v18  }
0x25f: {  	v18 =	vperm.xlane v10, v2;
	v19 =	vmul.f32 v39, v22;
	v22 =	vld [tilespmem:s24+$0xFFFFFF30];
	[tilespmem:s20+$0xFFFFFFA0] =	vst v16  }
0x260: {  	v16 =	vperm.xlane v17, v3;
	v20 =	vmul.f32 v40, v20;
	v42 =	vld [tilespmem:s24+$0xFFFFFFB0];
	[tilespmem:s20+$0x20] =	vst v8  }
0x261: {  	v8 =	vperm.xlane v13, v3;
	v18 =	vmul.f32 v41, v18;
	[tilespmem:s20+$0x1B0] =	vst v19;
	v19 =	vld [tilespmem:s24+$0x30]  }
0x262: {  	v51 =	vperm.xlane v15, v5;
	[tilespmem:s20+$0xA0] =	vst v20;
	v16 =	vmul.f32 v23, v16;
	v44 =	vld [tilespmem:s24+$0x1C0]  }
0x263: {  	v20 =	vperm.xlane v14, v3;
	v23 =	vld [tilespmem:s24+$0xB0];
	[tilespmem:s20+$0x120] =	vst v18;
	v8 =	vmul.f32 v21, v8  }
0x264: {  	v18 =	vperm.xlane v12, v3;
	v21 =	vld [tilespmem:s24+$0x130];
	[tilespmem:s20+$0xFFFFFE30] =	vst v16;
	v16 =	vmul.f32 v22, v43  }
0x265: {  	v22 =	vperm.xlane v9, v4;
	v45 =	vld [tilespmem:s24+$0xFFFFFE40];
	[tilespmem:s20+$0xFFFFFEB0] =	vst v8;
	v8 =	vmul.f32 v42, v20  }
0x266: {  	v20 =	vperm.xlane v11, v3;
	v46 =	vld [tilespmem:s24+$0xFFFFFEC0];
	[tilespmem:s20+$0xFFFFFF30] =	vst v16;
	v16 =	vmul.f32 v19, v18  }
0x267: {  	v18 =	vperm.xlane v10, v3;
	v19 =	vmul.f32 v44, v22;
	v22 =	vld [tilespmem:s24+$0xFFFFFF40];
	[tilespmem:s20+$0xFFFFFFB0] =	vst v8  }
0x268: {  	v8 =	vperm.xlane v17, v4;
	v20 =	vmul.f32 v23, v20;
	v23 =	vld [tilespmem:s24+$0xFFFFFFC0];
	[tilespmem:s20+$0x30] =	vst v16  }
0x269: {  	v16 =	vperm.xlane v13, v4;
	v18 =	vmul.f32 v21, v18;
	[tilespmem:s20+$0x1C0] =	vst v19;
	v19 =	vld [tilespmem:s24+$0x40]  }
0x26a: {  	v21 =	vperm.xlane v15, v4;
	[tilespmem:s20+$0xB0] =	vst v20;
	v8 =	vmul.f32 v45, v8;
	v47 =	vld [tilespmem:s24+$0x1D0]  }
0x26b: {  	v20 =	vperm.xlane v14, v4;
	v48 =	vld [tilespmem:s24+$0xC0];
	[tilespmem:s20+$0x130] =	vst v18;
	v16 =	vmul.f32 v46, v16  }
0x26c: {  	v18 =	vperm.xlane v12, v4;
	v49 =	vld [tilespmem:s24+$0x140];
	[tilespmem:s20+$0xFFFFFE40] =	vst v8;
	v8 =	vmul.f32 v22, v21  }
0x26d: {  	v21 =	vperm.xlane v9, v5;
	v22 =	vld [tilespmem:s24+$0xFFFFFE50];
	[tilespmem:s20+$0xFFFFFEC0] =	vst v16;
	v16 =	vmul.f32 v23, v20  }
0x26e: {  	v20 =	vperm.xlane v11, v4;
	v23 =	vld [tilespmem:s24+$0xFFFFFED0];
	[tilespmem:s20+$0xFFFFFF40] =	vst v8;
	v8 =	vmul.f32 v19, v18  }
0x26f: {  	v18 =	vperm.xlane v10, v4;
	v19 =	vmul.f32 v47, v21;
	v21 =	vld [tilespmem:s24+$0xFFFFFF50];
	[tilespmem:s20+$0xFFFFFFC0] =	vst v16  }
0x270: {  	v16 =	vperm.xlane v17, v5;
	v20 =	vmul.f32 v48, v20;
	v50 =	vld [tilespmem:s24+$0xFFFFFFD0];
	[tilespmem:s20+$0x40] =	vst v8  }
0x271: {  	v8 =	vperm.xlane v13, v5;
	v18 =	vmul.f32 v49, v18;
	[tilespmem:s20+$0x1D0] =	vst v19;
	v19 =	vld [tilespmem:s24+$0x50]  }
0x272: {  	v28 =	vperm.xlane v17, v7;
	[tilespmem:s20+$0xC0] =	vst v20;
	v16 =	vmul.f32 v22, v16;
	v52 =	vld [tilespmem:s24+$0x1E0]  }
0x273: {  	v20 =	vperm.xlane v14, v5;
	v22 =	vld [tilespmem:s24+$0xD0];
	[tilespmem:s20+$0x140] =	vst v18;
	v8 =	vmul.f32 v23, v8  }
0x274: {  	v18 =	vperm.xlane v12, v5;
	v23 =	vld [tilespmem:s24+$0x150];
	[tilespmem:s20+$0xFFFFFE50] =	vst v16;
	v16 =	vmul.f32 v21, v51  }
0x275: {  	v21 =	vperm.xlane v9, v6;
	v53 =	vld [tilespmem:s24+$0xFFFFFE60];
	[tilespmem:s20+$0xFFFFFED0] =	vst v8;
	v8 =	vmul.f32 v50, v20  }
0x276: {  	v30 =	vperm.xlane v15, v7;
	v20 =	vperm.xlane v11, v5;
	v54 =	vld [tilespmem:s24+$0xFFFFFEE0];
	[tilespmem:s20+$0xFFFFFF50] =	vst v16  }
0x277: {  	v16 =	vmul.f32 v19, v18;
	v19 =	vmul.f32 v52, v21;
	v21 =	vld [tilespmem:s24+$0xFFFFFF60];
	[tilespmem:s20+$0xFFFFFFD0] =	vst v8  }
0x278: {  	v18 =	vperm.xlane v10, v5;
	v20 =	vmul.f32 v22, v20;
	v22 =	vld [tilespmem:s24+$0xFFFFFFE0]  }
0x279: {  	s25 =	simm.s32 $0x3000;
	v8 =	vperm.xlane v17, v6;
	v17 =	vld [tilespmem:s21+$0x180];
	[tilespmem:s20+$0x50] =	vst v16;
	v16 =	vperm.xlane v13, v6  }
0x27a: {  	v18 =	vmul.f32 v23, v18;
	v23 =	vperm.xlane v15, v6;
	v15 =	vld [tilespmem:s25+$0xFFFFFF00];
	[tilespmem:s20+$0x1E0] =	vst v19  }
0x27b: {  	v19 =	vld [tilespmem:s24+$0x60];
	[tilespmem:s20+$0xD0] =	vst v20;
	v20 =	vperm.xlane v14, v6;
	v16 =	vmul.f32 v54, v16  }
0x27c: {  	v8 =	vmul.f32 v53, v8;
	v55 =	vld [tilespmem:s24+$0x1F0];
	[tilespmem:s20+$0x150] =	vst v18  }
0x27d: {  	v56 =	vld [tilespmem:s24+$0xE0];
	[tilespmem:s20+$0xFFFFFEE0] =	vst v16;
	v16 =	vmul.f32 v22, v20  }
0x27e: {  	v57 =	vld [tilespmem:s24+$0x160];
	[tilespmem:s20+$0xFFFFFE60] =	vst v8  }
0x27f: {  	v18 =	vperm.xlane v12, v6;
	v8 =	vmul.f32 v21, v23;
	[tilespmem:s20+$0xFFFFFFE0] =	vst v16;
	v16 =	vld [tilespmem:s25+$0x180]  }
0x280: {  	v27 =	vperm.xlane v10, v6;
	v9 =	vperm.xlane v9, v7;
	v21 =	vld [tilespmem:s24+$0xFFFFFE70]  }
0x281: {  	v23 =	vperm.xlane v11, v6;
	v20 =	vld [tilespmem:s24+$0xFFFFFEF0];
	[tilespmem:s20+$0xFFFFFF60] =	vst v8;
	v8 =	vmul.f32 v19, v18  }
0x282: {  	v29 =	vperm.xlane v13, v7;
	v26 =	vmul.f32 v55, v9;
	v19 =	vld [tilespmem:s24+$0xFFFFFFF0]  }
0x283: {  	v31 =	vperm.xlane v14, v7;
	v23 =	vmul.f32 v56, v23;
	[tilespmem:s20+$0x60] =	vst v8;
	v8 =	vld [tilespmem:s25+$0xFFFFFE80]  }
0x284: {  	v18 =	vld [tilespmem:s24+$0xFFFFFF70];
	v24 =	vmul.f32 v57, v27;
	[tilespmem:s20+$0x1F0] =	vst v26;
	v33 =	vperm.xlane v16, v0  }
0x285: {  	v32 =	vperm.xlane v12, v7;
	v14 =	vld [tilespmem:s25+$0xFFFFFF80];
	v21 =	vmul.f32 v21, v28;
	[tilespmem:s20+$0xE0] =	vst v23  }
0x286: {  	v10 =	vperm.xlane v10, v7;
	[tilespmem:s20+$0x160] =	vst v24;
	v33 =	vmul.f32 v17, v33;
	v17 =	vld [tilespmem:s25+$0xFFFFFE00]  }
0x287: {  	s22 =	simm.s32 $0x8000;
	v13 =	vld [tilespmem:s25+$0x80];
	v11 =	vperm.xlane v11, v7;
	v20 =	vmul.f32 v20, v29;
	[tilespmem:s20+$0xFFFFFE70] =	vst v21  }
0x288: {  	v12 =	vld [tilespmem:s25+$0x0];
	v19 =	vmul.f32 v19, v31;
	v59 =	vperm.xlane v8, v0;
	[tilespmem:s22+$0x180] =	vst v33  }
0x289: {  	v18 =	vmul.f32 v18, v30;
	[tilespmem:s20+$0xFFFFFEF0] =	vst v20;
	v20 =	vperm.xlane v15, v0;
	v23 =	vld [tilespmem:s21+$0x190]  }
0x28a: {  	v22 =	vld [tilespmem:s24+$0x70];
	[tilespmem:s20+$0xFFFFFFF0] =	vst v19;
	v19 =	vperm.xlane v14, v0;
	v24 =	vmul.f32 v60, v59  }
0x28b: {  	v38 =	vld [tilespmem:s21+$0x80];
	[tilespmem:s20+$0xFFFFFF70] =	vst v18;
	v20 =	vmul.f32 v61, v20;
	v18 =	vperm.xlane v17, v0  }
0x28c: {  	v9 =	vld [tilespmem:s25+$0x100];
	v63 =	vperm.xlane v16, v1;
	v19 =	vmul.f32 v62, v19;
	[tilespmem:s22+$0xFFFFFE80] =	vst v24  }
0x28d: {  	v36 =	vperm.xlane v15, v1;
	[tilespmem:s22+$0xFFFFFF00] =	vst v20;
	v45 =	vld [tilespmem:s21+$0xFFFFFE90];
	v25 =	vmul.f32 v58, v18  }
0x28e: {  	v39 =	vld [tilespmem:s21+$0x100];
	v41 =	vperm.xlane v13, v0;
	[tilespmem:s22+$0xFFFFFF80] =	vst v19;
	v23 =	vmul.f32 v23, v63  }
0x28f: {  	v34 =	vperm.xlane v12, v0;
	v22 =	vmul.f32 v22, v32;
	v48 =	vld [tilespmem:s21+$0xFFFFFF90];
	[tilespmem:s22+$0xFFFFFE00] =	vst v25  }
0x290: {  	v21 =	vperm.xlane v8, v1;
	v20 =	vmul.f32 v38, v41;
	[tilespmem:s22+$0x190] =	vst v23;
	v42 =	vld [tilespmem:s21+$0xFFFFFE10]  }
0x291: {  	v44 =	vmul.f32 v37, v34;
	v43 =	vperm.xlane v9, v0;
	[tilespmem:s20+$0x70] =	vst v22;
	v40 =	vld [tilespmem:s21+$0x1A0]  }
0x292: {  	v22 =	vperm.xlane v14, v1;
	v46 =	vld [tilespmem:s21+$0xFFFFFF10];
	[tilespmem:s22+$0x80] =	vst v20;
	v21 =	vmul.f32 v45, v21  }
0x293: {  	[tilespmem:s22+$0x0] =	vst v44;
	v24 =	vmul.f32 v39, v43;
	v47 =	vperm.xlane v17, v1;
	v52 =	vld [tilespmem:s21+$0x90]  }
0x294: {  	v50 =	vld [tilespmem:s21+$0x10];
	v19 =	vperm.xlane v16, v2;
	[tilespmem:s22+$0xFFFFFE90] =	vst v21;
	v21 =	vmul.f32 v48, v22  }
0x295: {  	v49 =	vperm.xlane v13, v1;
	[tilespmem:s22+$0x100] =	vst v24;
	v59 =	vld [tilespmem:s21+$0xFFFFFEA0];
	v51 =	vmul.f32 v42, v47  }
0x296: {  	v57 =	vperm.xlane v14, v2;
	v54 =	vld [tilespmem:s21+$0x110];
	[tilespmem:s22+$0xFFFFFF90] =	vst v21;
	v19 =	vmul.f32 v40, v19  }
0x297: {  	v55 =	vmul.f32 v46, v36;
	v23 =	vperm.xlane v12, v1;
	v62 =	vld [tilespmem:s21+$0xFFFFFFA0];
	[tilespmem:s22+$0xFFFFFE10] =	vst v51  }
0x298: {  	v27 =	vperm.xlane v8, v2;
	v21 =	vmul.f32 v52, v49;
	[tilespmem:s22+$0x1A0] =	vst v19;
	v58 =	vld [tilespmem:s21+$0xFFFFFE20]  }
0x299: {  	v20 =	vperm.xlane v9, v1;
	[tilespmem:s22+$0xFFFFFF10] =	vst v55;
	v23 =	vmul.f32 v50, v23;
	v56 =	vld [tilespmem:s21+$0x1B0]  }
0x29a: {  	v60 =	vperm.xlane v16, v3;
	v25 =	vld [tilespmem:s21+$0xFFFFFF20];
	[tilespmem:s22+$0x90] =	vst v21;
	v27 =	vmul.f32 v59, v27  }
0x29b: {  	v53 =	vperm.xlane v17, v2;
	v20 =	vmul.f32 v54, v20;
	[tilespmem:s22+$0x10] =	vst v23;
	v37 =	vld [tilespmem:s21+$0xA0]  }
0x29c: {  	v61 =	vperm.xlane v13, v2;
	v63 =	vld [tilespmem:s21+$0x20];
	[tilespmem:s22+$0xFFFFFEA0] =	vst v27;
	v42 =	vmul.f32 v62, v57  }
0x29d: {  	[tilespmem:s22+$0x110] =	vst v20;
	v19 =	vperm.xlane v15, v2;
	v44 =	vld [tilespmem:s21+$0xFFFFFEB0];
	v24 =	vmul.f32 v58, v53  }
0x29e: {  	v43 =	vperm.xlane v12, v3;
	v38 =	vld [tilespmem:s21+$0x120];
	[tilespmem:s22+$0xFFFFFFA0] =	vst v42;
	v21 =	vmul.f32 v56, v60  }
0x29f: {  	v22 =	vperm.xlane v12, v2;
	v19 =	vmul.f32 v25, v19;
	v48 =	vld [tilespmem:s21+$0xFFFFFFB0];
	[tilespmem:s22+$0xFFFFFE20] =	vst v24  }
0x2a0: {  	v20 =	vperm.xlane v8, v3;
	v45 =	vmul.f32 v37, v61;
	[tilespmem:s22+$0x1B0] =	vst v21;
	v41 =	vld [tilespmem:s21+$0xFFFFFE30]  }
0x2a1: {  	v23 =	vperm.xlane v9, v2;
	[tilespmem:s22+$0xFFFFFF20] =	vst v19;
	v19 =	vmul.f32 v63, v22;
	v39 =	vld [tilespmem:s21+$0x1C0]  }
0x2a2: {  	v40 =	vperm.xlane v14, v3;
	v22 =	vld [tilespmem:s21+$0xFFFFFF30];
	[tilespmem:s22+$0xA0] =	vst v45;
	v20 =	vmul.f32 v44, v20  }
0x2a3: {  	v36 =	vperm.xlane v17, v3;
	[tilespmem:s22+$0x20] =	vst v19;
	v19 =	vmul.f32 v38, v23;
	v51 =	vld [tilespmem:s21+$0xB0]  }
0x2a4: {  	v46 =	vperm.xlane v16, v4;
	v49 =	vld [tilespmem:s21+$0x30];
	[tilespmem:s22+$0xFFFFFEB0] =	vst v20;
	v20 =	vmul.f32 v48, v40  }
0x2a5: {  	v21 =	vperm.xlane v15, v3;
	[tilespmem:s22+$0x120] =	vst v19;
	v26 =	vmul.f32 v41, v36  }
0x2a6: {  	v47 =	vperm.xlane v13, v3;
	v52 =	vld [tilespmem:s21+$0x130];
	[tilespmem:s22+$0xFFFFFFB0] =	vst v20;
	v24 =	vmul.f32 v39, v46  }
0x2a7: {  	v54 =	vperm.xlane v14, v4;
	v21 =	vmul.f32 v22, v21;
	v57 =	vld [tilespmem:s21+$0xFFFFFEC0];
	[tilespmem:s22+$0xFFFFFE30] =	vst v26  }
0x2a8: {  	v50 =	vperm.xlane v17, v4;
	v20 =	vmul.f32 v51, v47;
	[tilespmem:s22+$0x1C0] =	vst v24;
	v55 =	vld [tilespmem:s21+$0xFFFFFE40]  }
0x2a9: {  	v23 =	vperm.xlane v9, v3;
	[tilespmem:s22+$0xFFFFFF30] =	vst v21;
	v21 =	vmul.f32 v49, v43;
	v22 =	vld [tilespmem:s21+$0x1D0]  }
0x2aa: {  	v59 =	vperm.xlane v16, v5;
	v19 =	vperm.xlane v8, v4;
	v61 =	vld [tilespmem:s21+$0xFFFFFFC0];
	[tilespmem:s22+$0xB0] =	vst v20  }
0x2ab: {  	v53 =	vperm.xlane v15, v4;
	v58 =	vld [tilespmem:s21+$0xFFFFFF40];
	[tilespmem:s22+$0x30] =	vst v21;
	v21 =	vmul.f32 v52, v23  }
0x2ac: {  	v45 =	vperm.xlane v13, v5;
	v63 =	vld [tilespmem:s21+$0xC0];
	v19 =	vmul.f32 v57, v19  }
0x2ad: {  	v56 =	vperm.xlane v12, v4;
	v62 =	vld [tilespmem:s21+$0x40];
	[tilespmem:s22+$0x130] =	vst v21;
	v27 =	vmul.f32 v55, v50  }
0x2ae: {  	v60 =	vperm.xlane v13, v4;
	v36 =	vld [tilespmem:s21+$0x140];
	[tilespmem:s22+$0xFFFFFEC0] =	vst v19;
	v20 =	vmul.f32 v22, v59  }
0x2af: {  	v38 =	vperm.xlane v14, v5;
	v19 =	vmul.f32 v61, v54;
	v41 =	vld [tilespmem:s21+$0xFFFFFED0];
	[tilespmem:s22+$0xFFFFFE40] =	vst v27  }
0x2b0: {  	v44 =	vperm.xlane v16, v6;
	v24 =	vmul.f32 v58, v53;
	[tilespmem:s22+$0x1D0] =	vst v20;
	v39 =	vld [tilespmem:s21+$0xFFFFFE50]  }
0x2b1: {  	v23 =	vperm.xlane v9, v4;
	[tilespmem:s22+$0xFFFFFFC0] =	vst v19;
	v19 =	vmul.f32 v63, v60;
	v37 =	vld [tilespmem:s21+$0x1E0]  }
0x2b2: {  	v21 =	vperm.xlane v8, v5;
	[tilespmem:s22+$0xFFFFFF40] =	vst v24;
	v42 =	vmul.f32 v62, v56;
	v46 =	vld [tilespmem:s21+$0xFFFFFFD0]  }
0x2b3: {  	v43 =	vld [tilespmem:s21+$0xFFFFFF50];
	[tilespmem:s22+$0xC0] =	vst v19;
	v22 =	vperm.xlane v17, v5;
	v23 =	vmul.f32 v36, v23  }
0x2b4: {  	v16 =	vperm.xlane v16, v7;
	[tilespmem:s22+$0x40] =	vst v42;
	v50 =	vld [tilespmem:s21+$0xD0];
	v21 =	vmul.f32 v41, v21  }
0x2b5: {  	v40 =	vperm.xlane v12, v5;
	v48 =	vld [tilespmem:s21+$0x50];
	[tilespmem:s22+$0x140] =	vst v23;
	v22 =	vmul.f32 v39, v22  }
0x2b6: {  	v20 =	vperm.xlane v15, v5;
	v51 =	vld [tilespmem:s21+$0x150];
	[tilespmem:s22+$0xFFFFFED0] =	vst v21;
	v19 =	vmul.f32 v37, v44  }
0x2b7: {  	v47 =	vperm.xlane v9, v5;
	v21 =	vmul.f32 v46, v38;
	v55 =	vld [tilespmem:s21+$0xFFFFFEE0];
	[tilespmem:s22+$0xFFFFFE50] =	vst v22  }
0x2b8: {  	v49 =	vperm.xlane v17, v6;
	[tilespmem:s22+$0x1E0] =	vst v19;
	v19 =	vmul.f32 v43, v20;
	v53 =	vld [tilespmem:s21+$0xFFFFFE60]  }
0x2b9: {  	v52 =	vperm.xlane v15, v6;
	v57 =	vperm.xlane v13, v6;
	[tilespmem:s22+$0xFFFFFFD0] =	vst v21;
	v20 =	vld [tilespmem:s21+$0x1F0]  }
0x2ba: {  	v54 =	vperm.xlane v12, v6;
	v58 =	vld [tilespmem:s21+$0xFFFFFFE0];
	[tilespmem:s22+$0xFFFFFF50] =	vst v19;
	v19 =	vmul.f32 v48, v40  }
0x2bb: {  	v59 =	vperm.xlane v9, v6;
	v21 =	vmul.f32 v50, v45;
	v56 =	vld [tilespmem:s21+$0xFFFFFF60]  }
0x2bc: {  	v18 =	vld [tilespmem:s24+$0xF0];
	v23 =	vperm.xlane v8, v6;
	v24 =	vmul.f32 v51, v47;
	[tilespmem:s22+$0x50] =	vst v19  }
0x2bd: {  	[tilespmem:s22+$0xD0] =	vst v21;
	v19 =	vperm.xlane v17, v7;
	v60 =	vld [tilespmem:s21+$0x60];
	v17 =	vmul.f32 v53, v49  }
0x2be: {  	v61 =	vld [tilespmem:s21+$0xE0];
	v22 =	vperm.xlane v14, v6;
	[tilespmem:s22+$0x150] =	vst v24;
	v16 =	vmul.f32 v20, v16  }
0x2bf: {  	v20 =	vperm.xlane v8, v7;
	v8 =	vmul.f32 v55, v23;
	v23 =	vld [tilespmem:s21+$0x160];
	[tilespmem:s22+$0xFFFFFE60] =	vst v17  }
0x2c0: {  	v62 =	vld [tilespmem:s24+$0x170];
	v63 =	vmul.f32 v58, v22;
	[tilespmem:s22+$0x1F0] =	vst v16;
	v17 =	vmul.f32 v56, v52  }
0x2c1: {  	v16 =	vperm.xlane v15, v7;
	v15 =	vperm.xlane v14, v7;
	v14 =	vld [tilespmem:s21+$0xFFFFFE70];
	[tilespmem:s22+$0xFFFFFEE0] =	vst v8  }
0x2c2: {  	v21 =	vperm.xlane v12, v7;
	v22 =	vld [tilespmem:s21+$0xFFFFFEF0];
	[tilespmem:s22+$0xFFFFFF60] =	vst v17;
	v17 =	vmul.f32 v60, v54  }
0x2c3: {  	[tilespmem:s22+$0xFFFFFFE0] =	vst v63;
	v25 =	vmul.f32 v61, v57;
	v8 =	vperm.xlane v13, v7;
	v13 =	vld [tilespmem:s21+$0xFFFFFF70]  }
0x2c4: {  	v12 =	vmul.f32 v18, v11;
	v18 =	vld [tilespmem:s21+$0xFFFFFFF0];
	v11 =	vmul.f32 v23, v59;
	[tilespmem:s22+$0x60] =	vst v17  }
0x2c5: {  	s8 =	simm.s32 $0x800;
	s23 =	simm.s32 $0x8;
	s16 =	simm.s32 $0x3400;
	v9 =	vperm.xlane v9, v7;
	[tilespmem:s22+$0xE0] =	vst v25;
	v17 =	vmul.f32 v62, v10;
	v23 =	vld [tilespmem:s21+$0x70]  }
.LBB2_8:
0x2c6: {  	v10 =	vld [tilespmem:s16+$0x180];
	s23 =	sadd.s32 $0x8, s23;
	v14 =	vmul.f32 v14, v19;
	[tilespmem:s22+$0x160] =	vst v11  }
0x2c7: {  	s21 =	sadd.s32 $0x400, s21;
	v11 =	vld [tilespmem:s16+$0xFFFFFE80];
	p1 =	slt.u32 s23, $0x48;
	v19 =	vmul.f32 v22, v20;
	[tilespmem:s20+$0xF0] =	vst v12  }
0x2c8: {  	v20 =	vld [tilespmem:s21+$0x180];
	[tilespmem:s22+$0xFFFFFE70] =	vst v14;
	v12 =	vmul.f32 v13, v16  }
0x2c9: {  	v16 =	vld [tilespmem:s16+$0xFFFFFF00];
	[tilespmem:s22+$0xFFFFFEF0] =	vst v19;
	v14 =	vmul.f32 v18, v15  }
0x2ca: {  	v15 =	vld [tilespmem:s16+$0xFFFFFF80];
	[tilespmem:s22+$0xFFFFFF70] =	vst v12;
	v12 =	vmul.f32 v23, v21  }
0x2cb: {  	v13 =	vld [tilespmem:s16+$0x0];
	v18 =	vperm.xlane v10, v0;
	[tilespmem:s22+$0xFFFFFFF0] =	vst v14  }
0x2cc: {  	v19 =	vperm.xlane v11, v0;
	v21 =	vperm.xlane v11, v1;
	v14 =	vld [tilespmem:s16+$0x80];
	[tilespmem:s22+$0x70] =	vst v12  }
0x2cd: {  	v22 =	vperm.xlane v11, v2;
	v12 =	vld [tilespmem:s16+$0x100];
	v20 =	vmul.f32 v20, v18;
	[tilespmem:s20+$0x170] =	vst v17;
	s20 =	smov.u32 s22  }
0x2ce: {  	s22 =	sadd.s32 $0x400, s22;
	v18 =	vld [tilespmem:s16+$0xFFFFFE00];
	v17 =	vperm.xlane v16, v0;
	v23 =	vperm.xlane v16, v1  }
0x2cf: {  	v24 =	vld [tilespmem:s21+$0xFFFFFE00];
	v25 =	vperm.xlane v15, v0;
	v26 =	vperm.xlane v15, v1;
	[tilespmem:s22+$0x180] =	vst v20  }
0x2d0: {  	v20 =	vperm.xlane v13, v0;
	v27 =	vperm.xlane v13, v1;
	v28 =	vld [tilespmem:s21+$0x190]  }
0x2d1: {  	v29 =	vld [tilespmem:s21+$0xFFFFFE80];
	v30 =	vperm.xlane v14, v0;
	v31 =	vperm.xlane v14, v1  }
0x2d2: {  	v32 =	vld [tilespmem:s21+$0xFFFFFF00];
	v33 =	vperm.xlane v12, v0;
	v34 =	vperm.xlane v12, v1  }
0x2d3: {  	v37 =	vperm.xlane v10, v1;
	v35 =	vperm.xlane v18, v0;
	v36 =	vld [tilespmem:s21+$0xFFFFFF80]  }
0x2d4: {  	v38 =	vperm.xlane v18, v1;
	v39 =	vperm.xlane v18, v2;
	v40 =	vld [tilespmem:s21+$0x0]  }
0x2d5: {  	v24 =	vmul.f32 v24, v35;
	v35 =	vld [tilespmem:s21+$0x80];
	v28 =	vmul.f32 v28, v37  }
0x2d6: {  	v19 =	vmul.f32 v29, v19;
	v29 =	vperm.xlane v16, v2;
	v37 =	vld [tilespmem:s21+$0x100]  }
0x2d7: {  	v41 =	vperm.xlane v15, v2;
	v32 =	vmul.f32 v32, v17;
	[tilespmem:s22+$0x190] =	vst v28;
	v17 =	vld [tilespmem:s8+$0xF0]  }
0x2d8: {  	[tilespmem:s22+$0xFFFFFE00] =	vst v24;
	v24 =	vmul.f32 v36, v25;
	v25 =	vperm.xlane v13, v2;
	v28 =	vld [tilespmem:s21+$0x1A0]  }
0x2d9: {  	v36 =	vld [tilespmem:s21+$0xFFFFFE10];
	[tilespmem:s22+$0xFFFFFE80] =	vst v19;
	v19 =	vmul.f32 v40, v20;
	v20 =	vperm.xlane v14, v2  }
0x2da: {  	v40 =	vld [tilespmem:s21+$0xFFFFFE90];
	[tilespmem:s22+$0xFFFFFF00] =	vst v32;
	v30 =	vmul.f32 v35, v30;
	v32 =	vperm.xlane v12, v2  }
0x2db: {  	v35 =	vld [tilespmem:s21+$0xFFFFFF10];
	[tilespmem:s22+$0xFFFFFF80] =	vst v24;
	v24 =	vmul.f32 v37, v33;
	v33 =	vperm.xlane v10, v2  }
0x2dc: {  	v42 =	vperm.xlane v11, v3;
	v37 =	vperm.xlane v18, v3;
	v43 =	vld [tilespmem:s21+$0xFFFFFF90];
	[tilespmem:s22+$0x0] =	vst v19  }
0x2dd: {  	v19 =	vperm.xlane v16, v3;
	v44 =	vld [tilespmem:s21+$0x10];
	[tilespmem:s22+$0x80] =	vst v30;
	v28 =	vmul.f32 v28, v33  }
0x2de: {  	v33 =	vperm.xlane v15, v3;
	v30 =	vmul.f32 v36, v38;
	v36 =	vld [tilespmem:s21+$0x90];
	[tilespmem:s22+$0x100] =	vst v24  }
0x2df: {  	v24 =	vperm.xlane v13, v3;
	v21 =	vmul.f32 v40, v21;
	v38 =	vld [tilespmem:s21+$0x110];
	[tilespmem:s22+$0x1A0] =	vst v28  }
0x2e0: {  	v28 =	vperm.xlane v14, v3;
	[tilespmem:s22+$0xFFFFFE10] =	vst v30;
	v23 =	vmul.f32 v35, v23;
	v30 =	vld [tilespmem:s21+$0x1B0]  }
0x2e1: {  	v35 =	vld [tilespmem:s21+$0xFFFFFE20];
	[tilespmem:s22+$0xFFFFFE90] =	vst v21;
	v21 =	vmul.f32 v43, v26;
	v26 =	vperm.xlane v12, v3  }
0x2e2: {  	v40 =	vperm.xlane v18, v4;
	v43 =	vld [tilespmem:s21+$0xFFFFFEA0];
	[tilespmem:s22+$0xFFFFFF10] =	vst v23;
	v23 =	vmul.f32 v44, v27  }
0x2e3: {  	v27 =	vld [tilespmem:s21+$0xFFFFFF20];
	[tilespmem:s22+$0xFFFFFF90] =	vst v21;
	v21 =	vmul.f32 v36, v31;
	v31 =	vperm.xlane v10, v3  }
0x2e4: {  	v36 =	vperm.xlane v11, v4;
	v44 =	vld [tilespmem:s21+$0xFFFFFFA0];
	[tilespmem:s22+$0x10] =	vst v23;
	v23 =	vmul.f32 v38, v34  }
0x2e5: {  	v34 =	vperm.xlane v16, v4;
	v38 =	vld [tilespmem:s21+$0x20];
	[tilespmem:s22+$0x90] =	vst v21;
	v21 =	vmul.f32 v30, v31  }
0x2e6: {  	v31 =	vperm.xlane v15, v4;
	v30 =	vmul.f32 v35, v39;
	v35 =	vld [tilespmem:s21+$0xA0];
	[tilespmem:s22+$0x110] =	vst v23  }
0x2e7: {  	v23 =	vperm.xlane v13, v4;
	v22 =	vmul.f32 v43, v22;
	v39 =	vld [tilespmem:s21+$0x120];
	[tilespmem:s22+$0x1B0] =	vst v21  }
0x2e8: {  	[tilespmem:s22+$0xFFFFFE20] =	vst v30;
	v21 =	vmul.f32 v27, v29;
	v27 =	vperm.xlane v14, v4;
	v29 =	vld [tilespmem:s21+$0x1C0]  }
0x2e9: {  	v30 =	vld [tilespmem:s21+$0xFFFFFE30];
	[tilespmem:s22+$0xFFFFFEA0] =	vst v22;
	v22 =	vmul.f32 v44, v41;
	v41 =	vperm.xlane v12, v4  }
0x2ea: {  	v43 =	vperm.xlane v18, v5;
	v44 =	vld [tilespmem:s21+$0xFFFFFEB0];
	[tilespmem:s22+$0xFFFFFF20] =	vst v21;
	v21 =	vmul.f32 v38, v25  }
0x2eb: {  	v25 =	vld [tilespmem:s21+$0xFFFFFF30];
	[tilespmem:s22+$0xFFFFFFA0] =	vst v22;
	v20 =	vmul.f32 v35, v20;
	v22 =	vperm.xlane v10, v4  }
0x2ec: {  	v35 =	vperm.xlane v11, v5;
	v38 =	vld [tilespmem:s21+$0xFFFFFFB0];
	[tilespmem:s22+$0x20] =	vst v21;
	v21 =	vmul.f32 v39, v32  }
0x2ed: {  	v32 =	vperm.xlane v16, v5;
	v39 =	vld [tilespmem:s21+$0x30];
	[tilespmem:s22+$0xA0] =	vst v20;
	v20 =	vmul.f32 v29, v22  }
0x2ee: {  	v29 =	vperm.xlane v15, v5;
	v22 =	vmul.f32 v30, v37;
	v30 =	vld [tilespmem:s21+$0xB0];
	[tilespmem:s22+$0x120] =	vst v21  }
0x2ef: {  	v37 =	vperm.xlane v13, v5;
	v21 =	vmul.f32 v44, v42;
	v42 =	vld [tilespmem:s21+$0x130];
	[tilespmem:s22+$0x1C0] =	vst v20  }
0x2f0: {  	[tilespmem:s22+$0xFFFFFE30] =	vst v22;
	v19 =	vmul.f32 v25, v19;
	v22 =	vperm.xlane v14, v5;
	v20 =	vld [tilespmem:s21+$0x1D0]  }
0x2f1: {  	v25 =	vld [tilespmem:s21+$0xFFFFFE40];
	[tilespmem:s22+$0xFFFFFEB0] =	vst v21;
	v21 =	vmul.f32 v38, v33;
	v33 =	vperm.xlane v12, v5  }
0x2f2: {  	v38 =	vperm.xlane v18, v6;
	v44 =	vld [tilespmem:s21+$0xFFFFFEC0];
	[tilespmem:s22+$0xFFFFFF30] =	vst v19;
	v19 =	vmul.f32 v39, v24  }
0x2f3: {  	v24 =	vld [tilespmem:s21+$0xFFFFFF40];
	[tilespmem:s22+$0xFFFFFFB0] =	vst v21;
	v21 =	vmul.f32 v30, v28;
	v28 =	vperm.xlane v10, v5  }
0x2f4: {  	v30 =	vperm.xlane v11, v6;
	v39 =	vld [tilespmem:s21+$0xFFFFFFC0];
	[tilespmem:s22+$0x30] =	vst v19;
	v19 =	vmul.f32 v42, v26  }
0x2f5: {  	v26 =	vperm.xlane v16, v6;
	v42 =	vld [tilespmem:s21+$0x40];
	[tilespmem:s22+$0xB0] =	vst v21;
	v20 =	vmul.f32 v20, v28  }
0x2f6: {  	v21 =	vmul.f32 v25, v40;
	v25 =	vperm.xlane v15, v6;
	v28 =	vld [tilespmem:s21+$0xC0];
	[tilespmem:s22+$0x130] =	vst v19  }
0x2f7: {  	v19 =	vmul.f32 v44, v36;
	v36 =	vperm.xlane v13, v6;
	v40 =	vld [tilespmem:s21+$0x140];
	[tilespmem:s22+$0x1D0] =	vst v20  }
0x2f8: {  	[tilespmem:s22+$0xFFFFFE40] =	vst v21;
	v20 =	vmul.f32 v24, v34;
	v24 =	vperm.xlane v14, v6;
	v21 =	vld [tilespmem:s21+$0x1E0]  }
0x2f9: {  	v34 =	vld [tilespmem:s21+$0xFFFFFE50];
	[tilespmem:s22+$0xFFFFFEC0] =	vst v19;
	v31 =	vmul.f32 v39, v31;
	v39 =	vperm.xlane v12, v6  }
0x2fa: {  	v19 =	vperm.xlane v18, v7;
	v18 =	vld [tilespmem:s21+$0xFFFFFED0];
	[tilespmem:s22+$0xFFFFFF40] =	vst v20;
	v23 =	vmul.f32 v42, v23  }
0x2fb: {  	v42 =	vld [tilespmem:s21+$0xFFFFFF50];
	[tilespmem:s22+$0xFFFFFFC0] =	vst v31;
	v27 =	vmul.f32 v28, v27;
	v28 =	vperm.xlane v10, v6  }
0x2fc: {  	v20 =	vperm.xlane v11, v7;
	v11 =	vld [tilespmem:s21+$0xFFFFFFD0];
	[tilespmem:s22+$0x40] =	vst v23;
	v23 =	vmul.f32 v40, v41  }
0x2fd: {  	v16 =	vperm.xlane v16, v7;
	v31 =	vld [tilespmem:s21+$0x50];
	[tilespmem:s22+$0xC0] =	vst v27;
	v27 =	vmul.f32 v21, v28  }
0x2fe: {  	v15 =	vperm.xlane v15, v7;
	v28 =	vmul.f32 v34, v43;
	v34 =	vld [tilespmem:s21+$0xD0];
	[tilespmem:s22+$0x140] =	vst v23  }
0x2ff: {  	v21 =	vperm.xlane v13, v7;
	v18 =	vmul.f32 v18, v35;
	v13 =	vld [tilespmem:s21+$0x150];
	[tilespmem:s22+$0x1E0] =	vst v27  }
0x300: {  	v14 =	vperm.xlane v14, v7;
	[tilespmem:s22+$0xFFFFFE50] =	vst v28;
	v23 =	vmul.f32 v42, v32;
	v27 =	vld [tilespmem:s21+$0x1F0]  }
0x301: {  	v28 =	vld [tilespmem:s21+$0xFFFFFE60];
	[tilespmem:s22+$0xFFFFFED0] =	vst v18;
	v11 =	vmul.f32 v11, v29;
	v29 =	vperm.xlane v12, v7  }
0x302: {  	v12 =	vmul.f32 v17, v8;
	v8 =	vmov v14;
	v18 =	vld [tilespmem:s21+$0xFFFFFEE0];
	[tilespmem:s22+$0xFFFFFF50] =	vst v23;
	v23 =	vmul.f32 v31, v37  }
0x303: {  	v10 =	vperm.xlane v10, v7;
	v14 =	vld [tilespmem:s21+$0xFFFFFF60];
	[tilespmem:s22+$0xFFFFFFD0] =	vst v11;
	v11 =	vmul.f32 v34, v22  }
0x304: {  	v17 =	vld [tilespmem:s21+$0xFFFFFFE0];
	[tilespmem:s22+$0x50] =	vst v23;
	v13 =	vmul.f32 v13, v33  }
0x305: {  	v23 =	vld [tilespmem:s21+$0x60];
	[tilespmem:s22+$0xD0] =	vst v11;
	v10 =	vmul.f32 v27, v10  }
0x306: {  	v11 =	vmul.f32 v28, v38;
	v27 =	vld [tilespmem:s21+$0xE0];
	[tilespmem:s22+$0x150] =	vst v13  }
0x307: {  	v13 =	vmul.f32 v18, v30;
	v28 =	vld [tilespmem:s21+$0x160];
	[tilespmem:s22+$0x1F0] =	vst v10  }
0x308: {  	[tilespmem:s22+$0xFFFFFE60] =	vst v11;
	v10 =	vmul.f32 v14, v26;
	v26 =	vld [tilespmem:s8+$0x170];
	s8 =	smov.u32 s21  }
.Ltmp3:
0x309: {  	v14 =	vld [tilespmem:s21+$0xFFFFFE70];
	[tilespmem:s22+$0xFFFFFEE0] =	vst v13;
	v11 =	vmul.f32 v17, v25;
	(pc) =	sbr.rel @p1 .LBB2_8-.Ltmp3, $4  }
0x30a: {  	v22 =	vld [tilespmem:s21+$0xFFFFFEF0];
	[tilespmem:s22+$0xFFFFFF60] =	vst v10;
	v10 =	vmul.f32 v23, v36  }
0x30b: {  	v13 =	vld [tilespmem:s21+$0xFFFFFF70];
	[tilespmem:s22+$0xFFFFFFE0] =	vst v11;
	v17 =	vmul.f32 v27, v24  }
0x30c: {  	v18 =	vld [tilespmem:s21+$0xFFFFFFF0];
	[tilespmem:s22+$0x60] =	vst v10;
	v11 =	vmul.f32 v28, v39  }
0x30d: {  	s16 =	sadd.s32 $0x400, s16;
	v23 =	vld [tilespmem:s21+$0x70];
	[tilespmem:s22+$0xE0] =	vst v17;
	v17 =	vmul.f32 v26, v9;
	v9 =	vmov v29  }
0x30e: {  	[tilespmem:s22+$0x160] =	vst v11  }
0x30f: {  	v10 =	vmul.f32 v14, v19;
	[tilespmem:s20+$0xF0] =	vst v12;
	v59 =	vld [tilespmem:s8+$0xF0]  }
0x310: {  	v58 =	vmul.f32 v22, v20;
	v61 =	vld [tilespmem:s8+$0x170];
	[tilespmem:s20+$0x170] =	vst v17  }
0x311: {  	[tilespmem:s22+$0xFFFFFE70] =	vst v10;
	v60 =	vmul.f32 v13, v16  }
0x312: {  	[tilespmem:s22+$0xFFFFFEF0] =	vst v58;
	v62 =	vmul.f32 v18, v15  }
0x313: {  	[tilespmem:s22+$0xFFFFFF70] =	vst v60;
	v63 =	vmul.f32 v23, v21  }
0x314: {  	[tilespmem:s22+$0xFFFFFFF0] =	vst v62;
	v8 =	vmul.f32 v59, v8  }
0x315: {  	[tilespmem:s22+$0x70] =	vst v63;
	v9 =	vmul.f32 v61, v9  }
0x316: {  	[tilespmem:s22+$0xF0] =	vst v8  }
0x317: {  	[tilespmem:s22+$0x170] =	vst v9  }
0x318: {  	[spmem:s2] =	stream.indirect.scatter.add.f32 [tilespmem:s29], [sflag:$0x3], $0x80, s3, s31, $0xb8;
	[tilespmem:$0x1DA80] =	vst v63  }
0x319: {  	_ =	swait.ge [sflag:s14], $0x50  }
0x31a: {  	[sflag:s14] =	ssyncset.done $0x0  }
0x31b: {  	[sflag:s14] =	ssyncadd.s32 $0xFFFFFFB0  }
0x31c: {  	_ =	swait.ge [sflag:s14], $0x50  }
0x31d: {  	[sflag:s14] =	ssyncset.done $0x0  }
0x31e: {  	[sflag:s14] =	ssyncadd.s32 $0xFFFFFFB0  }
0x31f: {  	_ =	swait.ge [sflag:s14], $0x2800  }
0x320: {  	[sflag:s14] =	ssyncset.done $0x0  }
0x321: {  	[sflag:s14] =	ssyncadd.s32 $0xFFFFD800  }
0x322: {  	_ =	swait.ge [sflag:s5], $0x2800  }
0x323: {  	[sflag:s5] =	ssyncset.done $0x0  }
0x324: {  	[sflag:s5] =	ssyncadd.s32 $0xFFFFD800  }
0x325: {  	[bflag:$0x0] =	sbarrier.arrive $0xFFFF  }
0x326: {  	s24 =	rddreg [dreg:$0xf]  }
0x327: {  	s20 =	simm.s32 $0x5;
	s16 =	rddreg [dreg:$0x12]  }
0x328: {  	[hbm:s24], [sflag:s11] =	dma.local [spmem:s16], $0x1900  }
0x329: {  	_ =	swait.ge [sflag:s20], $0x1900  }
0x32a: {  	[sflag:s20] =	ssyncset.done $0x0  }
0x32b: {  	s8 =	rddreg [dreg:$0x10];
	[sflag:s20] =	ssyncadd.s32 $0xFFFFE700  }
0x32c: {  	[hbm:s8], [sflag:s11] =	dma.local @!p0 [spmem:s19], $0x1900  }
0x32d: {  	s8 =	simm.s32 @!p0 $0x5  }
0x32e: {  	_ =	swait.ge @!p0 [sflag:s8], $0x1900  }
0x32f: {  	s15 =	sadd.s32 $0x1, s15;
	s25 =	rddreg [dreg:$0x11]  }
0x330: {  	p1 =	sne.s32 s15, s25  }
.Ltmp4:
0x331: {  	_ = 	snop;
	(pc) =	sbr.rel @p1 .LBB2_1-.Ltmp4, $3  }
0x332: {  	_ =	sdelay $0x1  }
0x333: {  	[sflag:s8] =	ssyncset.done @!p0 $0x0  }
0x334: {  	[sflag:s8] =	ssyncadd.s32 @!p0 $0xFFFFE700  }
0x335: {  	_ =	sfence.sel $0x180000  }
0x336: {  	[bflag:$0x0] =	sbarrier.arrive $0xFFFF  }
0x337: {  	_ =	strace $0x9000004A  }
0x338: {  	s0 =	stileid.u32;
	[bflag:$0x2] =	sbarrier.arrive $0xFFFF  }
0x339: {  	p0 =	sne.s32 s0, $0x0;
	s0 =	rddreg [dreg:$0x3]  }
0x33a: {  	s0 =	sadd.s32 @!p0 $0x100000, s0  }
0x33b: {  	[sflag:s0] =	ssyncadd.tile.s32 @!p0 $0x1;
	_ =	shalt  }
.Lfunc_end2:
_tile_overlayer_lowered:
.L_overlay_start_2:
0x33c: {  	(tag) =	ssettag $0x2  }
0x33d: {  	s0 =	rddreg [dreg:$0x0];
	s2 =	stileid.u32  }
0x33e: {  	s1 =	rddreg [dreg:$0x1];
	p0 =	sne.s32 s2, $0x0  }
0x33f: {  	s3 =	rddreg [dreg:$0x2];
	[bflag:$0x3] =	sbarrier.arrive $0xFFFF;
	s2 =	simm.s32 @!p0 $0x1C05  }
0x340: {  	[timem:s3], [sflag:s2] =	dma.local @!p0 [hbm:s0], s1  }
0x341: {  	s0 =	simm.s32 @!p0 $0x5  }
0x342: {  	_ =	swait.ge @!p0 [sflag:s0], s1  }
0x343: {  	s1 =	ssub.s32 @!p0 $0x0, s1;
	[sflag:s0] =	ssyncset.done @!p0 $0x0  }
0x344: {  	[sflag:s0] =	ssyncadd.s32 @!p0 s1  }
0x345: {  	[bflag:$0x3] =	sbarrier.arrive $0xFFFF  }
0x346: {  	_ =	shalt  }

// kernel: kernel.7.cloned.1.call-start
scs
__scs_entry_jumppad:
0x0: {  	(pc) =	sbr.rel $0x88, $3  }
0x1: {  	(tag) =	ssettag $0x0;
	lr =	simm.s32 $0x1  }
0x2: {  	[smem:$0x3F94] =	sst lr;
	_ =	strace $0xD0000000  }
0x3: {  	_ = 	snop  }
0x4: {  	_ = 	snop  }
0x5: {  	_ = 	snop  }
0x6: {  	_ = 	snop  }
0x7: {  	_ = 	snop  }
__scs_overlays_trampoline_lowered:
0x8: {  	[smem:$0x3FA3] =	sst s0  }
0x9: {  	[smem:$0x3FA4] =	sst s1  }
0xa: {  	[smem:$0x3FA5] =	sst s2  }
0xb: {  	[smem:$0x3FA6] =	sst s3  }
0xc: {  	[smem:$0x3FA7] =	sst s4  }
0xd: {  	[smem:$0x3FA8] =	sst s5  }
0xe: {  	[smem:$0x3FA9] =	sst s6  }
0xf: {  	[smem:$0x3FAA] =	sst s7  }
0x10: {  	[smem:$0x3FAB] =	sst s8  }
0x11: {  	[smem:$0x3FAC] =	sst s9;
	s0 =	simm.s32 @!p0 $0x0  }
0x12: {  	s1 =	sld [smem:$0x3F92];
	s0 =	simm.s32 @p0 $0x1  }
0x13: {  	[smem:$0x3FAD] =	sst s0;
	s0 =	simm.s32 @!p1 $0x0  }
0x14: {  	s2 =	sld [smem:$0x3F91];
	s0 =	simm.s32 @p1 $0x1  }
0x15: {  	[smem:$0x3FAE] =	sst s0;
	s0 =	simm.s32 @!p2 $0x0  }
0x16: {  	s3 =	sld [smem:$0x3FDB];
	s0 =	simm.s32 @p2 $0x1  }
0x17: {  	s4 =	simm.s32 $0x1BF5;
	[smem:$0x3FB0] =	sst s0  }
0x18: {  	s0 =	sld [smem:$0x3F93];
	_ =	swait.ge [sflag:s4], $0x0  }
0x19: {  	s7 =	sld [smem:$0x3F94]  }
0x1a: {  	s8 =	sadd.s32 $0xFFFFE003, lr  }
0x1b: {  	s9 =	sadd.s32 $0xFFFFFEF7, lr;
	s5 =	simm.s32 $0xFFFFFFFF;
	p2 =	slt.u32 s8, $0xFFFFF086  }
0x1c: {  	p1 =	slt.u32 s9, $0xF7A;
	s5 =	simm.s32 @!p2 $0x0  }
0x1d: {  	s5 =	simm.s32 @p1 $0x1;
	p0 =	seq.s32 s7, s2  }
0x1e: {  	s7 =	smul.u32 @!p0 $0xF7A, s2;
	p2 =	seq.s32 @!p0 s5, $0x0  }
0x1f: {  	s9 =	smul.u32 $0xF7A, s1;
	s8 =	simm.s32 @!p0 $0x1BF5;
	p2 =	por !p2, p0  }
0x20: {  	[sflag:s8] =	ssyncset.s32 @!p0 $0xFFFFF086;
	s6 =	sadd.s32 @!p0 s3, s7;
	s7 =	simm.s32 @!p0 $0x108  }
0x21: {  	s3 =	sadd.s32 s3, s9;
	s6 =	sadd.s32 @!p0 $0x88, s6;
	s7 =	simm.s32 @p2 $0x1082  }
0x22: {  	[simem:s7], [sflag:s8] =	dma.local @!p0 [hbm:s6], $0xF7A  }
0x23: {  	s9 =	sor.u32 $0xD0000000, s2;
	s6 =	simm.s32 $0x108;
	_ =	swait.ge @!p0 [sflag:s8], $0x0  }
0x24: {  	s3 =	sadd.s32 $0x88, s3;
	s6 =	simm.s32 @!p1 $0x1082;
	[sflag:s4] =	ssyncset.s32 $0xFFFFF086  }
0x25: {  	[simem:s6], [sflag:s4] =	dma.local [hbm:s3], $0xF7A  }
0x26: {  	[smem:$0x3F94] =	sst s1;
	(tag) =	ssettag s2;
	_ =	strace s9  }
0x27: {  	s1 =	sld [smem:$0x3FA4]  }
0x28: {  	s2 =	sld [smem:$0x3FA5]  }
0x29: {  	s4 =	sld [smem:$0x3FA7]  }
0x2a: {  	p0 =	seq.s32 s5, $0x0;
	s5 =	sld [smem:$0x3FA8]  }
0x2b: {  	s6 =	sld [smem:$0x3FA9]  }
0x2c: {  	s7 =	sld [smem:$0x3FAA]  }
0x2d: {  	s3 =	simm.s32 $0x108;
	s8 =	sld [smem:$0x3FAB]  }
0x2e: {  	s3 =	simm.s32 @!p0 $0x1082;
	s9 =	sld [smem:$0x3FAC]  }
0x2f: {  	lr =	sadd.s32 s0, s3;
	s0 =	sld [smem:$0x3FA3]  }
0x30: {  	s3 =	sld [smem:$0x3FA6]  }
0x31: {  	[smem:$0x3FAF] =	sst s10  }
0x32: {  	s10 =	sld [smem:$0x3FAD];
	_ =	sdelay $0x3  }
0x33: {  	p0 =	seq.s32 s10, $0x1;
	s10 =	sld [smem:$0x3FAF];
	_ =	sdelay $0x3  }
0x34: {  	[smem:$0x3FAF] =	sst s10  }
0x35: {  	s10 =	sld [smem:$0x3FAE];
	_ =	sdelay $0x3  }
0x36: {  	p1 =	seq.s32 s10, $0x1;
	s10 =	sld [smem:$0x3FAF];
	_ =	sdelay $0x3  }
0x37: {  	[smem:$0x3FAF] =	sst s10  }
0x38: {  	s10 =	sld [smem:$0x3FB0]  }
0x39: {  	_ = 	snop;
	(pc) =	sbr.ind lr, $3  }
0x3a: {  	_ = 	snop  }
0x3b: {  	_ = 	snop  }
0x3c: {  	p2 =	seq.s32 s10, $0x1;
	s10 =	sld [smem:$0x3FAF]  }
0x3d: {  	_ =	shalt  }
0x3e: {  	_ =	shalt  }
0x3f: {  	_ =	shalt  }
0x40: {  	_ =	shalt  }
0x41: {  	_ =	shalt  }
0x42: {  	_ =	shalt  }
0x43: {  	_ =	shalt  }
0x44: {  	_ =	shalt  }
0x45: {  	_ =	shalt  }
0x46: {  	_ =	shalt  }
0x47: {  	_ =	shalt  }
0x48: {  	_ =	shalt  }
0x49: {  	_ =	shalt  }
0x4a: {  	_ =	shalt  }
0x4b: {  	_ =	shalt  }
0x4c: {  	_ =	shalt  }
0x4d: {  	_ =	shalt  }
0x4e: {  	_ =	shalt  }
0x4f: {  	_ =	shalt  }
0x50: {  	_ =	shalt  }
0x51: {  	_ =	shalt  }
0x52: {  	_ =	shalt  }
0x53: {  	_ =	shalt  }
0x54: {  	_ =	shalt  }
0x55: {  	_ =	shalt  }
0x56: {  	_ =	shalt  }
0x57: {  	_ =	shalt  }
0x58: {  	_ =	shalt  }
0x59: {  	_ =	shalt  }
0x5a: {  	_ =	shalt  }
0x5b: {  	_ =	shalt  }
0x5c: {  	_ =	shalt  }
0x5d: {  	_ =	shalt  }
0x5e: {  	_ =	shalt  }
0x5f: {  	_ =	shalt  }
0x60: {  	_ =	shalt  }
0x61: {  	_ =	shalt  }
0x62: {  	_ =	shalt  }
0x63: {  	_ =	shalt  }
0x64: {  	_ =	shalt  }
0x65: {  	_ =	shalt  }
0x66: {  	_ =	shalt  }
0x67: {  	_ =	shalt  }
0x68: {  	_ =	shalt  }
0x69: {  	_ =	shalt  }
0x6a: {  	_ =	shalt  }
0x6b: {  	_ =	shalt  }
0x6c: {  	_ =	shalt  }
0x6d: {  	_ =	shalt  }
0x6e: {  	_ =	shalt  }
0x6f: {  	_ =	shalt  }
0x70: {  	_ =	shalt  }
0x71: {  	_ =	shalt  }
0x72: {  	_ =	shalt  }
0x73: {  	_ =	shalt  }
0x74: {  	_ =	shalt  }
0x75: {  	_ =	shalt  }
0x76: {  	_ =	shalt  }
0x77: {  	_ =	shalt  }
0x78: {  	_ =	shalt  }
0x79: {  	_ =	shalt  }
0x7a: {  	_ =	shalt  }
0x7b: {  	_ =	shalt  }
0x7c: {  	_ =	shalt  }
0x7d: {  	_ =	shalt  }
0x7e: {  	_ =	shalt  }
0x7f: {  	_ =	shalt  }
0x80: {  	_ =	shalt  }
0x81: {  	_ =	shalt  }
0x82: {  	_ =	shalt  }
0x83: {  	_ =	shalt  }
0x84: {  	_ =	shalt  }
0x85: {  	_ =	shalt  }
0x86: {  	_ =	shalt  }
0x87: {  	_ =	shalt  }
.Lfunc_end0:
.L_simem_size_0:
called_computation_lowered:
.L_overlay_start_0:
0x88: {  	s2 =	sld [smem:$0x3FD9]  }
0x89: {  	s3 =	sld [smem:$0x3FFE];
	_ =	sdelay $0x1  }
0x8a: {  	s1 =	srdreg.scid  }
0x8b: {  	s0 =	sand.u32 $0x1, s1  }
0x8c: {  	s16 =	sshll.u32 s0, $0xA;
	s2 =	sadd.s32 s3, s2  }
0x8d: {  	s2 =	sadd.s32 s2, s16  }
0x8e: {  	[smem:$0x3FBB] =	sst s2  }
0x8f: {  	_ = 	snop  }
0x90: {  	(tm) =	ssettm $0x1  }
0x91: {  	s17 =	sld [smem:$0x3FFB];
	_ =	sdelay $0x3  }
0x92: {  	_ =	strace s17  }
0x93: {  	s2 =	sld [smem:$0x3FFC];
	_ =	sdelay $0x3  }
0x94: {  	_ =	strace s2  }
0x95: {  	s2 =	sld [smem:$0x3FFD];
	_ =	sdelay $0x3  }
0x96: {  	_ =	strace s2  }
0x97: {  	_ =	strace $0x8FFFFFFF  }
0x98: {  	s18 =	sld [smem:$0x3FDB];
	_ =	sdelay $0x1  }
0x99: {  	s19 =	simm.s32 $_scs_section_size  }
0x9a: {  	s4 =	simm.s32 $_size__tile_overlayer_lowered;
	s5 =	simm.s32 $_tile_overlayer_lowered  }
0x9b: {  	s22 =	simm.s32 $0x1BFF;
	s21 =	sshll.u32 s5, $0x1;
	s2 =	sadd.s32 s19, s18  }
0x9c: {  	s6 =	simm.s32 $0x0;
	s20 =	sshll.u32 s4, $0x1;
	s4 =	sadd.s32 s21, s2  }
0x9d: {  	[timem:s6], [sflag:s22] =	dma.local [hbm:s4], s20  }
0x9e: {  	_ =	swait.ge [sflag:s22], s20  }
0x9f: {  	s3 =	ssub.s32 $0x0, s20;
	[sflag:s22] =	ssyncset.done $0x0  }
0xa0: {  	[sflag:s22] =	ssyncadd.s32 s3;
	_ =	sdelay $0x1  }
0xa1: {  	s23 =	simm.s32 $0x1B8B  }
0xa2: {  	_ =	swait.ge [sflag:s23], $0x1  }
0xa3: {  	[sflag:s23] =	ssyncset.done $0x0  }
0xa4: {  	s25 =	simm.s32 $0x1B8E;
	s24 =	sld [smem:$0x3FFE];
	[sflag:s23] =	ssyncadd.s32 $0xFFFFFFFF  }
0xa5: {  	s26 =	simm.s32 $execute0_lowered;
	[smem:$0x3FD2] =	sst s25  }
0xa6: {  	s4 =	sshll.u32 s26, $0x1;
	_ =	strace $0x80000046;
	[dreg:$0x1] =	wrdreg $0xFFFFFFFF  }
0xa7: {  	s28 =	simm.s32 $_size_execute0_lowered;
	s2 =	sadd.s32 s2, s4;
	[dreg:$0x0] =	wrdreg $0x0  }
0xa8: {  	s4 =	sshll.u32 s28, $0x1;
	[dreg:$0x2] =	wrdreg s2  }
0xa9: {  	[dreg:$0x3] =	wrdreg s4  }
0xaa: {  	[dreg:$0x4] =	wrdreg $0xC0  }
0xab: {  	_ =	task [dreg:s6], $0x5FFFF  }
0xac: {  	[dreg:$0x1] =	wrdreg $0xFFFFFFFF  }
0xad: {  	[dreg:$0x0] =	wrdreg $0x60  }
0xae: {  	[dreg:$0x2] =	wrdreg s24  }
0xaf: {  	[dreg:$0x3] =	wrdreg $0x7A000  }
0xb0: {  	[dreg:$0x4] =	wrdreg $0x9  }
0xb1: {  	_ =	task.clear_ibuf [dreg:s6], $0x5FFFF;
	_ =	strace $0x90000046  }
0xb2: {  	s29 =	simm.s32 $0x9;
	_ =	strace $0x80000048  }
0xb3: {  	_ =	swait.ge [sflag:s29], $0x1  }
0xb4: {  	[sflag:s29] =	ssyncadd.s32 $0xFFFFFFFF  }
0xb5: {  	_ =	strace $0x90000048  }
0xb6: {  	_ =	sfence  }
0xb7: {  	s30 =	sld [smem:$0x0];
	_ =	sdelay $0x2  }
0xb8: {  	s31 =	sshll.u32 s1, $0xD;
	s1 =	sshrl.u32 s1, $0x2  }
0xb9: {  	s3 =	sand.u32 $0x4000, s31;
	s1 =	sadd.s32 s1, s30  }
0xba: {  	s0 =	sor.u32 s3, s0;
	s1 =	sshll.u32 s1, $0x11  }
0xbb: {  	s0 =	sor.u32 s1, s0  }
0xbc: {  	s0 =	sadd.s32 $0x8F2B, s0  }
0xbd: {  	[sflag:s0] =	ssyncadd.remote.s32 $0x1  }
0xbe: {  	_ =	sfence.sel $0xFFFF  }
0xbf: {  	[dreg:$0x0] =	wrdreg $0xFFFFFFFF;
	(pc) =	sbr.abs _section_cstart, $3  }
0xc0: {  	[dreg:$0x1] =	wrdreg $0xFFFFFFFF  }
0xc1: {  	_ =	task.clear_ibuf [dreg:s6], $0x2FFFF;
	_ =	strace $0x9FFFFFFF  }
0xc2: {  	(tm) =	ssettm $0x7FFFFFFF  }
0xc3: {  	_ =	shalt  }
tec
execute0_lowered:
.L_overlay_start_1:
0x0: {  	(tag) =	ssettag $0x1  }
0x1: {  	s0 =	rddreg [dreg:$0x0]  }
0x2: {  	s21 =	rddreg [dreg:$0x1];
	s2 =	simm.s32 $0x0;
	s17 =	stileid.u32  }
0x3: {  	s1 =	srdreg.scid;
	s28 =	simm.s32 $0x100;
	s30 =	simm.s32 $0x5200  }
0x4: {  	s31 =	simm.s32 $0x6600;
	[smem:$0x7FF] =	sst s2;
	s3 =	sadd.s32 $0x3D800, s0  }
0x5: {  	s4 =	sadd.s32 $0x16600, s0;
	s6 =	sadd.s32 $0x4F8600, s0;
	s7 =	sadd.s32 $0xC800, s0  }
0x6: {  	s8 =	sadd.s32 $0x2A00, s0;
	s18 =	sadd.s32 $0x64A00, s0;
	s5 =	smul.u32 $0x32000, s17  }
0x7: {  	s10 =	sadd.s32 $0x9DA600, s0;
	s1 =	sand.u32 $0x1, s1;
	s9 =	smul.u32 $0x1900, s17  }
0x8: {  	s11 =	sor.u32 $0x10, s17;
	s0 =	sadd.s32 $0x8BC00, s0;
	s26 =	smul.u32 $0xC800, s17  }
0x9: {  	s24 =	sshll.u32 s17, $0x6;
	p0 =	sgt.u32 s17, $0x8;
	s13 =	smul.u32 $0x32000, s11  }
0xa: {  	_ =	strace $0x80000047;
	s12 =	sshll.u32 s1, $0x4;
	s15 =	smul.u32 $0x1900, s11  }
0xb: {  	s14 =	ssub.s32 $0x2, s1;
	s1 =	smul.u32 $0x138800, s1;
	s24 =	sor.u32 $0x1C07, s24  }
0xc: {  	s11 =	smul.u32 $0xC800, s11;
	[dreg:$0x3] =	wrdreg s18;
	s12 =	sor.u32 s17, s12  }
0xd: {  	s16 =	sshrl.u32 s14, $0x1;
	s5 =	sshrl.u32 s5, $0x2;
	s9 =	sadd.s32 s18, s9  }
0xe: {  	s17 =	simm.s32 $0x80;
	[dreg:$0x6] =	wrdreg s24;
	s19 =	smul.u32 $0x2710, s12  }
0xf: {  	s14 =	ssub.s32 s14, s16;
	s5 =	sadd.s32 s5, s21;
	s23 =	smul.u32 $0x27100, s12  }
0x10: {  	[dreg:$0x5] =	wrdreg s9;
	s25 =	sshrl.u32 s13, $0x2;
	s16 =	sadd.s32 s18, s15  }
0x11: {  	s22 =	sadd.s32 s26, s1;
	s1 =	sadd.s32 s1, s11;
	[dreg:$0x4] =	wrdreg s5  }
0x12: {  	s11 =	simm.s32 $0x7;
	s9 =	sadd.s32 s25, s21;
	[dreg:$0x8] =	wrdreg s16  }
0x13: {  	s15 =	simm.s32 $0x5;
	s26 =	smax.u32 s14, $0x1;
	[dreg:$0x7] =	wrdreg s9  }
0x14: {  	s12 =	simm.s32 $0x0;
	s20 =	sadd.s32 s6, s23;
	[dreg:$0x10] =	wrdreg s26  }
0x15: {  	s1 =	sshrl.u32 s1, $0x3;
	s5 =	sadd.s32 s10, s23;
	[dreg:$0xb] =	wrdreg s20  }
0x16: {  	s29 =	sshrl.u32 s19, $0x3;
	s25 =	sadd.s32 $0x50, s19;
	[dreg:$0xc] =	wrdreg s5  }
0x17: {  	s16 =	simm.s32 $0x4;
	s18 =	sadd.s32 s8, s29;
	[dreg:$0xd] =	wrdreg s25  }
0x18: {  	s23 =	sshrl.u32 s22, $0x3;
	s9 =	sadd.s32 s7, s29;
	[dreg:$0x9] =	wrdreg s18  }
0x19: {  	s13 =	smov.u32 s19;
	s5 =	sadd.s32 s0, s23;
	[dreg:$0xa] =	wrdreg s9  }
0x1a: {  	s22 =	simm.s32 $0x2;
	s0 =	sadd.s32 s0, s1;
	[dreg:$0xe] =	wrdreg s5  }
0x1b: {  	v0 =	vimm.s32 $0xF;
	vm0 =	vmmov $0x1;
	vm1 =	vcmask $0x320;
	s29 =	sadd.s32 $0x28, s19;
	s25 =	simm.s32 $0x200;
	[dreg:$0xf] =	wrdreg s0  }
0x1c: {  	vm2 =	vcmask $0x720;
	vm3 =	vcmask $0xB20;
	vm4 =	vcmask $0xF20;
	s20 =	simm.s32 $0x1;
	s23 =	simm.s32 $0x3;
	[dreg:$0x11] =	wrdreg s29  }
0x1d: {  	vm5 =	vcmask $0x1320;
	vm6 =	vcmask $0x1720;
	vm7 =	vcmask $0x1B20;
	s0 =	simm.s32 $0x6;
	s5 =	simm.s32 $0x28;
	s18 =	simm.s32 $0x180  }
.LBB2_1:
0x1e: {  	[dreg:$0x12] =	wrdreg s12  }
0x1f: {  	s1 =	rddreg [dreg:$0x4]  }
0x20: {  	s29 =	rddreg [dreg:$0x5];
	s9 =	sshrl.u32 s1, $0x3  }
0x21: {  	[dreg:$0x13] =	wrdreg s9  }
0x22: {  	[spmem:s9], [sflag:s24] =	dma.local [hbm:s29], $0x1900  }
0x23: {  	_ =	swait.ge [sflag:s11], $0x1900  }
0x24: {  	s1 =	rddreg [dreg:$0x7]  }
0x25: {  	[sflag:s11] =	ssyncset.done $0x0;
	s9 =	sshrl.u32 @!p0 s1, $0x3;
	s1 =	rddreg [dreg:$0x8]  }
0x26: {  	[sflag:s11] =	ssyncadd.s32 $0xFFFFE700;
	[dreg:$0x14] =	wrdreg s9  }
0x27: {  	[spmem:s9], [sflag:s24] =	dma.local @!p0 [hbm:s1], $0x1900  }
0x28: {  	s1 =	simm.s32 @!p0 $0x7  }
0x29: {  	_ =	swait.ge @!p0 [sflag:s1], $0x1900  }
0x2a: {  	[sflag:s1] =	ssyncset.done @!p0 $0x0  }
0x2b: {  	[sflag:s1] =	ssyncadd.s32 @!p0 $0xFFFFE700  }
0x2c: {  	[bflag:$0x0] =	sbarrier.arrive $0xFFFF  }
0x2d: {  	s12 =	rddreg [dreg:$0x9]  }
0x2e: {  	[tilespmem:s2], [sflag:$0x6] =	stream.linear.gather [hbm4b:s12+s2], $0x28, $0x38;
	[tilespmem:$0x1B280] =	vst v63  }
0x2f: {  	s14 =	rddreg [dreg:$0xa]  }
0x30: {  	[tilespmem:s28], [sflag:$0x6] =	stream.linear.gather [hbm4b:s14+s2], $0x28, $0x38;
	[tilespmem:$0x1B280] =	vst v63  }
0x31: {  	s24 =	simm.s32 $0x2A00;
	s19 =	rddreg [dreg:$0xb]  }
0x32: {  	[tilespmem:s24], [sflag:$0x6] =	stream.linear.gather [hbm4b:s19+s2], $0x1400, $0x38;
	[tilespmem:$0x1B280] =	vst v63  }
0x33: {  	s26 =	rddreg [dreg:$0xc]  }
0x34: {  	[tilespmem:s30], [sflag:$0x5] =	stream.linear.gather [hbm4b:s26+s2], $0x1400, $0x38;
	[tilespmem:$0x1B280] =	vst v63  }
0x35: {  	s9 =	simm.s32 $0x0;
	s29 =	rddreg [dreg:$0x3]  }
0x36: {  	[tilespmem:s31], [sflag:$0x4] =	stream.linear.gather [hbm4b:s29+s2], $0x1400, $0x38;
	[tilespmem:$0x1B280] =	vst v63  }
.LBB2_2:
0x37: {  	_ =	swait.ge [sflag:s0], $0x28  }
0x38: {  	[sflag:s0] =	ssyncset.done $0x0  }
0x39: {  	[sflag:s0] =	ssyncadd.s32 $0xFFFFFFD8  }
0x3a: {  	_ =	swait.ge [sflag:s0], $0x28  }
0x3b: {  	[sflag:s0] =	ssyncset.done $0x0  }
0x3c: {  	[sflag:s0] =	ssyncadd.s32 $0xFFFFFFD8  }
0x3d: {  	_ =	swait.ge [sflag:s0], $0x1400  }
0x3e: {  	[sflag:s0] =	ssyncset.done $0x0  }
0x3f: {  	[sflag:s0] =	ssyncadd.s32 $0xFFFFEC00  }
0x40: {  	[tilespmem:s25], [sflag:$0x1] =	stream.indirect.gather [hbm4b:s3+s5], $0x80, s2, s5, $0xb8;
	[tilespmem:$0x1B280] =	vst v63  }
0x41: {  	s1 =	simm.s32 $0x1600  }
0x42: {  	[tilespmem:s1], [sflag:$0x2] =	stream.indirect.gather [hbm4b:s4+s5], $0x80, s28, s5, $0xb8;
	[tilespmem:$0x1B280] =	vst v63  }
0x43: {  	_ =	swait.ge [sflag:s15], $0x1400  }
0x44: {  	[sflag:s15] =	ssyncset.done $0x0  }
0x45: {  	[sflag:s15] =	ssyncadd.s32 $0xFFFFEC00  }
0x46: {  	s11 =	smul.u32 $0x50, s9;
	_ =	swait.ge [sflag:s16], $0x1400  }
0x47: {  	s12 =	smov.u32 s21;
	s21 =	rddreg [dreg:$0x11]  }
0x48: {  	s1 =	sadd.s32 s21, s11  }
0x49: {  	[sflag:s16] =	ssyncset.done $0x0;
	s14 =	sshrl.u32 s1, $0x3  }
0x4a: {  	[sflag:s16] =	ssyncadd.s32 $0xFFFFEC00;
	s19 =	sadd.s32 s8, s14  }
0x4b: {  	[tilespmem:s17], [sflag:$0x3] =	stream.linear.gather [hbm4b:s19+s2], $0x28, $0x38;
	[tilespmem:$0x1B280] =	vst v63  }
0x4c: {  	s26 =	sshll.u32 s1, $0x4;
	s14 =	sadd.s32 s7, s14  }
0x4d: {  	[tilespmem:s18], [sflag:$0x3] =	stream.linear.gather [hbm4b:s14+s2], $0x28, $0x38;
	[tilespmem:$0x1B280] =	vst v63  }
0x4e: {  	s24 =	simm.s32 $0x3E00;
	s1 =	sadd.s32 s6, s26  }
0x4f: {  	[tilespmem:s24], [sflag:$0x3] =	stream.linear.gather [hbm4b:s1+s2], $0x1400, $0x38;
	[tilespmem:$0x1B280] =	vst v63  }
0x50: {  	_ =	swait.ge [sflag:s20], $0x1400  }
0x51: {  	[sflag:s20] =	ssyncset.done $0x0  }
0x52: {  	[sflag:s20] =	ssyncadd.s32 $0xFFFFEC00  }
0x53: {  	_ =	swait.ge [sflag:s22], $0x1400  }
0x54: {  	[sflag:s22] =	ssyncset.done $0x0  }
0x55: {  	s25 =	simm.s32 $0x400;
	[sflag:s22] =	ssyncadd.s32 $0xFFFFEC00  }
0x56: {  	s14 =	simm.s32 $0x1800;
	v1 =	vld [tilespmem:s25+$0x1F0]  }
0x57: {  	v2 =	vld [tilespmem:s14+$0x1F0]  }
0x58: {  	v4 =	vld [tilespmem:s14+$0xFFFFFE00]  }
0x59: {  	v3 =	vld [tilespmem:s25+$0x1D0]  }
0x5a: {  	v5 =	vld [tilespmem:s14+$0x1D0]  }
0x5b: {  	v6 =	vld [tilespmem:s25+$0xFFFFFE80]  }
0x5c: {  	v7 =	vld [tilespmem:s25+$0x1C0]  }
0x5d: {  	v8 =	vld [tilespmem:s14+$0x1C0]  }
0x5e: {  	v12 =	vld [tilespmem:s14+$0xFFFFFE80]  }
0x5f: {  	v9 =	vld [tilespmem:s25+$0x1A0]  }
0x60: {  	v10 =	vld [tilespmem:s14+$0x1A0]  }
0x61: {  	v14 =	vld [tilespmem:s25+$0xFFFFFF00]  }
0x62: {  	v11 =	vld [tilespmem:s25+$0x190]  }
0x63: {  	v13 =	vld [tilespmem:s14+$0x190]  }
0x64: {  	v21 =	vld [tilespmem:s14+$0xFFFFFF00]  }
0x65: {  	v17 =	vld [tilespmem:s25+$0x180]  }
0x66: {  	v18 =	vld [tilespmem:s14+$0x180]  }
0x67: {  	v22 =	vld [tilespmem:s25+$0xFFFFFF80]  }
0x68: {  	v29 =	vld [tilespmem:s25+$0x1B0]  }
0x69: {  	v33 =	vld [tilespmem:s14+$0x1B0]  }
0x6a: {  	v34 =	vld [tilespmem:s14+$0xFFFFFF80]  }
0x6b: {  	v35 =	vld [tilespmem:s25+$0x1E0]  }
0x6c: {  	v36 =	vld [tilespmem:s14+$0x1E0]  }
0x6d: {  	v37 =	vld [tilespmem:s25+$0x0]  }
0x6e: {  	v38 =	vld [tilespmem:s14+$0x0]  }
0x6f: {  	v39 =	vld [tilespmem:s25+$0x80]  }
0x70: {  	v40 =	vld [tilespmem:s14+$0x80]  }
0x71: {  	v41 =	vld [tilespmem:s25+$0x100]  }
0x72: {  	v42 =	vld [tilespmem:s14+$0x100]  }
0x73: {  	v43 =	vld [tilespmem:s25+$0xFFFFFE00]  }
0x74: {  	v44 =	vld [tilespmem:s25+$0xFFFFFE10]  }
0x75: {  	v45 =	vld [tilespmem:s14+$0xFFFFFE10]  }
0x76: {  	v46 =	vld [tilespmem:s25+$0xFFFFFE90]  }
0x77: {  	v47 =	vld [tilespmem:s14+$0xFFFFFE90]  }
0x78: {  	v48 =	vld [tilespmem:s25+$0xFFFFFF10]  }
0x79: {  	v49 =	vld [tilespmem:s14+$0xFFFFFF10]  }
0x7a: {  	v50 =	vld [tilespmem:s25+$0xFFFFFF90]  }
0x7b: {  	v51 =	vld [tilespmem:s14+$0xFFFFFF90]  }
0x7c: {  	s24 =	simm.s32 $0x2C00;
	v52 =	vld [tilespmem:s25+$0x10]  }
0x7d: {  	v53 =	vld [tilespmem:s24+$0x180]  }
0x7e: {  	v54 =	vld [tilespmem:s14+$0x10]  }
0x7f: {  	v55 =	vld [tilespmem:s25+$0x90]  }
0x80: {  	v56 =	vld [tilespmem:s14+$0x90]  }
0x81: {  	v57 =	vld [tilespmem:s25+$0x110]  }
0x82: {  	v58 =	vld [tilespmem:s14+$0x110]  }
0x83: {  	v59 =	vld [tilespmem:s25+$0xFFFFFE20]  }
0x84: {  	v60 =	vld [tilespmem:s14+$0xFFFFFE20]  }
0x85: {  	v61 =	vld [tilespmem:s25+$0xFFFFFEA0]  }
0x86: {  	v62 =	vld [tilespmem:s14+$0xFFFFFEA0]  }
0x87: {  	v63 =	vld [tilespmem:s25+$0xFFFFFF20]  }
0x88: {  	v15 =	vld [tilespmem:s14+$0xFFFFFF20]  }
0x89: {  	v26 =	vld [tilespmem:s25+$0xFFFFFFA0]  }
0x8a: {  	v20 =	vld [tilespmem:s14+$0xFFFFFFA0]  }
0x8b: {  	v19 =	vld [tilespmem:s25+$0x20]  }
0x8c: {  	v27 =	vld [tilespmem:s25+$0xFFFFFE30]  }
0x8d: {  	v16 =	vld [tilespmem:s14+$0x20]  }
0x8e: {  	v30 =	vld [tilespmem:s25+$0xA0]  }
0x8f: {  	v24 =	vld [tilespmem:s14+$0xA0]  }
0x90: {  	v25 =	vld [tilespmem:s25+$0x120]  }
0x91: {  	v23 =	vld [tilespmem:s14+$0x120];
	[tilespmem:$0x1FF50] =	vst v27  }
0x92: {  	v28 =	vld [tilespmem:s25+$0xFFFFFF30];
	_ =	sdelay $0x2  }
0x93: {  	v31 =	vld [tilespmem:s14+$0xFFFFFE30]  }
0x94: {  	v32 =	vld [tilespmem:s25+$0xFFFFFEB0]  }
0x95: {  	v27 =	vld [tilespmem:s14+$0xFFFFFEB0];
	[tilespmem:$0x1FF60] =	vst v28  }
0x96: {  	v28 =	vld [tilespmem:s14+$0xFFFFFF30];
	_ =	sdelay $0x4  }
0x97: {  	[tilespmem:$0x1FF70] =	vst v28  }
0x98: {  	v28 =	vld [tilespmem:s25+$0xFFFFFFB0];
	_ =	sdelay $0x4  }
0x99: {  	[tilespmem:$0x1FF80] =	vst v28  }
0x9a: {  	v2 =	vmul.f32 v2, v1;
	v1 =	vld [tilespmem:s14+$0xFFFFFFB0];
	_ =	sdelay $0x4  }
0x9b: {  	[tilespmem:$0x1FF90] =	vst v1  }
0x9c: {  	v1 =	vld [tilespmem:s25+$0x30];
	_ =	sdelay $0x4  }
0x9d: {  	[tilespmem:$0x1FFA0] =	vst v1  }
0x9e: {  	v1 =	vld [tilespmem:s25+$0xB0];
	_ =	sdelay $0x3  }
0x9f: {  	v3 =	vmul.f32 v5, v3  }
0xa0: {  	v7 =	vmul.f32 v8, v7;
	(xrf2) =	vadd.scan.msk.f32 $0xffff, v2;
	v5 =	vld [tilespmem:s14+$0x30];
	[tilespmem:$0x1FFB0] =	vst v1  }
0xa1: {  	v8 =	vmul.f32 v10, v9;
	(xrf2) =	vadd.scan.msk.f32 $0xffff, v3;
	v10 =	vld [tilespmem:s14+$0xB0]  }
0xa2: {  	v9 =	vmul.f32 v18, v17;
	(xrf2) =	vadd.scan.msk.f32 $0xffff, v7;
	v17 =	vld [tilespmem:s25+$0x130]  }
0xa3: {  	(xrf2) =	vadd.scan.msk.f32 $0xffff, v8;
	v8 =	vld [tilespmem:s14+$0x130]  }
0xa4: {  	v7 =	vmul.f32 v13, v11;
	v13 =	vld [tilespmem:s25+$0xFFFFFE40]  }
0xa5: {  	v1 =	vld [tilespmem:s25+$0xFFFFFFC0]  }
0xa6: {  	(xrf2) =	vadd.scan.msk.f32 $0xffff, v7;
	v18 =	vld [tilespmem:s14+$0xFFFFFE40]  }
0xa7: {  	v7 =	vmul.f32 v33, v29;
	(xrf2) =	vadd.scan.msk.f32 $0xffff, v9;
	v9 =	vld [tilespmem:s25+$0xFFFFFEC0]  }
0xa8: {  	v11 =	vld [tilespmem:s14+$0xFFFFFEC0]  }
0xa9: {  	(xrf2) =	vadd.scan.msk.f32 $0xffff, v7;
	v7 =	vmul.f32 v36, v35;
	v36 =	vld [tilespmem:s25+$0xFFFFFF40]  }
0xaa: {  	v35 =	vld [tilespmem:s14+$0xFFFFFF40];
	[tilespmem:$0x1FFC0] =	vst v1  }
0xab: {  	v1 =	vld [tilespmem:s25+$0x40];
	_ =	sdelay $0x1  }
0xac: {  	v29, _, _ =	vpop (xrf2)  }
0xad: {  	(xrf2) =	vadd.scan.msk.f32 $0xffff, v7;
	v33, _, _ =	vpop (xrf2)  }
0xae: {  	v3, _, _ =	vpop (xrf2)  }
0xaf: {  	v2, _, _ =	vpop (xrf2);
	v7 =	vld [tilespmem:s14+$0xFFFFFFC0];
	[tilespmem:$0x1FFD0] =	vst v1  }
0xb0: {  	v12 =	vmul.f32 v12, v6;
	v1, _, _ =	vpop (xrf2);
	v6 =	vld [tilespmem:s14+$0x40]  }
0xb1: {  	v28, _, _ =	vpop (xrf2)  }
0xb2: {  	v4 =	vmul.f32 v4, v43;
	(xrf2) =	vadd.scan.msk.f32 $0xffff, v12;
	v12 =	vperm.xlane v28, v0  }
0xb3: {  	v14 =	vmul.f32 v21, v14;
	v1 =	vperm.xlane v1, v0  }
0xb4: {  	v21 =	vmul.f32 v34, v22;
	v2 =	vperm.xlane v2, v0;
	v28, _, _ =	vpop (xrf2);
	v12 =	vnsel vm0, $0xF149F2CA, v12  }
0xb5: {  	v22 =	vmul.f32 v38, v37;
	v34 =	vperm.xlane v28, v0;
	v1 =	vsel vm1, v12, v1;
	[tilespmem:$0x1FFE0] =	vst v6  }
0xb6: {  	v41 =	vmul.f32 v42, v41;
	v1 =	vsel vm2, v1, v2;
	v2 =	vperm.xlane v3, v0;
	v6 =	vld [tilespmem:s25+$0xC0]  }
0xb7: {  	v42 =	vperm.xlane v33, v0;
	v3 =	vmul.f32 v45, v44;
	v44, _, _ =	vpop (xrf2);
	v1 =	vsel vm3, v1, v34  }
0xb8: {  	v45 =	vmul.f32 v47, v46;
	v1 =	vsel vm4, v1, v2;
	v2 =	vperm.xlane v44, v0  }
0xb9: {  	(xrf2) =	vadd.scan.msk.f32 $0xffff, v4;
	v46 =	vmul.f32 v49, v48;
	v47 =	vperm.xlane v29, v0;
	v1 =	vsel vm5, v1, v42  }
0xba: {  	(xrf2) =	vadd.scan.msk.f32 $0xffff, v14;
	v49 =	vmul.f32 v56, v55;
	v55 =	vmul.f32 v62, v61;
	v62 =	vld [tilespmem:$0x1FF90];
	v1 =	vsel vm6, v1, v2  }
0xbb: {  	v40 =	vmul.f32 v40, v39;
	(xrf2) =	vadd.scan.msk.f32 $0xffff, v21;
	v1 =	vsel vm7, v1, v47;
	[tilespmem:$0x1FFF0] =	vst v6;
	v6 =	vld [tilespmem:$0x1FF50]  }
0xbc: {  	(xrf2) =	vadd.scan.msk.f32 $0xffff, v22;
	v1 =	vadd.f32 v53, v1;
	v53 =	vmul.f32 v60, v59;
	v60 =	vld [tilespmem:$0x1FF70]  }
0xbd: {  	(xrf2) =	vadd.scan.msk.f32 $0xffff, v40;
	v43 =	vld [tilespmem:s14+$0xC0]  }
0xbe: {  	(xrf2) =	vadd.scan.msk.f32 $0xffff, v41;
	v4 =	vld [tilespmem:s25+$0x140]  }
0xbf: {  	(xrf2) =	vadd.scan.msk.f32 $0xffff, v3;
	v3 =	vmul.f32 v51, v50;
	v14 =	vld [tilespmem:s14+$0x140]  }
0xc0: {  	v51 =	vmul.f32 v58, v57;
	v57 =	vmul.f32 v31, v6;
	v6 =	vld [tilespmem:$0x1FF60]  }
0xc1: {  	v12 =	vld [tilespmem:s25+$0xFFFFFE50]  }
0xc2: {  	v21 =	vld [tilespmem:s14+$0xFFFFFE50]  }
0xc3: {  	v22 =	vld [tilespmem:s25+$0xFFFFFED0]  }
0xc4: {  	v33 =	vld [tilespmem:s14+$0xFFFFFED0]  }
0xc5: {  	v27 =	vmul.f32 v27, v32;
	v32 =	vmul.f32 v60, v6;
	v6 =	vld [tilespmem:$0x1FF80]  }
0xc6: {  	v29 =	vld [tilespmem:s25+$0xFFFFFF50]  }
0xc7: {  	(xrf2) =	vadd.scan.msk.f32 $0xffff, v45;
	v2 =	vld [tilespmem:s14+$0xFFFFFF50]  }
0xc8: {  	(xrf2) =	vadd.scan.msk.f32 $0xffff, v46;
	v37 =	vld [tilespmem:s25+$0xFFFFFFD0]  }
0xc9: {  	v48 =	vmul.f32 v54, v52;
	(xrf2) =	vadd.scan.msk.f32 $0xffff, v3;
	v3 =	vld [tilespmem:s14+$0xFFFFFFD0]  }
0xca: {  	v50, _, _ =	vpop (xrf2);
	v45 =	vmul.f32 v62, v6;
	v6 =	vld [tilespmem:$0x1FFA0]  }
0xcb: {  	v52, _, _ =	vpop (xrf2);
	(xrf2) =	vadd.scan.msk.f32 $0xffff, v48;
	v34 =	vld [tilespmem:s25+$0x50]  }
0xcc: {  	v54, _, _ =	vpop (xrf2);
	(xrf2) =	vadd.scan.msk.f32 $0xffff, v49;
	v38 =	vld [tilespmem:s14+$0x50];
	v1 =	vmul.f32 $1.442695020e+00, v1  }
0xcd: {  	v20 =	vmul.f32 v20, v26;
	v56, _, _ =	vpop (xrf2);
	v40 =	vld [tilespmem:s25+$0xD0];
	(xrf2) =	vadd.scan.msk.f32 $0xffff, v51  }
0xce: {  	v42 =	vld [tilespmem:s14+$0xD0];
	(xrf2) =	vadd.scan.msk.f32 $0xffff, v53;
	(erf) = vpow2.f32 v1;
	v1 =	vmul.f32 v15, v63;
	v15, _, _ =	vpop (xrf2)  }
0xcf: {  	v16 =	vmul.f32 v16, v19;
	(xrf2) =	vadd.scan.msk.f32 $0xffff, v55;
	v19, _, _ =	vpop (xrf2);
	v5 =	vmul.f32 v5, v6;
	v6 =	vld [tilespmem:$0x1FFB0]  }
0xd0: {  	v23 =	vmul.f32 v23, v25;
	v26 =	vld [tilespmem:s25+$0x150];
	v25, _, _ =	vpop (xrf2);
	(xrf2) =	vadd.scan.msk.f32 $0xffff, v1  }
0xd1: {  	v24 =	vmul.f32 v24, v30;
	v59 =	vperm.xlane v50, v0;
	v28 =	vld [tilespmem:s25+$0xFFFFFF60];
	v58, _, _ =	vpop (xrf2);
	(xrf2) =	vadd.scan.msk.f32 $0xffff, v20  }
0xd2: {  	v50 =	vld [tilespmem:s14+$0x160];
	v61, _, _ =	vpop (xrf2);
	(xrf2) =	vadd.scan.msk.f32 $0xffff, v16  }
0xd3: {  	v8 =	vmul.f32 v8, v17;
	v13 =	vmul.f32 v18, v13;
	v31 =	vnsel vm0, $0xF149F2CA, v59;
	v59 =	vld [tilespmem:$0x1FFD0];
	v63, _, _ =	vpop (xrf2);
	(xrf2) =	vadd.scan.msk.f32 $0xffff, v24  }
0xd4: {  	v41 =	vperm.xlane v52, v0;
	v52, _, _ =	vpop (xrf2);
	(xrf2) =	vadd.scan.msk.f32 $0xffff, v23;
	v10 =	vmul.f32 v10, v6;
	v6 =	vld [tilespmem:$0x1FFC0]  }
0xd5: {  	v9 =	vmul.f32 v11, v9;
	v35 =	vmul.f32 v35, v36;
	v1 =	vld [tilespmem:s14+$0x150];
	v53, _, _ =	vpop (xrf2);
	(xrf2) =	vadd.scan.msk.f32 $0xffff, v57  }
0xd6: {  	v44 =	vperm.xlane v54, v0;
	v54 =	vperm.xlane v56, v0;
	v20 =	vld [tilespmem:s25+$0xFFFFFE60];
	v17, _, _ =	vpop (xrf2);
	(xrf2) =	vadd.scan.msk.f32 $0xffff, v27  }
0xd7: {  	v15 =	vperm.xlane v15, v0;
	v19 =	vperm.xlane v19, v0;
	v16 =	vld [tilespmem:s14+$0xFFFFFE60];
	v18, _, _ =	vpop (xrf2);
	(xrf2) =	vadd.scan.msk.f32 $0xffff, v32  }
0xd8: {  	v4 =	vmul.f32 v14, v4;
	v12 =	vmul.f32 v21, v12;
	v24 =	vld [tilespmem:s25+$0xFFFFFEE0];
	v11, _, _ =	vpop (xrf2);
	(xrf2) =	vadd.scan.msk.f32 $0xffff, v45  }
0xd9: {  	v22 =	vmul.f32 v33, v22;
	v56, _, _ =	vpop (xrf2);
	(xrf2) =	vadd.scan.msk.f32 $0xffff, v5;
	v7 =	vmul.f32 v7, v6;
	v6 =	vld [tilespmem:$0x1FFE0]  }
0xda: {  	v2 =	vmul.f32 v2, v29;
	v30 =	vperm.xlane v58, v0;
	v62 =	vld [tilespmem:$0x1FFF0];
	v58, _, _ =	vpop (xrf2);
	(xrf2) =	vadd.scan.msk.f32 $0xffff, v10  }
0xdb: {  	v41 =	vnsel vm0, $0xF149F2CA, v41;
	v3 =	vmul.f32 v3, v37;
	v34 =	vmul.f32 v38, v34;
	v23 =	vld [tilespmem:s14+$0xFFFFFEE0];
	v60, _, _ =	vpop (xrf2);
	(xrf2) =	vadd.scan.msk.f32 $0xffff, v8  }
0xdc: {  	v30 =	vsel vm1, v41, v30;
	v55 =	vperm.xlane v63, v0;
	v41 =	vnsel vm0, $0xF149F2CA, v54;
	v54 =	vld [tilespmem:s25+$0xFFFFFEF0];
	v63, _, _ =	vpop (xrf2);
	(xrf2) =	vadd.scan.msk.f32 $0xffff, v13  }
0xdd: {  	v40 =	vmul.f32 v42, v40;
	v25 =	vperm.xlane v25, v0;
	v19 =	vnsel vm0, $0xF149F2CA, v19;
	v27 =	vld [tilespmem:s14+$0xFFFFFF60];
	v14, _, _ =	vpop (xrf2);
	(xrf2) =	vadd.scan.msk.f32 $0xffff, v9  }
0xde: {  	v44 =	vnsel vm0, $0xF149F2CA, v44;
	v32 =	vld [tilespmem:s25+$0xFFFFFFE0];
	v17 =	vperm.xlane v17, v0;
	v49, _, _ =	vpop (xrf2);
	(xrf2) =	vadd.scan.msk.f32 $0xffff, v35;
	v6 =	vmul.f32 v6, v59  }
0xdf: {  	v15 =	vnsel vm0, $0xF149F2CA, v15;
	v39 =	vperm.xlane v61, v0;
	v45 =	vld [tilespmem:s14+$0xFFFFFFE0];
	v43 =	vmul.f32 v43, v62;
	v51, _, _ =	vpop (xrf2);
	(xrf2) =	vadd.scan.msk.f32 $0xffff, v7  }
0xe0: {  	v25 =	vnsel vm0, $0xF149F2CA, v25;
	v57 =	vperm.xlane v52, v0;
	v17 =	vsel vm1, v19, v17;
	v5 =	vld [tilespmem:s25+$0x60];
	v19, _, _ =	vpop (xrf2);
	(xrf2) =	vadd.scan.msk.f32 $0xffff, v6  }
0xe1: {  	v31 =	vsel vm1, v31, v39;
	v1 =	vmul.f32 v1, v26;
	v61 =	vperm.xlane v53, v0;
	v53, _, _ =	vpop (xrf2);
	v10 =	vld [tilespmem:s14+$0x60];
	(xrf2) =	vadd.scan.msk.f32 $0xffff, v43  }
0xe2: {  	v39 =	vsel vm1, v44, v55;
	v16 =	vmul.f32 v16, v20;
	v52 =	vperm.xlane v56, v0;
	v56, _, _ =	vpop (xrf2);
	v8 =	vld [tilespmem:s25+$0xE0];
	(xrf2) =	vadd.scan.msk.f32 $0xffff, v4  }
0xe3: {  	v41 =	vsel vm1, v41, v57;
	v18 =	vperm.xlane v18, v0;
	v55 =	vperm.xlane v58, v0;
	v13 =	vld [tilespmem:s14+$0xE0];
	v58, _, _ =	vpop (xrf2);
	(xrf2) =	vadd.scan.msk.f32 $0xffff, v12  }
0xe4: {  	v15 =	vsel vm1, v15, v61;
	v11 =	vperm.xlane v11, v0;
	v57 =	vperm.xlane v60, v0;
	v9 =	vld [tilespmem:s25+$0x160];
	v60, _, _ =	vpop (xrf2);
	(xrf2) =	vadd.scan.msk.f32 $0xffff, v22  }
0xe5: {  	v23 =	vmul.f32 v23, v24;
	v18 =	vsel vm1, v25, v18;
	v27 =	vmul.f32 v27, v28;
	v7 =	vld [tilespmem:s25+$0xFFFFFE70];
	v62, _, _ =	vpop (xrf2);
	(xrf2) =	vadd.scan.msk.f32 $0xffff, v2  }
0xe6: {  	v11 =	vsel vm2, v30, v11;
	v14 =	vperm.xlane v14, v0;
	v59 =	vperm.xlane v63, v0;
	v6 =	vld [tilespmem:s14+$0xFFFFFE70];
	v63, _, _ =	vpop (xrf2);
	(xrf2) =	vadd.scan.msk.f32 $0xffff, v3  }
0xe7: {  	v25 =	vsel vm2, v39, v55;
	v30 =	vsel vm2, v41, v57;
	v21 =	vperm.xlane v49, v0;
	v4 =	vld [tilespmem:s14+$0xFFFFFEF0];
	v41, _, _ =	vpop (xrf2);
	(xrf2) =	vadd.scan.msk.f32 $0xffff, v34  }
0xe8: {  	v39 =	vperm.xlane v51, v0;
	v14 =	vsel vm2, v17, v14;
	v17 =	vperm.xlane v19, v0;
	v44, _, _ =	vpop (xrf2);
	v2 =	vld [tilespmem:s25+$0xFFFFFFF0];
	(xrf2) =	vadd.scan.msk.f32 $0xffff, v40  }
0xe9: {  	v29 =	vsel vm2, v31, v52;
	v19 =	vmul.f32 v45, v32;
	v5 =	vmul.f32 v10, v5;
	v10, _, _ =	vpop (xrf2);
	v3 =	vld [tilespmem:s14+$0xFFFFFFF0];
	(xrf2) =	vadd.scan.msk.f32 $0xffff, v1  }
0xea: {  	v18 =	vsel vm2, v18, v21;
	v46 =	vperm.xlane v53, v0;
	v8 =	vmul.f32 v13, v8;
	v1 =	vld [tilespmem:s25+$0xF0];
	v13, _, _ =	vpop (xrf2);
	(xrf2) =	vadd.scan.msk.f32 $0xffff, v16  }
0xeb: {  	v11 =	vsel vm3, v11, v39;
	v47 =	vperm.xlane v56, v0;
	v9 =	vmul.f32 v50, v9;
	v16 =	vld [tilespmem:s14+$0xF0];
	v50, _, _ =	vpop (xrf2);
	(xrf2) =	vadd.scan.msk.f32 $0xffff, v23  }
0xec: {  	v17 =	vsel vm3, v29, v17;
	v21 =	vsel vm3, v25, v46;
	v48 =	vperm.xlane v58, v0;
	v52, _, _ =	vpop (xrf2);
	(xrf2) =	vadd.scan.msk.f32 $0xffff, v27  }
0xed: {  	v53 =	vsel vm3, v30, v47;
	v7 =	vmul.f32 v6, v7;
	v6 =	vperm.xlane v60, v0;
	v55, _, _ =	vpop (xrf2);
	(xrf2) =	vadd.scan.msk.f32 $0xffff, v19  }
0xee: {  	v61 =	vld [tilespmem:s14+$0xFFFFFF70];
	v15 =	vsel vm2, v15, v59;
	v54 =	vmul.f32 v4, v54;
	v4 =	vperm.xlane v62, v0;
	v19, _, _ =	vpop (xrf2)  }
0xef: {  	v12 =	vld [tilespmem:s25+$0xFFFFFF70];
	v56 =	vmul.f32 v3, v2;
	v2 =	vsel vm3, v14, v6;
	v3 =	vperm.xlane v63, v0;
	v14, _, _ =	vpop (xrf2)  }
0xf0: {  	(xrf2) =	vadd.scan.msk.f32 $0xffff, v5;
	v5 =	vsel vm3, v18, v4;
	v18 =	vperm.xlane v41, v0;
	v6 =	vmul.f32 v16, v1;
	v1, _, _ =	vpop (xrf2)  }
0xf1: {  	v15 =	vsel vm3, v15, v48;
	v13 =	vperm.xlane v13, v0;
	v3 =	vsel vm4, v11, v3;
	(xrf2) =	vadd.scan.msk.f32 $0xffff, v8;
	v11, _, _ =	vpop (xrf2)  }
0xf2: {  	v10 =	vperm.xlane v10, v0;
	(xrf2) =	vadd.scan.msk.f32 $0xffff, v9;
	v16 =	vsel vm4, v17, v18;
	v18 =	vperm.xlane v52, v0;
	v9, _, _ =	vpop (xrf2)  }
0xf3: {  	v13 =	vsel vm4, v15, v13;
	v15 =	vperm.xlane v55, v0;
	v17 =	vperm.xlane v50, v0;
	v58, _, _ =	vpop (xrf2)  }
0xf4: {  	v12 =	vmul.f32 v61, v12;
	v10 =	vsel vm4, v53, v10;
	v8 =	vperm.xlane v44, v0;
	(xrf2) =	vadd.scan.msk.f32 $0xffff, v7;
	v7, _, _ =	vpop (xrf2)  }
0xf5: {  	v45 =	vld [tilespmem:s14+$0x70];
	v3 =	vsel vm5, v3, v15;
	v2 =	vsel vm4, v2, v17;
	v17 =	vperm.xlane v19, v0;
	v59, _, _ =	vpop (xrf2)  }
0xf6: {  	v43 =	vld [tilespmem:s25+$0x70];
	v14 =	vperm.xlane v14, v0;
	v1 =	vperm.xlane v1, v0;
	v5 =	vsel vm4, v5, v18;
	v18, _, _ =	vpop (xrf2)  }
0xf7: {  	v8 =	vsel vm4, v21, v8;
	v17 =	vsel vm5, v16, v17;
	v16 =	vperm.xlane v9, v0;
	v15, _, _ =	vpop (xrf2);
	(xrf2) =	vadd.scan.msk.f32 $0xffff, v54  }
0xf8: {  	s19 =	simm.s32 $0x5400;
	v49 =	vld [tilespmem:s25+$0x170];
	v11 =	vperm.xlane v11, v0;
	v19 =	vpop (erf);
	v14 =	vsel vm5, v8, v14;
	v1 =	vsel vm5, v10, v1  }
0xf9: {  	s29 =	simm.s32 $0x6800;
	v51 =	vld [tilespmem:s14+$0x170];
	v10 =	vperm.xlane v58, v0;
	[tilespmem:s19+$0x180] =	vst v19;
	v60 =	vsel vm5, v2, v16;
	v2 =	vperm.xlane v7, v0  }
0xfa: {  	v8 =	vld [tilespmem:s24+$0xFFFFFE80];
	[tilespmem:s29+$0x180] =	vst v19;
	v19 =	vperm.xlane v59, v0;
	v18 =	vperm.xlane v18, v0;
	(xrf2) =	vadd.scan.msk.f32 $0xffff, v12  }
0xfb: {  	v57 =	vmul.f32 v45, v43;
	v11 =	vsel vm5, v13, v11;
	v9 =	vld [tilespmem:s24+$0xFFFFFE00];
	v13, _, _ =	vpop (xrf2)  }
0xfc: {  	v10 =	vsel vm5, v5, v10;
	v5 =	vld [tilespmem:s24+$0xFFFFFF80];
	v62 =	vperm.xlane v15, v0;
	v15 =	vsel vm6, v17, v19;
	v61, _, _ =	vpop (xrf2)  }
0xfd: {  	v7 =	vld [tilespmem:s24+$0xFFFFFF00];
	v16 =	vsel vm6, v3, v2;
	(xrf2) =	vadd.scan.msk.f32 $0xffff, v56;
	v63 =	vperm.xlane v13, v0;
	v2, _, _ =	vpop (xrf2);
	v17 =	vperm.xlane v61, v0  }
0xfe: {  	v3 =	vld [tilespmem:s24+$0x0];
	v14 =	vsel vm6, v14, v18;
	v13 =	vsel vm6, v1, v62;
	v19 =	vperm.xlane v2, v0;
	v18, _, _ =	vpop (xrf2)  }
0xff: {  	s11 =	sadd.s32 s13, s11;
	v1 =	vld [tilespmem:s24+$0x100];
	v12 =	vsel vm6, v11, v63;
	v11 =	vsel vm6, v60, v17;
	v17 =	vperm.xlane v18, v0  }
0x100: {  	s21 =	simm.s32 $0x0;
	s1 =	sshll.u32 s9, $0x1;
	s25 =	simm.s32 $0x800;
	v4 =	vmul.f32 v51, v49;
	v2 =	vld [tilespmem:s24+$0x80];
	(xrf2) =	vadd.scan.msk.f32 $0xffff, v57;
	v10 =	vsel vm6, v10, v19  }
.LBB2_3:
0x101: {  	v18 =	vld [tilespmem:s25+$0x1F0];
	v16 =	vsel vm7, v16, v17;
	s14 =	sadd.s32 $0x400, s14;
	v17, _, _ =	vpop (xrf2)  }
0x102: {  	v19 =	vld [tilespmem:s14+$0x1F0];
	v16 =	vadd.f32 v9, v16;
	v20 =	vperm.xlane v17, v0  }
0x103: {  	v9 =	vld [tilespmem:s14+$0xFFFFFE00];
	(xrf2) =	vadd.scan.msk.f32 $0xffff, v6  }
0x104: {  	v6 =	vld [tilespmem:s25+$0x1D0];
	v16 =	vmul.f32 $1.442695020e+00, v16;
	v15 =	vsel vm7, v15, v20;
	v17, _, _ =	vpop (xrf2)  }
0x105: {  	v20 =	vld [tilespmem:s14+$0x1D0];
	v8 =	vadd.f32 v8, v15;
	v21 =	vperm.xlane v17, v0  }
0x106: {  	v17 =	vld [tilespmem:s25+$0xFFFFFE80];
	(erf) = vpow2.f32 v16;
	(xrf2) =	vadd.scan.msk.f32 $0xffff, v4  }
0x107: {  	v4 =	vld [tilespmem:s25+$0x1C0];
	v16 =	vmul.f32 v19, v18;
	v8 =	vmul.f32 $1.442695020e+00, v8;
	v14 =	vsel vm7, v14, v21;
	v15, _, _ =	vpop (xrf2)  }
0x108: {  	v18 =	vld [tilespmem:s14+$0x1C0];
	v7 =	vadd.f32 v7, v14;
	v19 =	vperm.xlane v15, v0  }
0x109: {  	v15 =	vld [tilespmem:s14+$0xFFFFFE80];
	(xrf2) =	vadd.scan.msk.f32 $0xffff, v16;
	(erf) = vpow2.f32 v8  }
0x10a: {  	v8 =	vld [tilespmem:s25+$0x1A0];
	v6 =	vmul.f32 v20, v6;
	v7 =	vmul.f32 $1.442695020e+00, v7;
	v13 =	vsel vm7, v13, v19;
	v14, _, _ =	vpop (xrf2)  }
0x10b: {  	v16 =	vld [tilespmem:s14+$0x1A0];
	v5 =	vadd.f32 v5, v13;
	v13 =	vperm.xlane v14, v0  }
0x10c: {  	v14 =	vld [tilespmem:s25+$0xFFFFFF00];
	(xrf2) =	vadd.scan.msk.f32 $0xffff, v6;
	(erf) = vpow2.f32 v7  }
0x10d: {  	v6 =	vld [tilespmem:s25+$0x190];
	v18 =	vmul.f32 v18, v4;
	v5 =	vmul.f32 $1.442695020e+00, v5;
	v7 =	vsel vm7, v12, v13;
	v12, _, _ =	vpop (xrf2)  }
0x10e: {  	v13 =	vmul.f32 v15, v17;
	v15 =	vld [tilespmem:s14+$0x190];
	v3 =	vadd.f32 v3, v7;
	v7 =	vperm.xlane v12, v0  }
0x10f: {  	v12 =	vld [tilespmem:s14+$0xFFFFFF00];
	(xrf2) =	vadd.scan.msk.f32 $0xffff, v18;
	v4 =	vpop (erf);
	(erf) = vpow2.f32 v5  }
0x110: {  	v5 =	vld [tilespmem:s25+$0x180];
	v17 =	vmul.f32 v16, v8;
	[tilespmem:s19+$0xFFFFFE00] =	vst v4;
	v3 =	vmul.f32 $1.442695020e+00, v3;
	v7 =	vsel vm7, v11, v7;
	v11, _, _ =	vpop (xrf2)  }
0x111: {  	v16 =	vld [tilespmem:s14+$0x180];
	[tilespmem:s29+$0xFFFFFE00] =	vst v4;
	v2 =	vadd.f32 v2, v7;
	v4 =	vperm.xlane v11, v0  }
0x112: {  	s21 =	sadd.s32 $0x8, s21;
	v7 =	vld [tilespmem:s25+$0xFFFFFF80];
	(xrf2) =	vadd.scan.msk.f32 $0xffff, v17;
	v8 =	vpop (erf);
	(erf) = vpow2.f32 v3  }
0x113: {  	p1 =	slt.u32 s21, $0x20;
	v15 =	vmul.f32 v15, v6;
	v6 =	vld [tilespmem:s25+$0x1B0];
	v11, _, _ =	vpop (xrf2);
	[tilespmem:s19+$0xFFFFFE80] =	vst v8;
	v2 =	vmul.f32 $1.442695020e+00, v2;
	v4 =	vsel vm7, v10, v4  }
0x114: {  	v10 =	vmul.f32 v12, v14;
	v12 =	vld [tilespmem:s14+$0x1B0];
	[tilespmem:s29+$0xFFFFFE80] =	vst v8;
	v1 =	vadd.f32 v1, v4  }
0x115: {  	v4 =	vld [tilespmem:s14+$0xFFFFFF80];
	(xrf2) =	vadd.scan.msk.f32 $0xffff, v15;
	v3 =	vpop (erf);
	(erf) = vpow2.f32 v2  }
0x116: {  	v15 =	vmul.f32 v16, v5;
	v5 =	vld [tilespmem:s25+$0x1E0];
	v8, _, _ =	vpop (xrf2);
	[tilespmem:s19+$0xFFFFFF00] =	vst v3;
	v1 =	vmul.f32 $1.442695020e+00, v1  }
0x117: {  	v14 =	vld [tilespmem:s14+$0x1E0];
	[tilespmem:s29+$0xFFFFFF00] =	vst v3  }
0x118: {  	v3 =	vld [tilespmem:s25+$0x0];
	(xrf2) =	vadd.scan.msk.f32 $0xffff, v15;
	v2 =	vpop (erf);
	(erf) = vpow2.f32 v1  }
0x119: {  	v1 =	vld [tilespmem:s14+$0x0];
	v15 =	vmul.f32 v12, v6;
	v12, _, _ =	vpop (xrf2);
	[tilespmem:s19+$0xFFFFFF80] =	vst v2  }
0x11a: {  	v4 =	vmul.f32 v4, v7;
	v7 =	vld [tilespmem:s25+$0x80];
	[tilespmem:s29+$0xFFFFFF80] =	vst v2  }
0x11b: {  	v2 =	vld [tilespmem:s14+$0x80];
	(xrf2) =	vadd.scan.msk.f32 $0xffff, v15;
	v6 =	vpop (erf)  }
0x11c: {  	v15 =	vld [tilespmem:s25+$0x100];
	v5 =	vmul.f32 v14, v5;
	v14, _, _ =	vpop (xrf2);
	[tilespmem:s19+$0x0] =	vst v6  }
0x11d: {  	v16 =	vld [tilespmem:s14+$0x100];
	[tilespmem:s29+$0x0] =	vst v6  }
0x11e: {  	v6 =	vld [tilespmem:s25+$0xFFFFFE00];
	v1 =	vmul.f32 v1, v3;
	(xrf2) =	vadd.scan.msk.f32 $0xffff, v5;
	v3 =	vpop (erf)  }
0x11f: {  	v5 =	vld [tilespmem:s25+$0xFFFFFE10];
	v17, _, _ =	vpop (xrf2);
	[tilespmem:s19+$0x80] =	vst v3  }
0x120: {  	v18 =	vld [tilespmem:s14+$0xFFFFFE10];
	v2 =	vmul.f32 v2, v7;
	[tilespmem:s29+$0x80] =	vst v3  }
0x121: {  	v3 =	vld [tilespmem:s25+$0xFFFFFE90];
	(xrf2) =	vadd.scan.msk.f32 $0xffff, v13;
	v7 =	vpop (erf)  }
0x122: {  	v13 =	vld [tilespmem:s14+$0xFFFFFE90];
	v15 =	vmul.f32 v16, v15;
	v16, _, _ =	vpop (xrf2);
	[tilespmem:s19+$0x100] =	vst v7  }
0x123: {  	v19 =	vmul.f32 v9, v6;
	v9 =	vld [tilespmem:s25+$0xFFFFFF10];
	v16 =	vperm.xlane v16, v0;
	[tilespmem:s29+$0x100] =	vst v7  }
0x124: {  	v17 =	vperm.xlane v17, v0;
	v7 =	vld [tilespmem:s14+$0xFFFFFF10]  }
0x125: {  	v14 =	vperm.xlane v14, v0;
	v5 =	vmul.f32 v18, v5;
	v18 =	vld [tilespmem:s25+$0xFFFFFF90];
	v16 =	vnsel vm0, $0xF149F2CA, v16;
	(xrf2) =	vadd.scan.msk.f32 $0xffff, v19;
	v6, _, _ =	vpop (xrf2)  }
0x126: {  	v19 =	vld [tilespmem:s14+$0xFFFFFF90];
	v16 =	vsel vm1, v16, v17;
	v6 =	vperm.xlane v6, v0  }
0x127: {  	s24 =	sadd.s32 $0x400, s24;
	v12 =	vperm.xlane v12, v0;
	v3 =	vmul.f32 v13, v3;
	v13 =	vld [tilespmem:s25+$0x10];
	v14 =	vsel vm2, v16, v14  }
0x128: {  	v8 =	vperm.xlane v8, v0;
	v6 =	vsel vm3, v14, v6;
	v14 =	vld [tilespmem:s24+$0x180];
	(xrf2) =	vadd.scan.msk.f32 $0xffff, v10;
	v10, _, _ =	vpop (xrf2)  }
0x129: {  	v7 =	vmul.f32 v7, v9;
	v9 =	vld [tilespmem:s14+$0x10];
	v6 =	vsel vm4, v6, v12;
	v17 =	vperm.xlane v10, v0  }
0x12a: {  	v12 =	vld [tilespmem:s25+$0x90];
	v6 =	vsel vm5, v6, v8;
	v8 =	vperm.xlane v11, v0  }
0x12b: {  	v11 =	vmul.f32 v19, v18;
	v16 =	vld [tilespmem:s14+$0x90];
	v6 =	vsel vm6, v6, v17;
	v10, _, _ =	vpop (xrf2);
	(xrf2) =	vadd.scan.msk.f32 $0xffff, v4  }
0x12c: {  	v4 =	vperm.xlane v10, v0;
	v10 =	vld [tilespmem:s25+$0x110];
	v6 =	vsel vm7, v6, v8  }
0x12d: {  	v8 =	vld [tilespmem:s14+$0x110];
	v6 =	vadd.f32 v14, v6  }
0x12e: {  	v14 =	vld [tilespmem:s25+$0xFFFFFE20];
	v4 =	vnsel vm0, $0xF149F2CA, v4;
	v9 =	vmul.f32 v9, v13;
	(xrf2) =	vadd.scan.msk.f32 $0xffff, v1  }
0x12f: {  	v1 =	vld [tilespmem:s14+$0xFFFFFE20];
	v6 =	vmul.f32 $1.442695020e+00, v6;
	v13, _, _ =	vpop (xrf2)  }
0x130: {  	v13 =	vperm.xlane v13, v0;
	v17 =	vld [tilespmem:s25+$0xFFFFFEA0];
	v12 =	vmul.f32 v16, v12  }
0x131: {  	v16 =	vld [tilespmem:s14+$0xFFFFFEA0];
	(xrf2) =	vadd.scan.msk.f32 $0xffff, v2;
	(erf) = vpow2.f32 v6  }
0x132: {  	v2 =	vnsel vm0, $0xF149F2CA, v13;
	v6 =	vld [tilespmem:s25+$0xFFFFFF20];
	v8 =	vmul.f32 v8, v10;
	v10, _, _ =	vpop (xrf2)  }
0x133: {  	v10 =	vperm.xlane v10, v0;
	v13 =	vld [tilespmem:s14+$0xFFFFFF20]  }
0x134: {  	v1 =	vmul.f32 v1, v14;
	v14 =	vld [tilespmem:s25+$0xFFFFFFA0];
	(xrf2) =	vadd.scan.msk.f32 $0xffff, v15  }
0x135: {  	v10 =	vnsel vm0, $0xF149F2CA, v10;
	v15 =	vld [tilespmem:s14+$0xFFFFFFA0];
	v18, _, _ =	vpop (xrf2)  }
0x136: {  	v16 =	vmul.f32 v16, v17;
	v20 =	vperm.xlane v18, v0;
	v18 =	vld [tilespmem:s25+$0x20]  }
0x137: {  	v19 =	vld [tilespmem:s14+$0x20];
	(xrf2) =	vadd.scan.msk.f32 $0xffff, v5  }
0x138: {  	v13 =	vmul.f32 v13, v6;
	v5 =	vnsel vm0, $0xF149F2CA, v20;
	v6 =	vld [tilespmem:s25+$0xA0];
	v17, _, _ =	vpop (xrf2)  }
0x139: {  	v17 =	vperm.xlane v17, v0;
	v20 =	vld [tilespmem:s14+$0xA0]  }
0x13a: {  	s19 =	sadd.s32 $0x400, s19;
	v14 =	vmul.f32 v15, v14;
	v15 =	vld [tilespmem:s25+$0x120];
	(xrf2) =	vadd.scan.msk.f32 $0xffff, v3;
	v3 =	vpop (erf)  }
0x13b: {  	s29 =	sadd.s32 $0x400, s29;
	v17 =	vnsel vm0, $0xF149F2CA, v17;
	v21 =	vld [tilespmem:s14+$0x120];
	[tilespmem:s19+$0x180] =	vst v3;
	v22, _, _ =	vpop (xrf2)  }
0x13c: {  	v23 =	vld [tilespmem:s25+$0xFFFFFE30];
	v19 =	vmul.f32 v19, v18;
	v18 =	vperm.xlane v22, v0;
	[tilespmem:s29+$0x180] =	vst v3  }
0x13d: {  	v3 =	vld [tilespmem:s14+$0xFFFFFE30];
	(xrf2) =	vadd.scan.msk.f32 $0xffff, v7  }
0x13e: {  	v7 =	vld [tilespmem:s25+$0xFFFFFEB0];
	v22 =	vnsel vm0, $0xF149F2CA, v18;
	v20 =	vmul.f32 v20, v6;
	v6, _, _ =	vpop (xrf2)  }
0x13f: {  	v18 =	vld [tilespmem:s14+$0xFFFFFEB0];
	v25 =	vperm.xlane v6, v0  }
0x140: {  	v24 =	vld [tilespmem:s25+$0xFFFFFF30];
	v15 =	vmul.f32 v21, v15;
	(xrf2) =	vadd.scan.msk.f32 $0xffff, v11  }
0x141: {  	v11 =	vld [tilespmem:s14+$0xFFFFFF30];
	v21 =	vnsel vm0, $0xF149F2CA, v25;
	v6, _, _ =	vpop (xrf2)  }
0x142: {  	v28 =	vperm.xlane v6, v0;
	v23 =	vmul.f32 v3, v23;
	v3 =	vld [tilespmem:s25+$0xFFFFFFB0]  }
0x143: {  	v25 =	vld [tilespmem:s14+$0xFFFFFFB0];
	(xrf2) =	vadd.scan.msk.f32 $0xffff, v9  }
0x144: {  	v26 =	vsel vm1, v2, v28;
	v27 =	vmul.f32 v18, v7;
	v2 =	vld [tilespmem:s25+$0x30];
	v6, _, _ =	vpop (xrf2)  }
0x145: {  	v9 =	vperm.xlane v6, v0;
	v7 =	vld [tilespmem:s14+$0x30]  }
0x146: {  	v24 =	vmul.f32 v11, v24;
	v11 =	vld [tilespmem:s25+$0xB0];
	(xrf2) =	vadd.scan.msk.f32 $0xffff, v12  }
0x147: {  	v12 =	vsel vm1, v4, v9;
	v4 =	vld [tilespmem:s14+$0xB0];
	v6, _, _ =	vpop (xrf2)  }
0x148: {  	v6 =	vperm.xlane v6, v0;
	v18 =	vmul.f32 v25, v3;
	v3 =	vld [tilespmem:s25+$0x130]  }
0x149: {  	v25 =	vld [tilespmem:s14+$0x130];
	(xrf2) =	vadd.scan.msk.f32 $0xffff, v8  }
0x14a: {  	v28 =	vld [tilespmem:s25+$0xFFFFFE40];
	v29 =	vsel vm1, v10, v6;
	v9 =	vmul.f32 v7, v2;
	v2, _, _ =	vpop (xrf2)  }
0x14b: {  	v6 =	vld [tilespmem:s14+$0xFFFFFE40];
	v7 =	vperm.xlane v2, v0  }
0x14c: {  	v10 =	vld [tilespmem:s25+$0xFFFFFEC0];
	v8 =	vmul.f32 v4, v11;
	(xrf2) =	vadd.scan.msk.f32 $0xffff, v1  }
0x14d: {  	v1 =	vld [tilespmem:s14+$0xFFFFFEC0];
	v30 =	vsel vm1, v5, v7;
	v2, _, _ =	vpop (xrf2)  }
0x14e: {  	v4 =	vld [tilespmem:s25+$0xFFFFFF40];
	v5 =	vperm.xlane v2, v0;
	v7 =	vmul.f32 v25, v3  }
0x14f: {  	v3 =	vld [tilespmem:s14+$0xFFFFFF40];
	(xrf2) =	vadd.scan.msk.f32 $0xffff, v16  }
0x150: {  	v6 =	vmul.f32 v6, v28;
	v11 =	vld [tilespmem:s25+$0xFFFFFFC0];
	v16 =	vsel vm1, v17, v5;
	v2, _, _ =	vpop (xrf2)  }
0x151: {  	v17 =	vld [tilespmem:s14+$0xFFFFFFC0];
	v25 =	vperm.xlane v2, v0  }
0x152: {  	v5 =	vmul.f32 v1, v10;
	v1 =	vld [tilespmem:s25+$0x40];
	(xrf2) =	vadd.scan.msk.f32 $0xffff, v13  }
0x153: {  	v10 =	vld [tilespmem:s14+$0x40];
	v22 =	vsel vm1, v22, v25;
	v2, _, _ =	vpop (xrf2)  }
0x154: {  	v4 =	vmul.f32 v3, v4;
	v13 =	vld [tilespmem:s25+$0xC0];
	v28 =	vperm.xlane v2, v0  }
0x155: {  	v25 =	vld [tilespmem:s14+$0xC0];
	(xrf2) =	vadd.scan.msk.f32 $0xffff, v14  }
0x156: {  	v3 =	vmul.f32 v17, v11;
	v21 =	vsel vm1, v21, v28;
	v11 =	vld [tilespmem:s25+$0x140];
	v2, _, _ =	vpop (xrf2)  }
0x157: {  	v14 =	vperm.xlane v2, v0;
	v17 =	vld [tilespmem:s14+$0x140]  }
0x158: {  	v28 =	vld [tilespmem:s25+$0xFFFFFE50];
	v2 =	vmul.f32 v10, v1;
	(xrf2) =	vadd.scan.msk.f32 $0xffff, v19  }
0x159: {  	v19 =	vsel vm2, v26, v14;
	v10 =	vld [tilespmem:s14+$0xFFFFFE50];
	v1, _, _ =	vpop (xrf2)  }
0x15a: {  	v14 =	vperm.xlane v1, v0;
	v26 =	vld [tilespmem:s25+$0xFFFFFED0];
	v1 =	vmul.f32 v25, v13  }
0x15b: {  	v25 =	vld [tilespmem:s14+$0xFFFFFED0];
	(xrf2) =	vadd.scan.msk.f32 $0xffff, v20  }
0x15c: {  	v31 =	vsel vm2, v12, v14;
	v12 =	vld [tilespmem:s25+$0xFFFFFF50];
	v13 =	vmul.f32 v17, v11;
	v11, _, _ =	vpop (xrf2)  }
0x15d: {  	v11 =	vperm.xlane v11, v0;
	v14 =	vld [tilespmem:s14+$0xFFFFFF50]  }
0x15e: {  	v10 =	vmul.f32 v10, v28;
	v17 =	vld [tilespmem:s25+$0xFFFFFFD0];
	(xrf2) =	vadd.scan.msk.f32 $0xffff, v15  }
0x15f: {  	v28 =	vsel vm2, v29, v11;
	v15 =	vld [tilespmem:s14+$0xFFFFFFD0];
	v20, _, _ =	vpop (xrf2)  }
0x160: {  	v11 =	vmul.f32 v25, v26;
	v20 =	vperm.xlane v20, v0;
	v25 =	vld [tilespmem:s25+$0x50]  }
0x161: {  	v26 =	vld [tilespmem:s14+$0x50];
	(xrf2) =	vadd.scan.msk.f32 $0xffff, v23  }
0x162: {  	v12 =	vmul.f32 v14, v12;
	v29 =	vsel vm2, v30, v20;
	v20 =	vld [tilespmem:s25+$0xD0];
	v14, _, _ =	vpop (xrf2)  }
0x163: {  	v23 =	vperm.xlane v14, v0;
	v30 =	vld [tilespmem:s14+$0xD0]  }
0x164: {  	v14 =	vmul.f32 v15, v17;
	v17 =	vld [tilespmem:s25+$0x150];
	(xrf2) =	vadd.scan.msk.f32 $0xffff, v27  }
0x165: {  	v27 =	vsel vm2, v16, v23;
	v23 =	vld [tilespmem:s14+$0x150];
	v16, _, _ =	vpop (xrf2)  }
0x166: {  	v32 =	vld [tilespmem:s25+$0xFFFFFE60];
	v15 =	vmul.f32 v26, v25;
	v16 =	vperm.xlane v16, v0  }
0x167: {  	v25 =	vld [tilespmem:s14+$0xFFFFFE60];
	(xrf2) =	vadd.scan.msk.f32 $0xffff, v24  }
0x168: {  	v24 =	vld [tilespmem:s25+$0xFFFFFEE0];
	v26 =	vsel vm2, v22, v16;
	v16 =	vmul.f32 v30, v20;
	v20, _, _ =	vpop (xrf2)  }
0x169: {  	v22 =	vld [tilespmem:s14+$0xFFFFFEE0];
	v20 =	vperm.xlane v20, v0  }
0x16a: {  	v30 =	vld [tilespmem:s25+$0xFFFFFF60];
	v17 =	vmul.f32 v23, v17;
	(xrf2) =	vadd.scan.msk.f32 $0xffff, v18  }
0x16b: {  	v23 =	vld [tilespmem:s14+$0xFFFFFF60];
	v33 =	vsel vm2, v21, v20;
	v18, _, _ =	vpop (xrf2)  }
0x16c: {  	v34 =	vperm.xlane v18, v0;
	v18 =	vmul.f32 v25, v32;
	v21 =	vld [tilespmem:s25+$0xFFFFFFE0]  }
0x16d: {  	v25 =	vld [tilespmem:s14+$0xFFFFFFE0];
	(xrf2) =	vadd.scan.msk.f32 $0xffff, v9  }
0x16e: {  	v32 =	vsel vm3, v19, v34;
	v19 =	vmul.f32 v22, v24;
	v9 =	vld [tilespmem:s25+$0x60];
	v20, _, _ =	vpop (xrf2)  }
0x16f: {  	v34 =	vperm.xlane v20, v0;
	v24 =	vld [tilespmem:s14+$0x60]  }
0x170: {  	v20 =	vmul.f32 v23, v30;
	v30 =	vld [tilespmem:s25+$0xE0];
	(xrf2) =	vadd.scan.msk.f32 $0xffff, v8  }
0x171: {  	v31 =	vsel vm3, v31, v34;
	v8 =	vld [tilespmem:s14+$0xE0];
	v22, _, _ =	vpop (xrf2)  }
0x172: {  	v22 =	vperm.xlane v22, v0;
	v21 =	vmul.f32 v25, v21;
	v25 =	vld [tilespmem:s25+$0x160]  }
0x173: {  	v34 =	vld [tilespmem:s14+$0x160];
	(xrf2) =	vadd.scan.msk.f32 $0xffff, v7  }
0x174: {  	v7 =	vld [tilespmem:s25+$0xFFFFFE70];
	v35 =	vsel vm3, v28, v22;
	v23 =	vmul.f32 v24, v9;
	v9, _, _ =	vpop (xrf2)  }
0x175: {  	v22 =	vld [tilespmem:s14+$0xFFFFFE70];
	v9 =	vperm.xlane v9, v0  }
0x176: {  	v36 =	vld [tilespmem:s25+$0xFFFFFEF0];
	v24 =	vmul.f32 v8, v30;
	(xrf2) =	vadd.scan.msk.f32 $0xffff, v6  }
0x177: {  	v6 =	vld [tilespmem:s14+$0xFFFFFEF0];
	v30 =	vsel vm3, v29, v9;
	v8, _, _ =	vpop (xrf2)  }
0x178: {  	v9 =	vld [tilespmem:s25+$0xFFFFFF70];
	v8 =	vperm.xlane v8, v0;
	v28 =	vmul.f32 v34, v25  }
0x179: {  	v29 =	vld [tilespmem:s14+$0xFFFFFF70];
	(xrf2) =	vadd.scan.msk.f32 $0xffff, v5  }
0x17a: {  	v22 =	vmul.f32 v22, v7;
	v5 =	vld [tilespmem:s25+$0xFFFFFFF0];
	v34 =	vsel vm3, v27, v8;
	v7, _, _ =	vpop (xrf2)  }
0x17b: {  	v8 =	vld [tilespmem:s14+$0xFFFFFFF0];
	v27 =	vperm.xlane v7, v0  }
0x17c: {  	v25 =	vmul.f32 v6, v36;
	v6 =	vld [tilespmem:s25+$0x70];
	(xrf2) =	vadd.scan.msk.f32 $0xffff, v4  }
0x17d: {  	v4 =	vld [tilespmem:s14+$0x70];
	v36 =	vsel vm3, v26, v27;
	v7, _, _ =	vpop (xrf2)  }
0x17e: {  	v26 =	vmul.f32 v29, v9;
	v37 =	vld [tilespmem:s25+$0xF0];
	v7 =	vperm.xlane v7, v0  }
0x17f: {  	v38 =	vld [tilespmem:s14+$0xF0];
	(xrf2) =	vadd.scan.msk.f32 $0xffff, v3  }
0x180: {  	v27 =	vmul.f32 v8, v5;
	v33 =	vsel vm3, v33, v7;
	v39 =	vld [tilespmem:s25+$0x170];
	v3, _, _ =	vpop (xrf2)  }
0x181: {  	v3 =	vperm.xlane v3, v0;
	v40 =	vld [tilespmem:s14+$0x170]  }
0x182: {  	v9 =	vld [tilespmem:s24+$0xFFFFFE00];
	v29 =	vmul.f32 v4, v6;
	(xrf2) =	vadd.scan.msk.f32 $0xffff, v2  }
0x183: {  	v32 =	vsel vm4, v32, v3;
	v8 =	vld [tilespmem:s24+$0xFFFFFE80];
	v2, _, _ =	vpop (xrf2)  }
0x184: {  	v2 =	vperm.xlane v2, v0;
	v7 =	vld [tilespmem:s24+$0xFFFFFF00];
	v6 =	vmul.f32 v38, v37  }
0x185: {  	v5 =	vld [tilespmem:s24+$0xFFFFFF80];
	(xrf2) =	vadd.scan.msk.f32 $0xffff, v1  }
0x186: {  	v31 =	vsel vm4, v31, v2;
	v3 =	vld [tilespmem:s24+$0x0];
	v4 =	vmul.f32 v40, v39;
	v1, _, _ =	vpop (xrf2)  }
0x187: {  	v37 =	vperm.xlane v1, v0;
	v2 =	vld [tilespmem:s24+$0x80]  }
0x188: {  	v1 =	vld [tilespmem:s24+$0x100];
	(xrf2) =	vadd.scan.msk.f32 $0xffff, v13  }
0x189: {  	v13 =	vsel vm4, v35, v37;
	v35, _, _ =	vpop (xrf2)  }
0x18a: {  	v35 =	vperm.xlane v35, v0  }
0x18b: {  	(xrf2) =	vadd.scan.msk.f32 $0xffff, v10  }
0x18c: {  	v10 =	vsel vm4, v30, v35;
	v30, _, _ =	vpop (xrf2)  }
0x18d: {  	v35 =	vperm.xlane v30, v0  }
0x18e: {  	(xrf2) =	vadd.scan.msk.f32 $0xffff, v11  }
0x18f: {  	v11 =	vsel vm4, v34, v35;
	v30, _, _ =	vpop (xrf2)  }
0x190: {  	v34 =	vperm.xlane v30, v0  }
0x191: {  	(xrf2) =	vadd.scan.msk.f32 $0xffff, v12  }
0x192: {  	v12 =	vsel vm4, v36, v34;
	v30, _, _ =	vpop (xrf2)  }
0x193: {  	v34 =	vperm.xlane v30, v0  }
0x194: {  	(xrf2) =	vadd.scan.msk.f32 $0xffff, v14  }
0x195: {  	v14 =	vsel vm4, v33, v34;
	v30, _, _ =	vpop (xrf2)  }
0x196: {  	v33 =	vperm.xlane v30, v0  }
0x197: {  	(xrf2) =	vadd.scan.msk.f32 $0xffff, v15  }
0x198: {  	v15 =	vsel vm5, v32, v33;
	v30, _, _ =	vpop (xrf2)  }
0x199: {  	v30 =	vperm.xlane v30, v0  }
0x19a: {  	(xrf2) =	vadd.scan.msk.f32 $0xffff, v16  }
0x19b: {  	v30 =	vsel vm5, v31, v30;
	v16, _, _ =	vpop (xrf2)  }
0x19c: {  	v31 =	vperm.xlane v16, v0  }
0x19d: {  	(xrf2) =	vadd.scan.msk.f32 $0xffff, v17  }
0x19e: {  	v13 =	vsel vm5, v13, v31;
	v16, _, _ =	vpop (xrf2)  }
0x19f: {  	v17 =	vperm.xlane v16, v0  }
0x1a0: {  	(xrf2) =	vadd.scan.msk.f32 $0xffff, v18  }
0x1a1: {  	v10 =	vsel vm5, v10, v17;
	v16, _, _ =	vpop (xrf2)  }
0x1a2: {  	v17 =	vperm.xlane v16, v0  }
0x1a3: {  	(xrf2) =	vadd.scan.msk.f32 $0xffff, v19  }
0x1a4: {  	v11 =	vsel vm5, v11, v17;
	v16, _, _ =	vpop (xrf2)  }
0x1a5: {  	v16 =	vperm.xlane v16, v0  }
0x1a6: {  	(xrf2) =	vadd.scan.msk.f32 $0xffff, v20  }
0x1a7: {  	v17 =	vsel vm5, v12, v16;
	v12, _, _ =	vpop (xrf2)  }
0x1a8: {  	v16 =	vperm.xlane v12, v0  }
0x1a9: {  	(xrf2) =	vadd.scan.msk.f32 $0xffff, v21  }
0x1aa: {  	v18 =	vsel vm5, v14, v16;
	v12, _, _ =	vpop (xrf2)  }
0x1ab: {  	v14 =	vperm.xlane v12, v0  }
0x1ac: {  	(xrf2) =	vadd.scan.msk.f32 $0xffff, v23  }
0x1ad: {  	v16 =	vsel vm6, v15, v14;
	v12, _, _ =	vpop (xrf2)  }
0x1ae: {  	v14 =	vperm.xlane v12, v0  }
0x1af: {  	(xrf2) =	vadd.scan.msk.f32 $0xffff, v24  }
0x1b0: {  	v15 =	vsel vm6, v30, v14;
	v12, _, _ =	vpop (xrf2)  }
0x1b1: {  	v19 =	vperm.xlane v12, v0  }
0x1b2: {  	(xrf2) =	vadd.scan.msk.f32 $0xffff, v28  }
0x1b3: {  	v14 =	vsel vm6, v13, v19;
	v12, _, _ =	vpop (xrf2)  }
0x1b4: {  	v12 =	vperm.xlane v12, v0  }
0x1b5: {  	(xrf2) =	vadd.scan.msk.f32 $0xffff, v22  }
0x1b6: {  	v13 =	vsel vm6, v10, v12;
	v10, _, _ =	vpop (xrf2)  }
0x1b7: {  	v19 =	vperm.xlane v10, v0  }
0x1b8: {  	(xrf2) =	vadd.scan.msk.f32 $0xffff, v25  }
0x1b9: {  	v12 =	vsel vm6, v11, v19;
	v10, _, _ =	vpop (xrf2)  }
0x1ba: {  	v19 =	vperm.xlane v10, v0  }
0x1bb: {  	(xrf2) =	vadd.scan.msk.f32 $0xffff, v26  }
0x1bc: {  	v11 =	vsel vm6, v17, v19;
	v10, _, _ =	vpop (xrf2)  }
.Ltmp0:
0x1bd: {  	v10 =	vperm.xlane v10, v0;
	(pc) =	sbr.rel @p1 .LBB2_3-.Ltmp0, $4  }
0x1be: {  	(xrf2) =	vadd.scan.msk.f32 $0xffff, v27  }
0x1bf: {  	v10 =	vsel vm6, v18, v10;
	v17, _, _ =	vpop (xrf2)  }
0x1c0: {  	v17 =	vperm.xlane v17, v0  }
0x1c1: {  	s25 =	sadd.s32 $0x400, s25;
	(xrf2) =	vadd.scan.msk.f32 $0xffff, v29  }
0x1c2: {  	_ =	sdelay $0x1  }
0x1c3: {  	(xrf2) =	vadd.scan.msk.f32 $0xffff, v6;
	v6, _, _ =	vpop (xrf2)  }
0x1c4: {  	(xrf2) =	vadd.scan.msk.f32 $0xffff, v4;
	v4 =	vsel vm7, v16, v17;
	v6 =	vperm.xlane v6, v0  }
0x1c5: {  	v4 =	vadd.f32 v9, v4;
	v9, _, _ =	vpop (xrf2)  }
0x1c6: {  	v6 =	vsel vm7, v15, v6;
	v9 =	vperm.xlane v9, v0  }
0x1c7: {  	v4 =	vmul.f32 $1.442695020e+00, v4;
	v6 =	vadd.f32 v8, v6;
	v8, _, _ =	vpop (xrf2)  }
0x1c8: {  	v9 =	vsel vm7, v14, v9;
	v8 =	vperm.xlane v8, v0  }
0x1c9: {  	(erf) = vpow2.f32 v4;
	v4 =	vmul.f32 $1.442695020e+00, v6;
	v6 =	vadd.f32 v7, v9  }
0x1ca: {  	v8 =	vsel vm7, v13, v8  }
0x1cb: {  	v7, _, _ =	vpop (xrf2);
	v5 =	vadd.f32 v5, v8  }
0x1cc: {  	v7 =	vperm.xlane v7, v0  }
0x1cd: {  	(erf) = vpow2.f32 v4;
	v4 =	vmul.f32 $1.442695020e+00, v6;
	v6, _, _ =	vpop (xrf2)  }
0x1ce: {  	v7 =	vsel vm7, v12, v7;
	v6 =	vperm.xlane v6, v0  }
0x1cf: {  	(erf) = vpow2.f32 v4;
	v4 =	vmul.f32 $1.442695020e+00, v5;
	v3 =	vadd.f32 v3, v7;
	v5, _, _ =	vpop (xrf2)  }
0x1d0: {  	v6 =	vsel vm7, v11, v6;
	v5 =	vperm.xlane v5, v0  }
0x1d1: {  	v3 =	vmul.f32 $1.442695020e+00, v3;
	v2 =	vadd.f32 v2, v6  }
0x1d2: {  	(erf) = vpow2.f32 v4;
	v4 =	vsel vm7, v10, v5  }
0x1d3: {  	v2 =	vmul.f32 $1.442695020e+00, v2;
	v1 =	vadd.f32 v1, v4  }
0x1d4: {  	(erf) = vpow2.f32 v3  }
0x1d5: {  	v3 =	vpop (erf);
	v1 =	vmul.f32 $1.442695020e+00, v1  }
0x1d6: {  	(erf) = vpow2.f32 v2;
	[tilespmem:s19+$0xFFFFFE00] =	vst v3  }
0x1d7: {  	[tilespmem:s29+$0xFFFFFE00] =	vst v3;
	v2 =	vpop (erf)  }
0x1d8: {  	[tilespmem:s19+$0xFFFFFE80] =	vst v2;
	(erf) = vpow2.f32 v1  }
0x1d9: {  	[tilespmem:s29+$0xFFFFFE80] =	vst v2;
	v1 =	vpop (erf)  }
0x1da: {  	[tilespmem:s19+$0xFFFFFF00] =	vst v1  }
0x1db: {  	v2 =	vpop (erf);
	[tilespmem:s29+$0xFFFFFF00] =	vst v1  }
0x1dc: {  	[tilespmem:s19+$0xFFFFFF80] =	vst v2  }
0x1dd: {  	v1 =	vpop (erf);
	[tilespmem:s29+$0xFFFFFF80] =	vst v2  }
0x1de: {  	[tilespmem:s19+$0x0] =	vst v1  }
0x1df: {  	[tilespmem:s29+$0x0] =	vst v1;
	v1 =	vpop (erf)  }
0x1e0: {  	[tilespmem:s19+$0x80] =	vst v1  }
0x1e1: {  	[tilespmem:s29+$0x80] =	vst v1;
	v1 =	vpop (erf)  }
0x1e2: {  	s11 =	sshll.u32 s11, $0x4;
	[tilespmem:s19+$0x100] =	vst v1  }
0x1e3: {  	s11 =	sadd.s32 s10, s11;
	[tilespmem:s29+$0x100] =	vst v1  }
0x1e4: {  	[hbm4b:s11+s2] =	stream.linear.scatter [tilespmem:s30], [sflag:$0x5], $0x1400, $0x38;
	[tilespmem:$0x1B280] =	vst v63  }
0x1e5: {  	_ = 	snop  }
0x1e6: {  	[spmem:s12] =	stream.indirect.scatter.add.f32 [tilespmem:s31], [sflag:$0x4], $0x80, s2, s5, $0xb8;
	[tilespmem:$0x1B280] =	vst v63  }
0x1e7: {  	_ =	swait.ge [sflag:s23], $0x28  }
0x1e8: {  	[sflag:s23] =	ssyncset.done $0x0  }
0x1e9: {  	[sflag:s23] =	ssyncadd.s32 $0xFFFFFFD8  }
0x1ea: {  	_ =	swait.ge [sflag:s23], $0x28  }
0x1eb: {  	[sflag:s23] =	ssyncset.done $0x0  }
0x1ec: {  	[sflag:s23] =	ssyncadd.s32 $0xFFFFFFD8  }
0x1ed: {  	_ =	swait.ge [sflag:s23], $0x1400  }
0x1ee: {  	[sflag:s23] =	ssyncset.done $0x0  }
0x1ef: {  	s25 =	simm.s32 $0x200;
	[sflag:s23] =	ssyncadd.s32 $0xFFFFEC00  }
0x1f0: {  	[tilespmem:s25], [sflag:$0x1] =	stream.indirect.gather [hbm4b:s3+s5], $0x80, s17, s5, $0xb8;
	[tilespmem:$0x1B280] =	vst v63  }
0x1f1: {  	s24 =	simm.s32 $0x1600  }
0x1f2: {  	[tilespmem:s24], [sflag:$0x2] =	stream.indirect.gather [hbm4b:s4+s5], $0x80, s18, s5, $0xb8;
	[tilespmem:$0x1B280] =	vst v63  }
0x1f3: {  	_ =	swait.ge [sflag:s15], $0x1400  }
0x1f4: {  	[sflag:s15] =	ssyncset.done $0x0  }
0x1f5: {  	s1 =	smin.u32 s1, $0xF7;
	[sflag:s15] =	ssyncadd.s32 $0xFFFFEC00  }
0x1f6: {  	s1 =	smul.u32 $0x28, s1;
	_ =	swait.ge [sflag:s16], $0x1400  }
0x1f7: {  	s21 =	smov.u32 s12;
	s12 =	rddreg [dreg:$0xd]  }
0x1f8: {  	s1 =	sadd.s32 s1, s12  }
0x1f9: {  	[sflag:s16] =	ssyncset.done $0x0;
	s11 =	sshrl.u32 s1, $0x3  }
0x1fa: {  	[sflag:s16] =	ssyncadd.s32 $0xFFFFEC00;
	s14 =	sadd.s32 s8, s11  }
0x1fb: {  	[tilespmem:s2], [sflag:$0x6] =	stream.linear.gather [hbm4b:s14+s2], $0x28, $0x38;
	[tilespmem:$0x1B280] =	vst v63  }
0x1fc: {  	s1 =	sshll.u32 s1, $0x4;
	s11 =	sadd.s32 s7, s11  }
0x1fd: {  	[tilespmem:s28], [sflag:$0x6] =	stream.linear.gather [hbm4b:s11+s2], $0x28, $0x38;
	[tilespmem:$0x1B280] =	vst v63  }
0x1fe: {  	s1 =	sadd.s32 s6, s1;
	s14 =	simm.s32 $0x2A00  }
0x1ff: {  	[tilespmem:s14], [sflag:$0x6] =	stream.linear.gather [hbm4b:s1+s2], $0x1400, $0x38;
	[tilespmem:$0x1B280] =	vst v63  }
0x200: {  	_ =	swait.ge [sflag:s20], $0x1400  }
0x201: {  	[sflag:s20] =	ssyncset.done $0x0  }
0x202: {  	[sflag:s20] =	ssyncadd.s32 $0xFFFFEC00  }
0x203: {  	_ =	swait.ge [sflag:s22], $0x1400  }
0x204: {  	[sflag:s22] =	ssyncset.done $0x0  }
0x205: {  	s19 =	simm.s32 $0x400;
	[sflag:s22] =	ssyncadd.s32 $0xFFFFEC00  }
0x206: {  	s14 =	simm.s32 $0x1800;
	v1 =	vld [tilespmem:s19+$0x1F0]  }
0x207: {  	v2 =	vld [tilespmem:s14+$0x1F0]  }
0x208: {  	v4 =	vld [tilespmem:s14+$0xFFFFFE00]  }
0x209: {  	v3 =	vld [tilespmem:s19+$0x1D0]  }
0x20a: {  	v5 =	vld [tilespmem:s14+$0x1D0]  }
0x20b: {  	v6 =	vld [tilespmem:s19+$0xFFFFFE80]  }
0x20c: {  	v7 =	vld [tilespmem:s19+$0x1C0]  }
0x20d: {  	v8 =	vld [tilespmem:s14+$0x1C0]  }
0x20e: {  	v12 =	vld [tilespmem:s14+$0xFFFFFE80]  }
0x20f: {  	v9 =	vld [tilespmem:s19+$0x1A0]  }
0x210: {  	v10 =	vld [tilespmem:s14+$0x1A0]  }
0x211: {  	v14 =	vld [tilespmem:s19+$0xFFFFFF00]  }
0x212: {  	v11 =	vld [tilespmem:s19+$0x190]  }
0x213: {  	v13 =	vld [tilespmem:s14+$0x190]  }
0x214: {  	v21 =	vld [tilespmem:s14+$0xFFFFFF00]  }
0x215: {  	v17 =	vld [tilespmem:s19+$0x180]  }
0x216: {  	v18 =	vld [tilespmem:s14+$0x180]  }
0x217: {  	v22 =	vld [tilespmem:s19+$0xFFFFFF80]  }
0x218: {  	v29 =	vld [tilespmem:s19+$0x1B0]  }
0x219: {  	v33 =	vld [tilespmem:s14+$0x1B0]  }
0x21a: {  	v34 =	vld [tilespmem:s14+$0xFFFFFF80]  }
0x21b: {  	v35 =	vld [tilespmem:s19+$0x1E0]  }
0x21c: {  	v36 =	vld [tilespmem:s14+$0x1E0]  }
0x21d: {  	v37 =	vld [tilespmem:s19+$0x0]  }
0x21e: {  	v38 =	vld [tilespmem:s14+$0x0]  }
0x21f: {  	v39 =	vld [tilespmem:s19+$0x80]  }
0x220: {  	v40 =	vld [tilespmem:s14+$0x80]  }
0x221: {  	v41 =	vld [tilespmem:s19+$0x100]  }
0x222: {  	v42 =	vld [tilespmem:s14+$0x100]  }
0x223: {  	v43 =	vld [tilespmem:s19+$0xFFFFFE00]  }
0x224: {  	v44 =	vld [tilespmem:s19+$0xFFFFFE10]  }
0x225: {  	v45 =	vld [tilespmem:s14+$0xFFFFFE10]  }
0x226: {  	v46 =	vld [tilespmem:s19+$0xFFFFFE90]  }
0x227: {  	v47 =	vld [tilespmem:s14+$0xFFFFFE90]  }
0x228: {  	v48 =	vld [tilespmem:s19+$0xFFFFFF10]  }
0x229: {  	v49 =	vld [tilespmem:s14+$0xFFFFFF10]  }
0x22a: {  	v50 =	vld [tilespmem:s19+$0xFFFFFF90]  }
0x22b: {  	v51 =	vld [tilespmem:s14+$0xFFFFFF90]  }
0x22c: {  	s24 =	simm.s32 $0x4180;
	v52 =	vld [tilespmem:s19+$0x10]  }
0x22d: {  	v53 =	vld [tilespmem:s24+$0x0]  }
0x22e: {  	v54 =	vld [tilespmem:s14+$0x10]  }
0x22f: {  	v55 =	vld [tilespmem:s19+$0x90]  }
0x230: {  	v56 =	vld [tilespmem:s14+$0x90]  }
0x231: {  	v57 =	vld [tilespmem:s19+$0x110]  }
0x232: {  	v58 =	vld [tilespmem:s14+$0x110]  }
0x233: {  	v59 =	vld [tilespmem:s19+$0xFFFFFE20]  }
0x234: {  	v60 =	vld [tilespmem:s14+$0xFFFFFE20]  }
0x235: {  	v61 =	vld [tilespmem:s19+$0xFFFFFEA0]  }
0x236: {  	v62 =	vld [tilespmem:s14+$0xFFFFFEA0]  }
0x237: {  	v63 =	vld [tilespmem:s19+$0xFFFFFF20]  }
0x238: {  	v15 =	vld [tilespmem:s14+$0xFFFFFF20]  }
0x239: {  	v26 =	vld [tilespmem:s19+$0xFFFFFFA0]  }
0x23a: {  	v20 =	vld [tilespmem:s14+$0xFFFFFFA0]  }
0x23b: {  	v19 =	vld [tilespmem:s19+$0x20]  }
0x23c: {  	v27 =	vld [tilespmem:s19+$0xFFFFFE30]  }
0x23d: {  	v16 =	vld [tilespmem:s14+$0x20]  }
0x23e: {  	v30 =	vld [tilespmem:s19+$0xA0]  }
0x23f: {  	v24 =	vld [tilespmem:s14+$0xA0]  }
0x240: {  	v25 =	vld [tilespmem:s19+$0x120]  }
0x241: {  	v23 =	vld [tilespmem:s14+$0x120];
	[tilespmem:$0x1FEA0] =	vst v27  }
0x242: {  	v28 =	vld [tilespmem:s19+$0xFFFFFF30];
	_ =	sdelay $0x2  }
0x243: {  	v31 =	vld [tilespmem:s14+$0xFFFFFE30]  }
0x244: {  	v32 =	vld [tilespmem:s19+$0xFFFFFEB0]  }
0x245: {  	v27 =	vld [tilespmem:s14+$0xFFFFFEB0];
	[tilespmem:$0x1FEB0] =	vst v28  }
0x246: {  	v28 =	vld [tilespmem:s14+$0xFFFFFF30];
	_ =	sdelay $0x4  }
0x247: {  	[tilespmem:$0x1FEC0] =	vst v28  }
0x248: {  	v28 =	vld [tilespmem:s19+$0xFFFFFFB0];
	_ =	sdelay $0x4  }
0x249: {  	[tilespmem:$0x1FED0] =	vst v28  }
0x24a: {  	v2 =	vmul.f32 v2, v1;
	v1 =	vld [tilespmem:s14+$0xFFFFFFB0];
	_ =	sdelay $0x4  }
0x24b: {  	[tilespmem:$0x1FEE0] =	vst v1  }
0x24c: {  	v1 =	vld [tilespmem:s19+$0x30];
	_ =	sdelay $0x4  }
0x24d: {  	[tilespmem:$0x1FEF0] =	vst v1  }
0x24e: {  	v1 =	vld [tilespmem:s19+$0xB0];
	_ =	sdelay $0x3  }
0x24f: {  	v3 =	vmul.f32 v5, v3  }
0x250: {  	v7 =	vmul.f32 v8, v7;
	(xrf2) =	vadd.scan.msk.f32 $0xffff, v2;
	v5 =	vld [tilespmem:s14+$0x30];
	[tilespmem:$0x1FF00] =	vst v1  }
0x251: {  	v8 =	vmul.f32 v10, v9;
	(xrf2) =	vadd.scan.msk.f32 $0xffff, v3;
	v10 =	vld [tilespmem:s14+$0xB0]  }
0x252: {  	v9 =	vmul.f32 v18, v17;
	(xrf2) =	vadd.scan.msk.f32 $0xffff, v7;
	v17 =	vld [tilespmem:s19+$0x130]  }
0x253: {  	(xrf2) =	vadd.scan.msk.f32 $0xffff, v8;
	v8 =	vld [tilespmem:s14+$0x130]  }
0x254: {  	v7 =	vmul.f32 v13, v11;
	v13 =	vld [tilespmem:s19+$0xFFFFFE40]  }
0x255: {  	v1 =	vld [tilespmem:s19+$0xFFFFFFC0]  }
0x256: {  	(xrf2) =	vadd.scan.msk.f32 $0xffff, v7;
	v18 =	vld [tilespmem:s14+$0xFFFFFE40]  }
0x257: {  	v7 =	vmul.f32 v33, v29;
	(xrf2) =	vadd.scan.msk.f32 $0xffff, v9;
	v9 =	vld [tilespmem:s19+$0xFFFFFEC0]  }
0x258: {  	v11 =	vld [tilespmem:s14+$0xFFFFFEC0]  }
0x259: {  	(xrf2) =	vadd.scan.msk.f32 $0xffff, v7;
	v7 =	vmul.f32 v36, v35;
	v36 =	vld [tilespmem:s19+$0xFFFFFF40]  }
0x25a: {  	v35 =	vld [tilespmem:s14+$0xFFFFFF40];
	[tilespmem:$0x1FF10] =	vst v1  }
0x25b: {  	v1 =	vld [tilespmem:s19+$0x40];
	_ =	sdelay $0x1  }
0x25c: {  	v29, _, _ =	vpop (xrf2)  }
0x25d: {  	(xrf2) =	vadd.scan.msk.f32 $0xffff, v7;
	v33, _, _ =	vpop (xrf2)  }
0x25e: {  	v3, _, _ =	vpop (xrf2)  }
0x25f: {  	v2, _, _ =	vpop (xrf2);
	v7 =	vld [tilespmem:s14+$0xFFFFFFC0];
	[tilespmem:$0x1FF20] =	vst v1  }
0x260: {  	v12 =	vmul.f32 v12, v6;
	v1, _, _ =	vpop (xrf2);
	v6 =	vld [tilespmem:s14+$0x40]  }
0x261: {  	v28, _, _ =	vpop (xrf2)  }
0x262: {  	v4 =	vmul.f32 v4, v43;
	(xrf2) =	vadd.scan.msk.f32 $0xffff, v12;
	v12 =	vperm.xlane v28, v0  }
0x263: {  	v14 =	vmul.f32 v21, v14;
	v1 =	vperm.xlane v1, v0  }
0x264: {  	v21 =	vmul.f32 v34, v22;
	v2 =	vperm.xlane v2, v0;
	v28, _, _ =	vpop (xrf2);
	v12 =	vnsel vm0, $0xF149F2CA, v12  }
0x265: {  	v22 =	vmul.f32 v38, v37;
	v34 =	vperm.xlane v28, v0;
	v1 =	vsel vm1, v12, v1;
	[tilespmem:$0x1FF30] =	vst v6  }
0x266: {  	v41 =	vmul.f32 v42, v41;
	v1 =	vsel vm2, v1, v2;
	v2 =	vperm.xlane v3, v0;
	v6 =	vld [tilespmem:s19+$0xC0]  }
0x267: {  	v42 =	vperm.xlane v33, v0;
	v3 =	vmul.f32 v45, v44;
	v44, _, _ =	vpop (xrf2);
	v1 =	vsel vm3, v1, v34  }
0x268: {  	v45 =	vmul.f32 v47, v46;
	v1 =	vsel vm4, v1, v2;
	v2 =	vperm.xlane v44, v0  }
0x269: {  	(xrf2) =	vadd.scan.msk.f32 $0xffff, v4;
	v46 =	vmul.f32 v49, v48;
	v47 =	vperm.xlane v29, v0;
	v1 =	vsel vm5, v1, v42  }
0x26a: {  	(xrf2) =	vadd.scan.msk.f32 $0xffff, v14;
	v49 =	vmul.f32 v56, v55;
	v55 =	vmul.f32 v62, v61;
	v62 =	vld [tilespmem:$0x1FEE0];
	v1 =	vsel vm6, v1, v2  }
0x26b: {  	v40 =	vmul.f32 v40, v39;
	(xrf2) =	vadd.scan.msk.f32 $0xffff, v21;
	v1 =	vsel vm7, v1, v47;
	[tilespmem:$0x1FF40] =	vst v6;
	v6 =	vld [tilespmem:$0x1FEA0]  }
0x26c: {  	(xrf2) =	vadd.scan.msk.f32 $0xffff, v22;
	v1 =	vadd.f32 v53, v1;
	v53 =	vmul.f32 v60, v59;
	v60 =	vld [tilespmem:$0x1FEC0]  }
0x26d: {  	(xrf2) =	vadd.scan.msk.f32 $0xffff, v40;
	v43 =	vld [tilespmem:s14+$0xC0]  }
0x26e: {  	(xrf2) =	vadd.scan.msk.f32 $0xffff, v41;
	v4 =	vld [tilespmem:s19+$0x140]  }
0x26f: {  	(xrf2) =	vadd.scan.msk.f32 $0xffff, v3;
	v3 =	vmul.f32 v51, v50;
	v14 =	vld [tilespmem:s14+$0x140]  }
0x270: {  	v51 =	vmul.f32 v58, v57;
	v57 =	vmul.f32 v31, v6;
	v6 =	vld [tilespmem:$0x1FEB0]  }
0x271: {  	v12 =	vld [tilespmem:s19+$0xFFFFFE50]  }
0x272: {  	v21 =	vld [tilespmem:s14+$0xFFFFFE50]  }
0x273: {  	v22 =	vld [tilespmem:s19+$0xFFFFFED0]  }
0x274: {  	v33 =	vld [tilespmem:s14+$0xFFFFFED0]  }
0x275: {  	v27 =	vmul.f32 v27, v32;
	v32 =	vmul.f32 v60, v6;
	v6 =	vld [tilespmem:$0x1FED0]  }
0x276: {  	v29 =	vld [tilespmem:s19+$0xFFFFFF50]  }
0x277: {  	(xrf2) =	vadd.scan.msk.f32 $0xffff, v45;
	v2 =	vld [tilespmem:s14+$0xFFFFFF50]  }
0x278: {  	(xrf2) =	vadd.scan.msk.f32 $0xffff, v46;
	v37 =	vld [tilespmem:s19+$0xFFFFFFD0]  }
0x279: {  	v48 =	vmul.f32 v54, v52;
	(xrf2) =	vadd.scan.msk.f32 $0xffff, v3;
	v3 =	vld [tilespmem:s14+$0xFFFFFFD0]  }
0x27a: {  	v50, _, _ =	vpop (xrf2);
	v45 =	vmul.f32 v62, v6;
	v6 =	vld [tilespmem:$0x1FEF0]  }
0x27b: {  	v52, _, _ =	vpop (xrf2);
	(xrf2) =	vadd.scan.msk.f32 $0xffff, v48;
	v34 =	vld [tilespmem:s19+$0x50]  }
0x27c: {  	v54, _, _ =	vpop (xrf2);
	(xrf2) =	vadd.scan.msk.f32 $0xffff, v49;
	v38 =	vld [tilespmem:s14+$0x50];
	v1 =	vmul.f32 $1.442695020e+00, v1  }
0x27d: {  	v20 =	vmul.f32 v20, v26;
	v56, _, _ =	vpop (xrf2);
	v40 =	vld [tilespmem:s19+$0xD0];
	(xrf2) =	vadd.scan.msk.f32 $0xffff, v51  }
0x27e: {  	v42 =	vld [tilespmem:s14+$0xD0];
	(xrf2) =	vadd.scan.msk.f32 $0xffff, v53;
	(erf) = vpow2.f32 v1;
	v1 =	vmul.f32 v15, v63;
	v15, _, _ =	vpop (xrf2)  }
0x27f: {  	v16 =	vmul.f32 v16, v19;
	(xrf2) =	vadd.scan.msk.f32 $0xffff, v55;
	v19, _, _ =	vpop (xrf2);
	v5 =	vmul.f32 v5, v6;
	v6 =	vld [tilespmem:$0x1FF00]  }
0x280: {  	v23 =	vmul.f32 v23, v25;
	v26 =	vld [tilespmem:s19+$0x150];
	v25, _, _ =	vpop (xrf2);
	(xrf2) =	vadd.scan.msk.f32 $0xffff, v1  }
0x281: {  	v24 =	vmul.f32 v24, v30;
	v59 =	vperm.xlane v50, v0;
	v28 =	vld [tilespmem:s19+$0xFFFFFF60];
	v58, _, _ =	vpop (xrf2);
	(xrf2) =	vadd.scan.msk.f32 $0xffff, v20  }
0x282: {  	v50 =	vld [tilespmem:s14+$0x160];
	v61, _, _ =	vpop (xrf2);
	(xrf2) =	vadd.scan.msk.f32 $0xffff, v16  }
0x283: {  	v8 =	vmul.f32 v8, v17;
	v13 =	vmul.f32 v18, v13;
	v31 =	vnsel vm0, $0xF149F2CA, v59;
	v59 =	vld [tilespmem:$0x1FF20];
	v63, _, _ =	vpop (xrf2);
	(xrf2) =	vadd.scan.msk.f32 $0xffff, v24  }
0x284: {  	v41 =	vperm.xlane v52, v0;
	v52, _, _ =	vpop (xrf2);
	(xrf2) =	vadd.scan.msk.f32 $0xffff, v23;
	v10 =	vmul.f32 v10, v6;
	v6 =	vld [tilespmem:$0x1FF10]  }
0x285: {  	v9 =	vmul.f32 v11, v9;
	v35 =	vmul.f32 v35, v36;
	v1 =	vld [tilespmem:s14+$0x150];
	v53, _, _ =	vpop (xrf2);
	(xrf2) =	vadd.scan.msk.f32 $0xffff, v57  }
0x286: {  	v44 =	vperm.xlane v54, v0;
	v54 =	vperm.xlane v56, v0;
	v20 =	vld [tilespmem:s19+$0xFFFFFE60];
	v17, _, _ =	vpop (xrf2);
	(xrf2) =	vadd.scan.msk.f32 $0xffff, v27  }
0x287: {  	v15 =	vperm.xlane v15, v0;
	v19 =	vperm.xlane v19, v0;
	v16 =	vld [tilespmem:s14+$0xFFFFFE60];
	v18, _, _ =	vpop (xrf2);
	(xrf2) =	vadd.scan.msk.f32 $0xffff, v32  }
0x288: {  	v4 =	vmul.f32 v14, v4;
	v12 =	vmul.f32 v21, v12;
	v24 =	vld [tilespmem:s19+$0xFFFFFEE0];
	v11, _, _ =	vpop (xrf2);
	(xrf2) =	vadd.scan.msk.f32 $0xffff, v45  }
0x289: {  	v22 =	vmul.f32 v33, v22;
	v56, _, _ =	vpop (xrf2);
	(xrf2) =	vadd.scan.msk.f32 $0xffff, v5;
	v7 =	vmul.f32 v7, v6;
	v6 =	vld [tilespmem:$0x1FF30]  }
0x28a: {  	v2 =	vmul.f32 v2, v29;
	v30 =	vperm.xlane v58, v0;
	v62 =	vld [tilespmem:$0x1FF40];
	v58, _, _ =	vpop (xrf2);
	(xrf2) =	vadd.scan.msk.f32 $0xffff, v10  }
0x28b: {  	v41 =	vnsel vm0, $0xF149F2CA, v41;
	v3 =	vmul.f32 v3, v37;
	v34 =	vmul.f32 v38, v34;
	v23 =	vld [tilespmem:s14+$0xFFFFFEE0];
	v60, _, _ =	vpop (xrf2);
	(xrf2) =	vadd.scan.msk.f32 $0xffff, v8  }
0x28c: {  	v30 =	vsel vm1, v41, v30;
	v55 =	vperm.xlane v63, v0;
	v41 =	vnsel vm0, $0xF149F2CA, v54;
	v54 =	vld [tilespmem:s19+$0xFFFFFEF0];
	v63, _, _ =	vpop (xrf2);
	(xrf2) =	vadd.scan.msk.f32 $0xffff, v13  }
0x28d: {  	v40 =	vmul.f32 v42, v40;
	v25 =	vperm.xlane v25, v0;
	v19 =	vnsel vm0, $0xF149F2CA, v19;
	v27 =	vld [tilespmem:s14+$0xFFFFFF60];
	v14, _, _ =	vpop (xrf2);
	(xrf2) =	vadd.scan.msk.f32 $0xffff, v9  }
0x28e: {  	v44 =	vnsel vm0, $0xF149F2CA, v44;
	v32 =	vld [tilespmem:s19+$0xFFFFFFE0];
	v17 =	vperm.xlane v17, v0;
	v49, _, _ =	vpop (xrf2);
	(xrf2) =	vadd.scan.msk.f32 $0xffff, v35;
	v6 =	vmul.f32 v6, v59  }
0x28f: {  	v15 =	vnsel vm0, $0xF149F2CA, v15;
	v39 =	vperm.xlane v61, v0;
	v45 =	vld [tilespmem:s14+$0xFFFFFFE0];
	v43 =	vmul.f32 v43, v62;
	v51, _, _ =	vpop (xrf2);
	(xrf2) =	vadd.scan.msk.f32 $0xffff, v7  }
0x290: {  	v25 =	vnsel vm0, $0xF149F2CA, v25;
	v57 =	vperm.xlane v52, v0;
	v17 =	vsel vm1, v19, v17;
	v5 =	vld [tilespmem:s19+$0x60];
	v19, _, _ =	vpop (xrf2);
	(xrf2) =	vadd.scan.msk.f32 $0xffff, v6  }
0x291: {  	v31 =	vsel vm1, v31, v39;
	v1 =	vmul.f32 v1, v26;
	v61 =	vperm.xlane v53, v0;
	v53, _, _ =	vpop (xrf2);
	v10 =	vld [tilespmem:s14+$0x60];
	(xrf2) =	vadd.scan.msk.f32 $0xffff, v43  }
0x292: {  	v39 =	vsel vm1, v44, v55;
	v16 =	vmul.f32 v16, v20;
	v52 =	vperm.xlane v56, v0;
	v56, _, _ =	vpop (xrf2);
	v8 =	vld [tilespmem:s19+$0xE0];
	(xrf2) =	vadd.scan.msk.f32 $0xffff, v4  }
0x293: {  	v41 =	vsel vm1, v41, v57;
	v18 =	vperm.xlane v18, v0;
	v55 =	vperm.xlane v58, v0;
	v13 =	vld [tilespmem:s14+$0xE0];
	v58, _, _ =	vpop (xrf2);
	(xrf2) =	vadd.scan.msk.f32 $0xffff, v12  }
0x294: {  	v15 =	vsel vm1, v15, v61;
	v11 =	vperm.xlane v11, v0;
	v57 =	vperm.xlane v60, v0;
	v9 =	vld [tilespmem:s19+$0x160];
	v60, _, _ =	vpop (xrf2);
	(xrf2) =	vadd.scan.msk.f32 $0xffff, v22  }
0x295: {  	v23 =	vmul.f32 v23, v24;
	v18 =	vsel vm1, v25, v18;
	v27 =	vmul.f32 v27, v28;
	v7 =	vld [tilespmem:s19+$0xFFFFFE70];
	v62, _, _ =	vpop (xrf2);
	(xrf2) =	vadd.scan.msk.f32 $0xffff, v2  }
0x296: {  	v11 =	vsel vm2, v30, v11;
	v14 =	vperm.xlane v14, v0;
	v59 =	vperm.xlane v63, v0;
	v6 =	vld [tilespmem:s14+$0xFFFFFE70];
	v63, _, _ =	vpop (xrf2);
	(xrf2) =	vadd.scan.msk.f32 $0xffff, v3  }
0x297: {  	v25 =	vsel vm2, v39, v55;
	v30 =	vsel vm2, v41, v57;
	v21 =	vperm.xlane v49, v0;
	v4 =	vld [tilespmem:s14+$0xFFFFFEF0];
	v41, _, _ =	vpop (xrf2);
	(xrf2) =	vadd.scan.msk.f32 $0xffff, v34  }
0x298: {  	v39 =	vperm.xlane v51, v0;
	v14 =	vsel vm2, v17, v14;
	v17 =	vperm.xlane v19, v0;
	v44, _, _ =	vpop (xrf2);
	v2 =	vld [tilespmem:s19+$0xFFFFFFF0];
	(xrf2) =	vadd.scan.msk.f32 $0xffff, v40  }
0x299: {  	v29 =	vsel vm2, v31, v52;
	v19 =	vmul.f32 v45, v32;
	v5 =	vmul.f32 v10, v5;
	v10, _, _ =	vpop (xrf2);
	v3 =	vld [tilespmem:s14+$0xFFFFFFF0];
	(xrf2) =	vadd.scan.msk.f32 $0xffff, v1  }
0x29a: {  	v18 =	vsel vm2, v18, v21;
	v46 =	vperm.xlane v53, v0;
	v8 =	vmul.f32 v13, v8;
	v1 =	vld [tilespmem:s19+$0xF0];
	v13, _, _ =	vpop (xrf2);
	(xrf2) =	vadd.scan.msk.f32 $0xffff, v16  }
0x29b: {  	v11 =	vsel vm3, v11, v39;
	v47 =	vperm.xlane v56, v0;
	v9 =	vmul.f32 v50, v9;
	v16 =	vld [tilespmem:s14+$0xF0];
	v50, _, _ =	vpop (xrf2);
	(xrf2) =	vadd.scan.msk.f32 $0xffff, v23  }
0x29c: {  	v17 =	vsel vm3, v29, v17;
	v21 =	vsel vm3, v25, v46;
	v48 =	vperm.xlane v58, v0;
	v52, _, _ =	vpop (xrf2);
	(xrf2) =	vadd.scan.msk.f32 $0xffff, v27  }
0x29d: {  	v53 =	vsel vm3, v30, v47;
	v7 =	vmul.f32 v6, v7;
	v6 =	vperm.xlane v60, v0;
	v55, _, _ =	vpop (xrf2);
	(xrf2) =	vadd.scan.msk.f32 $0xffff, v19  }
0x29e: {  	v61 =	vld [tilespmem:s14+$0xFFFFFF70];
	v15 =	vsel vm2, v15, v59;
	v54 =	vmul.f32 v4, v54;
	v4 =	vperm.xlane v62, v0;
	v19, _, _ =	vpop (xrf2)  }
0x29f: {  	v12 =	vld [tilespmem:s19+$0xFFFFFF70];
	v56 =	vmul.f32 v3, v2;
	v2 =	vsel vm3, v14, v6;
	v3 =	vperm.xlane v63, v0;
	v14, _, _ =	vpop (xrf2)  }
0x2a0: {  	(xrf2) =	vadd.scan.msk.f32 $0xffff, v5;
	v5 =	vsel vm3, v18, v4;
	v18 =	vperm.xlane v41, v0;
	v6 =	vmul.f32 v16, v1;
	v1, _, _ =	vpop (xrf2)  }
0x2a1: {  	v15 =	vsel vm3, v15, v48;
	v13 =	vperm.xlane v13, v0;
	v3 =	vsel vm4, v11, v3;
	(xrf2) =	vadd.scan.msk.f32 $0xffff, v8;
	v11, _, _ =	vpop (xrf2)  }
0x2a2: {  	v10 =	vperm.xlane v10, v0;
	(xrf2) =	vadd.scan.msk.f32 $0xffff, v9;
	v16 =	vsel vm4, v17, v18;
	v18 =	vperm.xlane v52, v0;
	v9, _, _ =	vpop (xrf2)  }
0x2a3: {  	v13 =	vsel vm4, v15, v13;
	v15 =	vperm.xlane v55, v0;
	v17 =	vperm.xlane v50, v0;
	v58, _, _ =	vpop (xrf2)  }
0x2a4: {  	v12 =	vmul.f32 v61, v12;
	v10 =	vsel vm4, v53, v10;
	v8 =	vperm.xlane v44, v0;
	(xrf2) =	vadd.scan.msk.f32 $0xffff, v7;
	v7, _, _ =	vpop (xrf2)  }
0x2a5: {  	v45 =	vld [tilespmem:s14+$0x70];
	v3 =	vsel vm5, v3, v15;
	v2 =	vsel vm4, v2, v17;
	v17 =	vperm.xlane v19, v0;
	v59, _, _ =	vpop (xrf2)  }
0x2a6: {  	v43 =	vld [tilespmem:s19+$0x70];
	v14 =	vperm.xlane v14, v0;
	v1 =	vperm.xlane v1, v0;
	v5 =	vsel vm4, v5, v18;
	v18, _, _ =	vpop (xrf2)  }
0x2a7: {  	v8 =	vsel vm4, v21, v8;
	v17 =	vsel vm5, v16, v17;
	v16 =	vperm.xlane v9, v0;
	v15, _, _ =	vpop (xrf2);
	(xrf2) =	vadd.scan.msk.f32 $0xffff, v54  }
0x2a8: {  	v49 =	vld [tilespmem:s19+$0x170];
	s19 =	simm.s32 $0x5400;
	v11 =	vperm.xlane v11, v0;
	v19 =	vpop (erf);
	v14 =	vsel vm5, v8, v14;
	v1 =	vsel vm5, v10, v1  }
0x2a9: {  	s29 =	simm.s32 $0x6800;
	v51 =	vld [tilespmem:s14+$0x170];
	v10 =	vperm.xlane v58, v0;
	[tilespmem:s19+$0x180] =	vst v19;
	v60 =	vsel vm5, v2, v16;
	v2 =	vperm.xlane v7, v0  }
0x2aa: {  	v8 =	vld [tilespmem:s24+$0xFFFFFD00];
	[tilespmem:s29+$0x180] =	vst v19;
	v19 =	vperm.xlane v59, v0;
	v18 =	vperm.xlane v18, v0;
	(xrf2) =	vadd.scan.msk.f32 $0xffff, v12  }
0x2ab: {  	v57 =	vmul.f32 v45, v43;
	v11 =	vsel vm5, v13, v11;
	v9 =	vld [tilespmem:s24+$0xFFFFFC80];
	v13, _, _ =	vpop (xrf2)  }
0x2ac: {  	v10 =	vsel vm5, v5, v10;
	v5 =	vld [tilespmem:s24+$0xFFFFFE00];
	v62 =	vperm.xlane v15, v0;
	v15 =	vsel vm6, v17, v19;
	v61, _, _ =	vpop (xrf2)  }
0x2ad: {  	v7 =	vld [tilespmem:s24+$0xFFFFFD80];
	v16 =	vsel vm6, v3, v2;
	(xrf2) =	vadd.scan.msk.f32 $0xffff, v56;
	v63 =	vperm.xlane v13, v0;
	v2, _, _ =	vpop (xrf2);
	v17 =	vperm.xlane v61, v0  }
0x2ae: {  	v3 =	vld [tilespmem:s24+$0xFFFFFE80];
	v14 =	vsel vm6, v14, v18;
	v13 =	vsel vm6, v1, v62;
	v19 =	vperm.xlane v2, v0;
	v18, _, _ =	vpop (xrf2)  }
0x2af: {  	v1 =	vld [tilespmem:s24+$0xFFFFFF80];
	v12 =	vsel vm6, v11, v63;
	v11 =	vsel vm6, v60, v17;
	v17 =	vperm.xlane v18, v0  }
0x2b0: {  	s11 =	simm.s32 $0x800;
	s1 =	simm.s32 $0x0;
	v4 =	vmul.f32 v51, v49;
	(xrf2) =	vadd.scan.msk.f32 $0xffff, v57;
	v2 =	vld [tilespmem:s24+$0xFFFFFF00];
	v10 =	vsel vm6, v10, v19  }
.LBB2_5:
0x2b1: {  	v18 =	vld [tilespmem:s11+$0x1F0];
	v16 =	vsel vm7, v16, v17;
	s14 =	sadd.s32 $0x400, s14;
	v17, _, _ =	vpop (xrf2)  }
0x2b2: {  	v19 =	vld [tilespmem:s14+$0x1F0];
	v16 =	vadd.f32 v9, v16;
	v20 =	vperm.xlane v17, v0  }
0x2b3: {  	v9 =	vld [tilespmem:s14+$0xFFFFFE00];
	(xrf2) =	vadd.scan.msk.f32 $0xffff, v6  }
0x2b4: {  	v6 =	vld [tilespmem:s11+$0x1D0];
	v16 =	vmul.f32 $1.442695020e+00, v16;
	v15 =	vsel vm7, v15, v20;
	v17, _, _ =	vpop (xrf2)  }
0x2b5: {  	v20 =	vld [tilespmem:s14+$0x1D0];
	v8 =	vadd.f32 v8, v15;
	v21 =	vperm.xlane v17, v0  }
0x2b6: {  	v17 =	vld [tilespmem:s11+$0xFFFFFE80];
	(erf) = vpow2.f32 v16;
	(xrf2) =	vadd.scan.msk.f32 $0xffff, v4  }
0x2b7: {  	v4 =	vld [tilespmem:s11+$0x1C0];
	v16 =	vmul.f32 v19, v18;
	v8 =	vmul.f32 $1.442695020e+00, v8;
	v14 =	vsel vm7, v14, v21;
	v15, _, _ =	vpop (xrf2)  }
0x2b8: {  	v18 =	vld [tilespmem:s14+$0x1C0];
	v7 =	vadd.f32 v7, v14;
	v19 =	vperm.xlane v15, v0  }
0x2b9: {  	v15 =	vld [tilespmem:s14+$0xFFFFFE80];
	(xrf2) =	vadd.scan.msk.f32 $0xffff, v16;
	(erf) = vpow2.f32 v8  }
0x2ba: {  	v8 =	vld [tilespmem:s11+$0x1A0];
	v6 =	vmul.f32 v20, v6;
	v7 =	vmul.f32 $1.442695020e+00, v7;
	v13 =	vsel vm7, v13, v19;
	v14, _, _ =	vpop (xrf2)  }
0x2bb: {  	v16 =	vld [tilespmem:s14+$0x1A0];
	v5 =	vadd.f32 v5, v13;
	v13 =	vperm.xlane v14, v0  }
0x2bc: {  	v14 =	vld [tilespmem:s11+$0xFFFFFF00];
	(xrf2) =	vadd.scan.msk.f32 $0xffff, v6;
	(erf) = vpow2.f32 v7  }
0x2bd: {  	v6 =	vld [tilespmem:s11+$0x190];
	v18 =	vmul.f32 v18, v4;
	v5 =	vmul.f32 $1.442695020e+00, v5;
	v7 =	vsel vm7, v12, v13;
	v12, _, _ =	vpop (xrf2)  }
0x2be: {  	v13 =	vmul.f32 v15, v17;
	v15 =	vld [tilespmem:s14+$0x190];
	v3 =	vadd.f32 v3, v7;
	v7 =	vperm.xlane v12, v0  }
0x2bf: {  	v12 =	vld [tilespmem:s14+$0xFFFFFF00];
	(xrf2) =	vadd.scan.msk.f32 $0xffff, v18;
	v4 =	vpop (erf);
	(erf) = vpow2.f32 v5  }
0x2c0: {  	v5 =	vld [tilespmem:s11+$0x180];
	v17 =	vmul.f32 v16, v8;
	[tilespmem:s19+$0xFFFFFE00] =	vst v4;
	v3 =	vmul.f32 $1.442695020e+00, v3;
	v7 =	vsel vm7, v11, v7;
	v11, _, _ =	vpop (xrf2)  }
0x2c1: {  	v16 =	vld [tilespmem:s14+$0x180];
	[tilespmem:s29+$0xFFFFFE00] =	vst v4;
	v2 =	vadd.f32 v2, v7;
	v4 =	vperm.xlane v11, v0  }
0x2c2: {  	s1 =	sadd.s32 $0x8, s1;
	v7 =	vld [tilespmem:s11+$0xFFFFFF80];
	(xrf2) =	vadd.scan.msk.f32 $0xffff, v17;
	v8 =	vpop (erf);
	(erf) = vpow2.f32 v3  }
0x2c3: {  	p1 =	slt.u32 s1, $0x20;
	v15 =	vmul.f32 v15, v6;
	v6 =	vld [tilespmem:s11+$0x1B0];
	v11, _, _ =	vpop (xrf2);
	[tilespmem:s19+$0xFFFFFE80] =	vst v8;
	v2 =	vmul.f32 $1.442695020e+00, v2;
	v4 =	vsel vm7, v10, v4  }
0x2c4: {  	v10 =	vmul.f32 v12, v14;
	v12 =	vld [tilespmem:s14+$0x1B0];
	[tilespmem:s29+$0xFFFFFE80] =	vst v8;
	v1 =	vadd.f32 v1, v4  }
0x2c5: {  	v4 =	vld [tilespmem:s14+$0xFFFFFF80];
	(xrf2) =	vadd.scan.msk.f32 $0xffff, v15;
	v3 =	vpop (erf);
	(erf) = vpow2.f32 v2  }
0x2c6: {  	v15 =	vmul.f32 v16, v5;
	v5 =	vld [tilespmem:s11+$0x1E0];
	v8, _, _ =	vpop (xrf2);
	[tilespmem:s19+$0xFFFFFF00] =	vst v3;
	v1 =	vmul.f32 $1.442695020e+00, v1  }
0x2c7: {  	v14 =	vld [tilespmem:s14+$0x1E0];
	[tilespmem:s29+$0xFFFFFF00] =	vst v3  }
0x2c8: {  	v3 =	vld [tilespmem:s11+$0x0];
	(xrf2) =	vadd.scan.msk.f32 $0xffff, v15;
	v2 =	vpop (erf);
	(erf) = vpow2.f32 v1  }
0x2c9: {  	v1 =	vld [tilespmem:s14+$0x0];
	v15 =	vmul.f32 v12, v6;
	v12, _, _ =	vpop (xrf2);
	[tilespmem:s19+$0xFFFFFF80] =	vst v2  }
0x2ca: {  	v4 =	vmul.f32 v4, v7;
	v7 =	vld [tilespmem:s11+$0x80];
	[tilespmem:s29+$0xFFFFFF80] =	vst v2  }
0x2cb: {  	v2 =	vld [tilespmem:s14+$0x80];
	(xrf2) =	vadd.scan.msk.f32 $0xffff, v15;
	v6 =	vpop (erf)  }
0x2cc: {  	v15 =	vld [tilespmem:s11+$0x100];
	v5 =	vmul.f32 v14, v5;
	v14, _, _ =	vpop (xrf2);
	[tilespmem:s19+$0x0] =	vst v6  }
0x2cd: {  	v16 =	vld [tilespmem:s14+$0x100];
	[tilespmem:s29+$0x0] =	vst v6  }
0x2ce: {  	v6 =	vld [tilespmem:s11+$0xFFFFFE00];
	v1 =	vmul.f32 v1, v3;
	(xrf2) =	vadd.scan.msk.f32 $0xffff, v5;
	v3 =	vpop (erf)  }
0x2cf: {  	v5 =	vld [tilespmem:s11+$0xFFFFFE10];
	v17, _, _ =	vpop (xrf2);
	[tilespmem:s19+$0x80] =	vst v3  }
0x2d0: {  	v18 =	vld [tilespmem:s14+$0xFFFFFE10];
	v2 =	vmul.f32 v2, v7;
	[tilespmem:s29+$0x80] =	vst v3  }
0x2d1: {  	v3 =	vld [tilespmem:s11+$0xFFFFFE90];
	(xrf2) =	vadd.scan.msk.f32 $0xffff, v13;
	v7 =	vpop (erf)  }
0x2d2: {  	v13 =	vld [tilespmem:s14+$0xFFFFFE90];
	v15 =	vmul.f32 v16, v15;
	v16, _, _ =	vpop (xrf2);
	[tilespmem:s19+$0x100] =	vst v7  }
0x2d3: {  	v19 =	vmul.f32 v9, v6;
	v9 =	vld [tilespmem:s11+$0xFFFFFF10];
	v16 =	vperm.xlane v16, v0;
	[tilespmem:s29+$0x100] =	vst v7  }
0x2d4: {  	v17 =	vperm.xlane v17, v0;
	v7 =	vld [tilespmem:s14+$0xFFFFFF10]  }
0x2d5: {  	v14 =	vperm.xlane v14, v0;
	v5 =	vmul.f32 v18, v5;
	v18 =	vld [tilespmem:s11+$0xFFFFFF90];
	v16 =	vnsel vm0, $0xF149F2CA, v16;
	(xrf2) =	vadd.scan.msk.f32 $0xffff, v19;
	v6, _, _ =	vpop (xrf2)  }
0x2d6: {  	v19 =	vld [tilespmem:s14+$0xFFFFFF90];
	v16 =	vsel vm1, v16, v17;
	v6 =	vperm.xlane v6, v0  }
0x2d7: {  	s24 =	sadd.s32 $0x400, s24;
	v12 =	vperm.xlane v12, v0;
	v3 =	vmul.f32 v13, v3;
	v13 =	vld [tilespmem:s11+$0x10];
	v14 =	vsel vm2, v16, v14  }
0x2d8: {  	v8 =	vperm.xlane v8, v0;
	v6 =	vsel vm3, v14, v6;
	v14 =	vld [tilespmem:s24+$0x0];
	(xrf2) =	vadd.scan.msk.f32 $0xffff, v10;
	v10, _, _ =	vpop (xrf2)  }
0x2d9: {  	v7 =	vmul.f32 v7, v9;
	v9 =	vld [tilespmem:s14+$0x10];
	v6 =	vsel vm4, v6, v12;
	v17 =	vperm.xlane v10, v0  }
0x2da: {  	v12 =	vld [tilespmem:s11+$0x90];
	v6 =	vsel vm5, v6, v8;
	v8 =	vperm.xlane v11, v0  }
0x2db: {  	v11 =	vmul.f32 v19, v18;
	v16 =	vld [tilespmem:s14+$0x90];
	v6 =	vsel vm6, v6, v17;
	v10, _, _ =	vpop (xrf2);
	(xrf2) =	vadd.scan.msk.f32 $0xffff, v4  }
0x2dc: {  	v4 =	vperm.xlane v10, v0;
	v10 =	vld [tilespmem:s11+$0x110];
	v6 =	vsel vm7, v6, v8  }
0x2dd: {  	v8 =	vld [tilespmem:s14+$0x110];
	v6 =	vadd.f32 v14, v6  }
0x2de: {  	v14 =	vld [tilespmem:s11+$0xFFFFFE20];
	v4 =	vnsel vm0, $0xF149F2CA, v4;
	v9 =	vmul.f32 v9, v13;
	(xrf2) =	vadd.scan.msk.f32 $0xffff, v1  }
0x2df: {  	v1 =	vld [tilespmem:s14+$0xFFFFFE20];
	v6 =	vmul.f32 $1.442695020e+00, v6;
	v13, _, _ =	vpop (xrf2)  }
0x2e0: {  	v13 =	vperm.xlane v13, v0;
	v17 =	vld [tilespmem:s11+$0xFFFFFEA0];
	v12 =	vmul.f32 v16, v12  }
0x2e1: {  	v16 =	vld [tilespmem:s14+$0xFFFFFEA0];
	(xrf2) =	vadd.scan.msk.f32 $0xffff, v2;
	(erf) = vpow2.f32 v6  }
0x2e2: {  	v2 =	vnsel vm0, $0xF149F2CA, v13;
	v6 =	vld [tilespmem:s11+$0xFFFFFF20];
	v8 =	vmul.f32 v8, v10;
	v10, _, _ =	vpop (xrf2)  }
0x2e3: {  	v10 =	vperm.xlane v10, v0;
	v13 =	vld [tilespmem:s14+$0xFFFFFF20]  }
0x2e4: {  	v1 =	vmul.f32 v1, v14;
	v14 =	vld [tilespmem:s11+$0xFFFFFFA0];
	(xrf2) =	vadd.scan.msk.f32 $0xffff, v15  }
0x2e5: {  	v10 =	vnsel vm0, $0xF149F2CA, v10;
	v15 =	vld [tilespmem:s14+$0xFFFFFFA0];
	v18, _, _ =	vpop (xrf2)  }
0x2e6: {  	v16 =	vmul.f32 v16, v17;
	v20 =	vperm.xlane v18, v0;
	v18 =	vld [tilespmem:s11+$0x20]  }
0x2e7: {  	v19 =	vld [tilespmem:s14+$0x20];
	(xrf2) =	vadd.scan.msk.f32 $0xffff, v5  }
0x2e8: {  	v13 =	vmul.f32 v13, v6;
	v5 =	vnsel vm0, $0xF149F2CA, v20;
	v6 =	vld [tilespmem:s11+$0xA0];
	v17, _, _ =	vpop (xrf2)  }
0x2e9: {  	v17 =	vperm.xlane v17, v0;
	v20 =	vld [tilespmem:s14+$0xA0]  }
0x2ea: {  	s19 =	sadd.s32 $0x400, s19;
	v14 =	vmul.f32 v15, v14;
	v15 =	vld [tilespmem:s11+$0x120];
	(xrf2) =	vadd.scan.msk.f32 $0xffff, v3;
	v3 =	vpop (erf)  }
0x2eb: {  	s29 =	sadd.s32 $0x400, s29;
	v17 =	vnsel vm0, $0xF149F2CA, v17;
	v21 =	vld [tilespmem:s14+$0x120];
	[tilespmem:s19+$0x180] =	vst v3;
	v22, _, _ =	vpop (xrf2)  }
0x2ec: {  	v23 =	vld [tilespmem:s11+$0xFFFFFE30];
	v19 =	vmul.f32 v19, v18;
	v18 =	vperm.xlane v22, v0;
	[tilespmem:s29+$0x180] =	vst v3  }
0x2ed: {  	v3 =	vld [tilespmem:s14+$0xFFFFFE30];
	(xrf2) =	vadd.scan.msk.f32 $0xffff, v7  }
0x2ee: {  	v7 =	vld [tilespmem:s11+$0xFFFFFEB0];
	v22 =	vnsel vm0, $0xF149F2CA, v18;
	v20 =	vmul.f32 v20, v6;
	v6, _, _ =	vpop (xrf2)  }
0x2ef: {  	v18 =	vld [tilespmem:s14+$0xFFFFFEB0];
	v25 =	vperm.xlane v6, v0  }
0x2f0: {  	v24 =	vld [tilespmem:s11+$0xFFFFFF30];
	v15 =	vmul.f32 v21, v15;
	(xrf2) =	vadd.scan.msk.f32 $0xffff, v11  }
0x2f1: {  	v11 =	vld [tilespmem:s14+$0xFFFFFF30];
	v21 =	vnsel vm0, $0xF149F2CA, v25;
	v6, _, _ =	vpop (xrf2)  }
0x2f2: {  	v28 =	vperm.xlane v6, v0;
	v23 =	vmul.f32 v3, v23;
	v3 =	vld [tilespmem:s11+$0xFFFFFFB0]  }
0x2f3: {  	v25 =	vld [tilespmem:s14+$0xFFFFFFB0];
	(xrf2) =	vadd.scan.msk.f32 $0xffff, v9  }
0x2f4: {  	v26 =	vsel vm1, v2, v28;
	v27 =	vmul.f32 v18, v7;
	v2 =	vld [tilespmem:s11+$0x30];
	v6, _, _ =	vpop (xrf2)  }
0x2f5: {  	v9 =	vperm.xlane v6, v0;
	v7 =	vld [tilespmem:s14+$0x30]  }
0x2f6: {  	v24 =	vmul.f32 v11, v24;
	v11 =	vld [tilespmem:s11+$0xB0];
	(xrf2) =	vadd.scan.msk.f32 $0xffff, v12  }
0x2f7: {  	v12 =	vsel vm1, v4, v9;
	v4 =	vld [tilespmem:s14+$0xB0];
	v6, _, _ =	vpop (xrf2)  }
0x2f8: {  	v6 =	vperm.xlane v6, v0;
	v18 =	vmul.f32 v25, v3;
	v3 =	vld [tilespmem:s11+$0x130]  }
0x2f9: {  	v25 =	vld [tilespmem:s14+$0x130];
	(xrf2) =	vadd.scan.msk.f32 $0xffff, v8  }
0x2fa: {  	v28 =	vld [tilespmem:s11+$0xFFFFFE40];
	v29 =	vsel vm1, v10, v6;
	v9 =	vmul.f32 v7, v2;
	v2, _, _ =	vpop (xrf2)  }
0x2fb: {  	v6 =	vld [tilespmem:s14+$0xFFFFFE40];
	v7 =	vperm.xlane v2, v0  }
0x2fc: {  	v10 =	vld [tilespmem:s11+$0xFFFFFEC0];
	v8 =	vmul.f32 v4, v11;
	(xrf2) =	vadd.scan.msk.f32 $0xffff, v1  }
0x2fd: {  	v1 =	vld [tilespmem:s14+$0xFFFFFEC0];
	v30 =	vsel vm1, v5, v7;
	v2, _, _ =	vpop (xrf2)  }
0x2fe: {  	v4 =	vld [tilespmem:s11+$0xFFFFFF40];
	v5 =	vperm.xlane v2, v0;
	v7 =	vmul.f32 v25, v3  }
0x2ff: {  	v3 =	vld [tilespmem:s14+$0xFFFFFF40];
	(xrf2) =	vadd.scan.msk.f32 $0xffff, v16  }
0x300: {  	v6 =	vmul.f32 v6, v28;
	v11 =	vld [tilespmem:s11+$0xFFFFFFC0];
	v16 =	vsel vm1, v17, v5;
	v2, _, _ =	vpop (xrf2)  }
0x301: {  	v17 =	vld [tilespmem:s14+$0xFFFFFFC0];
	v25 =	vperm.xlane v2, v0  }
0x302: {  	v5 =	vmul.f32 v1, v10;
	v1 =	vld [tilespmem:s11+$0x40];
	(xrf2) =	vadd.scan.msk.f32 $0xffff, v13  }
0x303: {  	v10 =	vld [tilespmem:s14+$0x40];
	v22 =	vsel vm1, v22, v25;
	v2, _, _ =	vpop (xrf2)  }
0x304: {  	v4 =	vmul.f32 v3, v4;
	v13 =	vld [tilespmem:s11+$0xC0];
	v28 =	vperm.xlane v2, v0  }
0x305: {  	v25 =	vld [tilespmem:s14+$0xC0];
	(xrf2) =	vadd.scan.msk.f32 $0xffff, v14  }
0x306: {  	v3 =	vmul.f32 v17, v11;
	v21 =	vsel vm1, v21, v28;
	v11 =	vld [tilespmem:s11+$0x140];
	v2, _, _ =	vpop (xrf2)  }
0x307: {  	v14 =	vperm.xlane v2, v0;
	v17 =	vld [tilespmem:s14+$0x140]  }
0x308: {  	v28 =	vld [tilespmem:s11+$0xFFFFFE50];
	v2 =	vmul.f32 v10, v1;
	(xrf2) =	vadd.scan.msk.f32 $0xffff, v19  }
0x309: {  	v19 =	vsel vm2, v26, v14;
	v10 =	vld [tilespmem:s14+$0xFFFFFE50];
	v1, _, _ =	vpop (xrf2)  }
0x30a: {  	v14 =	vperm.xlane v1, v0;
	v26 =	vld [tilespmem:s11+$0xFFFFFED0];
	v1 =	vmul.f32 v25, v13  }
0x30b: {  	v25 =	vld [tilespmem:s14+$0xFFFFFED0];
	(xrf2) =	vadd.scan.msk.f32 $0xffff, v20  }
0x30c: {  	v31 =	vsel vm2, v12, v14;
	v12 =	vld [tilespmem:s11+$0xFFFFFF50];
	v13 =	vmul.f32 v17, v11;
	v11, _, _ =	vpop (xrf2)  }
0x30d: {  	v11 =	vperm.xlane v11, v0;
	v14 =	vld [tilespmem:s14+$0xFFFFFF50]  }
0x30e: {  	v10 =	vmul.f32 v10, v28;
	v17 =	vld [tilespmem:s11+$0xFFFFFFD0];
	(xrf2) =	vadd.scan.msk.f32 $0xffff, v15  }
0x30f: {  	v28 =	vsel vm2, v29, v11;
	v15 =	vld [tilespmem:s14+$0xFFFFFFD0];
	v20, _, _ =	vpop (xrf2)  }
0x310: {  	v11 =	vmul.f32 v25, v26;
	v20 =	vperm.xlane v20, v0;
	v25 =	vld [tilespmem:s11+$0x50]  }
0x311: {  	v26 =	vld [tilespmem:s14+$0x50];
	(xrf2) =	vadd.scan.msk.f32 $0xffff, v23  }
0x312: {  	v12 =	vmul.f32 v14, v12;
	v29 =	vsel vm2, v30, v20;
	v20 =	vld [tilespmem:s11+$0xD0];
	v14, _, _ =	vpop (xrf2)  }
0x313: {  	v23 =	vperm.xlane v14, v0;
	v30 =	vld [tilespmem:s14+$0xD0]  }
0x314: {  	v14 =	vmul.f32 v15, v17;
	v17 =	vld [tilespmem:s11+$0x150];
	(xrf2) =	vadd.scan.msk.f32 $0xffff, v27  }
0x315: {  	v27 =	vsel vm2, v16, v23;
	v23 =	vld [tilespmem:s14+$0x150];
	v16, _, _ =	vpop (xrf2)  }
0x316: {  	v32 =	vld [tilespmem:s11+$0xFFFFFE60];
	v15 =	vmul.f32 v26, v25;
	v16 =	vperm.xlane v16, v0  }
0x317: {  	v25 =	vld [tilespmem:s14+$0xFFFFFE60];
	(xrf2) =	vadd.scan.msk.f32 $0xffff, v24  }
0x318: {  	v24 =	vld [tilespmem:s11+$0xFFFFFEE0];
	v26 =	vsel vm2, v22, v16;
	v16 =	vmul.f32 v30, v20;
	v20, _, _ =	vpop (xrf2)  }
0x319: {  	v22 =	vld [tilespmem:s14+$0xFFFFFEE0];
	v20 =	vperm.xlane v20, v0  }
0x31a: {  	v30 =	vld [tilespmem:s11+$0xFFFFFF60];
	v17 =	vmul.f32 v23, v17;
	(xrf2) =	vadd.scan.msk.f32 $0xffff, v18  }
0x31b: {  	v23 =	vld [tilespmem:s14+$0xFFFFFF60];
	v33 =	vsel vm2, v21, v20;
	v18, _, _ =	vpop (xrf2)  }
0x31c: {  	v34 =	vperm.xlane v18, v0;
	v18 =	vmul.f32 v25, v32;
	v21 =	vld [tilespmem:s11+$0xFFFFFFE0]  }
0x31d: {  	v25 =	vld [tilespmem:s14+$0xFFFFFFE0];
	(xrf2) =	vadd.scan.msk.f32 $0xffff, v9  }
0x31e: {  	v32 =	vsel vm3, v19, v34;
	v19 =	vmul.f32 v22, v24;
	v9 =	vld [tilespmem:s11+$0x60];
	v20, _, _ =	vpop (xrf2)  }
0x31f: {  	v34 =	vperm.xlane v20, v0;
	v24 =	vld [tilespmem:s14+$0x60]  }
0x320: {  	v20 =	vmul.f32 v23, v30;
	v30 =	vld [tilespmem:s11+$0xE0];
	(xrf2) =	vadd.scan.msk.f32 $0xffff, v8  }
0x321: {  	v31 =	vsel vm3, v31, v34;
	v8 =	vld [tilespmem:s14+$0xE0];
	v22, _, _ =	vpop (xrf2)  }
0x322: {  	v22 =	vperm.xlane v22, v0;
	v21 =	vmul.f32 v25, v21;
	v25 =	vld [tilespmem:s11+$0x160]  }
0x323: {  	v34 =	vld [tilespmem:s14+$0x160];
	(xrf2) =	vadd.scan.msk.f32 $0xffff, v7  }
0x324: {  	v7 =	vld [tilespmem:s11+$0xFFFFFE70];
	v35 =	vsel vm3, v28, v22;
	v23 =	vmul.f32 v24, v9;
	v9, _, _ =	vpop (xrf2)  }
0x325: {  	v22 =	vld [tilespmem:s14+$0xFFFFFE70];
	v9 =	vperm.xlane v9, v0  }
0x326: {  	v36 =	vld [tilespmem:s11+$0xFFFFFEF0];
	v24 =	vmul.f32 v8, v30;
	(xrf2) =	vadd.scan.msk.f32 $0xffff, v6  }
0x327: {  	v6 =	vld [tilespmem:s14+$0xFFFFFEF0];
	v30 =	vsel vm3, v29, v9;
	v8, _, _ =	vpop (xrf2)  }
0x328: {  	v9 =	vld [tilespmem:s11+$0xFFFFFF70];
	v8 =	vperm.xlane v8, v0;
	v28 =	vmul.f32 v34, v25  }
0x329: {  	v29 =	vld [tilespmem:s14+$0xFFFFFF70];
	(xrf2) =	vadd.scan.msk.f32 $0xffff, v5  }
0x32a: {  	v22 =	vmul.f32 v22, v7;
	v5 =	vld [tilespmem:s11+$0xFFFFFFF0];
	v34 =	vsel vm3, v27, v8;
	v7, _, _ =	vpop (xrf2)  }
0x32b: {  	v8 =	vld [tilespmem:s14+$0xFFFFFFF0];
	v27 =	vperm.xlane v7, v0  }
0x32c: {  	v25 =	vmul.f32 v6, v36;
	v6 =	vld [tilespmem:s11+$0x70];
	(xrf2) =	vadd.scan.msk.f32 $0xffff, v4  }
0x32d: {  	v4 =	vld [tilespmem:s14+$0x70];
	v36 =	vsel vm3, v26, v27;
	v7, _, _ =	vpop (xrf2)  }
0x32e: {  	v26 =	vmul.f32 v29, v9;
	v37 =	vld [tilespmem:s11+$0xF0];
	v7 =	vperm.xlane v7, v0  }
0x32f: {  	v38 =	vld [tilespmem:s14+$0xF0];
	(xrf2) =	vadd.scan.msk.f32 $0xffff, v3  }
0x330: {  	v27 =	vmul.f32 v8, v5;
	v33 =	vsel vm3, v33, v7;
	v39 =	vld [tilespmem:s11+$0x170];
	v3, _, _ =	vpop (xrf2)  }
0x331: {  	v3 =	vperm.xlane v3, v0;
	v40 =	vld [tilespmem:s14+$0x170]  }
0x332: {  	v9 =	vld [tilespmem:s24+$0xFFFFFC80];
	v29 =	vmul.f32 v4, v6;
	(xrf2) =	vadd.scan.msk.f32 $0xffff, v2  }
0x333: {  	v32 =	vsel vm4, v32, v3;
	v8 =	vld [tilespmem:s24+$0xFFFFFD00];
	v2, _, _ =	vpop (xrf2)  }
0x334: {  	v2 =	vperm.xlane v2, v0;
	v7 =	vld [tilespmem:s24+$0xFFFFFD80];
	v6 =	vmul.f32 v38, v37  }
0x335: {  	v5 =	vld [tilespmem:s24+$0xFFFFFE00];
	(xrf2) =	vadd.scan.msk.f32 $0xffff, v1  }
0x336: {  	v31 =	vsel vm4, v31, v2;
	v3 =	vld [tilespmem:s24+$0xFFFFFE80];
	v4 =	vmul.f32 v40, v39;
	v1, _, _ =	vpop (xrf2)  }
0x337: {  	v37 =	vperm.xlane v1, v0;
	v2 =	vld [tilespmem:s24+$0xFFFFFF00]  }
0x338: {  	v1 =	vld [tilespmem:s24+$0xFFFFFF80];
	(xrf2) =	vadd.scan.msk.f32 $0xffff, v13  }
0x339: {  	v13 =	vsel vm4, v35, v37;
	v35, _, _ =	vpop (xrf2)  }
0x33a: {  	v35 =	vperm.xlane v35, v0  }
0x33b: {  	(xrf2) =	vadd.scan.msk.f32 $0xffff, v10  }
0x33c: {  	v10 =	vsel vm4, v30, v35;
	v30, _, _ =	vpop (xrf2)  }
0x33d: {  	v35 =	vperm.xlane v30, v0  }
0x33e: {  	(xrf2) =	vadd.scan.msk.f32 $0xffff, v11  }
0x33f: {  	v11 =	vsel vm4, v34, v35;
	v30, _, _ =	vpop (xrf2)  }
0x340: {  	v34 =	vperm.xlane v30, v0  }
0x341: {  	(xrf2) =	vadd.scan.msk.f32 $0xffff, v12  }
0x342: {  	v12 =	vsel vm4, v36, v34;
	v30, _, _ =	vpop (xrf2)  }
0x343: {  	v34 =	vperm.xlane v30, v0  }
0x344: {  	(xrf2) =	vadd.scan.msk.f32 $0xffff, v14  }
0x345: {  	v14 =	vsel vm4, v33, v34;
	v30, _, _ =	vpop (xrf2)  }
0x346: {  	v33 =	vperm.xlane v30, v0  }
0x347: {  	(xrf2) =	vadd.scan.msk.f32 $0xffff, v15  }
0x348: {  	v15 =	vsel vm5, v32, v33;
	v30, _, _ =	vpop (xrf2)  }
0x349: {  	v30 =	vperm.xlane v30, v0  }
0x34a: {  	(xrf2) =	vadd.scan.msk.f32 $0xffff, v16  }
0x34b: {  	v30 =	vsel vm5, v31, v30;
	v16, _, _ =	vpop (xrf2)  }
0x34c: {  	v31 =	vperm.xlane v16, v0  }
0x34d: {  	(xrf2) =	vadd.scan.msk.f32 $0xffff, v17  }
0x34e: {  	v13 =	vsel vm5, v13, v31;
	v16, _, _ =	vpop (xrf2)  }
0x34f: {  	v17 =	vperm.xlane v16, v0  }
0x350: {  	(xrf2) =	vadd.scan.msk.f32 $0xffff, v18  }
0x351: {  	v10 =	vsel vm5, v10, v17;
	v16, _, _ =	vpop (xrf2)  }
0x352: {  	v17 =	vperm.xlane v16, v0  }
0x353: {  	(xrf2) =	vadd.scan.msk.f32 $0xffff, v19  }
0x354: {  	v11 =	vsel vm5, v11, v17;
	v16, _, _ =	vpop (xrf2)  }
0x355: {  	v16 =	vperm.xlane v16, v0  }
0x356: {  	(xrf2) =	vadd.scan.msk.f32 $0xffff, v20  }
0x357: {  	v17 =	vsel vm5, v12, v16;
	v12, _, _ =	vpop (xrf2)  }
0x358: {  	v16 =	vperm.xlane v12, v0  }
0x359: {  	(xrf2) =	vadd.scan.msk.f32 $0xffff, v21  }
0x35a: {  	v18 =	vsel vm5, v14, v16;
	v12, _, _ =	vpop (xrf2)  }
0x35b: {  	v14 =	vperm.xlane v12, v0  }
0x35c: {  	(xrf2) =	vadd.scan.msk.f32 $0xffff, v23  }
0x35d: {  	v16 =	vsel vm6, v15, v14;
	v12, _, _ =	vpop (xrf2)  }
0x35e: {  	v14 =	vperm.xlane v12, v0  }
0x35f: {  	(xrf2) =	vadd.scan.msk.f32 $0xffff, v24  }
0x360: {  	v15 =	vsel vm6, v30, v14;
	v12, _, _ =	vpop (xrf2)  }
0x361: {  	v19 =	vperm.xlane v12, v0  }
0x362: {  	(xrf2) =	vadd.scan.msk.f32 $0xffff, v28  }
0x363: {  	v14 =	vsel vm6, v13, v19;
	v12, _, _ =	vpop (xrf2)  }
0x364: {  	v12 =	vperm.xlane v12, v0  }
0x365: {  	(xrf2) =	vadd.scan.msk.f32 $0xffff, v22  }
0x366: {  	v13 =	vsel vm6, v10, v12;
	v10, _, _ =	vpop (xrf2)  }
0x367: {  	v19 =	vperm.xlane v10, v0  }
0x368: {  	(xrf2) =	vadd.scan.msk.f32 $0xffff, v25  }
0x369: {  	v12 =	vsel vm6, v11, v19;
	v10, _, _ =	vpop (xrf2)  }
0x36a: {  	v19 =	vperm.xlane v10, v0  }
0x36b: {  	(xrf2) =	vadd.scan.msk.f32 $0xffff, v26  }
0x36c: {  	v11 =	vsel vm6, v17, v19;
	v10, _, _ =	vpop (xrf2)  }
.Ltmp1:
0x36d: {  	v10 =	vperm.xlane v10, v0;
	(pc) =	sbr.rel @p1 .LBB2_5-.Ltmp1, $4  }
0x36e: {  	(xrf2) =	vadd.scan.msk.f32 $0xffff, v27  }
0x36f: {  	v10 =	vsel vm6, v18, v10;
	v17, _, _ =	vpop (xrf2)  }
0x370: {  	v17 =	vperm.xlane v17, v0  }
0x371: {  	s11 =	sadd.s32 $0x400, s11;
	(xrf2) =	vadd.scan.msk.f32 $0xffff, v29  }
0x372: {  	_ = 	snop  }
0x373: {  	(xrf2) =	vadd.scan.msk.f32 $0xffff, v6;
	_ =	sdelay $0x1  }
0x374: {  	v51, _, _ =	vpop (xrf2);
	(xrf2) =	vadd.scan.msk.f32 $0xffff, v4  }
0x375: {  	v6 =	vperm.xlane v51, v0  }
0x376: {  	v52 =	vsel vm7, v16, v17;
	v53, _, _ =	vpop (xrf2)  }
0x377: {  	v4 =	vadd.f32 v9, v52;
	v6 =	vsel vm7, v15, v6;
	v54 =	vperm.xlane v53, v0  }
0x378: {  	v6 =	vadd.f32 v8, v6  }
0x379: {  	v4 =	vmul.f32 $1.442695020e+00, v4;
	v55, _, _ =	vpop (xrf2);
	v9 =	vsel vm7, v14, v54  }
0x37a: {  	v56 =	vmul.f32 $1.442695020e+00, v6;
	v8 =	vperm.xlane v55, v0;
	v57 =	vadd.f32 v7, v9;
	v58, _, _ =	vpop (xrf2)  }
0x37b: {  	(erf) = vpow2.f32 v4;
	v7 =	vperm.xlane v58, v0  }
0x37c: {  	(erf) = vpow2.f32 v56;
	v8 =	vsel vm7, v13, v8;
	v59 =	vmul.f32 $1.442695020e+00, v57;
	v60, _, _ =	vpop (xrf2)  }
0x37d: {  	v5 =	vadd.f32 v5, v8;
	v6 =	vperm.xlane v60, v0;
	v7 =	vsel vm7, v12, v7  }
0x37e: {  	(erf) = vpow2.f32 v59;
	v62, _, _ =	vpop (xrf2);
	v3 =	vadd.f32 v3, v7  }
0x37f: {  	v61 =	vmul.f32 $1.442695020e+00, v5;
	v5 =	vperm.xlane v62, v0;
	v6 =	vsel vm7, v11, v6  }
0x380: {  	v2 =	vadd.f32 v2, v6;
	v3 =	vmul.f32 $1.442695020e+00, v3  }
0x381: {  	(erf) = vpow2.f32 v61;
	v63 =	vsel vm7, v10, v5  }
0x382: {  	v1 =	vadd.f32 v1, v63;
	v2 =	vmul.f32 $1.442695020e+00, v2  }
0x383: {  	(erf) = vpow2.f32 v3  }
0x384: {  	v1 =	vmul.f32 $1.442695020e+00, v1;
	v3 =	vpop (erf)  }
0x385: {  	(erf) = vpow2.f32 v2;
	[tilespmem:s19+$0xFFFFFE00] =	vst v3  }
0x386: {  	v2 =	vpop (erf);
	[tilespmem:s29+$0xFFFFFE00] =	vst v3  }
0x387: {  	(erf) = vpow2.f32 v1;
	[tilespmem:s19+$0xFFFFFE80] =	vst v2  }
0x388: {  	v1 =	vpop (erf);
	[tilespmem:s29+$0xFFFFFE80] =	vst v2  }
0x389: {  	[tilespmem:s19+$0xFFFFFF00] =	vst v1  }
0x38a: {  	v2 =	vpop (erf);
	[tilespmem:s29+$0xFFFFFF00] =	vst v1  }
0x38b: {  	[tilespmem:s19+$0xFFFFFF80] =	vst v2  }
0x38c: {  	[tilespmem:s29+$0xFFFFFF80] =	vst v2;
	v1 =	vpop (erf)  }
0x38d: {  	[tilespmem:s19+$0x0] =	vst v1  }
0x38e: {  	[tilespmem:s29+$0x0] =	vst v1;
	v1 =	vpop (erf)  }
0x38f: {  	s9 =	sadd.s32 $0x1, s9;
	[tilespmem:s19+$0x80] =	vst v1  }
0x390: {  	p1 =	sne.s32 s9, $0x7D;
	[tilespmem:s29+$0x80] =	vst v1;
	v1 =	vpop (erf)  }
.Ltmp2:
0x391: {  	[tilespmem:s19+$0x100] =	vst v1;
	(pc) =	sbr.rel @p1 .LBB2_2-.Ltmp2, $4  }
0x392: {  	s1 =	sadd.s32 s10, s26;
	[tilespmem:s29+$0x100] =	vst v1  }
0x393: {  	[hbm4b:s1+s2] =	stream.linear.scatter [tilespmem:s30], [sflag:$0x5], $0x1400, $0x38;
	[tilespmem:$0x1B280] =	vst v63  }
0x394: {  	_ = 	snop  }
0x395: {  	[spmem:s21] =	stream.indirect.scatter.add.f32 [tilespmem:s31], [sflag:$0x4], $0x80, s17, s5, $0xb8;
	[tilespmem:$0x1B280] =	vst v63  }
0x396: {  	_ =	swait.ge [sflag:s0], $0x28  }
0x397: {  	[sflag:s0] =	ssyncset.done $0x0  }
0x398: {  	[sflag:s0] =	ssyncadd.s32 $0xFFFFFFD8  }
0x399: {  	_ =	swait.ge [sflag:s0], $0x28  }
0x39a: {  	[sflag:s0] =	ssyncset.done $0x0  }
0x39b: {  	[sflag:s0] =	ssyncadd.s32 $0xFFFFFFD8  }
0x39c: {  	_ =	swait.ge [sflag:s0], $0x1400  }
0x39d: {  	[sflag:s0] =	ssyncset.done $0x0  }
0x39e: {  	[sflag:s0] =	ssyncadd.s32 $0xFFFFEC00  }
0x39f: {  	_ =	swait.ge [sflag:s15], $0x1400  }
0x3a0: {  	[sflag:s15] =	ssyncset.done $0x0  }
0x3a1: {  	[sflag:s15] =	ssyncadd.s32 $0xFFFFEC00  }
0x3a2: {  	_ =	swait.ge [sflag:s16], $0x1400  }
0x3a3: {  	[sflag:s16] =	ssyncset.done $0x0  }
0x3a4: {  	[sflag:s16] =	ssyncadd.s32 $0xFFFFEC00  }
0x3a5: {  	[bflag:$0x0] =	sbarrier.arrive $0xFFFF  }
0x3a6: {  	s24 =	rddreg [dreg:$0x6]  }
0x3a7: {  	s1 =	rddreg [dreg:$0xe]  }
0x3a8: {  	s11 =	simm.s32 $0x7;
	s9 =	rddreg [dreg:$0x13]  }
0x3a9: {  	[hbm:s1], [sflag:s24] =	dma.local [spmem:s9], $0x1900  }
0x3aa: {  	_ =	swait.ge [sflag:s11], $0x1900  }
0x3ab: {  	[sflag:s11] =	ssyncset.done $0x0;
	s1 =	rddreg [dreg:$0xf]  }
0x3ac: {  	s9 =	rddreg [dreg:$0x14];
	[sflag:s11] =	ssyncadd.s32 $0xFFFFE700  }
0x3ad: {  	[hbm:s1], [sflag:s24] =	dma.local @!p0 [spmem:s9], $0x1900  }
0x3ae: {  	s1 =	simm.s32 @!p0 $0x7  }
0x3af: {  	_ =	swait.ge @!p0 [sflag:s1], $0x1900  }
0x3b0: {  	s12 =	rddreg [dreg:$0x12]  }
0x3b1: {  	s29 =	rddreg [dreg:$0x10];
	s12 =	sadd.s32 $0x1, s12  }
0x3b2: {  	p1 =	sne.s32 s12, s29  }
.Ltmp3:
0x3b3: {  	_ = 	snop;
	(pc) =	sbr.rel @p1 .LBB2_1-.Ltmp3, $3  }
0x3b4: {  	_ =	sdelay $0x1  }
0x3b5: {  	[sflag:s1] =	ssyncset.done @!p0 $0x0  }
0x3b6: {  	[sflag:s1] =	ssyncadd.s32 @!p0 $0xFFFFE700  }
0x3b7: {  	_ =	sfence.sel $0x180000  }
0x3b8: {  	[bflag:$0x0] =	sbarrier.arrive $0xFFFF  }
0x3b9: {  	_ =	strace $0x90000047  }
0x3ba: {  	s0 =	stileid.u32;
	[bflag:$0x2] =	sbarrier.arrive $0xFFFF  }
0x3bb: {  	p0 =	sne.s32 s0, $0x0;
	s0 =	rddreg [dreg:$0x2]  }
0x3bc: {  	s0 =	sadd.s32 @!p0 $0x100000, s0  }
0x3bd: {  	[sflag:s0] =	ssyncadd.tile.s32 @!p0 $0x1;
	_ =	shalt  }
.Lfunc_end2:
_tile_overlayer_lowered:
.L_overlay_start_2:
0x3be: {  	(tag) =	ssettag $0x2  }
0x3bf: {  	s0 =	rddreg [dreg:$0x0];
	s2 =	stileid.u32  }
0x3c0: {  	s1 =	rddreg [dreg:$0x1];
	p0 =	sne.s32 s2, $0x0  }
0x3c1: {  	s3 =	rddreg [dreg:$0x2];
	[bflag:$0x3] =	sbarrier.arrive $0xFFFF;
	s2 =	simm.s32 @!p0 $0x1C07  }
0x3c2: {  	[timem:s3], [sflag:s2] =	dma.local @!p0 [hbm:s0], s1  }
0x3c3: {  	s0 =	simm.s32 @!p0 $0x7  }
0x3c4: {  	_ =	swait.ge @!p0 [sflag:s0], s1  }
0x3c5: {  	s1 =	ssub.s32 @!p0 $0x0, s1;
	[sflag:s0] =	ssyncset.done @!p0 $0x0  }
0x3c6: {  	[sflag:s0] =	ssyncadd.s32 @!p0 s1  }
0x3c7: {  	[bflag:$0x3] =	sbarrier.arrive $0xFFFF  }
0x3c8: {  	_ =	shalt  }

</sc_bundles>
